<compile_context>
chip_gen: v7x
topology: tpu7x:2x2x1
jax: 0.10.2.dev20260603
libtpu: 0.0.44.dev20260713+nightly
codegen_flags: <defaults>
</compile_context>

<pallas_src>
import functools

import jax
import jax.numpy as jnp
from jax import lax
from jax.experimental import pallas as pl
from jax.experimental.pallas import tpu as pltpu
from jax.experimental.pallas import tpu_sc as plsc

_N = 10000
_F = 128
_E = 320000
_NC = 2
_NS = 16
_NW = _NC * _NS
_CH = 128
_CPW = 80
_EPAD = _NW * _CPW * _CH
_RPS = 640
_NBUF = 2
_WCH = 4
_HROWS = _N + 8
_CPW_A = 128
_CPW_B = 32


def _sc_aggregate(h_pad, src2, dst2):
    mesh = plsc.VectorSubcoreMesh(core_axis_name="c", subcore_axis_name="s")
    out_t = (jax.ShapeDtypeStruct((_N, _F), jnp.float32),
             jax.ShapeDtypeStruct((_N, _F), jnp.float32))

    @functools.partial(
        pl.kernel, mesh=mesh, out_type=out_t,
        scratch_types=[
            pltpu.VMEM((2, _WCH, _CH), jnp.int32),
            pltpu.VMEM((max(_CPW_A, _CPW_B), _CH), jnp.int32),
            pltpu.VMEM((_NBUF, _CH, _F), jnp.float32),
            pltpu.VMEM_SHARED((_N, _F), jnp.float32),
        ] + [pltpu.SemaphoreType.DMA] * 7)
    def k(h_hbm, src_hbm, dst_hbm, o0, o1,
          src_v, dst_v, rows_v, acc, *sems):
        gsem = sems[0:2]
        ssem = sems[2:4]
        isem = sems[4:6]
        dsem = sems[6]
        c = lax.axis_index("c")
        s = lax.axis_index("s")
        base = s * _RPS

        zvec = jnp.zeros((16,), jnp.float32)

        @pl.loop(0, _CH)
        def _(i):
            @pl.loop(0, _F, step=16)
            def _(j):
                rows_v[0, i, pl.ds(j, 16)] = zvec

        @pl.loop(0, 3)
        def _(kk):
            pltpu.sync_copy(rows_v.at[0],
                            acc.at[pl.ds(base + kk * _CH, _CH)])

        @pl.when(s < _NS - 1)
        def _():
            pltpu.sync_copy(rows_v.at[0],
                            acc.at[pl.ds(base + 3 * _CH, _CH)])
            pltpu.sync_copy(rows_v.at[0],
                            acc.at[pl.ds(base + 4 * _CH, _CH)])

        @pl.when(s == _NS - 1)
        def _():
            pltpu.sync_copy(rows_v.at[0, pl.ds(0, 16)],
                            acc.at[pl.ds(base + 3 * _CH, 16)])

        def copy_slab(src_ref, dst_ref):
            @pl.when(s < _NS - 1)
            def _():
                pltpu.sync_copy(src_ref.at[pl.ds(base, _RPS)],
                                dst_ref.at[pl.ds(base, _RPS)])

            @pl.when(s == _NS - 1)
            def _():
                pltpu.sync_copy(src_ref.at[pl.ds(_RPS * (_NS - 1), 400)],
                                dst_ref.at[pl.ds(_RPS * (_NS - 1), 400)])

        def load_idx(ch0, win, p):
            pltpu.async_copy(
                src_hbm.at[pl.ds(ch0 + win * _WCH, _WCH)],
                src_v.at[p], isem[p])

        def wait_idx(p):
            pltpu.make_async_copy(
                src_hbm.at[pl.ds(0, _WCH)], src_v.at[p],
                isem[p]).wait()

        def start_gather(win_p, row, b):
            pltpu.async_copy(h_hbm.at[src_v.at[win_p, row]],
                             rows_v.at[b], gsem[b])

        def wait_gather(win_p, row, b):
            pltpu.make_async_copy(h_hbm.at[src_v.at[win_p, row]],
                                  rows_v.at[b], gsem[b]).wait()

        def run_pipeline(ch0, nch):
            nwin = nch // _WCH
            dst_cp = pltpu.async_copy(dst_hbm.at[pl.ds(ch0, nch)],
                                      dst_v.at[pl.ds(0, nch)], dsem)
            load_idx(ch0, 0, 0)
            load_idx(ch0, 1, 1)
            wait_idx(0)
            start_gather(0, 0, 0)
            start_gather(0, 1, 1)
            dst_cp.wait()

            @pl.loop(0, nwin, step=2)
            def _(w):
                for r in range(2 * _WCH):
                    b = r % _NBUF
                    wait_gather(r // _WCH, r % _WCH, b)
                    if r == 3:
                        @pl.when(w + 2 < nwin)
                        def _():
                            load_idx(ch0, w + 2, 0)
                    if r == 7:
                        @pl.when(w + 3 < nwin)
                        def _():
                            load_idx(ch0, w + 3, 1)
                    scat = pltpu.async_copy(
                        rows_v.at[b], acc.at[dst_v.at[w * _WCH + r]],
                        ssem[b], add=True)
                    scat.wait()
                    t = r + 2
                    if t < 2 * _WCH:
                        if t == _WCH:
                            wait_idx(1)
                        start_gather(t // _WCH, t % _WCH, b)
                    else:
                        @pl.when(w + 2 < nwin)
                        def _(r=r, b=b):
                            if r == 2 * _WCH - 2:
                                wait_idx(0)
                            start_gather(0, r - (2 * _WCH - 2), b)

        plsc.subcore_barrier()

        @pl.when(c == 0)
        def _():
            run_pipeline(s * _CPW_A, _CPW_A)

        @pl.when(c == 1)
        def _():
            run_pipeline(_NS * _CPW_A + s * _CPW_B, _CPW_B)

        plsc.subcore_barrier()

        @pl.when(c == 0)
        def _():
            copy_slab(acc, o0)

        @pl.when(c == 1)
        def _():
            copy_slab(acc, o1)

    return k(h_pad, src2, dst2)


def _tc_linear(h, p0, p1, wt, bias, relu, pad_out):
    rows = _HROWS if pad_out else _N

    def body(h_ref, a_ref, b_ref, w_ref, bias_ref, o_ref):
        z = h_ref[pl.ds(0, _N), :] + a_ref[...] + b_ref[...]
        y = jnp.dot(z, w_ref[...], preferred_element_type=jnp.float32)
        y = y + bias_ref[...]
        o_ref[pl.ds(0, _N), :] = jnp.maximum(y, 0.0) if relu else y
        if pad_out:
            o_ref[pl.ds(_N, _HROWS - _N), :] = jnp.zeros(
                (_HROWS - _N, _F), jnp.float32)

    return pl.pallas_call(
        body,
        out_shape=jax.ShapeDtypeStruct((rows, _F), jnp.float32),
    )(h, p0, p1, wt, bias)


def kernel(x, adj, W1, b1, W2, b2):
    src = adj[0]
    dst = adj[1]
    pad = _EPAD - _E
    src2 = jnp.concatenate([src, jnp.full((pad,), _N, jnp.int32)]
                           ).reshape(_NW * _CPW, _CH)
    dst2 = jnp.concatenate([dst, jnp.zeros((pad,), jnp.int32)]
                           ).reshape(_NW * _CPW, _CH)
    tail = jnp.zeros((_HROWS - _N, _F), jnp.float32)
    x_pad = jnp.concatenate([x, tail])

    p0, p1 = _sc_aggregate(x_pad, src2, dst2)
    h_pad = _tc_linear(x_pad, p0, p1, W1.T, b1.reshape(1, _F), True, True)
    q0, q1 = _sc_aggregate(h_pad, src2, dst2)
    return _tc_linear(h_pad, q0, q1, W2.T, b2.reshape(1, _F), False, False)

# --- scband reference (transcript-rebuilt; emitter-appended) ---
"""Pipeline reference for scband-gingeom-16303695856284 (READ-ONLY COPY).

The authoritative reference and input builder live on the scoring server;
editing this copy changes nothing except your own understanding.
"""

import jax, jax.numpy as jnp
import numpy as np

N = 10000
E = 320000
NFEAT = 128
NHID = 128
NOUT = 128


def setup_inputs(seed: int = 0) -> dict:
    key = jax.random.key(seed)
    ks = jax.random.split(key, 7)
    x = jax.random.normal(ks[0], (N, NFEAT), dtype=jnp.float32)
    # adj plays the role of edge_index = adj.indices(): row 0 = src, row 1 = dst
    adj = jax.random.randint(ks[1], (2, E), 0, N, dtype=jnp.int32)
    # Linear layers inside GINConv: gc1.nn = Linear(nfeat, nhid), gc2.nn = Linear(nhid, nout)
    W1 = jax.random.normal(ks[2], (NHID, NFEAT), dtype=jnp.float32) * (1.0 / np.sqrt(NFEAT))
    b1 = jax.random.normal(ks[3], (NHID,), dtype=jnp.float32) * 0.01
    W2 = jax.random.normal(ks[4], (NOUT, NHID), dtype=jnp.float32) * (1.0 / np.sqrt(NHID))
    b2 = jax.random.normal(ks[5], (NOUT,), dtype=jnp.float32) * 0.01
    return {"x": x, "adj": adj, "W1": W1, "b1": b1, "W2": W2, "b2": b2}


def _gin_conv(h, src, dst, W, b):
    # PyG GINConv with default eps=0: nn((1+eps)*x + sum_{j in N(i)} x_j)
    msgs = jnp.take(h, src, axis=0)
    agg = jax.ops.segment_sum(msgs, dst, num_segments=N)
    z = h + agg
    return z @ W.T + b


def reference(x, adj, W1, b1, W2, b2):
    src = adj[0]
    dst = adj[1]
    h = _gin_conv(x, src, dst, W1, b1)
    h = jax.nn.relu(h)
    # dropout is identity in eval mode (training=False)
    out = _gin_conv(h, src, dst, W2, b2)
    return out

if __name__ == "__main__":
    import jax
    _d = setup_inputs()
    print(jax.jit(kernel)(*tuple(_d.values())))

</pallas_src>

<mosaic_0001>
#map = affine_map<(d0, d1) -> (0, 0)>
module attributes {stable_mosaic.version = 14 : i64} {
  func.func @k(%arg0: i32, %arg1: i32, %arg2: memref<10008x128xf32, #tpu.memory_space<hbm>>, %arg3: memref<2560x128xi32, #tpu.memory_space<hbm>>, %arg4: memref<2560x128xi32, #tpu.memory_space<hbm>>, %arg5: memref<10000x128xf32, #tpu.memory_space<hbm>>, %arg6: memref<10000x128xf32, #tpu.memory_space<hbm>>, %arg7: memref<2x4x128xi32, #tpu.memory_space<vmem>>, %arg8: memref<128x128xi32, #tpu.memory_space<vmem>>, %arg9: memref<2x128x128xf32, #tpu.memory_space<vmem>>, %arg10: memref<10000x128xf32, #tpu.memory_space<vmem_shared>>, %arg11: memref<!tpu.dma_semaphore, #tpu.memory_space<semaphore_mem>>, %arg12: memref<!tpu.dma_semaphore, #tpu.memory_space<semaphore_mem>>, %arg13: memref<!tpu.dma_semaphore, #tpu.memory_space<semaphore_mem>>, %arg14: memref<!tpu.dma_semaphore, #tpu.memory_space<semaphore_mem>>, %arg15: memref<!tpu.dma_semaphore, #tpu.memory_space<semaphore_mem>>, %arg16: memref<!tpu.dma_semaphore, #tpu.memory_space<semaphore_mem>>, %arg17: memref<!tpu.dma_semaphore, #tpu.memory_space<semaphore_mem>>) attributes {dimension_semantics = [#tpu.dimension_semantics<core_parallel>, #tpu.dimension_semantics<subcore_parallel>], iteration_bounds = array<i64: 2, 16>, scalar_prefetch = 0 : i64, scratch_operands = 11 : i64, tpu.core_type = #tpu.core_type<sc_vector_subcore>, window_params = [{transform_indices = #map}, {transform_indices = #map}, {transform_indices = #map}, {transform_indices = #map}, {transform_indices = #map}]} {
    %mul3A = arith.constant 640 : i32
    %mul3A_0 = arith.muli %arg1, %mul3A : i32
    %broadcast_in_dim3A = arith.constant 0.000000e+00 : f32
    %broadcast_in_dim3A_1 = vector.broadcast %broadcast_in_dim3A : f32 to vector<16xf32>
    %scan3A = arith.constant 0 : i32
    %scan3A_2 = arith.constant 128 : i32
    %scan3A_3 = arith.addi %scan3A, %scan3A_2 : i32
    %scan3A_4 = arith.constant 1 : i32
    scf.for %scan3A_38 = %scan3A to %scan3A_3 step %scan3A_4  : i32 {
      %mul3A_39 = arith.constant 1 : i32
      %mul3A_40 = arith.muli %scan3A_38, %mul3A_39 : i32
      %add3A = arith.constant 0 : i32
      %add3A_41 = arith.addi %add3A, %mul3A_40 : i32
      %scan3A_42 = arith.constant 0 : i32
      %scan3A_43 = arith.constant 8 : i32
      %scan3A_44 = arith.addi %scan3A_42, %scan3A_43 : i32
      %scan3A_45 = arith.constant 1 : i32
      scf.for %scan3A_47 = %scan3A_42 to %scan3A_44 step %scan3A_45  : i32 {
        %mul3A_48 = arith.constant 16 : i32
        %mul3A_49 = arith.muli %scan3A_47, %mul3A_48 : i32
        %add3A_50 = arith.constant 0 : i32
        %add3A_51 = arith.addi %add3A_50, %mul3A_49 : i32
        %swap3A = arith.constant 0 : i32
        %swap3A_52 = arith.index_cast %swap3A : i32 to index
        %swap3A_53 = arith.index_cast %add3A_41 : i32 to index
        %swap3A_54 = arith.index_cast %add3A_51 : i32 to index
        %swap3A_55 = tpu.vector_load %arg9[%swap3A_52, %swap3A_53, %swap3A_54] {strides = array<i32>} : memref<2x128x128xf32, #tpu.memory_space<vmem>>, vector<1x1x16xf32>,
        %swap3A_56 = vector.shape_cast %swap3A_55 : vector<1x1x16xf32> to vector<16xf32>
        %swap3A_57 = vector.shape_cast %broadcast_in_dim3A_1 : vector<16xf32> to vector<1x1x16xf32>
        tpu.vector_store %arg9[%swap3A_52, %swap3A_53, %swap3A_54], %swap3A_57 {strides = array<i32>} : memref<2x128x128xf32, #tpu.memory_space<vmem>>, vector<1x1x16xf32>,
      }
      %scan3A_46 = arith.constant 8 : i32
    }
    %scan3A_5 = arith.constant 128 : i32
    %scan3A_6 = arith.constant 0 : i32
    %scan3A_7 = arith.constant 3 : i32
    %scan3A_8 = arith.addi %scan3A_6, %scan3A_7 : i32
    %scan3A_9 = arith.constant 1 : i32
    scf.for %scan3A_38 = %scan3A_6 to %scan3A_8 step %scan3A_9  : i32 {
      %mul3A_39 = arith.constant 1 : i32
      %mul3A_40 = arith.muli %scan3A_38, %mul3A_39 : i32
      %add3A = arith.constant 0 : i32
      %add3A_41 = arith.addi %add3A, %mul3A_40 : i32
      %mul3A_42 = arith.constant 128 : i32
      %mul3A_43 = arith.muli %add3A_41, %mul3A_42 : i32
      %add3A_44 = arith.addi %mul3A_0, %mul3A_43 : i32
      %run_scoped3A = arith.constant 0 : i32
      "tpu.region"() ({
        %run_scoped3A_45 = tpu.sem_alloc : memref<!tpu.dma_semaphore, #tpu.memory_space<semaphore_mem>>
        %dma_start3A = arith.constant 0 : i32
        %dma_start3A_46 = arith.constant 0 : i32
        %dma_start3A_47 = tpu.memref_slice %arg9[%run_scoped3A, %dma_start3A, %dma_start3A_46] : memref<2x128x128xf32, #tpu.memory_space<vmem>> -> memref<1x128x128xf32, #tpu.memory_space<vmem>>
        %dma_start3A_48 = tpu.memref_squeeze %dma_start3A_47 : memref<1x128x128xf32, #tpu.memory_space<vmem>> -> memref<128x128xf32, #tpu.memory_space<vmem>>
        %dma_start3A_49 = arith.constant 0 : i32
        %dma_start3A_50 = tpu.memref_slice %arg10[%add3A_44, %dma_start3A_49] : memref<10000x128xf32, #tpu.memory_space<vmem_shared>> -> memref<128x128xf32, #tpu.memory_space<vmem_shared>>
        %dma_start3A_51 = arith.constant 0 : i32
        %dma_start3A_52 = tpu.memref_slice %arg10[%add3A_44, %dma_start3A_51] : memref<10000x128xf32, #tpu.memory_space<vmem_shared>> -> memref<128x128xf32, #tpu.memory_space<vmem_shared>>
        %dma_start3A_53 = arith.constant 0 : i32
        %dma_start3A_54 = arith.constant 0 : i32
        %dma_start3A_55 = tpu.memref_slice %arg9[%run_scoped3A, %dma_start3A_53, %dma_start3A_54] : memref<2x128x128xf32, #tpu.memory_space<vmem>> -> memref<1x128x128xf32, #tpu.memory_space<vmem>>
        %dma_start3A_56 = tpu.memref_squeeze %dma_start3A_55 : memref<1x128x128xf32, #tpu.memory_space<vmem>> -> memref<128x128xf32, #tpu.memory_space<vmem>>
        tpu.enqueue_dma source(%dma_start3A_56 : memref<128x128xf32, #tpu.memory_space<vmem>>) target(%dma_start3A_52 : memref<128x128xf32, #tpu.memory_space<vmem_shared>>) target_semaphore(%run_scoped3A_45 : memref<!tpu.dma_semaphore, #tpu.memory_space<semaphore_mem>>)
        %dma_wait3A = arith.constant 0 : i32
        %dma_wait3A_57 = arith.constant 0 : i32
        %dma_wait3A_58 = tpu.memref_slice %arg9[%run_scoped3A, %dma_wait3A, %dma_wait3A_57] : memref<2x128x128xf32, #tpu.memory_space<vmem>> -> memref<1x128x128xf32, #tpu.memory_space<vmem>>
        %dma_wait3A_59 = tpu.memref_squeeze %dma_wait3A_58 : memref<1x128x128xf32, #tpu.memory_space<vmem>> -> memref<128x128xf32, #tpu.memory_space<vmem>>
        %dma_wait3A_60 = arith.constant 0 : i32
        %dma_wait3A_61 = tpu.memref_slice %arg10[%add3A_44, %dma_wait3A_60] : memref<10000x128xf32, #tpu.memory_space<vmem_shared>> -> memref<128x128xf32, #tpu.memory_space<vmem_shared>>
        %dma_wait3A_62 = arith.constant 0 : i32
        %dma_wait3A_63 = tpu.memref_slice %arg10[%add3A_44, %dma_wait3A_62] : memref<10000x128xf32, #tpu.memory_space<vmem_shared>> -> memref<128x128xf32, #tpu.memory_space<vmem_shared>>
        %dma_wait3A_64 = arith.constant 0 : i32
        %dma_wait3A_65 = arith.constant 0 : i32
        %dma_wait3A_66 = tpu.memref_slice %arg9[%run_scoped3A, %dma_wait3A_64, %dma_wait3A_65] : memref<2x128x128xf32, #tpu.memory_space<vmem>> -> memref<1x128x128xf32, #tpu.memory_space<vmem>>
        %dma_wait3A_67 = tpu.memref_squeeze %dma_wait3A_66 : memref<1x128x128xf32, #tpu.memory_space<vmem>> -> memref<128x128xf32, #tpu.memory_space<vmem>>
        tpu.wait_dma2 semaphore(%run_scoped3A_45 : memref<!tpu.dma_semaphore, #tpu.memory_space<semaphore_mem>>) src(%dma_wait3A_67 : memref<128x128xf32, #tpu.memory_space<vmem>>) dst(%dma_wait3A_63 : memref<128x128xf32, #tpu.memory_space<vmem_shared>>)
        tpu.yield
      }) : () -> ()
    }
    %scan3A_10 = arith.constant 3 : i32
    %lt3A = arith.constant 15 : i32
    %lt3A_11 = arith.cmpi slt, %arg1, %lt3A : i32
    %convert_element_type3A = arith.extui %lt3A_11 : i1 to i32
    %cond3A = arith.constant 0 : i32
    %cond3A_12 = arith.cmpi ne, %convert_element_type3A, %cond3A : i32
    scf.if %cond3A_12 {
      %add3A = arith.constant 384 : i32
      %add3A_38 = arith.addi %mul3A_0, %add3A : i32
      %run_scoped3A = arith.constant 0 : i32
      "tpu.region"() ({
        %run_scoped3A_42 = tpu.sem_alloc : memref<!tpu.dma_semaphore, #tpu.memory_space<semaphore_mem>>
        %dma_start3A = arith.constant 0 : i32
        %dma_start3A_43 = arith.constant 0 : i32
        %dma_start3A_44 = tpu.memref_slice %arg9[%run_scoped3A, %dma_start3A, %dma_start3A_43] : memref<2x128x128xf32, #tpu.memory_space<vmem>> -> memref<1x128x128xf32, #tpu.memory_space<vmem>>
        %dma_start3A_45 = tpu.memref_squeeze %dma_start3A_44 : memref<1x128x128xf32, #tpu.memory_space<vmem>> -> memref<128x128xf32, #tpu.memory_space<vmem>>
        %dma_start3A_46 = arith.constant 0 : i32
        %dma_start3A_47 = tpu.memref_slice %arg10[%add3A_38, %dma_start3A_46] : memref<10000x128xf32, #tpu.memory_space<vmem_shared>> -> memref<128x128xf32, #tpu.memory_space<vmem_shared>>
        %dma_start3A_48 = arith.constant 0 : i32
        %dma_start3A_49 = tpu.memref_slice %arg10[%add3A_38, %dma_start3A_48] : memref<10000x128xf32, #tpu.memory_space<vmem_shared>> -> memref<128x128xf32, #tpu.memory_space<vmem_shared>>
        %dma_start3A_50 = arith.constant 0 : i32
        %dma_start3A_51 = arith.constant 0 : i32
        %dma_start3A_52 = tpu.memref_slice %arg9[%run_scoped3A, %dma_start3A_50, %dma_start3A_51] : memref<2x128x128xf32, #tpu.memory_space<vmem>> -> memref<1x128x128xf32, #tpu.memory_space<vmem>>
        %dma_start3A_53 = tpu.memref_squeeze %dma_start3A_52 : memref<1x128x128xf32, #tpu.memory_space<vmem>> -> memref<128x128xf32, #tpu.memory_space<vmem>>
        tpu.enqueue_dma source(%dma_start3A_53 : memref<128x128xf32, #tpu.memory_space<vmem>>) target(%dma_start3A_49 : memref<128x128xf32, #tpu.memory_space<vmem_shared>>) target_semaphore(%run_scoped3A_42 : memref<!tpu.dma_semaphore, #tpu.memory_space<semaphore_mem>>)
        %dma_wait3A = arith.constant 0 : i32
        %dma_wait3A_54 = arith.constant 0 : i32
        %dma_wait3A_55 = tpu.memref_slice %arg9[%run_scoped3A, %dma_wait3A, %dma_wait3A_54] : memref<2x128x128xf32, #tpu.memory_space<vmem>> -> memref<1x128x128xf32, #tpu.memory_space<vmem>>
        %dma_wait3A_56 = tpu.memref_squeeze %dma_wait3A_55 : memref<1x128x128xf32, #tpu.memory_space<vmem>> -> memref<128x128xf32, #tpu.memory_space<vmem>>
        %dma_wait3A_57 = arith.constant 0 : i32
        %dma_wait3A_58 = tpu.memref_slice %arg10[%add3A_38, %dma_wait3A_57] : memref<10000x128xf32, #tpu.memory_space<vmem_shared>> -> memref<128x128xf32, #tpu.memory_space<vmem_shared>>
        %dma_wait3A_59 = arith.constant 0 : i32
        %dma_wait3A_60 = tpu.memref_slice %arg10[%add3A_38, %dma_wait3A_59] : memref<10000x128xf32, #tpu.memory_space<vmem_shared>> -> memref<128x128xf32, #tpu.memory_space<vmem_shared>>
        %dma_wait3A_61 = arith.constant 0 : i32
        %dma_wait3A_62 = arith.constant 0 : i32
        %dma_wait3A_63 = tpu.memref_slice %arg9[%run_scoped3A, %dma_wait3A_61, %dma_wait3A_62] : memref<2x128x128xf32, #tpu.memory_space<vmem>> -> memref<1x128x128xf32, #tpu.memory_space<vmem>>
        %dma_wait3A_64 = tpu.memref_squeeze %dma_wait3A_63 : memref<1x128x128xf32, #tpu.memory_space<vmem>> -> memref<128x128xf32, #tpu.memory_space<vmem>>
        tpu.wait_dma2 semaphore(%run_scoped3A_42 : memref<!tpu.dma_semaphore, #tpu.memory_space<semaphore_mem>>) src(%dma_wait3A_64 : memref<128x128xf32, #tpu.memory_space<vmem>>) dst(%dma_wait3A_60 : memref<128x128xf32, #tpu.memory_space<vmem_shared>>)
        tpu.yield
      }) : () -> ()
      %add3A_39 = arith.constant 512 : i32
      %add3A_40 = arith.addi %mul3A_0, %add3A_39 : i32
      %run_scoped3A_41 = arith.constant 0 : i32
      "tpu.region"() ({
        %run_scoped3A_42 = tpu.sem_alloc : memref<!tpu.dma_semaphore, #tpu.memory_space<semaphore_mem>>
        %dma_start3A = arith.constant 0 : i32
        %dma_start3A_43 = arith.constant 0 : i32
        %dma_start3A_44 = tpu.memref_slice %arg9[%run_scoped3A_41, %dma_start3A, %dma_start3A_43] : memref<2x128x128xf32, #tpu.memory_space<vmem>> -> memref<1x128x128xf32, #tpu.memory_space<vmem>>
        %dma_start3A_45 = tpu.memref_squeeze %dma_start3A_44 : memref<1x128x128xf32, #tpu.memory_space<vmem>> -> memref<128x128xf32, #tpu.memory_space<vmem>>
        %dma_start3A_46 = arith.constant 0 : i32
        %dma_start3A_47 = tpu.memref_slice %arg10[%add3A_40, %dma_start3A_46] : memref<10000x128xf32, #tpu.memory_space<vmem_shared>> -> memref<128x128xf32, #tpu.memory_space<vmem_shared>>
        %dma_start3A_48 = arith.constant 0 : i32
        %dma_start3A_49 = tpu.memref_slice %arg10[%add3A_40, %dma_start3A_48] : memref<10000x128xf32, #tpu.memory_space<vmem_shared>> -> memref<128x128xf32, #tpu.memory_space<vmem_shared>>
        %dma_start3A_50 = arith.constant 0 : i32
        %dma_start3A_51 = arith.constant 0 : i32
        %dma_start3A_52 = tpu.memref_slice %arg9[%run_scoped3A_41, %dma_start3A_50, %dma_start3A_51] : memref<2x128x128xf32, #tpu.memory_space<vmem>> -> memref<1x128x128xf32, #tpu.memory_space<vmem>>
        %dma_start3A_53 = tpu.memref_squeeze %dma_start3A_52 : memref<1x128x128xf32, #tpu.memory_space<vmem>> -> memref<128x128xf32, #tpu.memory_space<vmem>>
        tpu.enqueue_dma source(%dma_start3A_53 : memref<128x128xf32, #tpu.memory_space<vmem>>) target(%dma_start3A_49 : memref<128x128xf32, #tpu.memory_space<vmem_shared>>) target_semaphore(%run_scoped3A_42 : memref<!tpu.dma_semaphore, #tpu.memory_space<semaphore_mem>>)
        %dma_wait3A = arith.constant 0 : i32
        %dma_wait3A_54 = arith.constant 0 : i32
        %dma_wait3A_55 = tpu.memref_slice %arg9[%run_scoped3A_41, %dma_wait3A, %dma_wait3A_54] : memref<2x128x128xf32, #tpu.memory_space<vmem>> -> memref<1x128x128xf32, #tpu.memory_space<vmem>>
        %dma_wait3A_56 = tpu.memref_squeeze %dma_wait3A_55 : memref<1x128x128xf32, #tpu.memory_space<vmem>> -> memref<128x128xf32, #tpu.memory_space<vmem>>
        %dma_wait3A_57 = arith.constant 0 : i32
        %dma_wait3A_58 = tpu.memref_slice %arg10[%add3A_40, %dma_wait3A_57] : memref<10000x128xf32, #tpu.memory_space<vmem_shared>> -> memref<128x128xf32, #tpu.memory_space<vmem_shared>>
        %dma_wait3A_59 = arith.constant 0 : i32
        %dma_wait3A_60 = tpu.memref_slice %arg10[%add3A_40, %dma_wait3A_59] : memref<10000x128xf32, #tpu.memory_space<vmem_shared>> -> memref<128x128xf32, #tpu.memory_space<vmem_shared>>
        %dma_wait3A_61 = arith.constant 0 : i32
        %dma_wait3A_62 = arith.constant 0 : i32
        %dma_wait3A_63 = tpu.memref_slice %arg9[%run_scoped3A_41, %dma_wait3A_61, %dma_wait3A_62] : memref<2x128x128xf32, #tpu.memory_space<vmem>> -> memref<1x128x128xf32, #tpu.memory_space<vmem>>
        %dma_wait3A_64 = tpu.memref_squeeze %dma_wait3A_63 : memref<1x128x128xf32, #tpu.memory_space<vmem>> -> memref<128x128xf32, #tpu.memory_space<vmem>>
        tpu.wait_dma2 semaphore(%run_scoped3A_42 : memref<!tpu.dma_semaphore, #tpu.memory_space<semaphore_mem>>) src(%dma_wait3A_64 : memref<128x128xf32, #tpu.memory_space<vmem>>) dst(%dma_wait3A_60 : memref<128x128xf32, #tpu.memory_space<vmem_shared>>)
        tpu.yield
      }) : () -> ()
    } else {
    }
    %eq3A = arith.constant 15 : i32
    %eq3A_13 = arith.cmpi eq, %arg1, %eq3A : i32
    %convert_element_type3A_14 = arith.extui %eq3A_13 : i1 to i32
    %cond3A_15 = arith.constant 0 : i32
    %cond3A_16 = arith.cmpi ne, %convert_element_type3A_14, %cond3A_15 : i32
    scf.if %cond3A_16 {
      %add3A = arith.constant 384 : i32
      %add3A_38 = arith.addi %mul3A_0, %add3A : i32
      %run_scoped3A = arith.constant 0 : i32
      "tpu.region"() ({
        %run_scoped3A_39 = tpu.sem_alloc : memref<!tpu.dma_semaphore, #tpu.memory_space<semaphore_mem>>
        %dma_start3A = arith.constant 0 : i32
        %dma_start3A_40 = arith.constant 0 : i32
        %dma_start3A_41 = tpu.memref_slice %arg9[%run_scoped3A, %dma_start3A, %dma_start3A_40] : memref<2x128x128xf32, #tpu.memory_space<vmem>> -> memref<1x16x128xf32, #tpu.memory_space<vmem>>
        %dma_start3A_42 = tpu.memref_squeeze %dma_start3A_41 : memref<1x16x128xf32, #tpu.memory_space<vmem>> -> memref<16x128xf32, #tpu.memory_space<vmem>>
        %dma_start3A_43 = arith.constant 0 : i32
        %dma_start3A_44 = tpu.memref_slice %arg10[%add3A_38, %dma_start3A_43] : memref<10000x128xf32, #tpu.memory_space<vmem_shared>> -> memref<16x128xf32, #tpu.memory_space<vmem_shared>>
        %dma_start3A_45 = arith.constant 0 : i32
        %dma_start3A_46 = tpu.memref_slice %arg10[%add3A_38, %dma_start3A_45] : memref<10000x128xf32, #tpu.memory_space<vmem_shared>> -> memref<16x128xf32, #tpu.memory_space<vmem_shared>>
        %dma_start3A_47 = arith.constant 0 : i32
        %dma_start3A_48 = arith.constant 0 : i32
        %dma_start3A_49 = tpu.memref_slice %arg9[%run_scoped3A, %dma_start3A_47, %dma_start3A_48] : memref<2x128x128xf32, #tpu.memory_space<vmem>> -> memref<1x16x128xf32, #tpu.memory_space<vmem>>
        %dma_start3A_50 = tpu.memref_squeeze %dma_start3A_49 : memref<1x16x128xf32, #tpu.memory_space<vmem>> -> memref<16x128xf32, #tpu.memory_space<vmem>>
        tpu.enqueue_dma source(%dma_start3A_50 : memref<16x128xf32, #tpu.memory_space<vmem>>) target(%dma_start3A_46 : memref<16x128xf32, #tpu.memory_space<vmem_shared>>) target_semaphore(%run_scoped3A_39 : memref<!tpu.dma_semaphore, #tpu.memory_space<semaphore_mem>>)
        %dma_wait3A = arith.constant 0 : i32
        %dma_wait3A_51 = arith.constant 0 : i32
        %dma_wait3A_52 = tpu.memref_slice %arg9[%run_scoped3A, %dma_wait3A, %dma_wait3A_51] : memref<2x128x128xf32, #tpu.memory_space<vmem>> -> memref<1x16x128xf32, #tpu.memory_space<vmem>>
        %dma_wait3A_53 = tpu.memref_squeeze %dma_wait3A_52 : memref<1x16x128xf32, #tpu.memory_space<vmem>> -> memref<16x128xf32, #tpu.memory_space<vmem>>
        %dma_wait3A_54 = arith.constant 0 : i32
        %dma_wait3A_55 = tpu.memref_slice %arg10[%add3A_38, %dma_wait3A_54] : memref<10000x128xf32, #tpu.memory_space<vmem_shared>> -> memref<16x128xf32, #tpu.memory_space<vmem_shared>>
        %dma_wait3A_56 = arith.constant 0 : i32
        %dma_wait3A_57 = tpu.memref_slice %arg10[%add3A_38, %dma_wait3A_56] : memref<10000x128xf32, #tpu.memory_space<vmem_shared>> -> memref<16x128xf32, #tpu.memory_space<vmem_shared>>
        %dma_wait3A_58 = arith.constant 0 : i32
        %dma_wait3A_59 = arith.constant 0 : i32
        %dma_wait3A_60 = tpu.memref_slice %arg9[%run_scoped3A, %dma_wait3A_58, %dma_wait3A_59] : memref<2x128x128xf32, #tpu.memory_space<vmem>> -> memref<1x16x128xf32, #tpu.memory_space<vmem>>
        %dma_wait3A_61 = tpu.memref_squeeze %dma_wait3A_60 : memref<1x16x128xf32, #tpu.memory_space<vmem>> -> memref<16x128xf32, #tpu.memory_space<vmem>>
        tpu.wait_dma2 semaphore(%run_scoped3A_39 : memref<!tpu.dma_semaphore, #tpu.memory_space<semaphore_mem>>) src(%dma_wait3A_61 : memref<16x128xf32, #tpu.memory_space<vmem>>) dst(%dma_wait3A_57 : memref<16x128xf32, #tpu.memory_space<vmem_shared>>)
        tpu.yield
      }) : () -> ()
    } else {
    }
    %barrier3A = arith.constant 0 : index
    tpu.barrier barrier_id(%barrier3A)
    %eq3A_17 = arith.constant 0 : i32
    %eq3A_18 = arith.cmpi eq, %arg0, %eq3A_17 : i32
    %convert_element_type3A_19 = arith.extui %eq3A_18 : i1 to i32
    %cond3A_20 = arith.constant 0 : i32
    %cond3A_21 = arith.cmpi ne, %convert_element_type3A_19, %cond3A_20 : i32
    scf.if %cond3A_21 {
      %mul3A_38 = arith.constant 128 : i32
      %mul3A_39 = arith.muli %arg1, %mul3A_38 : i32
      %dma_start3A = arith.constant 0 : i32
      %dma_start3A_40 = arith.constant 0 : i32
      %dma_start3A_41 = tpu.memref_slice %arg8[%dma_start3A, %dma_start3A_40] : memref<128x128xi32, #tpu.memory_space<vmem>> -> memref<128x128xi32, #tpu.memory_space<vmem>>
      %dma_start3A_42 = arith.constant 0 : i32
      %dma_start3A_43 = tpu.memref_slice %arg4[%mul3A_39, %dma_start3A_42] : memref<2560x128xi32, #tpu.memory_space<hbm>> -> memref<128x128xi32, #tpu.memory_space<hbm>>
      %dma_start3A_44 = arith.constant 0 : i32
      %dma_start3A_45 = arith.constant 0 : i32
      %dma_start3A_46 = tpu.memref_slice %arg8[%dma_start3A_44, %dma_start3A_45] : memref<128x128xi32, #tpu.memory_space<vmem>> -> memref<128x128xi32, #tpu.memory_space<vmem>>
      %dma_start3A_47 = arith.constant 0 : i32
      %dma_start3A_48 = tpu.memref_slice %arg4[%mul3A_39, %dma_start3A_47] : memref<2560x128xi32, #tpu.memory_space<hbm>> -> memref<128x128xi32, #tpu.memory_space<hbm>>
      tpu.enqueue_dma source(%dma_start3A_48 : memref<128x128xi32, #tpu.memory_space<hbm>>) target(%dma_start3A_46 : memref<128x128xi32, #tpu.memory_space<vmem>>) target_semaphore(%arg17 : memref<!tpu.dma_semaphore, #tpu.memory_space<semaphore_mem>>)
      %add3A = arith.constant 0 : i32
      %add3A_49 = arith.addi %mul3A_39, %add3A : i32
      %dma_start3A_50 = arith.constant 0 : i32
      %dma_start3A_51 = arith.constant 0 : i32
      %dma_start3A_52 = arith.constant 0 : i32
      %dma_start3A_53 = tpu.memref_slice %arg7[%dma_start3A_50, %dma_start3A_51, %dma_start3A_52] : memref<2x4x128xi32, #tpu.memory_space<vmem>> -> memref<1x4x128xi32, #tpu.memory_space<vmem>>
      %dma_start3A_54 = tpu.memref_squeeze %dma_start3A_53 : memref<1x4x128xi32, #tpu.memory_space<vmem>> -> memref<4x128xi32, #tpu.memory_space<vmem>>
      %dma_start3A_55 = arith.constant 0 : i32
      %dma_start3A_56 = tpu.memref_slice %arg3[%add3A_49, %dma_start3A_55] : memref<2560x128xi32, #tpu.memory_space<hbm>> -> memref<4x128xi32, #tpu.memory_space<hbm>>
      %dma_start3A_57 = arith.constant 0 : i32
      %dma_start3A_58 = arith.constant 0 : i32
      %dma_start3A_59 = tpu.memref_slice %arg7[%dma_start3A_50, %dma_start3A_57, %dma_start3A_58] : memref<2x4x128xi32, #tpu.memory_space<vmem>> -> memref<1x4x128xi32, #tpu.memory_space<vmem>>
      %dma_start3A_60 = tpu.memref_squeeze %dma_start3A_59 : memref<1x4x128xi32, #tpu.memory_space<vmem>> -> memref<4x128xi32, #tpu.memory_space<vmem>>
      %dma_start3A_61 = arith.constant 0 : i32
      %dma_start3A_62 = tpu.memref_slice %arg3[%add3A_49, %dma_start3A_61] : memref<2560x128xi32, #tpu.memory_space<hbm>> -> memref<4x128xi32, #tpu.memory_space<hbm>>
      tpu.enqueue_dma source(%dma_start3A_62 : memref<4x128xi32, #tpu.memory_space<hbm>>) target(%dma_start3A_60 : memref<4x128xi32, #tpu.memory_space<vmem>>) target_semaphore(%arg15 : memref<!tpu.dma_semaphore, #tpu.memory_space<semaphore_mem>>)
      %add3A_63 = arith.constant 4 : i32
      %add3A_64 = arith.addi %mul3A_39, %add3A_63 : i32
      %dma_start3A_65 = arith.constant 1 : i32
      %dma_start3A_66 = arith.constant 0 : i32
      %dma_start3A_67 = arith.constant 0 : i32
      %dma_start3A_68 = tpu.memref_slice %arg7[%dma_start3A_65, %dma_start3A_66, %dma_start3A_67] : memref<2x4x128xi32, #tpu.memory_space<vmem>> -> memref<1x4x128xi32, #tpu.memory_space<vmem>>
      %dma_start3A_69 = tpu.memref_squeeze %dma_start3A_68 : memref<1x4x128xi32, #tpu.memory_space<vmem>> -> memref<4x128xi32, #tpu.memory_space<vmem>>
      %dma_start3A_70 = arith.constant 0 : i32
      %dma_start3A_71 = tpu.memref_slice %arg3[%add3A_64, %dma_start3A_70] : memref<2560x128xi32, #tpu.memory_space<hbm>> -> memref<4x128xi32, #tpu.memory_space<hbm>>
      %dma_start3A_72 = arith.constant 0 : i32
      %dma_start3A_73 = arith.constant 0 : i32
      %dma_start3A_74 = tpu.memref_slice %arg7[%dma_start3A_65, %dma_start3A_72, %dma_start3A_73] : memref<2x4x128xi32, #tpu.memory_space<vmem>> -> memref<1x4x128xi32, #tpu.memory_space<vmem>>
      %dma_start3A_75 = tpu.memref_squeeze %dma_start3A_74 : memref<1x4x128xi32, #tpu.memory_space<vmem>> -> memref<4x128xi32, #tpu.memory_space<vmem>>
      %dma_start3A_76 = arith.constant 0 : i32
      %dma_start3A_77 = tpu.memref_slice %arg3[%add3A_64, %dma_start3A_76] : memref<2560x128xi32, #tpu.memory_space<hbm>> -> memref<4x128xi32, #tpu.memory_space<hbm>>
      tpu.enqueue_dma source(%dma_start3A_77 : memref<4x128xi32, #tpu.memory_space<hbm>>) target(%dma_start3A_75 : memref<4x128xi32, #tpu.memory_space<vmem>>) target_semaphore(%arg16 : memref<!tpu.dma_semaphore, #tpu.memory_space<semaphore_mem>>)
      %dma_wait3A = arith.constant 0 : i32
      %dma_wait3A_78 = arith.constant 0 : i32
      %dma_wait3A_79 = arith.constant 0 : i32
      %dma_wait3A_80 = tpu.memref_slice %arg7[%dma_wait3A, %dma_wait3A_78, %dma_wait3A_79] : memref<2x4x128xi32, #tpu.memory_space<vmem>> -> memref<1x4x128xi32, #tpu.memory_space<vmem>>
      %dma_wait3A_81 = tpu.memref_squeeze %dma_wait3A_80 : memref<1x4x128xi32, #tpu.memory_space<vmem>> -> memref<4x128xi32, #tpu.memory_space<vmem>>
      %dma_wait3A_82 = arith.constant 0 : i32
      %dma_wait3A_83 = arith.constant 0 : i32
      %dma_wait3A_84 = tpu.memref_slice %arg3[%dma_wait3A_82, %dma_wait3A_83] : memref<2560x128xi32, #tpu.memory_space<hbm>> -> memref<4x128xi32, #tpu.memory_space<hbm>>
      %dma_wait3A_85 = arith.constant 0 : i32
      %dma_wait3A_86 = arith.constant 0 : i32
      %dma_wait3A_87 = tpu.memref_slice %arg7[%dma_wait3A, %dma_wait3A_85, %dma_wait3A_86] : memref<2x4x128xi32, #tpu.memory_space<vmem>> -> memref<1x4x128xi32, #tpu.memory_space<vmem>>
      %dma_wait3A_88 = tpu.memref_squeeze %dma_wait3A_87 : memref<1x4x128xi32, #tpu.memory_space<vmem>> -> memref<4x128xi32, #tpu.memory_space<vmem>>
      %dma_wait3A_89 = arith.constant 0 : i32
      %dma_wait3A_90 = arith.constant 0 : i32
      %dma_wait3A_91 = tpu.memref_slice %arg3[%dma_wait3A_89, %dma_wait3A_90] : memref<2560x128xi32, #tpu.memory_space<hbm>> -> memref<4x128xi32, #tpu.memory_space<hbm>>
      tpu.wait_dma2 semaphore(%arg15 : memref<!tpu.dma_semaphore, #tpu.memory_space<semaphore_mem>>) src(%dma_wait3A_91 : memref<4x128xi32, #tpu.memory_space<hbm>>) dst(%dma_wait3A_88 : memref<4x128xi32, #tpu.memory_space<vmem>>)
      %dma_start3A_92 = arith.constant 0 : i32
      %dma_start3A_93 = arith.constant 0 : i32
      %dma_start3A_94 = arith.constant 0 : i32
      %dma_start3A_95 = arith.constant 0 : i32
      %dma_start3A_96 = arith.constant 0 : i32
      %dma_start3A_97 = tpu.memref_slice %arg9[%dma_start3A_94, %dma_start3A_95, %dma_start3A_96] : memref<2x128x128xf32, #tpu.memory_space<vmem>> -> memref<1x128x128xf32, #tpu.memory_space<vmem>>
      %dma_start3A_98 = tpu.memref_squeeze %dma_start3A_97 : memref<1x128x128xf32, #tpu.memory_space<vmem>> -> memref<128x128xf32, #tpu.memory_space<vmem>>
      %dma_start3A_99 = arith.constant 0 : i32
      %dma_start3A_100 = tpu.memref_slice %arg7[%dma_start3A_92, %dma_start3A_93, %dma_start3A_99] : memref<2x4x128xi32, #tpu.memory_space<vmem>> -> memref<1x1x128xi32, #tpu.memory_space<vmem>>
      %dma_start3A_101 = tpu.memref_squeeze %dma_start3A_100 : memref<1x1x128xi32, #tpu.memory_space<vmem>> -> memref<128xi32, #tpu.memory_space<vmem>>
      %dma_start3A_102 = arith.constant 0 : i32
      %dma_start3A_103 = arith.constant 0 : i32
      %dma_start3A_104 = tpu.memref_slice %arg2[%dma_start3A_102, %dma_start3A_103] : memref<10008x128xf32, #tpu.memory_space<hbm>> -> memref<10008x128xf32, #tpu.memory_space<hbm>>
      tpu.enqueue_indirect_dma source(%dma_start3A_104 : memref<10008x128xf32, #tpu.memory_space<hbm>>) target(%dma_start3A_98 : memref<128x128xf32, #tpu.memory_space<vmem>>) offsets(%dma_start3A_101 : memref<128xi32, #tpu.memory_space<vmem>>) semaphore(%arg11 : memref<!tpu.dma_semaphore, #tpu.memory_space<semaphore_mem>>)
      %dma_start3A_105 = arith.constant 0 : i32
      %dma_start3A_106 = arith.constant 1 : i32
      %dma_start3A_107 = arith.constant 1 : i32
      %dma_start3A_108 = arith.constant 0 : i32
      %dma_start3A_109 = arith.constant 0 : i32
      %dma_start3A_110 = tpu.memref_slice %arg9[%dma_start3A_107, %dma_start3A_108, %dma_start3A_109] : memref<2x128x128xf32, #tpu.memory_space<vmem>> -> memref<1x128x128xf32, #tpu.memory_space<vmem>>
      %dma_start3A_111 = tpu.memref_squeeze %dma_start3A_110 : memref<1x128x128xf32, #tpu.memory_space<vmem>> -> memref<128x128xf32, #tpu.memory_space<vmem>>
      %dma_start3A_112 = arith.constant 0 : i32
      %dma_start3A_113 = tpu.memref_slice %arg7[%dma_start3A_105, %dma_start3A_106, %dma_start3A_112] : memref<2x4x128xi32, #tpu.memory_space<vmem>> -> memref<1x1x128xi32, #tpu.memory_space<vmem>>
      %dma_start3A_114 = tpu.memref_squeeze %dma_start3A_113 : memref<1x1x128xi32, #tpu.memory_space<vmem>> -> memref<128xi32, #tpu.memory_space<vmem>>
      %dma_start3A_115 = arith.constant 0 : i32
      %dma_start3A_116 = arith.constant 0 : i32
      %dma_start3A_117 = tpu.memref_slice %arg2[%dma_start3A_115, %dma_start3A_116] : memref<10008x128xf32, #tpu.memory_space<hbm>> -> memref<10008x128xf32, #tpu.memory_space<hbm>>
      tpu.enqueue_indirect_dma source(%dma_start3A_117 : memref<10008x128xf32, #tpu.memory_space<hbm>>) target(%dma_start3A_111 : memref<128x128xf32, #tpu.memory_space<vmem>>) offsets(%dma_start3A_114 : memref<128xi32, #tpu.memory_space<vmem>>) semaphore(%arg12 : memref<!tpu.dma_semaphore, #tpu.memory_space<semaphore_mem>>)
      %dma_wait3A_118 = arith.constant 0 : i32
      %dma_wait3A_119 = arith.constant 0 : i32
      %dma_wait3A_120 = tpu.memref_slice %arg8[%dma_wait3A_118, %dma_wait3A_119] : memref<128x128xi32, #tpu.memory_space<vmem>> -> memref<128x128xi32, #tpu.memory_space<vmem>>
      %dma_wait3A_121 = arith.constant 0 : i32
      %dma_wait3A_122 = tpu.memref_slice %arg4[%mul3A_39, %dma_wait3A_121] : memref<2560x128xi32, #tpu.memory_space<hbm>> -> memref<128x128xi32, #tpu.memory_space<hbm>>
      %dma_wait3A_123 = arith.constant 0 : i32
      %dma_wait3A_124 = arith.constant 0 : i32
      %dma_wait3A_125 = tpu.memref_slice %arg8[%dma_wait3A_123, %dma_wait3A_124] : memref<128x128xi32, #tpu.memory_space<vmem>> -> memref<128x128xi32, #tpu.memory_space<vmem>>
      %dma_wait3A_126 = arith.constant 0 : i32
      %dma_wait3A_127 = tpu.memref_slice %arg4[%mul3A_39, %dma_wait3A_126] : memref<2560x128xi32, #tpu.memory_space<hbm>> -> memref<128x128xi32, #tpu.memory_space<hbm>>
      tpu.wait_dma2 semaphore(%arg17 : memref<!tpu.dma_semaphore, #tpu.memory_space<semaphore_mem>>) src(%dma_wait3A_127 : memref<128x128xi32, #tpu.memory_space<hbm>>) dst(%dma_wait3A_125 : memref<128x128xi32, #tpu.memory_space<vmem>>)
      %scan3A_128 = arith.constant 0 : i32
      %scan3A_129 = arith.constant 16 : i32
      %scan3A_130 = arith.addi %scan3A_128, %scan3A_129 : i32
      %scan3A_131 = arith.constant 1 : i32
      scf.for %scan3A_133 = %scan3A_128 to %scan3A_130 step %scan3A_131  : i32 {
        %mul3A_134 = arith.constant 2 : i32
        %mul3A_135 = arith.muli %scan3A_133, %mul3A_134 : i32
        %add3A_136 = arith.constant 0 : i32
        %add3A_137 = arith.addi %add3A_136, %mul3A_135 : i32
        %dma_wait3A_138 = arith.constant 0 : i32
        %dma_wait3A_139 = arith.constant 0 : i32
        %dma_wait3A_140 = arith.constant 0 : i32
        %dma_wait3A_141 = arith.constant 0 : i32
        %dma_wait3A_142 = arith.constant 0 : i32
        %dma_wait3A_143 = tpu.memref_slice %arg9[%dma_wait3A_140, %dma_wait3A_141, %dma_wait3A_142] : memref<2x128x128xf32, #tpu.memory_space<vmem>> -> memref<1x128x128xf32, #tpu.memory_space<vmem>>
        %dma_wait3A_144 = tpu.memref_squeeze %dma_wait3A_143 : memref<1x128x128xf32, #tpu.memory_space<vmem>> -> memref<128x128xf32, #tpu.memory_space<vmem>>
        %dma_wait3A_145 = arith.constant 0 : i32
        %dma_wait3A_146 = tpu.memref_slice %arg7[%dma_wait3A_138, %dma_wait3A_139, %dma_wait3A_145] : memref<2x4x128xi32, #tpu.memory_space<vmem>> -> memref<1x1x128xi32, #tpu.memory_space<vmem>>
        %dma_wait3A_147 = tpu.memref_squeeze %dma_wait3A_146 : memref<1x1x128xi32, #tpu.memory_space<vmem>> -> memref<128xi32, #tpu.memory_space<vmem>>
        %dma_wait3A_148 = arith.constant 0 : i32
        %dma_wait3A_149 = arith.constant 0 : i32
        %dma_wait3A_150 = tpu.memref_slice %arg2[%dma_wait3A_148, %dma_wait3A_149] : memref<10008x128xf32, #tpu.memory_space<hbm>> -> memref<10008x128xf32, #tpu.memory_space<hbm>>
        tpu.wait_indirect_dma semaphore(%arg11 : memref<!tpu.dma_semaphore, #tpu.memory_space<semaphore_mem>>) src(%dma_wait3A_150 : memref<10008x128xf32, #tpu.memory_space<hbm>>) dst(%dma_wait3A_144 : memref<128x128xf32, #tpu.memory_space<vmem>>)
        %mul3A_151 = arith.constant 4 : i32
        %mul3A_152 = arith.muli %add3A_137, %mul3A_151 : i32
        %add3A_153 = arith.constant 0 : i32
        %add3A_154 = arith.addi %mul3A_152, %add3A_153 : i32
        %dma_start3A_155 = arith.constant 0 : i32
        %dma_start3A_156 = arith.constant 0 : i32
        %dma_start3A_157 = arith.constant 0 : i32
        %dma_start3A_158 = tpu.memref_slice %arg9[%dma_start3A_155, %dma_start3A_156, %dma_start3A_157] : memref<2x128x128xf32, #tpu.memory_space<vmem>> -> memref<1x128x128xf32, #tpu.memory_space<vmem>>
        %dma_start3A_159 = tpu.memref_squeeze %dma_start3A_158 : memref<1x128x128xf32, #tpu.memory_space<vmem>> -> memref<128x128xf32, #tpu.memory_space<vmem>>
        %dma_start3A_160 = arith.constant 0 : i32
        %dma_start3A_161 = tpu.memref_slice %arg8[%add3A_154, %dma_start3A_160] : memref<128x128xi32, #tpu.memory_space<vmem>> -> memref<1x128xi32, #tpu.memory_space<vmem>>
        %dma_start3A_162 = tpu.memref_squeeze %dma_start3A_161 : memref<1x128xi32, #tpu.memory_space<vmem>> -> memref<128xi32, #tpu.memory_space<vmem>>
        %dma_start3A_163 = arith.constant 0 : i32
        %dma_start3A_164 = arith.constant 0 : i32
        %dma_start3A_165 = tpu.memref_slice %arg10[%dma_start3A_163, %dma_start3A_164] : memref<10000x128xf32, #tpu.memory_space<vmem_shared>> -> memref<10000x128xf32, #tpu.memory_space<vmem_shared>>
        tpu.enqueue_indirect_dma source(%dma_start3A_159 : memref<128x128xf32, #tpu.memory_space<vmem>>) target(%dma_start3A_165 : memref<10000x128xf32, #tpu.memory_space<vmem_shared>>) offsets(%dma_start3A_162 : memref<128xi32, #tpu.memory_space<vmem>>) semaphore(%arg13 : memref<!tpu.dma_semaphore, #tpu.memory_space<semaphore_mem>>) {add = true}
        %dma_wait3A_166 = arith.constant 0 : i32
        %dma_wait3A_167 = arith.constant 0 : i32
        %dma_wait3A_168 = arith.constant 0 : i32
        %dma_wait3A_169 = tpu.memref_slice %arg9[%dma_wait3A_166, %dma_wait3A_167, %dma_wait3A_168] : memref<2x128x128xf32, #tpu.memory_space<vmem>> -> memref<1x128x128xf32, #tpu.memory_space<vmem>>
        %dma_wait3A_170 = tpu.memref_squeeze %dma_wait3A_169 : memref<1x128x128xf32, #tpu.memory_space<vmem>> -> memref<128x128xf32, #tpu.memory_space<vmem>>
        %dma_wait3A_171 = arith.constant 0 : i32
        %dma_wait3A_172 = tpu.memref_slice %arg8[%add3A_154, %dma_wait3A_171] : memref<128x128xi32, #tpu.memory_space<vmem>> -> memref<1x128xi32, #tpu.memory_space<vmem>>
        %dma_wait3A_173 = tpu.memref_squeeze %dma_wait3A_172 : memref<1x128xi32, #tpu.memory_space<vmem>> -> memref<128xi32, #tpu.memory_space<vmem>>
        %dma_wait3A_174 = arith.constant 0 : i32
        %dma_wait3A_175 = arith.constant 0 : i32
        %dma_wait3A_176 = tpu.memref_slice %arg10[%dma_wait3A_174, %dma_wait3A_175] : memref<10000x128xf32, #tpu.memory_space<vmem_shared>> -> memref<10000x128xf32, #tpu.memory_space<vmem_shared>>
        tpu.wait_indirect_dma semaphore(%arg13 : memref<!tpu.dma_semaphore, #tpu.memory_space<semaphore_mem>>) src(%dma_wait3A_170 : memref<128x128xf32, #tpu.memory_space<vmem>>) dst(%dma_wait3A_176 : memref<10000x128xf32, #tpu.memory_space<vmem_shared>>)
        %dma_start3A_177 = arith.constant 0 : i32
        %dma_start3A_178 = arith.constant 2 : i32
        %dma_start3A_179 = arith.constant 0 : i32
        %dma_start3A_180 = arith.constant 0 : i32
        %dma_start3A_181 = arith.constant 0 : i32
        %dma_start3A_182 = tpu.memref_slice %arg9[%dma_start3A_179, %dma_start3A_180, %dma_start3A_181] : memref<2x128x128xf32, #tpu.memory_space<vmem>> -> memref<1x128x128xf32, #tpu.memory_space<vmem>>
        %dma_start3A_183 = tpu.memref_squeeze %dma_start3A_182 : memref<1x128x128xf32, #tpu.memory_space<vmem>> -> memref<128x128xf32, #tpu.memory_space<vmem>>
        %dma_start3A_184 = arith.constant 0 : i32
        %dma_start3A_185 = tpu.memref_slice %arg7[%dma_start3A_177, %dma_start3A_178, %dma_start3A_184] : memref<2x4x128xi32, #tpu.memory_space<vmem>> -> memref<1x1x128xi32, #tpu.memory_space<vmem>>
        %dma_start3A_186 = tpu.memref_squeeze %dma_start3A_185 : memref<1x1x128xi32, #tpu.memory_space<vmem>> -> memref<128xi32, #tpu.memory_space<vmem>>
        %dma_start3A_187 = arith.constant 0 : i32
        %dma_start3A_188 = arith.constant 0 : i32
        %dma_start3A_189 = tpu.memref_slice %arg2[%dma_start3A_187, %dma_start3A_188] : memref<10008x128xf32, #tpu.memory_space<hbm>> -> memref<10008x128xf32, #tpu.memory_space<hbm>>
        tpu.enqueue_indirect_dma source(%dma_start3A_189 : memref<10008x128xf32, #tpu.memory_space<hbm>>) target(%dma_start3A_183 : memref<128x128xf32, #tpu.memory_space<vmem>>) offsets(%dma_start3A_186 : memref<128xi32, #tpu.memory_space<vmem>>) semaphore(%arg11 : memref<!tpu.dma_semaphore, #tpu.memory_space<semaphore_mem>>)
        %dma_wait3A_190 = arith.constant 0 : i32
        %dma_wait3A_191 = arith.constant 1 : i32
        %dma_wait3A_192 = arith.constant 1 : i32
        %dma_wait3A_193 = arith.constant 0 : i32
        %dma_wait3A_194 = arith.constant 0 : i32
        %dma_wait3A_195 = tpu.memref_slice %arg9[%dma_wait3A_192, %dma_wait3A_193, %dma_wait3A_194] : memref<2x128x128xf32, #tpu.memory_space<vmem>> -> memref<1x128x128xf32, #tpu.memory_space<vmem>>
        %dma_wait3A_196 = tpu.memref_squeeze %dma_wait3A_195 : memref<1x128x128xf32, #tpu.memory_space<vmem>> -> memref<128x128xf32, #tpu.memory_space<vmem>>
        %dma_wait3A_197 = arith.constant 0 : i32
        %dma_wait3A_198 = tpu.memref_slice %arg7[%dma_wait3A_190, %dma_wait3A_191, %dma_wait3A_197] : memref<2x4x128xi32, #tpu.memory_space<vmem>> -> memref<1x1x128xi32, #tpu.memory_space<vmem>>
        %dma_wait3A_199 = tpu.memref_squeeze %dma_wait3A_198 : memref<1x1x128xi32, #tpu.memory_space<vmem>> -> memref<128xi32, #tpu.memory_space<vmem>>
        %dma_wait3A_200 = arith.constant 0 : i32
        %dma_wait3A_201 = arith.constant 0 : i32
        %dma_wait3A_202 = tpu.memref_slice %arg2[%dma_wait3A_200, %dma_wait3A_201] : memref<10008x128xf32, #tpu.memory_space<hbm>> -> memref<10008x128xf32, #tpu.memory_space<hbm>>
        tpu.wait_indirect_dma semaphore(%arg12 : memref<!tpu.dma_semaphore, #tpu.memory_space<semaphore_mem>>) src(%dma_wait3A_202 : memref<10008x128xf32, #tpu.memory_space<hbm>>) dst(%dma_wait3A_196 : memref<128x128xf32, #tpu.memory_space<vmem>>)
        %mul3A_203 = arith.constant 4 : i32
        %mul3A_204 = arith.muli %add3A_137, %mul3A_203 : i32
        %add3A_205 = arith.constant 1 : i32
        %add3A_206 = arith.addi %mul3A_204, %add3A_205 : i32
        %dma_start3A_207 = arith.constant 1 : i32
        %dma_start3A_208 = arith.constant 0 : i32
        %dma_start3A_209 = arith.constant 0 : i32
        %dma_start3A_210 = tpu.memref_slice %arg9[%dma_start3A_207, %dma_start3A_208, %dma_start3A_209] : memref<2x128x128xf32, #tpu.memory_space<vmem>> -> memref<1x128x128xf32, #tpu.memory_space<vmem>>
        %dma_start3A_211 = tpu.memref_squeeze %dma_start3A_210 : memref<1x128x128xf32, #tpu.memory_space<vmem>> -> memref<128x128xf32, #tpu.memory_space<vmem>>
        %dma_start3A_212 = arith.constant 0 : i32
        %dma_start3A_213 = tpu.memref_slice %arg8[%add3A_206, %dma_start3A_212] : memref<128x128xi32, #tpu.memory_space<vmem>> -> memref<1x128xi32, #tpu.memory_space<vmem>>
        %dma_start3A_214 = tpu.memref_squeeze %dma_start3A_213 : memref<1x128xi32, #tpu.memory_space<vmem>> -> memref<128xi32, #tpu.memory_space<vmem>>
        %dma_start3A_215 = arith.constant 0 : i32
        %dma_start3A_216 = arith.constant 0 : i32
        %dma_start3A_217 = tpu.memref_slice %arg10[%dma_start3A_215, %dma_start3A_216] : memref<10000x128xf32, #tpu.memory_space<vmem_shared>> -> memref<10000x128xf32, #tpu.memory_space<vmem_shared>>
        tpu.enqueue_indirect_dma source(%dma_start3A_211 : memref<128x128xf32, #tpu.memory_space<vmem>>) target(%dma_start3A_217 : memref<10000x128xf32, #tpu.memory_space<vmem_shared>>) offsets(%dma_start3A_214 : memref<128xi32, #tpu.memory_space<vmem>>) semaphore(%arg14 : memref<!tpu.dma_semaphore, #tpu.memory_space<semaphore_mem>>) {add = true}
        %dma_wait3A_218 = arith.constant 1 : i32
        %dma_wait3A_219 = arith.constant 0 : i32
        %dma_wait3A_220 = arith.constant 0 : i32
        %dma_wait3A_221 = tpu.memref_slice %arg9[%dma_wait3A_218, %dma_wait3A_219, %dma_wait3A_220] : memref<2x128x128xf32, #tpu.memory_space<vmem>> -> memref<1x128x128xf32, #tpu.memory_space<vmem>>
        %dma_wait3A_222 = tpu.memref_squeeze %dma_wait3A_221 : memref<1x128x128xf32, #tpu.memory_space<vmem>> -> memref<128x128xf32, #tpu.memory_space<vmem>>
        %dma_wait3A_223 = arith.constant 0 : i32
        %dma_wait3A_224 = tpu.memref_slice %arg8[%add3A_206, %dma_wait3A_223] : memref<128x128xi32, #tpu.memory_space<vmem>> -> memref<1x128xi32, #tpu.memory_space<vmem>>
        %dma_wait3A_225 = tpu.memref_squeeze %dma_wait3A_224 : memref<1x128xi32, #tpu.memory_space<vmem>> -> memref<128xi32, #tpu.memory_space<vmem>>
        %dma_wait3A_226 = arith.constant 0 : i32
        %dma_wait3A_227 = arith.constant 0 : i32
        %dma_wait3A_228 = tpu.memref_slice %arg10[%dma_wait3A_226, %dma_wait3A_227] : memref<10000x128xf32, #tpu.memory_space<vmem_shared>> -> memref<10000x128xf32, #tpu.memory_space<vmem_shared>>
        tpu.wait_indirect_dma semaphore(%arg14 : memref<!tpu.dma_semaphore, #tpu.memory_space<semaphore_mem>>) src(%dma_wait3A_222 : memref<128x128xf32, #tpu.memory_space<vmem>>) dst(%dma_wait3A_228 : memref<10000x128xf32, #tpu.memory_space<vmem_shared>>)
        %dma_start3A_229 = arith.constant 0 : i32
        %dma_start3A_230 = arith.constant 3 : i32
        %dma_start3A_231 = arith.constant 1 : i32
        %dma_start3A_232 = arith.constant 0 : i32
        %dma_start3A_233 = arith.constant 0 : i32
        %dma_start3A_234 = tpu.memref_slice %arg9[%dma_start3A_231, %dma_start3A_232, %dma_start3A_233] : memref<2x128x128xf32, #tpu.memory_space<vmem>> -> memref<1x128x128xf32, #tpu.memory_space<vmem>>
        %dma_start3A_235 = tpu.memref_squeeze %dma_start3A_234 : memref<1x128x128xf32, #tpu.memory_space<vmem>> -> memref<128x128xf32, #tpu.memory_space<vmem>>
        %dma_start3A_236 = arith.constant 0 : i32
        %dma_start3A_237 = tpu.memref_slice %arg7[%dma_start3A_229, %dma_start3A_230, %dma_start3A_236] : memref<2x4x128xi32, #tpu.memory_space<vmem>> -> memref<1x1x128xi32, #tpu.memory_space<vmem>>
        %dma_start3A_238 = tpu.memref_squeeze %dma_start3A_237 : memref<1x1x128xi32, #tpu.memory_space<vmem>> -> memref<128xi32, #tpu.memory_space<vmem>>
        %dma_start3A_239 = arith.constant 0 : i32
        %dma_start3A_240 = arith.constant 0 : i32
        %dma_start3A_241 = tpu.memref_slice %arg2[%dma_start3A_239, %dma_start3A_240] : memref<10008x128xf32, #tpu.memory_space<hbm>> -> memref<10008x128xf32, #tpu.memory_space<hbm>>
        tpu.enqueue_indirect_dma source(%dma_start3A_241 : memref<10008x128xf32, #tpu.memory_space<hbm>>) target(%dma_start3A_235 : memref<128x128xf32, #tpu.memory_space<vmem>>) offsets(%dma_start3A_238 : memref<128xi32, #tpu.memory_space<vmem>>) semaphore(%arg12 : memref<!tpu.dma_semaphore, #tpu.memory_space<semaphore_mem>>)
        %dma_wait3A_242 = arith.constant 0 : i32
        %dma_wait3A_243 = arith.constant 2 : i32
        %dma_wait3A_244 = arith.constant 0 : i32
        %dma_wait3A_245 = arith.constant 0 : i32
        %dma_wait3A_246 = arith.constant 0 : i32
        %dma_wait3A_247 = tpu.memref_slice %arg9[%dma_wait3A_244, %dma_wait3A_245, %dma_wait3A_246] : memref<2x128x128xf32, #tpu.memory_space<vmem>> -> memref<1x128x128xf32, #tpu.memory_space<vmem>>
        %dma_wait3A_248 = tpu.memref_squeeze %dma_wait3A_247 : memref<1x128x128xf32, #tpu.memory_space<vmem>> -> memref<128x128xf32, #tpu.memory_space<vmem>>
        %dma_wait3A_249 = arith.constant 0 : i32
        %dma_wait3A_250 = tpu.memref_slice %arg7[%dma_wait3A_242, %dma_wait3A_243, %dma_wait3A_249] : memref<2x4x128xi32, #tpu.memory_space<vmem>> -> memref<1x1x128xi32, #tpu.memory_space<vmem>>
        %dma_wait3A_251 = tpu.memref_squeeze %dma_wait3A_250 : memref<1x1x128xi32, #tpu.memory_space<vmem>> -> memref<128xi32, #tpu.memory_space<vmem>>
        %dma_wait3A_252 = arith.constant 0 : i32
        %dma_wait3A_253 = arith.constant 0 : i32
        %dma_wait3A_254 = tpu.memref_slice %arg2[%dma_wait3A_252, %dma_wait3A_253] : memref<10008x128xf32, #tpu.memory_space<hbm>> -> memref<10008x128xf32, #tpu.memory_space<hbm>>
        tpu.wait_indirect_dma semaphore(%arg11 : memref<!tpu.dma_semaphore, #tpu.memory_space<semaphore_mem>>) src(%dma_wait3A_254 : memref<10008x128xf32, #tpu.memory_space<hbm>>) dst(%dma_wait3A_248 : memref<128x128xf32, #tpu.memory_space<vmem>>)
        %mul3A_255 = arith.constant 4 : i32
        %mul3A_256 = arith.muli %add3A_137, %mul3A_255 : i32
        %add3A_257 = arith.constant 2 : i32
        %add3A_258 = arith.addi %mul3A_256, %add3A_257 : i32
        %dma_start3A_259 = arith.constant 0 : i32
        %dma_start3A_260 = arith.constant 0 : i32
        %dma_start3A_261 = arith.constant 0 : i32
        %dma_start3A_262 = tpu.memref_slice %arg9[%dma_start3A_259, %dma_start3A_260, %dma_start3A_261] : memref<2x128x128xf32, #tpu.memory_space<vmem>> -> memref<1x128x128xf32, #tpu.memory_space<vmem>>
        %dma_start3A_263 = tpu.memref_squeeze %dma_start3A_262 : memref<1x128x128xf32, #tpu.memory_space<vmem>> -> memref<128x128xf32, #tpu.memory_space<vmem>>
        %dma_start3A_264 = arith.constant 0 : i32
        %dma_start3A_265 = tpu.memref_slice %arg8[%add3A_258, %dma_start3A_264] : memref<128x128xi32, #tpu.memory_space<vmem>> -> memref<1x128xi32, #tpu.memory_space<vmem>>
        %dma_start3A_266 = tpu.memref_squeeze %dma_start3A_265 : memref<1x128xi32, #tpu.memory_space<vmem>> -> memref<128xi32, #tpu.memory_space<vmem>>
        %dma_start3A_267 = arith.constant 0 : i32
        %dma_start3A_268 = arith.constant 0 : i32
        %dma_start3A_269 = tpu.memref_slice %arg10[%dma_start3A_267, %dma_start3A_268] : memref<10000x128xf32, #tpu.memory_space<vmem_shared>> -> memref<10000x128xf32, #tpu.memory_space<vmem_shared>>
        tpu.enqueue_indirect_dma source(%dma_start3A_263 : memref<128x128xf32, #tpu.memory_space<vmem>>) target(%dma_start3A_269 : memref<10000x128xf32, #tpu.memory_space<vmem_shared>>) offsets(%dma_start3A_266 : memref<128xi32, #tpu.memory_space<vmem>>) semaphore(%arg13 : memref<!tpu.dma_semaphore, #tpu.memory_space<semaphore_mem>>) {add = true}
        %dma_wait3A_270 = arith.constant 0 : i32
        %dma_wait3A_271 = arith.constant 0 : i32
        %dma_wait3A_272 = arith.constant 0 : i32
        %dma_wait3A_273 = tpu.memref_slice %arg9[%dma_wait3A_270, %dma_wait3A_271, %dma_wait3A_272] : memref<2x128x128xf32, #tpu.memory_space<vmem>> -> memref<1x128x128xf32, #tpu.memory_space<vmem>>
        %dma_wait3A_274 = tpu.memref_squeeze %dma_wait3A_273 : memref<1x128x128xf32, #tpu.memory_space<vmem>> -> memref<128x128xf32, #tpu.memory_space<vmem>>
        %dma_wait3A_275 = arith.constant 0 : i32
        %dma_wait3A_276 = tpu.memref_slice %arg8[%add3A_258, %dma_wait3A_275] : memref<128x128xi32, #tpu.memory_space<vmem>> -> memref<1x128xi32, #tpu.memory_space<vmem>>
        %dma_wait3A_277 = tpu.memref_squeeze %dma_wait3A_276 : memref<1x128xi32, #tpu.memory_space<vmem>> -> memref<128xi32, #tpu.memory_space<vmem>>
        %dma_wait3A_278 = arith.constant 0 : i32
        %dma_wait3A_279 = arith.constant 0 : i32
        %dma_wait3A_280 = tpu.memref_slice %arg10[%dma_wait3A_278, %dma_wait3A_279] : memref<10000x128xf32, #tpu.memory_space<vmem_shared>> -> memref<10000x128xf32, #tpu.memory_space<vmem_shared>>
        tpu.wait_indirect_dma semaphore(%arg13 : memref<!tpu.dma_semaphore, #tpu.memory_space<semaphore_mem>>) src(%dma_wait3A_274 : memref<128x128xf32, #tpu.memory_space<vmem>>) dst(%dma_wait3A_280 : memref<10000x128xf32, #tpu.memory_space<vmem_shared>>)
        %dma_wait3A_281 = arith.constant 1 : i32
        %dma_wait3A_282 = arith.constant 0 : i32
        %dma_wait3A_283 = arith.constant 0 : i32
        %dma_wait3A_284 = tpu.memref_slice %arg7[%dma_wait3A_281, %dma_wait3A_282, %dma_wait3A_283] : memref<2x4x128xi32, #tpu.memory_space<vmem>> -> memref<1x4x128xi32, #tpu.memory_space<vmem>>
        %dma_wait3A_285 = tpu.memref_squeeze %dma_wait3A_284 : memref<1x4x128xi32, #tpu.memory_space<vmem>> -> memref<4x128xi32, #tpu.memory_space<vmem>>
        %dma_wait3A_286 = arith.constant 0 : i32
        %dma_wait3A_287 = arith.constant 0 : i32
        %dma_wait3A_288 = tpu.memref_slice %arg3[%dma_wait3A_286, %dma_wait3A_287] : memref<2560x128xi32, #tpu.memory_space<hbm>> -> memref<4x128xi32, #tpu.memory_space<hbm>>
        %dma_wait3A_289 = arith.constant 0 : i32
        %dma_wait3A_290 = arith.constant 0 : i32
        %dma_wait3A_291 = tpu.memref_slice %arg7[%dma_wait3A_281, %dma_wait3A_289, %dma_wait3A_290] : memref<2x4x128xi32, #tpu.memory_space<vmem>> -> memref<1x4x128xi32, #tpu.memory_space<vmem>>
        %dma_wait3A_292 = tpu.memref_squeeze %dma_wait3A_291 : memref<1x4x128xi32, #tpu.memory_space<vmem>> -> memref<4x128xi32, #tpu.memory_space<vmem>>
        %dma_wait3A_293 = arith.constant 0 : i32
        %dma_wait3A_294 = arith.constant 0 : i32
        %dma_wait3A_295 = tpu.memref_slice %arg3[%dma_wait3A_293, %dma_wait3A_294] : memref<2560x128xi32, #tpu.memory_space<hbm>> -> memref<4x128xi32, #tpu.memory_space<hbm>>
        tpu.wait_dma2 semaphore(%arg16 : memref<!tpu.dma_semaphore, #tpu.memory_space<semaphore_mem>>) src(%dma_wait3A_295 : memref<4x128xi32, #tpu.memory_space<hbm>>) dst(%dma_wait3A_292 : memref<4x128xi32, #tpu.memory_space<vmem>>)
        %dma_start3A_296 = arith.constant 1 : i32
        %dma_start3A_297 = arith.constant 0 : i32
        %dma_start3A_298 = arith.constant 0 : i32
        %dma_start3A_299 = arith.constant 0 : i32
        %dma_start3A_300 = arith.constant 0 : i32
        %dma_start3A_301 = tpu.memref_slice %arg9[%dma_start3A_298, %dma_start3A_299, %dma_start3A_300] : memref<2x128x128xf32, #tpu.memory_space<vmem>> -> memref<1x128x128xf32, #tpu.memory_space<vmem>>
        %dma_start3A_302 = tpu.memref_squeeze %dma_start3A_301 : memref<1x128x128xf32, #tpu.memory_space<vmem>> -> memref<128x128xf32, #tpu.memory_space<vmem>>
        %dma_start3A_303 = arith.constant 0 : i32
        %dma_start3A_304 = tpu.memref_slice %arg7[%dma_start3A_296, %dma_start3A_297, %dma_start3A_303] : memref<2x4x128xi32, #tpu.memory_space<vmem>> -> memref<1x1x128xi32, #tpu.memory_space<vmem>>
        %dma_start3A_305 = tpu.memref_squeeze %dma_start3A_304 : memref<1x1x128xi32, #tpu.memory_space<vmem>> -> memref<128xi32, #tpu.memory_space<vmem>>
        %dma_start3A_306 = arith.constant 0 : i32
        %dma_start3A_307 = arith.constant 0 : i32
        %dma_start3A_308 = tpu.memref_slice %arg2[%dma_start3A_306, %dma_start3A_307] : memref<10008x128xf32, #tpu.memory_space<hbm>> -> memref<10008x128xf32, #tpu.memory_space<hbm>>
        tpu.enqueue_indirect_dma source(%dma_start3A_308 : memref<10008x128xf32, #tpu.memory_space<hbm>>) target(%dma_start3A_302 : memref<128x128xf32, #tpu.memory_space<vmem>>) offsets(%dma_start3A_305 : memref<128xi32, #tpu.memory_space<vmem>>) semaphore(%arg11 : memref<!tpu.dma_semaphore, #tpu.memory_space<semaphore_mem>>)
        %dma_wait3A_309 = arith.constant 0 : i32
        %dma_wait3A_310 = arith.constant 3 : i32
        %dma_wait3A_311 = arith.constant 1 : i32
        %dma_wait3A_312 = arith.constant 0 : i32
        %dma_wait3A_313 = arith.constant 0 : i32
        %dma_wait3A_314 = tpu.memref_slice %arg9[%dma_wait3A_311, %dma_wait3A_312, %dma_wait3A_313] : memref<2x128x128xf32, #tpu.memory_space<vmem>> -> memref<1x128x128xf32, #tpu.memory_space<vmem>>
        %dma_wait3A_315 = tpu.memref_squeeze %dma_wait3A_314 : memref<1x128x128xf32, #tpu.memory_space<vmem>> -> memref<128x128xf32, #tpu.memory_space<vmem>>
        %dma_wait3A_316 = arith.constant 0 : i32
        %dma_wait3A_317 = tpu.memref_slice %arg7[%dma_wait3A_309, %dma_wait3A_310, %dma_wait3A_316] : memref<2x4x128xi32, #tpu.memory_space<vmem>> -> memref<1x1x128xi32, #tpu.memory_space<vmem>>
        %dma_wait3A_318 = tpu.memref_squeeze %dma_wait3A_317 : memref<1x1x128xi32, #tpu.memory_space<vmem>> -> memref<128xi32, #tpu.memory_space<vmem>>
        %dma_wait3A_319 = arith.constant 0 : i32
        %dma_wait3A_320 = arith.constant 0 : i32
        %dma_wait3A_321 = tpu.memref_slice %arg2[%dma_wait3A_319, %dma_wait3A_320] : memref<10008x128xf32, #tpu.memory_space<hbm>> -> memref<10008x128xf32, #tpu.memory_space<hbm>>
        tpu.wait_indirect_dma semaphore(%arg12 : memref<!tpu.dma_semaphore, #tpu.memory_space<semaphore_mem>>) src(%dma_wait3A_321 : memref<10008x128xf32, #tpu.memory_space<hbm>>) dst(%dma_wait3A_315 : memref<128x128xf32, #tpu.memory_space<vmem>>)
        %add3A_322 = arith.constant 2 : i32
        %add3A_323 = arith.addi %add3A_137, %add3A_322 : i32
        %lt3A_324 = arith.constant 32 : i32
        %lt3A_325 = arith.cmpi slt, %add3A_323, %lt3A_324 : i32
        %convert_element_type3A_326 = arith.extui %lt3A_325 : i1 to i32
        %cond3A_327 = arith.constant 0 : i32
        %cond3A_328 = arith.cmpi ne, %convert_element_type3A_326, %cond3A_327 : i32
        scf.if %cond3A_328 {
          %add3A_571 = arith.constant 2 : i32
          %add3A_572 = arith.addi %add3A_137, %add3A_571 : i32
          %mul3A_573 = arith.constant 4 : i32
          %mul3A_574 = arith.muli %add3A_572, %mul3A_573 : i32
          %add3A_575 = arith.addi %mul3A_39, %mul3A_574 : i32
          %dma_start3A_576 = arith.constant 0 : i32
          %dma_start3A_577 = arith.constant 0 : i32
          %dma_start3A_578 = arith.constant 0 : i32
          %dma_start3A_579 = tpu.memref_slice %arg7[%dma_start3A_576, %dma_start3A_577, %dma_start3A_578] : memref<2x4x128xi32, #tpu.memory_space<vmem>> -> memref<1x4x128xi32, #tpu.memory_space<vmem>>
          %dma_start3A_580 = tpu.memref_squeeze %dma_start3A_579 : memref<1x4x128xi32, #tpu.memory_space<vmem>> -> memref<4x128xi32, #tpu.memory_space<vmem>>
          %dma_start3A_581 = arith.constant 0 : i32
          %dma_start3A_582 = tpu.memref_slice %arg3[%add3A_575, %dma_start3A_581] : memref<2560x128xi32, #tpu.memory_space<hbm>> -> memref<4x128xi32, #tpu.memory_space<hbm>>
          %dma_start3A_583 = arith.constant 0 : i32
          %dma_start3A_584 = arith.constant 0 : i32
          %dma_start3A_585 = tpu.memref_slice %arg7[%dma_start3A_576, %dma_start3A_583, %dma_start3A_584] : memref<2x4x128xi32, #tpu.memory_space<vmem>> -> memref<1x4x128xi32, #tpu.memory_space<vmem>>
          %dma_start3A_586 = tpu.memref_squeeze %dma_start3A_585 : memref<1x4x128xi32, #tpu.memory_space<vmem>> -> memref<4x128xi32, #tpu.memory_space<vmem>>
          %dma_start3A_587 = arith.constant 0 : i32
          %dma_start3A_588 = tpu.memref_slice %arg3[%add3A_575, %dma_start3A_587] : memref<2560x128xi32, #tpu.memory_space<hbm>> -> memref<4x128xi32, #tpu.memory_space<hbm>>
          tpu.enqueue_dma source(%dma_start3A_588 : memref<4x128xi32, #tpu.memory_space<hbm>>) target(%dma_start3A_586 : memref<4x128xi32, #tpu.memory_space<vmem>>) target_semaphore(%arg15 : memref<!tpu.dma_semaphore, #tpu.memory_space<semaphore_mem>>)
        } else {
        }
        %mul3A_329 = arith.constant 4 : i32
        %mul3A_330 = arith.muli %add3A_137, %mul3A_329 : i32
        %add3A_331 = arith.constant 3 : i32
        %add3A_332 = arith.addi %mul3A_330, %add3A_331 : i32
        %dma_start3A_333 = arith.constant 1 : i32
        %dma_start3A_334 = arith.constant 0 : i32
        %dma_start3A_335 = arith.constant 0 : i32
        %dma_start3A_336 = tpu.memref_slice %arg9[%dma_start3A_333, %dma_start3A_334, %dma_start3A_335] : memref<2x128x128xf32, #tpu.memory_space<vmem>> -> memref<1x128x128xf32, #tpu.memory_space<vmem>>
        %dma_start3A_337 = tpu.memref_squeeze %dma_start3A_336 : memref<1x128x128xf32, #tpu.memory_space<vmem>> -> memref<128x128xf32, #tpu.memory_space<vmem>>
        %dma_start3A_338 = arith.constant 0 : i32
        %dma_start3A_339 = tpu.memref_slice %arg8[%add3A_332, %dma_start3A_338] : memref<128x128xi32, #tpu.memory_space<vmem>> -> memref<1x128xi32, #tpu.memory_space<vmem>>
        %dma_start3A_340 = tpu.memref_squeeze %dma_start3A_339 : memref<1x128xi32, #tpu.memory_space<vmem>> -> memref<128xi32, #tpu.memory_space<vmem>>
        %dma_start3A_341 = arith.constant 0 : i32
        %dma_start3A_342 = arith.constant 0 : i32
        %dma_start3A_343 = tpu.memref_slice %arg10[%dma_start3A_341, %dma_start3A_342] : memref<10000x128xf32, #tpu.memory_space<vmem_shared>> -> memref<10000x128xf32, #tpu.memory_space<vmem_shared>>
        tpu.enqueue_indirect_dma source(%dma_start3A_337 : memref<128x128xf32, #tpu.memory_space<vmem>>) target(%dma_start3A_343 : memref<10000x128xf32, #tpu.memory_space<vmem_shared>>) offsets(%dma_start3A_340 : memref<128xi32, #tpu.memory_space<vmem>>) semaphore(%arg14 : memref<!tpu.dma_semaphore, #tpu.memory_space<semaphore_mem>>) {add = true}
        %dma_wait3A_344 = arith.constant 1 : i32
        %dma_wait3A_345 = arith.constant 0 : i32
        %dma_wait3A_346 = arith.constant 0 : i32
        %dma_wait3A_347 = tpu.memref_slice %arg9[%dma_wait3A_344, %dma_wait3A_345, %dma_wait3A_346] : memref<2x128x128xf32, #tpu.memory_space<vmem>> -> memref<1x128x128xf32, #tpu.memory_space<vmem>>
        %dma_wait3A_348 = tpu.memref_squeeze %dma_wait3A_347 : memref<1x128x128xf32, #tpu.memory_space<vmem>> -> memref<128x128xf32, #tpu.memory_space<vmem>>
        %dma_wait3A_349 = arith.constant 0 : i32
        %dma_wait3A_350 = tpu.memref_slice %arg8[%add3A_332, %dma_wait3A_349] : memref<128x128xi32, #tpu.memory_space<vmem>> -> memref<1x128xi32, #tpu.memory_space<vmem>>
        %dma_wait3A_351 = tpu.memref_squeeze %dma_wait3A_350 : memref<1x128xi32, #tpu.memory_space<vmem>> -> memref<128xi32, #tpu.memory_space<vmem>>
        %dma_wait3A_352 = arith.constant 0 : i32
        %dma_wait3A_353 = arith.constant 0 : i32
        %dma_wait3A_354 = tpu.memref_slice %arg10[%dma_wait3A_352, %dma_wait3A_353] : memref<10000x128xf32, #tpu.memory_space<vmem_shared>> -> memref<10000x128xf32, #tpu.memory_space<vmem_shared>>
        tpu.wait_indirect_dma semaphore(%arg14 : memref<!tpu.dma_semaphore, #tpu.memory_space<semaphore_mem>>) src(%dma_wait3A_348 : memref<128x128xf32, #tpu.memory_space<vmem>>) dst(%dma_wait3A_354 : memref<10000x128xf32, #tpu.memory_space<vmem_shared>>)
        %dma_start3A_355 = arith.constant 1 : i32
        %dma_start3A_356 = arith.constant 1 : i32
        %dma_start3A_357 = arith.constant 1 : i32
        %dma_start3A_358 = arith.constant 0 : i32
        %dma_start3A_359 = arith.constant 0 : i32
        %dma_start3A_360 = tpu.memref_slice %arg9[%dma_start3A_357, %dma_start3A_358, %dma_start3A_359] : memref<2x128x128xf32, #tpu.memory_space<vmem>> -> memref<1x128x128xf32, #tpu.memory_space<vmem>>
        %dma_start3A_361 = tpu.memref_squeeze %dma_start3A_360 : memref<1x128x128xf32, #tpu.memory_space<vmem>> -> memref<128x128xf32, #tpu.memory_space<vmem>>
        %dma_start3A_362 = arith.constant 0 : i32
        %dma_start3A_363 = tpu.memref_slice %arg7[%dma_start3A_355, %dma_start3A_356, %dma_start3A_362] : memref<2x4x128xi32, #tpu.memory_space<vmem>> -> memref<1x1x128xi32, #tpu.memory_space<vmem>>
        %dma_start3A_364 = tpu.memref_squeeze %dma_start3A_363 : memref<1x1x128xi32, #tpu.memory_space<vmem>> -> memref<128xi32, #tpu.memory_space<vmem>>
        %dma_start3A_365 = arith.constant 0 : i32
        %dma_start3A_366 = arith.constant 0 : i32
        %dma_start3A_367 = tpu.memref_slice %arg2[%dma_start3A_365, %dma_start3A_366] : memref<10008x128xf32, #tpu.memory_space<hbm>> -> memref<10008x128xf32, #tpu.memory_space<hbm>>
        tpu.enqueue_indirect_dma source(%dma_start3A_367 : memref<10008x128xf32, #tpu.memory_space<hbm>>) target(%dma_start3A_361 : memref<128x128xf32, #tpu.memory_space<vmem>>) offsets(%dma_start3A_364 : memref<128xi32, #tpu.memory_space<vmem>>) semaphore(%arg12 : memref<!tpu.dma_semaphore, #tpu.memory_space<semaphore_mem>>)
        %dma_wait3A_368 = arith.constant 1 : i32
        %dma_wait3A_369 = arith.constant 0 : i32
        %dma_wait3A_370 = arith.constant 0 : i32
        %dma_wait3A_371 = arith.constant 0 : i32
        %dma_wait3A_372 = arith.constant 0 : i32
        %dma_wait3A_373 = tpu.memref_slice %arg9[%dma_wait3A_370, %dma_wait3A_371, %dma_wait3A_372] : memref<2x128x128xf32, #tpu.memory_space<vmem>> -> memref<1x128x128xf32, #tpu.memory_space<vmem>>
        %dma_wait3A_374 = tpu.memref_squeeze %dma_wait3A_373 : memref<1x128x128xf32, #tpu.memory_space<vmem>> -> memref<128x128xf32, #tpu.memory_space<vmem>>
        %dma_wait3A_375 = arith.constant 0 : i32
        %dma_wait3A_376 = tpu.memref_slice %arg7[%dma_wait3A_368, %dma_wait3A_369, %dma_wait3A_375] : memref<2x4x128xi32, #tpu.memory_space<vmem>> -> memref<1x1x128xi32, #tpu.memory_space<vmem>>
        %dma_wait3A_377 = tpu.memref_squeeze %dma_wait3A_376 : memref<1x1x128xi32, #tpu.memory_space<vmem>> -> memref<128xi32, #tpu.memory_space<vmem>>
        %dma_wait3A_378 = arith.constant 0 : i32
        %dma_wait3A_379 = arith.constant 0 : i32
        %dma_wait3A_380 = tpu.memref_slice %arg2[%dma_wait3A_378, %dma_wait3A_379] : memref<10008x128xf32, #tpu.memory_space<hbm>> -> memref<10008x128xf32, #tpu.memory_space<hbm>>
        tpu.wait_indirect_dma semaphore(%arg11 : memref<!tpu.dma_semaphore, #tpu.memory_space<semaphore_mem>>) src(%dma_wait3A_380 : memref<10008x128xf32, #tpu.memory_space<hbm>>) dst(%dma_wait3A_374 : memref<128x128xf32, #tpu.memory_space<vmem>>)
        %mul3A_381 = arith.constant 4 : i32
        %mul3A_382 = arith.muli %add3A_137, %mul3A_381 : i32
        %add3A_383 = arith.constant 4 : i32
        %add3A_384 = arith.addi %mul3A_382, %add3A_383 : i32
        %dma_start3A_385 = arith.constant 0 : i32
        %dma_start3A_386 = arith.constant 0 : i32
        %dma_start3A_387 = arith.constant 0 : i32
        %dma_start3A_388 = tpu.memref_slice %arg9[%dma_start3A_385, %dma_start3A_386, %dma_start3A_387] : memref<2x128x128xf32, #tpu.memory_space<vmem>> -> memref<1x128x128xf32, #tpu.memory_space<vmem>>
        %dma_start3A_389 = tpu.memref_squeeze %dma_start3A_388 : memref<1x128x128xf32, #tpu.memory_space<vmem>> -> memref<128x128xf32, #tpu.memory_space<vmem>>
        %dma_start3A_390 = arith.constant 0 : i32
        %dma_start3A_391 = tpu.memref_slice %arg8[%add3A_384, %dma_start3A_390] : memref<128x128xi32, #tpu.memory_space<vmem>> -> memref<1x128xi32, #tpu.memory_space<vmem>>
        %dma_start3A_392 = tpu.memref_squeeze %dma_start3A_391 : memref<1x128xi32, #tpu.memory_space<vmem>> -> memref<128xi32, #tpu.memory_space<vmem>>
        %dma_start3A_393 = arith.constant 0 : i32
        %dma_start3A_394 = arith.constant 0 : i32
        %dma_start3A_395 = tpu.memref_slice %arg10[%dma_start3A_393, %dma_start3A_394] : memref<10000x128xf32, #tpu.memory_space<vmem_shared>> -> memref<10000x128xf32, #tpu.memory_space<vmem_shared>>
        tpu.enqueue_indirect_dma source(%dma_start3A_389 : memref<128x128xf32, #tpu.memory_space<vmem>>) target(%dma_start3A_395 : memref<10000x128xf32, #tpu.memory_space<vmem_shared>>) offsets(%dma_start3A_392 : memref<128xi32, #tpu.memory_space<vmem>>) semaphore(%arg13 : memref<!tpu.dma_semaphore, #tpu.memory_space<semaphore_mem>>) {add = true}
        %dma_wait3A_396 = arith.constant 0 : i32
        %dma_wait3A_397 = arith.constant 0 : i32
        %dma_wait3A_398 = arith.constant 0 : i32
        %dma_wait3A_399 = tpu.memref_slice %arg9[%dma_wait3A_396, %dma_wait3A_397, %dma_wait3A_398] : memref<2x128x128xf32, #tpu.memory_space<vmem>> -> memref<1x128x128xf32, #tpu.memory_space<vmem>>
        %dma_wait3A_400 = tpu.memref_squeeze %dma_wait3A_399 : memref<1x128x128xf32, #tpu.memory_space<vmem>> -> memref<128x128xf32, #tpu.memory_space<vmem>>
        %dma_wait3A_401 = arith.constant 0 : i32
        %dma_wait3A_402 = tpu.memref_slice %arg8[%add3A_384, %dma_wait3A_401] : memref<128x128xi32, #tpu.memory_space<vmem>> -> memref<1x128xi32, #tpu.memory_space<vmem>>
        %dma_wait3A_403 = tpu.memref_squeeze %dma_wait3A_402 : memref<1x128xi32, #tpu.memory_space<vmem>> -> memref<128xi32, #tpu.memory_space<vmem>>
        %dma_wait3A_404 = arith.constant 0 : i32
        %dma_wait3A_405 = arith.constant 0 : i32
        %dma_wait3A_406 = tpu.memref_slice %arg10[%dma_wait3A_404, %dma_wait3A_405] : memref<10000x128xf32, #tpu.memory_space<vmem_shared>> -> memref<10000x128xf32, #tpu.memory_space<vmem_shared>>
        tpu.wait_indirect_dma semaphore(%arg13 : memref<!tpu.dma_semaphore, #tpu.memory_space<semaphore_mem>>) src(%dma_wait3A_400 : memref<128x128xf32, #tpu.memory_space<vmem>>) dst(%dma_wait3A_406 : memref<10000x128xf32, #tpu.memory_space<vmem_shared>>)
        %dma_start3A_407 = arith.constant 1 : i32
        %dma_start3A_408 = arith.constant 2 : i32
        %dma_start3A_409 = arith.constant 0 : i32
        %dma_start3A_410 = arith.constant 0 : i32
        %dma_start3A_411 = arith.constant 0 : i32
        %dma_start3A_412 = tpu.memref_slice %arg9[%dma_start3A_409, %dma_start3A_410, %dma_start3A_411] : memref<2x128x128xf32, #tpu.memory_space<vmem>> -> memref<1x128x128xf32, #tpu.memory_space<vmem>>
        %dma_start3A_413 = tpu.memref_squeeze %dma_start3A_412 : memref<1x128x128xf32, #tpu.memory_space<vmem>> -> memref<128x128xf32, #tpu.memory_space<vmem>>
        %dma_start3A_414 = arith.constant 0 : i32
        %dma_start3A_415 = tpu.memref_slice %arg7[%dma_start3A_407, %dma_start3A_408, %dma_start3A_414] : memref<2x4x128xi32, #tpu.memory_space<vmem>> -> memref<1x1x128xi32, #tpu.memory_space<vmem>>
        %dma_start3A_416 = tpu.memref_squeeze %dma_start3A_415 : memref<1x1x128xi32, #tpu.memory_space<vmem>> -> memref<128xi32, #tpu.memory_space<vmem>>
        %dma_start3A_417 = arith.constant 0 : i32
        %dma_start3A_418 = arith.constant 0 : i32
        %dma_start3A_419 = tpu.memref_slice %arg2[%dma_start3A_417, %dma_start3A_418] : memref<10008x128xf32, #tpu.memory_space<hbm>> -> memref<10008x128xf32, #tpu.memory_space<hbm>>
        tpu.enqueue_indirect_dma source(%dma_start3A_419 : memref<10008x128xf32, #tpu.memory_space<hbm>>) target(%dma_start3A_413 : memref<128x128xf32, #tpu.memory_space<vmem>>) offsets(%dma_start3A_416 : memref<128xi32, #tpu.memory_space<vmem>>) semaphore(%arg11 : memref<!tpu.dma_semaphore, #tpu.memory_space<semaphore_mem>>)
        %dma_wait3A_420 = arith.constant 1 : i32
        %dma_wait3A_421 = arith.constant 1 : i32
        %dma_wait3A_422 = arith.constant 1 : i32
        %dma_wait3A_423 = arith.constant 0 : i32
        %dma_wait3A_424 = arith.constant 0 : i32
        %dma_wait3A_425 = tpu.memref_slice %arg9[%dma_wait3A_422, %dma_wait3A_423, %dma_wait3A_424] : memref<2x128x128xf32, #tpu.memory_space<vmem>> -> memref<1x128x128xf32, #tpu.memory_space<vmem>>
        %dma_wait3A_426 = tpu.memref_squeeze %dma_wait3A_425 : memref<1x128x128xf32, #tpu.memory_space<vmem>> -> memref<128x128xf32, #tpu.memory_space<vmem>>
        %dma_wait3A_427 = arith.constant 0 : i32
        %dma_wait3A_428 = tpu.memref_slice %arg7[%dma_wait3A_420, %dma_wait3A_421, %dma_wait3A_427] : memref<2x4x128xi32, #tpu.memory_space<vmem>> -> memref<1x1x128xi32, #tpu.memory_space<vmem>>
        %dma_wait3A_429 = tpu.memref_squeeze %dma_wait3A_428 : memref<1x1x128xi32, #tpu.memory_space<vmem>> -> memref<128xi32, #tpu.memory_space<vmem>>
        %dma_wait3A_430 = arith.constant 0 : i32
        %dma_wait3A_431 = arith.constant 0 : i32
        %dma_wait3A_432 = tpu.memref_slice %arg2[%dma_wait3A_430, %dma_wait3A_431] : memref<10008x128xf32, #tpu.memory_space<hbm>> -> memref<10008x128xf32, #tpu.memory_space<hbm>>
        tpu.wait_indirect_dma semaphore(%arg12 : memref<!tpu.dma_semaphore, #tpu.memory_space<semaphore_mem>>) src(%dma_wait3A_432 : memref<10008x128xf32, #tpu.memory_space<hbm>>) dst(%dma_wait3A_426 : memref<128x128xf32, #tpu.memory_space<vmem>>)
        %mul3A_433 = arith.constant 4 : i32
        %mul3A_434 = arith.muli %add3A_137, %mul3A_433 : i32
        %add3A_435 = arith.constant 5 : i32
        %add3A_436 = arith.addi %mul3A_434, %add3A_435 : i32
        %dma_start3A_437 = arith.constant 1 : i32
        %dma_start3A_438 = arith.constant 0 : i32
        %dma_start3A_439 = arith.constant 0 : i32
        %dma_start3A_440 = tpu.memref_slice %arg9[%dma_start3A_437, %dma_start3A_438, %dma_start3A_439] : memref<2x128x128xf32, #tpu.memory_space<vmem>> -> memref<1x128x128xf32, #tpu.memory_space<vmem>>
        %dma_start3A_441 = tpu.memref_squeeze %dma_start3A_440 : memref<1x128x128xf32, #tpu.memory_space<vmem>> -> memref<128x128xf32, #tpu.memory_space<vmem>>
        %dma_start3A_442 = arith.constant 0 : i32
        %dma_start3A_443 = tpu.memref_slice %arg8[%add3A_436, %dma_start3A_442] : memref<128x128xi32, #tpu.memory_space<vmem>> -> memref<1x128xi32, #tpu.memory_space<vmem>>
        %dma_start3A_444 = tpu.memref_squeeze %dma_start3A_443 : memref<1x128xi32, #tpu.memory_space<vmem>> -> memref<128xi32, #tpu.memory_space<vmem>>
        %dma_start3A_445 = arith.constant 0 : i32
        %dma_start3A_446 = arith.constant 0 : i32
        %dma_start3A_447 = tpu.memref_slice %arg10[%dma_start3A_445, %dma_start3A_446] : memref<10000x128xf32, #tpu.memory_space<vmem_shared>> -> memref<10000x128xf32, #tpu.memory_space<vmem_shared>>
        tpu.enqueue_indirect_dma source(%dma_start3A_441 : memref<128x128xf32, #tpu.memory_space<vmem>>) target(%dma_start3A_447 : memref<10000x128xf32, #tpu.memory_space<vmem_shared>>) offsets(%dma_start3A_444 : memref<128xi32, #tpu.memory_space<vmem>>) semaphore(%arg14 : memref<!tpu.dma_semaphore, #tpu.memory_space<semaphore_mem>>) {add = true}
        %dma_wait3A_448 = arith.constant 1 : i32
        %dma_wait3A_449 = arith.constant 0 : i32
        %dma_wait3A_450 = arith.constant 0 : i32
        %dma_wait3A_451 = tpu.memref_slice %arg9[%dma_wait3A_448, %dma_wait3A_449, %dma_wait3A_450] : memref<2x128x128xf32, #tpu.memory_space<vmem>> -> memref<1x128x128xf32, #tpu.memory_space<vmem>>
        %dma_wait3A_452 = tpu.memref_squeeze %dma_wait3A_451 : memref<1x128x128xf32, #tpu.memory_space<vmem>> -> memref<128x128xf32, #tpu.memory_space<vmem>>
        %dma_wait3A_453 = arith.constant 0 : i32
        %dma_wait3A_454 = tpu.memref_slice %arg8[%add3A_436, %dma_wait3A_453] : memref<128x128xi32, #tpu.memory_space<vmem>> -> memref<1x128xi32, #tpu.memory_space<vmem>>
        %dma_wait3A_455 = tpu.memref_squeeze %dma_wait3A_454 : memref<1x128xi32, #tpu.memory_space<vmem>> -> memref<128xi32, #tpu.memory_space<vmem>>
        %dma_wait3A_456 = arith.constant 0 : i32
        %dma_wait3A_457 = arith.constant 0 : i32
        %dma_wait3A_458 = tpu.memref_slice %arg10[%dma_wait3A_456, %dma_wait3A_457] : memref<10000x128xf32, #tpu.memory_space<vmem_shared>> -> memref<10000x128xf32, #tpu.memory_space<vmem_shared>>
        tpu.wait_indirect_dma semaphore(%arg14 : memref<!tpu.dma_semaphore, #tpu.memory_space<semaphore_mem>>) src(%dma_wait3A_452 : memref<128x128xf32, #tpu.memory_space<vmem>>) dst(%dma_wait3A_458 : memref<10000x128xf32, #tpu.memory_space<vmem_shared>>)
        %dma_start3A_459 = arith.constant 1 : i32
        %dma_start3A_460 = arith.constant 3 : i32
        %dma_start3A_461 = arith.constant 1 : i32
        %dma_start3A_462 = arith.constant 0 : i32
        %dma_start3A_463 = arith.constant 0 : i32
        %dma_start3A_464 = tpu.memref_slice %arg9[%dma_start3A_461, %dma_start3A_462, %dma_start3A_463] : memref<2x128x128xf32, #tpu.memory_space<vmem>> -> memref<1x128x128xf32, #tpu.memory_space<vmem>>
        %dma_start3A_465 = tpu.memref_squeeze %dma_start3A_464 : memref<1x128x128xf32, #tpu.memory_space<vmem>> -> memref<128x128xf32, #tpu.memory_space<vmem>>
        %dma_start3A_466 = arith.constant 0 : i32
        %dma_start3A_467 = tpu.memref_slice %arg7[%dma_start3A_459, %dma_start3A_460, %dma_start3A_466] : memref<2x4x128xi32, #tpu.memory_space<vmem>> -> memref<1x1x128xi32, #tpu.memory_space<vmem>>
        %dma_start3A_468 = tpu.memref_squeeze %dma_start3A_467 : memref<1x1x128xi32, #tpu.memory_space<vmem>> -> memref<128xi32, #tpu.memory_space<vmem>>
        %dma_start3A_469 = arith.constant 0 : i32
        %dma_start3A_470 = arith.constant 0 : i32
        %dma_start3A_471 = tpu.memref_slice %arg2[%dma_start3A_469, %dma_start3A_470] : memref<10008x128xf32, #tpu.memory_space<hbm>> -> memref<10008x128xf32, #tpu.memory_space<hbm>>
        tpu.enqueue_indirect_dma source(%dma_start3A_471 : memref<10008x128xf32, #tpu.memory_space<hbm>>) target(%dma_start3A_465 : memref<128x128xf32, #tpu.memory_space<vmem>>) offsets(%dma_start3A_468 : memref<128xi32, #tpu.memory_space<vmem>>) semaphore(%arg12 : memref<!tpu.dma_semaphore, #tpu.memory_space<semaphore_mem>>)
        %dma_wait3A_472 = arith.constant 1 : i32
        %dma_wait3A_473 = arith.constant 2 : i32
        %dma_wait3A_474 = arith.constant 0 : i32
        %dma_wait3A_475 = arith.constant 0 : i32
        %dma_wait3A_476 = arith.constant 0 : i32
        %dma_wait3A_477 = tpu.memref_slice %arg9[%dma_wait3A_474, %dma_wait3A_475, %dma_wait3A_476] : memref<2x128x128xf32, #tpu.memory_space<vmem>> -> memref<1x128x128xf32, #tpu.memory_space<vmem>>
        %dma_wait3A_478 = tpu.memref_squeeze %dma_wait3A_477 : memref<1x128x128xf32, #tpu.memory_space<vmem>> -> memref<128x128xf32, #tpu.memory_space<vmem>>
        %dma_wait3A_479 = arith.constant 0 : i32
        %dma_wait3A_480 = tpu.memref_slice %arg7[%dma_wait3A_472, %dma_wait3A_473, %dma_wait3A_479] : memref<2x4x128xi32, #tpu.memory_space<vmem>> -> memref<1x1x128xi32, #tpu.memory_space<vmem>>
        %dma_wait3A_481 = tpu.memref_squeeze %dma_wait3A_480 : memref<1x1x128xi32, #tpu.memory_space<vmem>> -> memref<128xi32, #tpu.memory_space<vmem>>
        %dma_wait3A_482 = arith.constant 0 : i32
        %dma_wait3A_483 = arith.constant 0 : i32
        %dma_wait3A_484 = tpu.memref_slice %arg2[%dma_wait3A_482, %dma_wait3A_483] : memref<10008x128xf32, #tpu.memory_space<hbm>> -> memref<10008x128xf32, #tpu.memory_space<hbm>>
        tpu.wait_indirect_dma semaphore(%arg11 : memref<!tpu.dma_semaphore, #tpu.memory_space<semaphore_mem>>) src(%dma_wait3A_484 : memref<10008x128xf32, #tpu.memory_space<hbm>>) dst(%dma_wait3A_478 : memref<128x128xf32, #tpu.memory_space<vmem>>)
        %mul3A_485 = arith.constant 4 : i32
        %mul3A_486 = arith.muli %add3A_137, %mul3A_485 : i32
        %add3A_487 = arith.constant 6 : i32
        %add3A_488 = arith.addi %mul3A_486, %add3A_487 : i32
        %dma_start3A_489 = arith.constant 0 : i32
        %dma_start3A_490 = arith.constant 0 : i32
        %dma_start3A_491 = arith.constant 0 : i32
        %dma_start3A_492 = tpu.memref_slice %arg9[%dma_start3A_489, %dma_start3A_490, %dma_start3A_491] : memref<2x128x128xf32, #tpu.memory_space<vmem>> -> memref<1x128x128xf32, #tpu.memory_space<vmem>>
        %dma_start3A_493 = tpu.memref_squeeze %dma_start3A_492 : memref<1x128x128xf32, #tpu.memory_space<vmem>> -> memref<128x128xf32, #tpu.memory_space<vmem>>
        %dma_start3A_494 = arith.constant 0 : i32
        %dma_start3A_495 = tpu.memref_slice %arg8[%add3A_488, %dma_start3A_494] : memref<128x128xi32, #tpu.memory_space<vmem>> -> memref<1x128xi32, #tpu.memory_space<vmem>>
        %dma_start3A_496 = tpu.memref_squeeze %dma_start3A_495 : memref<1x128xi32, #tpu.memory_space<vmem>> -> memref<128xi32, #tpu.memory_space<vmem>>
        %dma_start3A_497 = arith.constant 0 : i32
        %dma_start3A_498 = arith.constant 0 : i32
        %dma_start3A_499 = tpu.memref_slice %arg10[%dma_start3A_497, %dma_start3A_498] : memref<10000x128xf32, #tpu.memory_space<vmem_shared>> -> memref<10000x128xf32, #tpu.memory_space<vmem_shared>>
        tpu.enqueue_indirect_dma source(%dma_start3A_493 : memref<128x128xf32, #tpu.memory_space<vmem>>) target(%dma_start3A_499 : memref<10000x128xf32, #tpu.memory_space<vmem_shared>>) offsets(%dma_start3A_496 : memref<128xi32, #tpu.memory_space<vmem>>) semaphore(%arg13 : memref<!tpu.dma_semaphore, #tpu.memory_space<semaphore_mem>>) {add = true}
        %dma_wait3A_500 = arith.constant 0 : i32
        %dma_wait3A_501 = arith.constant 0 : i32
        %dma_wait3A_502 = arith.constant 0 : i32
        %dma_wait3A_503 = tpu.memref_slice %arg9[%dma_wait3A_500, %dma_wait3A_501, %dma_wait3A_502] : memref<2x128x128xf32, #tpu.memory_space<vmem>> -> memref<1x128x128xf32, #tpu.memory_space<vmem>>
        %dma_wait3A_504 = tpu.memref_squeeze %dma_wait3A_503 : memref<1x128x128xf32, #tpu.memory_space<vmem>> -> memref<128x128xf32, #tpu.memory_space<vmem>>
        %dma_wait3A_505 = arith.constant 0 : i32
        %dma_wait3A_506 = tpu.memref_slice %arg8[%add3A_488, %dma_wait3A_505] : memref<128x128xi32, #tpu.memory_space<vmem>> -> memref<1x128xi32, #tpu.memory_space<vmem>>
        %dma_wait3A_507 = tpu.memref_squeeze %dma_wait3A_506 : memref<1x128xi32, #tpu.memory_space<vmem>> -> memref<128xi32, #tpu.memory_space<vmem>>
        %dma_wait3A_508 = arith.constant 0 : i32
        %dma_wait3A_509 = arith.constant 0 : i32
        %dma_wait3A_510 = tpu.memref_slice %arg10[%dma_wait3A_508, %dma_wait3A_509] : memref<10000x128xf32, #tpu.memory_space<vmem_shared>> -> memref<10000x128xf32, #tpu.memory_space<vmem_shared>>
        tpu.wait_indirect_dma semaphore(%arg13 : memref<!tpu.dma_semaphore, #tpu.memory_space<semaphore_mem>>) src(%dma_wait3A_504 : memref<128x128xf32, #tpu.memory_space<vmem>>) dst(%dma_wait3A_510 : memref<10000x128xf32, #tpu.memory_space<vmem_shared>>)
        %add3A_511 = arith.constant 2 : i32
        %add3A_512 = arith.addi %add3A_137, %add3A_511 : i32
        %lt3A_513 = arith.constant 32 : i32
        %lt3A_514 = arith.cmpi slt, %add3A_512, %lt3A_513 : i32
        %convert_element_type3A_515 = arith.extui %lt3A_514 : i1 to i32
        %cond3A_516 = arith.constant 0 : i32
        %cond3A_517 = arith.cmpi ne, %convert_element_type3A_515, %cond3A_516 : i32
        scf.if %cond3A_517 {
          %dma_wait3A_571 = arith.constant 0 : i32
          %dma_wait3A_572 = arith.constant 0 : i32
          %dma_wait3A_573 = arith.constant 0 : i32
          %dma_wait3A_574 = tpu.memref_slice %arg7[%dma_wait3A_571, %dma_wait3A_572, %dma_wait3A_573] : memref<2x4x128xi32, #tpu.memory_space<vmem>> -> memref<1x4x128xi32, #tpu.memory_space<vmem>>
          %dma_wait3A_575 = tpu.memref_squeeze %dma_wait3A_574 : memref<1x4x128xi32, #tpu.memory_space<vmem>> -> memref<4x128xi32, #tpu.memory_space<vmem>>
          %dma_wait3A_576 = arith.constant 0 : i32
          %dma_wait3A_577 = arith.constant 0 : i32
          %dma_wait3A_578 = tpu.memref_slice %arg3[%dma_wait3A_576, %dma_wait3A_577] : memref<2560x128xi32, #tpu.memory_space<hbm>> -> memref<4x128xi32, #tpu.memory_space<hbm>>
          %dma_wait3A_579 = arith.constant 0 : i32
          %dma_wait3A_580 = arith.constant 0 : i32
          %dma_wait3A_581 = tpu.memref_slice %arg7[%dma_wait3A_571, %dma_wait3A_579, %dma_wait3A_580] : memref<2x4x128xi32, #tpu.memory_space<vmem>> -> memref<1x4x128xi32, #tpu.memory_space<vmem>>
          %dma_wait3A_582 = tpu.memref_squeeze %dma_wait3A_581 : memref<1x4x128xi32, #tpu.memory_space<vmem>> -> memref<4x128xi32, #tpu.memory_space<vmem>>
          %dma_wait3A_583 = arith.constant 0 : i32
          %dma_wait3A_584 = arith.constant 0 : i32
          %dma_wait3A_585 = tpu.memref_slice %arg3[%dma_wait3A_583, %dma_wait3A_584] : memref<2560x128xi32, #tpu.memory_space<hbm>> -> memref<4x128xi32, #tpu.memory_space<hbm>>
          tpu.wait_dma2 semaphore(%arg15 : memref<!tpu.dma_semaphore, #tpu.memory_space<semaphore_mem>>) src(%dma_wait3A_585 : memref<4x128xi32, #tpu.memory_space<hbm>>) dst(%dma_wait3A_582 : memref<4x128xi32, #tpu.memory_space<vmem>>)
          %dma_start3A_586 = arith.constant 0 : i32
          %dma_start3A_587 = arith.constant 0 : i32
          %dma_start3A_588 = arith.constant 0 : i32
          %dma_start3A_589 = arith.constant 0 : i32
          %dma_start3A_590 = arith.constant 0 : i32
          %dma_start3A_591 = tpu.memref_slice %arg9[%dma_start3A_588, %dma_start3A_589, %dma_start3A_590] : memref<2x128x128xf32, #tpu.memory_space<vmem>> -> memref<1x128x128xf32, #tpu.memory_space<vmem>>
          %dma_start3A_592 = tpu.memref_squeeze %dma_start3A_591 : memref<1x128x128xf32, #tpu.memory_space<vmem>> -> memref<128x128xf32, #tpu.memory_space<vmem>>
          %dma_start3A_593 = arith.constant 0 : i32
          %dma_start3A_594 = tpu.memref_slice %arg7[%dma_start3A_586, %dma_start3A_587, %dma_start3A_593] : memref<2x4x128xi32, #tpu.memory_space<vmem>> -> memref<1x1x128xi32, #tpu.memory_space<vmem>>
          %dma_start3A_595 = tpu.memref_squeeze %dma_start3A_594 : memref<1x1x128xi32, #tpu.memory_space<vmem>> -> memref<128xi32, #tpu.memory_space<vmem>>
          %dma_start3A_596 = arith.constant 0 : i32
          %dma_start3A_597 = arith.constant 0 : i32
          %dma_start3A_598 = tpu.memref_slice %arg2[%dma_start3A_596, %dma_start3A_597] : memref<10008x128xf32, #tpu.memory_space<hbm>> -> memref<10008x128xf32, #tpu.memory_space<hbm>>
          tpu.enqueue_indirect_dma source(%dma_start3A_598 : memref<10008x128xf32, #tpu.memory_space<hbm>>) target(%dma_start3A_592 : memref<128x128xf32, #tpu.memory_space<vmem>>) offsets(%dma_start3A_595 : memref<128xi32, #tpu.memory_space<vmem>>) semaphore(%arg11 : memref<!tpu.dma_semaphore, #tpu.memory_space<semaphore_mem>>)
        } else {
        }
        %dma_wait3A_518 = arith.constant 1 : i32
        %dma_wait3A_519 = arith.constant 3 : i32
        %dma_wait3A_520 = arith.constant 1 : i32
        %dma_wait3A_521 = arith.constant 0 : i32
        %dma_wait3A_522 = arith.constant 0 : i32
        %dma_wait3A_523 = tpu.memref_slice %arg9[%dma_wait3A_520, %dma_wait3A_521, %dma_wait3A_522] : memref<2x128x128xf32, #tpu.memory_space<vmem>> -> memref<1x128x128xf32, #tpu.memory_space<vmem>>
        %dma_wait3A_524 = tpu.memref_squeeze %dma_wait3A_523 : memref<1x128x128xf32, #tpu.memory_space<vmem>> -> memref<128x128xf32, #tpu.memory_space<vmem>>
        %dma_wait3A_525 = arith.constant 0 : i32
        %dma_wait3A_526 = tpu.memref_slice %arg7[%dma_wait3A_518, %dma_wait3A_519, %dma_wait3A_525] : memref<2x4x128xi32, #tpu.memory_space<vmem>> -> memref<1x1x128xi32, #tpu.memory_space<vmem>>
        %dma_wait3A_527 = tpu.memref_squeeze %dma_wait3A_526 : memref<1x1x128xi32, #tpu.memory_space<vmem>> -> memref<128xi32, #tpu.memory_space<vmem>>
        %dma_wait3A_528 = arith.constant 0 : i32
        %dma_wait3A_529 = arith.constant 0 : i32
        %dma_wait3A_530 = tpu.memref_slice %arg2[%dma_wait3A_528, %dma_wait3A_529] : memref<10008x128xf32, #tpu.memory_space<hbm>> -> memref<10008x128xf32, #tpu.memory_space<hbm>>
        tpu.wait_indirect_dma semaphore(%arg12 : memref<!tpu.dma_semaphore, #tpu.memory_space<semaphore_mem>>) src(%dma_wait3A_530 : memref<10008x128xf32, #tpu.memory_space<hbm>>) dst(%dma_wait3A_524 : memref<128x128xf32, #tpu.memory_space<vmem>>)
        %add3A_531 = arith.constant 3 : i32
        %add3A_532 = arith.addi %add3A_137, %add3A_531 : i32
        %lt3A_533 = arith.constant 32 : i32
        %lt3A_534 = arith.cmpi slt, %add3A_532, %lt3A_533 : i32
        %convert_element_type3A_535 = arith.extui %lt3A_534 : i1 to i32
        %cond3A_536 = arith.constant 0 : i32
        %cond3A_537 = arith.cmpi ne, %convert_element_type3A_535, %cond3A_536 : i32
        scf.if %cond3A_537 {
          %add3A_571 = arith.constant 3 : i32
          %add3A_572 = arith.addi %add3A_137, %add3A_571 : i32
          %mul3A_573 = arith.constant 4 : i32
          %mul3A_574 = arith.muli %add3A_572, %mul3A_573 : i32
          %add3A_575 = arith.addi %mul3A_39, %mul3A_574 : i32
          %dma_start3A_576 = arith.constant 1 : i32
          %dma_start3A_577 = arith.constant 0 : i32
          %dma_start3A_578 = arith.constant 0 : i32
          %dma_start3A_579 = tpu.memref_slice %arg7[%dma_start3A_576, %dma_start3A_577, %dma_start3A_578] : memref<2x4x128xi32, #tpu.memory_space<vmem>> -> memref<1x4x128xi32, #tpu.memory_space<vmem>>
          %dma_start3A_580 = tpu.memref_squeeze %dma_start3A_579 : memref<1x4x128xi32, #tpu.memory_space<vmem>> -> memref<4x128xi32, #tpu.memory_space<vmem>>
          %dma_start3A_581 = arith.constant 0 : i32
          %dma_start3A_582 = tpu.memref_slice %arg3[%add3A_575, %dma_start3A_581] : memref<2560x128xi32, #tpu.memory_space<hbm>> -> memref<4x128xi32, #tpu.memory_space<hbm>>
          %dma_start3A_583 = arith.constant 0 : i32
          %dma_start3A_584 = arith.constant 0 : i32
          %dma_start3A_585 = tpu.memref_slice %arg7[%dma_start3A_576, %dma_start3A_583, %dma_start3A_584] : memref<2x4x128xi32, #tpu.memory_space<vmem>> -> memref<1x4x128xi32, #tpu.memory_space<vmem>>
          %dma_start3A_586 = tpu.memref_squeeze %dma_start3A_585 : memref<1x4x128xi32, #tpu.memory_space<vmem>> -> memref<4x128xi32, #tpu.memory_space<vmem>>
          %dma_start3A_587 = arith.constant 0 : i32
          %dma_start3A_588 = tpu.memref_slice %arg3[%add3A_575, %dma_start3A_587] : memref<2560x128xi32, #tpu.memory_space<hbm>> -> memref<4x128xi32, #tpu.memory_space<hbm>>
          tpu.enqueue_dma source(%dma_start3A_588 : memref<4x128xi32, #tpu.memory_space<hbm>>) target(%dma_start3A_586 : memref<4x128xi32, #tpu.memory_space<vmem>>) target_semaphore(%arg16 : memref<!tpu.dma_semaphore, #tpu.memory_space<semaphore_mem>>)
        } else {
        }
        %mul3A_538 = arith.constant 4 : i32
        %mul3A_539 = arith.muli %add3A_137, %mul3A_538 : i32
        %add3A_540 = arith.constant 7 : i32
        %add3A_541 = arith.addi %mul3A_539, %add3A_540 : i32
        %dma_start3A_542 = arith.constant 1 : i32
        %dma_start3A_543 = arith.constant 0 : i32
        %dma_start3A_544 = arith.constant 0 : i32
        %dma_start3A_545 = tpu.memref_slice %arg9[%dma_start3A_542, %dma_start3A_543, %dma_start3A_544] : memref<2x128x128xf32, #tpu.memory_space<vmem>> -> memref<1x128x128xf32, #tpu.memory_space<vmem>>
        %dma_start3A_546 = tpu.memref_squeeze %dma_start3A_545 : memref<1x128x128xf32, #tpu.memory_space<vmem>> -> memref<128x128xf32, #tpu.memory_space<vmem>>
        %dma_start3A_547 = arith.constant 0 : i32
        %dma_start3A_548 = tpu.memref_slice %arg8[%add3A_541, %dma_start3A_547] : memref<128x128xi32, #tpu.memory_space<vmem>> -> memref<1x128xi32, #tpu.memory_space<vmem>>
        %dma_start3A_549 = tpu.memref_squeeze %dma_start3A_548 : memref<1x128xi32, #tpu.memory_space<vmem>> -> memref<128xi32, #tpu.memory_space<vmem>>
        %dma_start3A_550 = arith.constant 0 : i32
        %dma_start3A_551 = arith.constant 0 : i32
        %dma_start3A_552 = tpu.memref_slice %arg10[%dma_start3A_550, %dma_start3A_551] : memref<10000x128xf32, #tpu.memory_space<vmem_shared>> -> memref<10000x128xf32, #tpu.memory_space<vmem_shared>>
        tpu.enqueue_indirect_dma source(%dma_start3A_546 : memref<128x128xf32, #tpu.memory_space<vmem>>) target(%dma_start3A_552 : memref<10000x128xf32, #tpu.memory_space<vmem_shared>>) offsets(%dma_start3A_549 : memref<128xi32, #tpu.memory_space<vmem>>) semaphore(%arg14 : memref<!tpu.dma_semaphore, #tpu.memory_space<semaphore_mem>>) {add = true}
        %dma_wait3A_553 = arith.constant 1 : i32
        %dma_wait3A_554 = arith.constant 0 : i32
        %dma_wait3A_555 = arith.constant 0 : i32
        %dma_wait3A_556 = tpu.memref_slice %arg9[%dma_wait3A_553, %dma_wait3A_554, %dma_wait3A_555] : memref<2x128x128xf32, #tpu.memory_space<vmem>> -> memref<1x128x128xf32, #tpu.memory_space<vmem>>
        %dma_wait3A_557 = tpu.memref_squeeze %dma_wait3A_556 : memref<1x128x128xf32, #tpu.memory_space<vmem>> -> memref<128x128xf32, #tpu.memory_space<vmem>>
        %dma_wait3A_558 = arith.constant 0 : i32
        %dma_wait3A_559 = tpu.memref_slice %arg8[%add3A_541, %dma_wait3A_558] : memref<128x128xi32, #tpu.memory_space<vmem>> -> memref<1x128xi32, #tpu.memory_space<vmem>>
        %dma_wait3A_560 = tpu.memref_squeeze %dma_wait3A_559 : memref<1x128xi32, #tpu.memory_space<vmem>> -> memref<128xi32, #tpu.memory_space<vmem>>
        %dma_wait3A_561 = arith.constant 0 : i32
        %dma_wait3A_562 = arith.constant 0 : i32
        %dma_wait3A_563 = tpu.memref_slice %arg10[%dma_wait3A_561, %dma_wait3A_562] : memref<10000x128xf32, #tpu.memory_space<vmem_shared>> -> memref<10000x128xf32, #tpu.memory_space<vmem_shared>>
        tpu.wait_indirect_dma semaphore(%arg14 : memref<!tpu.dma_semaphore, #tpu.memory_space<semaphore_mem>>) src(%dma_wait3A_557 : memref<128x128xf32, #tpu.memory_space<vmem>>) dst(%dma_wait3A_563 : memref<10000x128xf32, #tpu.memory_space<vmem_shared>>)
        %add3A_564 = arith.constant 2 : i32
        %add3A_565 = arith.addi %add3A_137, %add3A_564 : i32
        %lt3A_566 = arith.constant 32 : i32
        %lt3A_567 = arith.cmpi slt, %add3A_565, %lt3A_566 : i32
        %convert_element_type3A_568 = arith.extui %lt3A_567 : i1 to i32
        %cond3A_569 = arith.constant 0 : i32
        %cond3A_570 = arith.cmpi ne, %convert_element_type3A_568, %cond3A_569 : i32
        scf.if %cond3A_570 {
          %dma_start3A_571 = arith.constant 0 : i32
          %dma_start3A_572 = arith.constant 1 : i32
          %dma_start3A_573 = arith.constant 1 : i32
          %dma_start3A_574 = arith.constant 0 : i32
          %dma_start3A_575 = arith.constant 0 : i32
          %dma_start3A_576 = tpu.memref_slice %arg9[%dma_start3A_573, %dma_start3A_574, %dma_start3A_575] : memref<2x128x128xf32, #tpu.memory_space<vmem>> -> memref<1x128x128xf32, #tpu.memory_space<vmem>>
          %dma_start3A_577 = tpu.memref_squeeze %dma_start3A_576 : memref<1x128x128xf32, #tpu.memory_space<vmem>> -> memref<128x128xf32, #tpu.memory_space<vmem>>
          %dma_start3A_578 = arith.constant 0 : i32
          %dma_start3A_579 = tpu.memref_slice %arg7[%dma_start3A_571, %dma_start3A_572, %dma_start3A_578] : memref<2x4x128xi32, #tpu.memory_space<vmem>> -> memref<1x1x128xi32, #tpu.memory_space<vmem>>
          %dma_start3A_580 = tpu.memref_squeeze %dma_start3A_579 : memref<1x1x128xi32, #tpu.memory_space<vmem>> -> memref<128xi32, #tpu.memory_space<vmem>>
          %dma_start3A_581 = arith.constant 0 : i32
          %dma_start3A_582 = arith.constant 0 : i32
          %dma_start3A_583 = tpu.memref_slice %arg2[%dma_start3A_581, %dma_start3A_582] : memref<10008x128xf32, #tpu.memory_space<hbm>> -> memref<10008x128xf32, #tpu.memory_space<hbm>>
          tpu.enqueue_indirect_dma source(%dma_start3A_583 : memref<10008x128xf32, #tpu.memory_space<hbm>>) target(%dma_start3A_577 : memref<128x128xf32, #tpu.memory_space<vmem>>) offsets(%dma_start3A_580 : memref<128xi32, #tpu.memory_space<vmem>>) semaphore(%arg12 : memref<!tpu.dma_semaphore, #tpu.memory_space<semaphore_mem>>)
        } else {
        }
      }
      %scan3A_132 = arith.constant 16 : i32
    } else {
    }
    %eq3A_22 = arith.constant 1 : i32
    %eq3A_23 = arith.cmpi eq, %arg0, %eq3A_22 : i32
    %convert_element_type3A_24 = arith.extui %eq3A_23 : i1 to i32
    %cond3A_25 = arith.constant 0 : i32
    %cond3A_26 = arith.cmpi ne, %convert_element_type3A_24, %cond3A_25 : i32
    scf.if %cond3A_26 {
      %mul3A_38 = arith.constant 32 : i32
      %mul3A_39 = arith.muli %arg1, %mul3A_38 : i32
      %add3A = arith.constant 2048 : i32
      %add3A_40 = arith.addi %add3A, %mul3A_39 : i32
      %dma_start3A = arith.constant 0 : i32
      %dma_start3A_41 = arith.constant 0 : i32
      %dma_start3A_42 = tpu.memref_slice %arg8[%dma_start3A, %dma_start3A_41] : memref<128x128xi32, #tpu.memory_space<vmem>> -> memref<32x128xi32, #tpu.memory_space<vmem>>
      %dma_start3A_43 = arith.constant 0 : i32
      %dma_start3A_44 = tpu.memref_slice %arg4[%add3A_40, %dma_start3A_43] : memref<2560x128xi32, #tpu.memory_space<hbm>> -> memref<32x128xi32, #tpu.memory_space<hbm>>
      %dma_start3A_45 = arith.constant 0 : i32
      %dma_start3A_46 = arith.constant 0 : i32
      %dma_start3A_47 = tpu.memref_slice %arg8[%dma_start3A_45, %dma_start3A_46] : memref<128x128xi32, #tpu.memory_space<vmem>> -> memref<32x128xi32, #tpu.memory_space<vmem>>
      %dma_start3A_48 = arith.constant 0 : i32
      %dma_start3A_49 = tpu.memref_slice %arg4[%add3A_40, %dma_start3A_48] : memref<2560x128xi32, #tpu.memory_space<hbm>> -> memref<32x128xi32, #tpu.memory_space<hbm>>
      tpu.enqueue_dma source(%dma_start3A_49 : memref<32x128xi32, #tpu.memory_space<hbm>>) target(%dma_start3A_47 : memref<32x128xi32, #tpu.memory_space<vmem>>) target_semaphore(%arg17 : memref<!tpu.dma_semaphore, #tpu.memory_space<semaphore_mem>>)
      %add3A_50 = arith.constant 0 : i32
      %add3A_51 = arith.addi %add3A_40, %add3A_50 : i32
      %dma_start3A_52 = arith.constant 0 : i32
      %dma_start3A_53 = arith.constant 0 : i32
      %dma_start3A_54 = arith.constant 0 : i32
      %dma_start3A_55 = tpu.memref_slice %arg7[%dma_start3A_52, %dma_start3A_53, %dma_start3A_54] : memref<2x4x128xi32, #tpu.memory_space<vmem>> -> memref<1x4x128xi32, #tpu.memory_space<vmem>>
      %dma_start3A_56 = tpu.memref_squeeze %dma_start3A_55 : memref<1x4x128xi32, #tpu.memory_space<vmem>> -> memref<4x128xi32, #tpu.memory_space<vmem>>
      %dma_start3A_57 = arith.constant 0 : i32
      %dma_start3A_58 = tpu.memref_slice %arg3[%add3A_51, %dma_start3A_57] : memref<2560x128xi32, #tpu.memory_space<hbm>> -> memref<4x128xi32, #tpu.memory_space<hbm>>
      %dma_start3A_59 = arith.constant 0 : i32
      %dma_start3A_60 = arith.constant 0 : i32
      %dma_start3A_61 = tpu.memref_slice %arg7[%dma_start3A_52, %dma_start3A_59, %dma_start3A_60] : memref<2x4x128xi32, #tpu.memory_space<vmem>> -> memref<1x4x128xi32, #tpu.memory_space<vmem>>
      %dma_start3A_62 = tpu.memref_squeeze %dma_start3A_61 : memref<1x4x128xi32, #tpu.memory_space<vmem>> -> memref<4x128xi32, #tpu.memory_space<vmem>>
      %dma_start3A_63 = arith.constant 0 : i32
      %dma_start3A_64 = tpu.memref_slice %arg3[%add3A_51, %dma_start3A_63] : memref<2560x128xi32, #tpu.memory_space<hbm>> -> memref<4x128xi32, #tpu.memory_space<hbm>>
      tpu.enqueue_dma source(%dma_start3A_64 : memref<4x128xi32, #tpu.memory_space<hbm>>) target(%dma_start3A_62 : memref<4x128xi32, #tpu.memory_space<vmem>>) target_semaphore(%arg15 : memref<!tpu.dma_semaphore, #tpu.memory_space<semaphore_mem>>)
      %add3A_65 = arith.constant 4 : i32
      %add3A_66 = arith.addi %add3A_40, %add3A_65 : i32
      %dma_start3A_67 = arith.constant 1 : i32
      %dma_start3A_68 = arith.constant 0 : i32
      %dma_start3A_69 = arith.constant 0 : i32
      %dma_start3A_70 = tpu.memref_slice %arg7[%dma_start3A_67, %dma_start3A_68, %dma_start3A_69] : memref<2x4x128xi32, #tpu.memory_space<vmem>> -> memref<1x4x128xi32, #tpu.memory_space<vmem>>
      %dma_start3A_71 = tpu.memref_squeeze %dma_start3A_70 : memref<1x4x128xi32, #tpu.memory_space<vmem>> -> memref<4x128xi32, #tpu.memory_space<vmem>>
      %dma_start3A_72 = arith.constant 0 : i32
      %dma_start3A_73 = tpu.memref_slice %arg3[%add3A_66, %dma_start3A_72] : memref<2560x128xi32, #tpu.memory_space<hbm>> -> memref<4x128xi32, #tpu.memory_space<hbm>>
      %dma_start3A_74 = arith.constant 0 : i32
      %dma_start3A_75 = arith.constant 0 : i32
      %dma_start3A_76 = tpu.memref_slice %arg7[%dma_start3A_67, %dma_start3A_74, %dma_start3A_75] : memref<2x4x128xi32, #tpu.memory_space<vmem>> -> memref<1x4x128xi32, #tpu.memory_space<vmem>>
      %dma_start3A_77 = tpu.memref_squeeze %dma_start3A_76 : memref<1x4x128xi32, #tpu.memory_space<vmem>> -> memref<4x128xi32, #tpu.memory_space<vmem>>
      %dma_start3A_78 = arith.constant 0 : i32
      %dma_start3A_79 = tpu.memref_slice %arg3[%add3A_66, %dma_start3A_78] : memref<2560x128xi32, #tpu.memory_space<hbm>> -> memref<4x128xi32, #tpu.memory_space<hbm>>
      tpu.enqueue_dma source(%dma_start3A_79 : memref<4x128xi32, #tpu.memory_space<hbm>>) target(%dma_start3A_77 : memref<4x128xi32, #tpu.memory_space<vmem>>) target_semaphore(%arg16 : memref<!tpu.dma_semaphore, #tpu.memory_space<semaphore_mem>>)
      %dma_wait3A = arith.constant 0 : i32
      %dma_wait3A_80 = arith.constant 0 : i32
      %dma_wait3A_81 = arith.constant 0 : i32
      %dma_wait3A_82 = tpu.memref_slice %arg7[%dma_wait3A, %dma_wait3A_80, %dma_wait3A_81] : memref<2x4x128xi32, #tpu.memory_space<vmem>> -> memref<1x4x128xi32, #tpu.memory_space<vmem>>
      %dma_wait3A_83 = tpu.memref_squeeze %dma_wait3A_82 : memref<1x4x128xi32, #tpu.memory_space<vmem>> -> memref<4x128xi32, #tpu.memory_space<vmem>>
      %dma_wait3A_84 = arith.constant 0 : i32
      %dma_wait3A_85 = arith.constant 0 : i32
      %dma_wait3A_86 = tpu.memref_slice %arg3[%dma_wait3A_84, %dma_wait3A_85] : memref<2560x128xi32, #tpu.memory_space<hbm>> -> memref<4x128xi32, #tpu.memory_space<hbm>>
      %dma_wait3A_87 = arith.constant 0 : i32
      %dma_wait3A_88 = arith.constant 0 : i32
      %dma_wait3A_89 = tpu.memref_slice %arg7[%dma_wait3A, %dma_wait3A_87, %dma_wait3A_88] : memref<2x4x128xi32, #tpu.memory_space<vmem>> -> memref<1x4x128xi32, #tpu.memory_space<vmem>>
      %dma_wait3A_90 = tpu.memref_squeeze %dma_wait3A_89 : memref<1x4x128xi32, #tpu.memory_space<vmem>> -> memref<4x128xi32, #tpu.memory_space<vmem>>
      %dma_wait3A_91 = arith.constant 0 : i32
      %dma_wait3A_92 = arith.constant 0 : i32
      %dma_wait3A_93 = tpu.memref_slice %arg3[%dma_wait3A_91, %dma_wait3A_92] : memref<2560x128xi32, #tpu.memory_space<hbm>> -> memref<4x128xi32, #tpu.memory_space<hbm>>
      tpu.wait_dma2 semaphore(%arg15 : memref<!tpu.dma_semaphore, #tpu.memory_space<semaphore_mem>>) src(%dma_wait3A_93 : memref<4x128xi32, #tpu.memory_space<hbm>>) dst(%dma_wait3A_90 : memref<4x128xi32, #tpu.memory_space<vmem>>)
      %dma_start3A_94 = arith.constant 0 : i32
      %dma_start3A_95 = arith.constant 0 : i32
      %dma_start3A_96 = arith.constant 0 : i32
      %dma_start3A_97 = arith.constant 0 : i32
      %dma_start3A_98 = arith.constant 0 : i32
      %dma_start3A_99 = tpu.memref_slice %arg9[%dma_start3A_96, %dma_start3A_97, %dma_start3A_98] : memref<2x128x128xf32, #tpu.memory_space<vmem>> -> memref<1x128x128xf32, #tpu.memory_space<vmem>>
      %dma_start3A_100 = tpu.memref_squeeze %dma_start3A_99 : memref<1x128x128xf32, #tpu.memory_space<vmem>> -> memref<128x128xf32, #tpu.memory_space<vmem>>
      %dma_start3A_101 = arith.constant 0 : i32
      %dma_start3A_102 = tpu.memref_slice %arg7[%dma_start3A_94, %dma_start3A_95, %dma_start3A_101] : memref<2x4x128xi32, #tpu.memory_space<vmem>> -> memref<1x1x128xi32, #tpu.memory_space<vmem>>
      %dma_start3A_103 = tpu.memref_squeeze %dma_start3A_102 : memref<1x1x128xi32, #tpu.memory_space<vmem>> -> memref<128xi32, #tpu.memory_space<vmem>>
      %dma_start3A_104 = arith.constant 0 : i32
      %dma_start3A_105 = arith.constant 0 : i32
      %dma_start3A_106 = tpu.memref_slice %arg2[%dma_start3A_104, %dma_start3A_105] : memref<10008x128xf32, #tpu.memory_space<hbm>> -> memref<10008x128xf32, #tpu.memory_space<hbm>>
      tpu.enqueue_indirect_dma source(%dma_start3A_106 : memref<10008x128xf32, #tpu.memory_space<hbm>>) target(%dma_start3A_100 : memref<128x128xf32, #tpu.memory_space<vmem>>) offsets(%dma_start3A_103 : memref<128xi32, #tpu.memory_space<vmem>>) semaphore(%arg11 : memref<!tpu.dma_semaphore, #tpu.memory_space<semaphore_mem>>)
      %dma_start3A_107 = arith.constant 0 : i32
      %dma_start3A_108 = arith.constant 1 : i32
      %dma_start3A_109 = arith.constant 1 : i32
      %dma_start3A_110 = arith.constant 0 : i32
      %dma_start3A_111 = arith.constant 0 : i32
      %dma_start3A_112 = tpu.memref_slice %arg9[%dma_start3A_109, %dma_start3A_110, %dma_start3A_111] : memref<2x128x128xf32, #tpu.memory_space<vmem>> -> memref<1x128x128xf32, #tpu.memory_space<vmem>>
      %dma_start3A_113 = tpu.memref_squeeze %dma_start3A_112 : memref<1x128x128xf32, #tpu.memory_space<vmem>> -> memref<128x128xf32, #tpu.memory_space<vmem>>
      %dma_start3A_114 = arith.constant 0 : i32
      %dma_start3A_115 = tpu.memref_slice %arg7[%dma_start3A_107, %dma_start3A_108, %dma_start3A_114] : memref<2x4x128xi32, #tpu.memory_space<vmem>> -> memref<1x1x128xi32, #tpu.memory_space<vmem>>
      %dma_start3A_116 = tpu.memref_squeeze %dma_start3A_115 : memref<1x1x128xi32, #tpu.memory_space<vmem>> -> memref<128xi32, #tpu.memory_space<vmem>>
      %dma_start3A_117 = arith.constant 0 : i32
      %dma_start3A_118 = arith.constant 0 : i32
      %dma_start3A_119 = tpu.memref_slice %arg2[%dma_start3A_117, %dma_start3A_118] : memref<10008x128xf32, #tpu.memory_space<hbm>> -> memref<10008x128xf32, #tpu.memory_space<hbm>>
      tpu.enqueue_indirect_dma source(%dma_start3A_119 : memref<10008x128xf32, #tpu.memory_space<hbm>>) target(%dma_start3A_113 : memref<128x128xf32, #tpu.memory_space<vmem>>) offsets(%dma_start3A_116 : memref<128xi32, #tpu.memory_space<vmem>>) semaphore(%arg12 : memref<!tpu.dma_semaphore, #tpu.memory_space<semaphore_mem>>)
      %dma_wait3A_120 = arith.constant 0 : i32
      %dma_wait3A_121 = arith.constant 0 : i32
      %dma_wait3A_122 = tpu.memref_slice %arg8[%dma_wait3A_120, %dma_wait3A_121] : memref<128x128xi32, #tpu.memory_space<vmem>> -> memref<32x128xi32, #tpu.memory_space<vmem>>
      %dma_wait3A_123 = arith.constant 0 : i32
      %dma_wait3A_124 = tpu.memref_slice %arg4[%add3A_40, %dma_wait3A_123] : memref<2560x128xi32, #tpu.memory_space<hbm>> -> memref<32x128xi32, #tpu.memory_space<hbm>>
      %dma_wait3A_125 = arith.constant 0 : i32
      %dma_wait3A_126 = arith.constant 0 : i32
      %dma_wait3A_127 = tpu.memref_slice %arg8[%dma_wait3A_125, %dma_wait3A_126] : memref<128x128xi32, #tpu.memory_space<vmem>> -> memref<32x128xi32, #tpu.memory_space<vmem>>
      %dma_wait3A_128 = arith.constant 0 : i32
      %dma_wait3A_129 = tpu.memref_slice %arg4[%add3A_40, %dma_wait3A_128] : memref<2560x128xi32, #tpu.memory_space<hbm>> -> memref<32x128xi32, #tpu.memory_space<hbm>>
      tpu.wait_dma2 semaphore(%arg17 : memref<!tpu.dma_semaphore, #tpu.memory_space<semaphore_mem>>) src(%dma_wait3A_129 : memref<32x128xi32, #tpu.memory_space<hbm>>) dst(%dma_wait3A_127 : memref<32x128xi32, #tpu.memory_space<vmem>>)
      %scan3A_130 = arith.constant 0 : i32
      %scan3A_131 = arith.constant 4 : i32
      %scan3A_132 = arith.addi %scan3A_130, %scan3A_131 : i32
      %scan3A_133 = arith.constant 1 : i32
      scf.for %scan3A_135 = %scan3A_130 to %scan3A_132 step %scan3A_133  : i32 {
        %mul3A_136 = arith.constant 2 : i32
        %mul3A_137 = arith.muli %scan3A_135, %mul3A_136 : i32
        %add3A_138 = arith.constant 0 : i32
        %add3A_139 = arith.addi %add3A_138, %mul3A_137 : i32
        %dma_wait3A_140 = arith.constant 0 : i32
        %dma_wait3A_141 = arith.constant 0 : i32
        %dma_wait3A_142 = arith.constant 0 : i32
        %dma_wait3A_143 = arith.constant 0 : i32
        %dma_wait3A_144 = arith.constant 0 : i32
        %dma_wait3A_145 = tpu.memref_slice %arg9[%dma_wait3A_142, %dma_wait3A_143, %dma_wait3A_144] : memref<2x128x128xf32, #tpu.memory_space<vmem>> -> memref<1x128x128xf32, #tpu.memory_space<vmem>>
        %dma_wait3A_146 = tpu.memref_squeeze %dma_wait3A_145 : memref<1x128x128xf32, #tpu.memory_space<vmem>> -> memref<128x128xf32, #tpu.memory_space<vmem>>
        %dma_wait3A_147 = arith.constant 0 : i32
        %dma_wait3A_148 = tpu.memref_slice %arg7[%dma_wait3A_140, %dma_wait3A_141, %dma_wait3A_147] : memref<2x4x128xi32, #tpu.memory_space<vmem>> -> memref<1x1x128xi32, #tpu.memory_space<vmem>>
        %dma_wait3A_149 = tpu.memref_squeeze %dma_wait3A_148 : memref<1x1x128xi32, #tpu.memory_space<vmem>> -> memref<128xi32, #tpu.memory_space<vmem>>
        %dma_wait3A_150 = arith.constant 0 : i32
        %dma_wait3A_151 = arith.constant 0 : i32
        %dma_wait3A_152 = tpu.memref_slice %arg2[%dma_wait3A_150, %dma_wait3A_151] : memref<10008x128xf32, #tpu.memory_space<hbm>> -> memref<10008x128xf32, #tpu.memory_space<hbm>>
        tpu.wait_indirect_dma semaphore(%arg11 : memref<!tpu.dma_semaphore, #tpu.memory_space<semaphore_mem>>) src(%dma_wait3A_152 : memref<10008x128xf32, #tpu.memory_space<hbm>>) dst(%dma_wait3A_146 : memref<128x128xf32, #tpu.memory_space<vmem>>)
        %mul3A_153 = arith.constant 4 : i32
        %mul3A_154 = arith.muli %add3A_139, %mul3A_153 : i32
        %add3A_155 = arith.constant 0 : i32
        %add3A_156 = arith.addi %mul3A_154, %add3A_155 : i32
        %dma_start3A_157 = arith.constant 0 : i32
        %dma_start3A_158 = arith.constant 0 : i32
        %dma_start3A_159 = arith.constant 0 : i32
        %dma_start3A_160 = tpu.memref_slice %arg9[%dma_start3A_157, %dma_start3A_158, %dma_start3A_159] : memref<2x128x128xf32, #tpu.memory_space<vmem>> -> memref<1x128x128xf32, #tpu.memory_space<vmem>>
        %dma_start3A_161 = tpu.memref_squeeze %dma_start3A_160 : memref<1x128x128xf32, #tpu.memory_space<vmem>> -> memref<128x128xf32, #tpu.memory_space<vmem>>
        %dma_start3A_162 = arith.constant 0 : i32
        %dma_start3A_163 = tpu.memref_slice %arg8[%add3A_156, %dma_start3A_162] : memref<128x128xi32, #tpu.memory_space<vmem>> -> memref<1x128xi32, #tpu.memory_space<vmem>>
        %dma_start3A_164 = tpu.memref_squeeze %dma_start3A_163 : memref<1x128xi32, #tpu.memory_space<vmem>> -> memref<128xi32, #tpu.memory_space<vmem>>
        %dma_start3A_165 = arith.constant 0 : i32
        %dma_start3A_166 = arith.constant 0 : i32
        %dma_start3A_167 = tpu.memref_slice %arg10[%dma_start3A_165, %dma_start3A_166] : memref<10000x128xf32, #tpu.memory_space<vmem_shared>> -> memref<10000x128xf32, #tpu.memory_space<vmem_shared>>
        tpu.enqueue_indirect_dma source(%dma_start3A_161 : memref<128x128xf32, #tpu.memory_space<vmem>>) target(%dma_start3A_167 : memref<10000x128xf32, #tpu.memory_space<vmem_shared>>) offsets(%dma_start3A_164 : memref<128xi32, #tpu.memory_space<vmem>>) semaphore(%arg13 : memref<!tpu.dma_semaphore, #tpu.memory_space<semaphore_mem>>) {add = true}
        %dma_wait3A_168 = arith.constant 0 : i32
        %dma_wait3A_169 = arith.constant 0 : i32
        %dma_wait3A_170 = arith.constant 0 : i32
        %dma_wait3A_171 = tpu.memref_slice %arg9[%dma_wait3A_168, %dma_wait3A_169, %dma_wait3A_170] : memref<2x128x128xf32, #tpu.memory_space<vmem>> -> memref<1x128x128xf32, #tpu.memory_space<vmem>>
        %dma_wait3A_172 = tpu.memref_squeeze %dma_wait3A_171 : memref<1x128x128xf32, #tpu.memory_space<vmem>> -> memref<128x128xf32, #tpu.memory_space<vmem>>
        %dma_wait3A_173 = arith.constant 0 : i32
        %dma_wait3A_174 = tpu.memref_slice %arg8[%add3A_156, %dma_wait3A_173] : memref<128x128xi32, #tpu.memory_space<vmem>> -> memref<1x128xi32, #tpu.memory_space<vmem>>
        %dma_wait3A_175 = tpu.memref_squeeze %dma_wait3A_174 : memref<1x128xi32, #tpu.memory_space<vmem>> -> memref<128xi32, #tpu.memory_space<vmem>>
        %dma_wait3A_176 = arith.constant 0 : i32
        %dma_wait3A_177 = arith.constant 0 : i32
        %dma_wait3A_178 = tpu.memref_slice %arg10[%dma_wait3A_176, %dma_wait3A_177] : memref<10000x128xf32, #tpu.memory_space<vmem_shared>> -> memref<10000x128xf32, #tpu.memory_space<vmem_shared>>
        tpu.wait_indirect_dma semaphore(%arg13 : memref<!tpu.dma_semaphore, #tpu.memory_space<semaphore_mem>>) src(%dma_wait3A_172 : memref<128x128xf32, #tpu.memory_space<vmem>>) dst(%dma_wait3A_178 : memref<10000x128xf32, #tpu.memory_space<vmem_shared>>)
        %dma_start3A_179 = arith.constant 0 : i32
        %dma_start3A_180 = arith.constant 2 : i32
        %dma_start3A_181 = arith.constant 0 : i32
        %dma_start3A_182 = arith.constant 0 : i32
        %dma_start3A_183 = arith.constant 0 : i32
        %dma_start3A_184 = tpu.memref_slice %arg9[%dma_start3A_181, %dma_start3A_182, %dma_start3A_183] : memref<2x128x128xf32, #tpu.memory_space<vmem>> -> memref<1x128x128xf32, #tpu.memory_space<vmem>>
        %dma_start3A_185 = tpu.memref_squeeze %dma_start3A_184 : memref<1x128x128xf32, #tpu.memory_space<vmem>> -> memref<128x128xf32, #tpu.memory_space<vmem>>
        %dma_start3A_186 = arith.constant 0 : i32
        %dma_start3A_187 = tpu.memref_slice %arg7[%dma_start3A_179, %dma_start3A_180, %dma_start3A_186] : memref<2x4x128xi32, #tpu.memory_space<vmem>> -> memref<1x1x128xi32, #tpu.memory_space<vmem>>
        %dma_start3A_188 = tpu.memref_squeeze %dma_start3A_187 : memref<1x1x128xi32, #tpu.memory_space<vmem>> -> memref<128xi32, #tpu.memory_space<vmem>>
        %dma_start3A_189 = arith.constant 0 : i32
        %dma_start3A_190 = arith.constant 0 : i32
        %dma_start3A_191 = tpu.memref_slice %arg2[%dma_start3A_189, %dma_start3A_190] : memref<10008x128xf32, #tpu.memory_space<hbm>> -> memref<10008x128xf32, #tpu.memory_space<hbm>>
        tpu.enqueue_indirect_dma source(%dma_start3A_191 : memref<10008x128xf32, #tpu.memory_space<hbm>>) target(%dma_start3A_185 : memref<128x128xf32, #tpu.memory_space<vmem>>) offsets(%dma_start3A_188 : memref<128xi32, #tpu.memory_space<vmem>>) semaphore(%arg11 : memref<!tpu.dma_semaphore, #tpu.memory_space<semaphore_mem>>)
        %dma_wait3A_192 = arith.constant 0 : i32
        %dma_wait3A_193 = arith.constant 1 : i32
        %dma_wait3A_194 = arith.constant 1 : i32
        %dma_wait3A_195 = arith.constant 0 : i32
        %dma_wait3A_196 = arith.constant 0 : i32
        %dma_wait3A_197 = tpu.memref_slice %arg9[%dma_wait3A_194, %dma_wait3A_195, %dma_wait3A_196] : memref<2x128x128xf32, #tpu.memory_space<vmem>> -> memref<1x128x128xf32, #tpu.memory_space<vmem>>
        %dma_wait3A_198 = tpu.memref_squeeze %dma_wait3A_197 : memref<1x128x128xf32, #tpu.memory_space<vmem>> -> memref<128x128xf32, #tpu.memory_space<vmem>>
        %dma_wait3A_199 = arith.constant 0 : i32
        %dma_wait3A_200 = tpu.memref_slice %arg7[%dma_wait3A_192, %dma_wait3A_193, %dma_wait3A_199] : memref<2x4x128xi32, #tpu.memory_space<vmem>> -> memref<1x1x128xi32, #tpu.memory_space<vmem>>
        %dma_wait3A_201 = tpu.memref_squeeze %dma_wait3A_200 : memref<1x1x128xi32, #tpu.memory_space<vmem>> -> memref<128xi32, #tpu.memory_space<vmem>>
        %dma_wait3A_202 = arith.constant 0 : i32
        %dma_wait3A_203 = arith.constant 0 : i32
        %dma_wait3A_204 = tpu.memref_slice %arg2[%dma_wait3A_202, %dma_wait3A_203] : memref<10008x128xf32, #tpu.memory_space<hbm>> -> memref<10008x128xf32, #tpu.memory_space<hbm>>
        tpu.wait_indirect_dma semaphore(%arg12 : memref<!tpu.dma_semaphore, #tpu.memory_space<semaphore_mem>>) src(%dma_wait3A_204 : memref<10008x128xf32, #tpu.memory_space<hbm>>) dst(%dma_wait3A_198 : memref<128x128xf32, #tpu.memory_space<vmem>>)
        %mul3A_205 = arith.constant 4 : i32
        %mul3A_206 = arith.muli %add3A_139, %mul3A_205 : i32
        %add3A_207 = arith.constant 1 : i32
        %add3A_208 = arith.addi %mul3A_206, %add3A_207 : i32
        %dma_start3A_209 = arith.constant 1 : i32
        %dma_start3A_210 = arith.constant 0 : i32
        %dma_start3A_211 = arith.constant 0 : i32
        %dma_start3A_212 = tpu.memref_slice %arg9[%dma_start3A_209, %dma_start3A_210, %dma_start3A_211] : memref<2x128x128xf32, #tpu.memory_space<vmem>> -> memref<1x128x128xf32, #tpu.memory_space<vmem>>
        %dma_start3A_213 = tpu.memref_squeeze %dma_start3A_212 : memref<1x128x128xf32, #tpu.memory_space<vmem>> -> memref<128x128xf32, #tpu.memory_space<vmem>>
        %dma_start3A_214 = arith.constant 0 : i32
        %dma_start3A_215 = tpu.memref_slice %arg8[%add3A_208, %dma_start3A_214] : memref<128x128xi32, #tpu.memory_space<vmem>> -> memref<1x128xi32, #tpu.memory_space<vmem>>
        %dma_start3A_216 = tpu.memref_squeeze %dma_start3A_215 : memref<1x128xi32, #tpu.memory_space<vmem>> -> memref<128xi32, #tpu.memory_space<vmem>>
        %dma_start3A_217 = arith.constant 0 : i32
        %dma_start3A_218 = arith.constant 0 : i32
        %dma_start3A_219 = tpu.memref_slice %arg10[%dma_start3A_217, %dma_start3A_218] : memref<10000x128xf32, #tpu.memory_space<vmem_shared>> -> memref<10000x128xf32, #tpu.memory_space<vmem_shared>>
        tpu.enqueue_indirect_dma source(%dma_start3A_213 : memref<128x128xf32, #tpu.memory_space<vmem>>) target(%dma_start3A_219 : memref<10000x128xf32, #tpu.memory_space<vmem_shared>>) offsets(%dma_start3A_216 : memref<128xi32, #tpu.memory_space<vmem>>) semaphore(%arg14 : memref<!tpu.dma_semaphore, #tpu.memory_space<semaphore_mem>>) {add = true}
        %dma_wait3A_220 = arith.constant 1 : i32
        %dma_wait3A_221 = arith.constant 0 : i32
        %dma_wait3A_222 = arith.constant 0 : i32
        %dma_wait3A_223 = tpu.memref_slice %arg9[%dma_wait3A_220, %dma_wait3A_221, %dma_wait3A_222] : memref<2x128x128xf32, #tpu.memory_space<vmem>> -> memref<1x128x128xf32, #tpu.memory_space<vmem>>
        %dma_wait3A_224 = tpu.memref_squeeze %dma_wait3A_223 : memref<1x128x128xf32, #tpu.memory_space<vmem>> -> memref<128x128xf32, #tpu.memory_space<vmem>>
        %dma_wait3A_225 = arith.constant 0 : i32
        %dma_wait3A_226 = tpu.memref_slice %arg8[%add3A_208, %dma_wait3A_225] : memref<128x128xi32, #tpu.memory_space<vmem>> -> memref<1x128xi32, #tpu.memory_space<vmem>>
        %dma_wait3A_227 = tpu.memref_squeeze %dma_wait3A_226 : memref<1x128xi32, #tpu.memory_space<vmem>> -> memref<128xi32, #tpu.memory_space<vmem>>
        %dma_wait3A_228 = arith.constant 0 : i32
        %dma_wait3A_229 = arith.constant 0 : i32
        %dma_wait3A_230 = tpu.memref_slice %arg10[%dma_wait3A_228, %dma_wait3A_229] : memref<10000x128xf32, #tpu.memory_space<vmem_shared>> -> memref<10000x128xf32, #tpu.memory_space<vmem_shared>>
        tpu.wait_indirect_dma semaphore(%arg14 : memref<!tpu.dma_semaphore, #tpu.memory_space<semaphore_mem>>) src(%dma_wait3A_224 : memref<128x128xf32, #tpu.memory_space<vmem>>) dst(%dma_wait3A_230 : memref<10000x128xf32, #tpu.memory_space<vmem_shared>>)
        %dma_start3A_231 = arith.constant 0 : i32
        %dma_start3A_232 = arith.constant 3 : i32
        %dma_start3A_233 = arith.constant 1 : i32
        %dma_start3A_234 = arith.constant 0 : i32
        %dma_start3A_235 = arith.constant 0 : i32
        %dma_start3A_236 = tpu.memref_slice %arg9[%dma_start3A_233, %dma_start3A_234, %dma_start3A_235] : memref<2x128x128xf32, #tpu.memory_space<vmem>> -> memref<1x128x128xf32, #tpu.memory_space<vmem>>
        %dma_start3A_237 = tpu.memref_squeeze %dma_start3A_236 : memref<1x128x128xf32, #tpu.memory_space<vmem>> -> memref<128x128xf32, #tpu.memory_space<vmem>>
        %dma_start3A_238 = arith.constant 0 : i32
        %dma_start3A_239 = tpu.memref_slice %arg7[%dma_start3A_231, %dma_start3A_232, %dma_start3A_238] : memref<2x4x128xi32, #tpu.memory_space<vmem>> -> memref<1x1x128xi32, #tpu.memory_space<vmem>>
        %dma_start3A_240 = tpu.memref_squeeze %dma_start3A_239 : memref<1x1x128xi32, #tpu.memory_space<vmem>> -> memref<128xi32, #tpu.memory_space<vmem>>
        %dma_start3A_241 = arith.constant 0 : i32
        %dma_start3A_242 = arith.constant 0 : i32
        %dma_start3A_243 = tpu.memref_slice %arg2[%dma_start3A_241, %dma_start3A_242] : memref<10008x128xf32, #tpu.memory_space<hbm>> -> memref<10008x128xf32, #tpu.memory_space<hbm>>
        tpu.enqueue_indirect_dma source(%dma_start3A_243 : memref<10008x128xf32, #tpu.memory_space<hbm>>) target(%dma_start3A_237 : memref<128x128xf32, #tpu.memory_space<vmem>>) offsets(%dma_start3A_240 : memref<128xi32, #tpu.memory_space<vmem>>) semaphore(%arg12 : memref<!tpu.dma_semaphore, #tpu.memory_space<semaphore_mem>>)
        %dma_wait3A_244 = arith.constant 0 : i32
        %dma_wait3A_245 = arith.constant 2 : i32
        %dma_wait3A_246 = arith.constant 0 : i32
        %dma_wait3A_247 = arith.constant 0 : i32
        %dma_wait3A_248 = arith.constant 0 : i32
        %dma_wait3A_249 = tpu.memref_slice %arg9[%dma_wait3A_246, %dma_wait3A_247, %dma_wait3A_248] : memref<2x128x128xf32, #tpu.memory_space<vmem>> -> memref<1x128x128xf32, #tpu.memory_space<vmem>>
        %dma_wait3A_250 = tpu.memref_squeeze %dma_wait3A_249 : memref<1x128x128xf32, #tpu.memory_space<vmem>> -> memref<128x128xf32, #tpu.memory_space<vmem>>
        %dma_wait3A_251 = arith.constant 0 : i32
        %dma_wait3A_252 = tpu.memref_slice %arg7[%dma_wait3A_244, %dma_wait3A_245, %dma_wait3A_251] : memref<2x4x128xi32, #tpu.memory_space<vmem>> -> memref<1x1x128xi32, #tpu.memory_space<vmem>>
        %dma_wait3A_253 = tpu.memref_squeeze %dma_wait3A_252 : memref<1x1x128xi32, #tpu.memory_space<vmem>> -> memref<128xi32, #tpu.memory_space<vmem>>
        %dma_wait3A_254 = arith.constant 0 : i32
        %dma_wait3A_255 = arith.constant 0 : i32
        %dma_wait3A_256 = tpu.memref_slice %arg2[%dma_wait3A_254, %dma_wait3A_255] : memref<10008x128xf32, #tpu.memory_space<hbm>> -> memref<10008x128xf32, #tpu.memory_space<hbm>>
        tpu.wait_indirect_dma semaphore(%arg11 : memref<!tpu.dma_semaphore, #tpu.memory_space<semaphore_mem>>) src(%dma_wait3A_256 : memref<10008x128xf32, #tpu.memory_space<hbm>>) dst(%dma_wait3A_250 : memref<128x128xf32, #tpu.memory_space<vmem>>)
        %mul3A_257 = arith.constant 4 : i32
        %mul3A_258 = arith.muli %add3A_139, %mul3A_257 : i32
        %add3A_259 = arith.constant 2 : i32
        %add3A_260 = arith.addi %mul3A_258, %add3A_259 : i32
        %dma_start3A_261 = arith.constant 0 : i32
        %dma_start3A_262 = arith.constant 0 : i32
        %dma_start3A_263 = arith.constant 0 : i32
        %dma_start3A_264 = tpu.memref_slice %arg9[%dma_start3A_261, %dma_start3A_262, %dma_start3A_263] : memref<2x128x128xf32, #tpu.memory_space<vmem>> -> memref<1x128x128xf32, #tpu.memory_space<vmem>>
        %dma_start3A_265 = tpu.memref_squeeze %dma_start3A_264 : memref<1x128x128xf32, #tpu.memory_space<vmem>> -> memref<128x128xf32, #tpu.memory_space<vmem>>
        %dma_start3A_266 = arith.constant 0 : i32
        %dma_start3A_267 = tpu.memref_slice %arg8[%add3A_260, %dma_start3A_266] : memref<128x128xi32, #tpu.memory_space<vmem>> -> memref<1x128xi32, #tpu.memory_space<vmem>>
        %dma_start3A_268 = tpu.memref_squeeze %dma_start3A_267 : memref<1x128xi32, #tpu.memory_space<vmem>> -> memref<128xi32, #tpu.memory_space<vmem>>
        %dma_start3A_269 = arith.constant 0 : i32
        %dma_start3A_270 = arith.constant 0 : i32
        %dma_start3A_271 = tpu.memref_slice %arg10[%dma_start3A_269, %dma_start3A_270] : memref<10000x128xf32, #tpu.memory_space<vmem_shared>> -> memref<10000x128xf32, #tpu.memory_space<vmem_shared>>
        tpu.enqueue_indirect_dma source(%dma_start3A_265 : memref<128x128xf32, #tpu.memory_space<vmem>>) target(%dma_start3A_271 : memref<10000x128xf32, #tpu.memory_space<vmem_shared>>) offsets(%dma_start3A_268 : memref<128xi32, #tpu.memory_space<vmem>>) semaphore(%arg13 : memref<!tpu.dma_semaphore, #tpu.memory_space<semaphore_mem>>) {add = true}
        %dma_wait3A_272 = arith.constant 0 : i32
        %dma_wait3A_273 = arith.constant 0 : i32
        %dma_wait3A_274 = arith.constant 0 : i32
        %dma_wait3A_275 = tpu.memref_slice %arg9[%dma_wait3A_272, %dma_wait3A_273, %dma_wait3A_274] : memref<2x128x128xf32, #tpu.memory_space<vmem>> -> memref<1x128x128xf32, #tpu.memory_space<vmem>>
        %dma_wait3A_276 = tpu.memref_squeeze %dma_wait3A_275 : memref<1x128x128xf32, #tpu.memory_space<vmem>> -> memref<128x128xf32, #tpu.memory_space<vmem>>
        %dma_wait3A_277 = arith.constant 0 : i32
        %dma_wait3A_278 = tpu.memref_slice %arg8[%add3A_260, %dma_wait3A_277] : memref<128x128xi32, #tpu.memory_space<vmem>> -> memref<1x128xi32, #tpu.memory_space<vmem>>
        %dma_wait3A_279 = tpu.memref_squeeze %dma_wait3A_278 : memref<1x128xi32, #tpu.memory_space<vmem>> -> memref<128xi32, #tpu.memory_space<vmem>>
        %dma_wait3A_280 = arith.constant 0 : i32
        %dma_wait3A_281 = arith.constant 0 : i32
        %dma_wait3A_282 = tpu.memref_slice %arg10[%dma_wait3A_280, %dma_wait3A_281] : memref<10000x128xf32, #tpu.memory_space<vmem_shared>> -> memref<10000x128xf32, #tpu.memory_space<vmem_shared>>
        tpu.wait_indirect_dma semaphore(%arg13 : memref<!tpu.dma_semaphore, #tpu.memory_space<semaphore_mem>>) src(%dma_wait3A_276 : memref<128x128xf32, #tpu.memory_space<vmem>>) dst(%dma_wait3A_282 : memref<10000x128xf32, #tpu.memory_space<vmem_shared>>)
        %dma_wait3A_283 = arith.constant 1 : i32
        %dma_wait3A_284 = arith.constant 0 : i32
        %dma_wait3A_285 = arith.constant 0 : i32
        %dma_wait3A_286 = tpu.memref_slice %arg7[%dma_wait3A_283, %dma_wait3A_284, %dma_wait3A_285] : memref<2x4x128xi32, #tpu.memory_space<vmem>> -> memref<1x4x128xi32, #tpu.memory_space<vmem>>
        %dma_wait3A_287 = tpu.memref_squeeze %dma_wait3A_286 : memref<1x4x128xi32, #tpu.memory_space<vmem>> -> memref<4x128xi32, #tpu.memory_space<vmem>>
        %dma_wait3A_288 = arith.constant 0 : i32
        %dma_wait3A_289 = arith.constant 0 : i32
        %dma_wait3A_290 = tpu.memref_slice %arg3[%dma_wait3A_288, %dma_wait3A_289] : memref<2560x128xi32, #tpu.memory_space<hbm>> -> memref<4x128xi32, #tpu.memory_space<hbm>>
        %dma_wait3A_291 = arith.constant 0 : i32
        %dma_wait3A_292 = arith.constant 0 : i32
        %dma_wait3A_293 = tpu.memref_slice %arg7[%dma_wait3A_283, %dma_wait3A_291, %dma_wait3A_292] : memref<2x4x128xi32, #tpu.memory_space<vmem>> -> memref<1x4x128xi32, #tpu.memory_space<vmem>>
        %dma_wait3A_294 = tpu.memref_squeeze %dma_wait3A_293 : memref<1x4x128xi32, #tpu.memory_space<vmem>> -> memref<4x128xi32, #tpu.memory_space<vmem>>
        %dma_wait3A_295 = arith.constant 0 : i32
        %dma_wait3A_296 = arith.constant 0 : i32
        %dma_wait3A_297 = tpu.memref_slice %arg3[%dma_wait3A_295, %dma_wait3A_296] : memref<2560x128xi32, #tpu.memory_space<hbm>> -> memref<4x128xi32, #tpu.memory_space<hbm>>
        tpu.wait_dma2 semaphore(%arg16 : memref<!tpu.dma_semaphore, #tpu.memory_space<semaphore_mem>>) src(%dma_wait3A_297 : memref<4x128xi32, #tpu.memory_space<hbm>>) dst(%dma_wait3A_294 : memref<4x128xi32, #tpu.memory_space<vmem>>)
        %dma_start3A_298 = arith.constant 1 : i32
        %dma_start3A_299 = arith.constant 0 : i32
        %dma_start3A_300 = arith.constant 0 : i32
        %dma_start3A_301 = arith.constant 0 : i32
        %dma_start3A_302 = arith.constant 0 : i32
        %dma_start3A_303 = tpu.memref_slice %arg9[%dma_start3A_300, %dma_start3A_301, %dma_start3A_302] : memref<2x128x128xf32, #tpu.memory_space<vmem>> -> memref<1x128x128xf32, #tpu.memory_space<vmem>>
        %dma_start3A_304 = tpu.memref_squeeze %dma_start3A_303 : memref<1x128x128xf32, #tpu.memory_space<vmem>> -> memref<128x128xf32, #tpu.memory_space<vmem>>
        %dma_start3A_305 = arith.constant 0 : i32
        %dma_start3A_306 = tpu.memref_slice %arg7[%dma_start3A_298, %dma_start3A_299, %dma_start3A_305] : memref<2x4x128xi32, #tpu.memory_space<vmem>> -> memref<1x1x128xi32, #tpu.memory_space<vmem>>
        %dma_start3A_307 = tpu.memref_squeeze %dma_start3A_306 : memref<1x1x128xi32, #tpu.memory_space<vmem>> -> memref<128xi32, #tpu.memory_space<vmem>>
        %dma_start3A_308 = arith.constant 0 : i32
        %dma_start3A_309 = arith.constant 0 : i32
        %dma_start3A_310 = tpu.memref_slice %arg2[%dma_start3A_308, %dma_start3A_309] : memref<10008x128xf32, #tpu.memory_space<hbm>> -> memref<10008x128xf32, #tpu.memory_space<hbm>>
        tpu.enqueue_indirect_dma source(%dma_start3A_310 : memref<10008x128xf32, #tpu.memory_space<hbm>>) target(%dma_start3A_304 : memref<128x128xf32, #tpu.memory_space<vmem>>) offsets(%dma_start3A_307 : memref<128xi32, #tpu.memory_space<vmem>>) semaphore(%arg11 : memref<!tpu.dma_semaphore, #tpu.memory_space<semaphore_mem>>)
        %dma_wait3A_311 = arith.constant 0 : i32
        %dma_wait3A_312 = arith.constant 3 : i32
        %dma_wait3A_313 = arith.constant 1 : i32
        %dma_wait3A_314 = arith.constant 0 : i32
        %dma_wait3A_315 = arith.constant 0 : i32
        %dma_wait3A_316 = tpu.memref_slice %arg9[%dma_wait3A_313, %dma_wait3A_314, %dma_wait3A_315] : memref<2x128x128xf32, #tpu.memory_space<vmem>> -> memref<1x128x128xf32, #tpu.memory_space<vmem>>
        %dma_wait3A_317 = tpu.memref_squeeze %dma_wait3A_316 : memref<1x128x128xf32, #tpu.memory_space<vmem>> -> memref<128x128xf32, #tpu.memory_space<vmem>>
        %dma_wait3A_318 = arith.constant 0 : i32
        %dma_wait3A_319 = tpu.memref_slice %arg7[%dma_wait3A_311, %dma_wait3A_312, %dma_wait3A_318] : memref<2x4x128xi32, #tpu.memory_space<vmem>> -> memref<1x1x128xi32, #tpu.memory_space<vmem>>
        %dma_wait3A_320 = tpu.memref_squeeze %dma_wait3A_319 : memref<1x1x128xi32, #tpu.memory_space<vmem>> -> memref<128xi32, #tpu.memory_space<vmem>>
        %dma_wait3A_321 = arith.constant 0 : i32
        %dma_wait3A_322 = arith.constant 0 : i32
        %dma_wait3A_323 = tpu.memref_slice %arg2[%dma_wait3A_321, %dma_wait3A_322] : memref<10008x128xf32, #tpu.memory_space<hbm>> -> memref<10008x128xf32, #tpu.memory_space<hbm>>
        tpu.wait_indirect_dma semaphore(%arg12 : memref<!tpu.dma_semaphore, #tpu.memory_space<semaphore_mem>>) src(%dma_wait3A_323 : memref<10008x128xf32, #tpu.memory_space<hbm>>) dst(%dma_wait3A_317 : memref<128x128xf32, #tpu.memory_space<vmem>>)
        %add3A_324 = arith.constant 2 : i32
        %add3A_325 = arith.addi %add3A_139, %add3A_324 : i32
        %lt3A_326 = arith.constant 8 : i32
        %lt3A_327 = arith.cmpi slt, %add3A_325, %lt3A_326 : i32
        %convert_element_type3A_328 = arith.extui %lt3A_327 : i1 to i32
        %cond3A_329 = arith.constant 0 : i32
        %cond3A_330 = arith.cmpi ne, %convert_element_type3A_328, %cond3A_329 : i32
        scf.if %cond3A_330 {
          %add3A_573 = arith.constant 2 : i32
          %add3A_574 = arith.addi %add3A_139, %add3A_573 : i32
          %mul3A_575 = arith.constant 4 : i32
          %mul3A_576 = arith.muli %add3A_574, %mul3A_575 : i32
          %add3A_577 = arith.addi %add3A_40, %mul3A_576 : i32
          %dma_start3A_578 = arith.constant 0 : i32
          %dma_start3A_579 = arith.constant 0 : i32
          %dma_start3A_580 = arith.constant 0 : i32
          %dma_start3A_581 = tpu.memref_slice %arg7[%dma_start3A_578, %dma_start3A_579, %dma_start3A_580] : memref<2x4x128xi32, #tpu.memory_space<vmem>> -> memref<1x4x128xi32, #tpu.memory_space<vmem>>
          %dma_start3A_582 = tpu.memref_squeeze %dma_start3A_581 : memref<1x4x128xi32, #tpu.memory_space<vmem>> -> memref<4x128xi32, #tpu.memory_space<vmem>>
          %dma_start3A_583 = arith.constant 0 : i32
          %dma_start3A_584 = tpu.memref_slice %arg3[%add3A_577, %dma_start3A_583] : memref<2560x128xi32, #tpu.memory_space<hbm>> -> memref<4x128xi32, #tpu.memory_space<hbm>>
          %dma_start3A_585 = arith.constant 0 : i32
          %dma_start3A_586 = arith.constant 0 : i32
          %dma_start3A_587 = tpu.memref_slice %arg7[%dma_start3A_578, %dma_start3A_585, %dma_start3A_586] : memref<2x4x128xi32, #tpu.memory_space<vmem>> -> memref<1x4x128xi32, #tpu.memory_space<vmem>>
          %dma_start3A_588 = tpu.memref_squeeze %dma_start3A_587 : memref<1x4x128xi32, #tpu.memory_space<vmem>> -> memref<4x128xi32, #tpu.memory_space<vmem>>
          %dma_start3A_589 = arith.constant 0 : i32
          %dma_start3A_590 = tpu.memref_slice %arg3[%add3A_577, %dma_start3A_589] : memref<2560x128xi32, #tpu.memory_space<hbm>> -> memref<4x128xi32, #tpu.memory_space<hbm>>
          tpu.enqueue_dma source(%dma_start3A_590 : memref<4x128xi32, #tpu.memory_space<hbm>>) target(%dma_start3A_588 : memref<4x128xi32, #tpu.memory_space<vmem>>) target_semaphore(%arg15 : memref<!tpu.dma_semaphore, #tpu.memory_space<semaphore_mem>>)
        } else {
        }
        %mul3A_331 = arith.constant 4 : i32
        %mul3A_332 = arith.muli %add3A_139, %mul3A_331 : i32
        %add3A_333 = arith.constant 3 : i32
        %add3A_334 = arith.addi %mul3A_332, %add3A_333 : i32
        %dma_start3A_335 = arith.constant 1 : i32
        %dma_start3A_336 = arith.constant 0 : i32
        %dma_start3A_337 = arith.constant 0 : i32
        %dma_start3A_338 = tpu.memref_slice %arg9[%dma_start3A_335, %dma_start3A_336, %dma_start3A_337] : memref<2x128x128xf32, #tpu.memory_space<vmem>> -> memref<1x128x128xf32, #tpu.memory_space<vmem>>
        %dma_start3A_339 = tpu.memref_squeeze %dma_start3A_338 : memref<1x128x128xf32, #tpu.memory_space<vmem>> -> memref<128x128xf32, #tpu.memory_space<vmem>>
        %dma_start3A_340 = arith.constant 0 : i32
        %dma_start3A_341 = tpu.memref_slice %arg8[%add3A_334, %dma_start3A_340] : memref<128x128xi32, #tpu.memory_space<vmem>> -> memref<1x128xi32, #tpu.memory_space<vmem>>
        %dma_start3A_342 = tpu.memref_squeeze %dma_start3A_341 : memref<1x128xi32, #tpu.memory_space<vmem>> -> memref<128xi32, #tpu.memory_space<vmem>>
        %dma_start3A_343 = arith.constant 0 : i32
        %dma_start3A_344 = arith.constant 0 : i32
        %dma_start3A_345 = tpu.memref_slice %arg10[%dma_start3A_343, %dma_start3A_344] : memref<10000x128xf32, #tpu.memory_space<vmem_shared>> -> memref<10000x128xf32, #tpu.memory_space<vmem_shared>>
        tpu.enqueue_indirect_dma source(%dma_start3A_339 : memref<128x128xf32, #tpu.memory_space<vmem>>) target(%dma_start3A_345 : memref<10000x128xf32, #tpu.memory_space<vmem_shared>>) offsets(%dma_start3A_342 : memref<128xi32, #tpu.memory_space<vmem>>) semaphore(%arg14 : memref<!tpu.dma_semaphore, #tpu.memory_space<semaphore_mem>>) {add = true}
        %dma_wait3A_346 = arith.constant 1 : i32
        %dma_wait3A_347 = arith.constant 0 : i32
        %dma_wait3A_348 = arith.constant 0 : i32
        %dma_wait3A_349 = tpu.memref_slice %arg9[%dma_wait3A_346, %dma_wait3A_347, %dma_wait3A_348] : memref<2x128x128xf32, #tpu.memory_space<vmem>> -> memref<1x128x128xf32, #tpu.memory_space<vmem>>
        %dma_wait3A_350 = tpu.memref_squeeze %dma_wait3A_349 : memref<1x128x128xf32, #tpu.memory_space<vmem>> -> memref<128x128xf32, #tpu.memory_space<vmem>>
        %dma_wait3A_351 = arith.constant 0 : i32
        %dma_wait3A_352 = tpu.memref_slice %arg8[%add3A_334, %dma_wait3A_351] : memref<128x128xi32, #tpu.memory_space<vmem>> -> memref<1x128xi32, #tpu.memory_space<vmem>>
        %dma_wait3A_353 = tpu.memref_squeeze %dma_wait3A_352 : memref<1x128xi32, #tpu.memory_space<vmem>> -> memref<128xi32, #tpu.memory_space<vmem>>
        %dma_wait3A_354 = arith.constant 0 : i32
        %dma_wait3A_355 = arith.constant 0 : i32
        %dma_wait3A_356 = tpu.memref_slice %arg10[%dma_wait3A_354, %dma_wait3A_355] : memref<10000x128xf32, #tpu.memory_space<vmem_shared>> -> memref<10000x128xf32, #tpu.memory_space<vmem_shared>>
        tpu.wait_indirect_dma semaphore(%arg14 : memref<!tpu.dma_semaphore, #tpu.memory_space<semaphore_mem>>) src(%dma_wait3A_350 : memref<128x128xf32, #tpu.memory_space<vmem>>) dst(%dma_wait3A_356 : memref<10000x128xf32, #tpu.memory_space<vmem_shared>>)
        %dma_start3A_357 = arith.constant 1 : i32
        %dma_start3A_358 = arith.constant 1 : i32
        %dma_start3A_359 = arith.constant 1 : i32
        %dma_start3A_360 = arith.constant 0 : i32
        %dma_start3A_361 = arith.constant 0 : i32
        %dma_start3A_362 = tpu.memref_slice %arg9[%dma_start3A_359, %dma_start3A_360, %dma_start3A_361] : memref<2x128x128xf32, #tpu.memory_space<vmem>> -> memref<1x128x128xf32, #tpu.memory_space<vmem>>
        %dma_start3A_363 = tpu.memref_squeeze %dma_start3A_362 : memref<1x128x128xf32, #tpu.memory_space<vmem>> -> memref<128x128xf32, #tpu.memory_space<vmem>>
        %dma_start3A_364 = arith.constant 0 : i32
        %dma_start3A_365 = tpu.memref_slice %arg7[%dma_start3A_357, %dma_start3A_358, %dma_start3A_364] : memref<2x4x128xi32, #tpu.memory_space<vmem>> -> memref<1x1x128xi32, #tpu.memory_space<vmem>>
        %dma_start3A_366 = tpu.memref_squeeze %dma_start3A_365 : memref<1x1x128xi32, #tpu.memory_space<vmem>> -> memref<128xi32, #tpu.memory_space<vmem>>
        %dma_start3A_367 = arith.constant 0 : i32
        %dma_start3A_368 = arith.constant 0 : i32
        %dma_start3A_369 = tpu.memref_slice %arg2[%dma_start3A_367, %dma_start3A_368] : memref<10008x128xf32, #tpu.memory_space<hbm>> -> memref<10008x128xf32, #tpu.memory_space<hbm>>
        tpu.enqueue_indirect_dma source(%dma_start3A_369 : memref<10008x128xf32, #tpu.memory_space<hbm>>) target(%dma_start3A_363 : memref<128x128xf32, #tpu.memory_space<vmem>>) offsets(%dma_start3A_366 : memref<128xi32, #tpu.memory_space<vmem>>) semaphore(%arg12 : memref<!tpu.dma_semaphore, #tpu.memory_space<semaphore_mem>>)
        %dma_wait3A_370 = arith.constant 1 : i32
        %dma_wait3A_371 = arith.constant 0 : i32
        %dma_wait3A_372 = arith.constant 0 : i32
        %dma_wait3A_373 = arith.constant 0 : i32
        %dma_wait3A_374 = arith.constant 0 : i32
        %dma_wait3A_375 = tpu.memref_slice %arg9[%dma_wait3A_372, %dma_wait3A_373, %dma_wait3A_374] : memref<2x128x128xf32, #tpu.memory_space<vmem>> -> memref<1x128x128xf32, #tpu.memory_space<vmem>>
        %dma_wait3A_376 = tpu.memref_squeeze %dma_wait3A_375 : memref<1x128x128xf32, #tpu.memory_space<vmem>> -> memref<128x128xf32, #tpu.memory_space<vmem>>
        %dma_wait3A_377 = arith.constant 0 : i32
        %dma_wait3A_378 = tpu.memref_slice %arg7[%dma_wait3A_370, %dma_wait3A_371, %dma_wait3A_377] : memref<2x4x128xi32, #tpu.memory_space<vmem>> -> memref<1x1x128xi32, #tpu.memory_space<vmem>>
        %dma_wait3A_379 = tpu.memref_squeeze %dma_wait3A_378 : memref<1x1x128xi32, #tpu.memory_space<vmem>> -> memref<128xi32, #tpu.memory_space<vmem>>
        %dma_wait3A_380 = arith.constant 0 : i32
        %dma_wait3A_381 = arith.constant 0 : i32
        %dma_wait3A_382 = tpu.memref_slice %arg2[%dma_wait3A_380, %dma_wait3A_381] : memref<10008x128xf32, #tpu.memory_space<hbm>> -> memref<10008x128xf32, #tpu.memory_space<hbm>>
        tpu.wait_indirect_dma semaphore(%arg11 : memref<!tpu.dma_semaphore, #tpu.memory_space<semaphore_mem>>) src(%dma_wait3A_382 : memref<10008x128xf32, #tpu.memory_space<hbm>>) dst(%dma_wait3A_376 : memref<128x128xf32, #tpu.memory_space<vmem>>)
        %mul3A_383 = arith.constant 4 : i32
        %mul3A_384 = arith.muli %add3A_139, %mul3A_383 : i32
        %add3A_385 = arith.constant 4 : i32
        %add3A_386 = arith.addi %mul3A_384, %add3A_385 : i32
        %dma_start3A_387 = arith.constant 0 : i32
        %dma_start3A_388 = arith.constant 0 : i32
        %dma_start3A_389 = arith.constant 0 : i32
        %dma_start3A_390 = tpu.memref_slice %arg9[%dma_start3A_387, %dma_start3A_388, %dma_start3A_389] : memref<2x128x128xf32, #tpu.memory_space<vmem>> -> memref<1x128x128xf32, #tpu.memory_space<vmem>>
        %dma_start3A_391 = tpu.memref_squeeze %dma_start3A_390 : memref<1x128x128xf32, #tpu.memory_space<vmem>> -> memref<128x128xf32, #tpu.memory_space<vmem>>
        %dma_start3A_392 = arith.constant 0 : i32
        %dma_start3A_393 = tpu.memref_slice %arg8[%add3A_386, %dma_start3A_392] : memref<128x128xi32, #tpu.memory_space<vmem>> -> memref<1x128xi32, #tpu.memory_space<vmem>>
        %dma_start3A_394 = tpu.memref_squeeze %dma_start3A_393 : memref<1x128xi32, #tpu.memory_space<vmem>> -> memref<128xi32, #tpu.memory_space<vmem>>
        %dma_start3A_395 = arith.constant 0 : i32
        %dma_start3A_396 = arith.constant 0 : i32
        %dma_start3A_397 = tpu.memref_slice %arg10[%dma_start3A_395, %dma_start3A_396] : memref<10000x128xf32, #tpu.memory_space<vmem_shared>> -> memref<10000x128xf32, #tpu.memory_space<vmem_shared>>
        tpu.enqueue_indirect_dma source(%dma_start3A_391 : memref<128x128xf32, #tpu.memory_space<vmem>>) target(%dma_start3A_397 : memref<10000x128xf32, #tpu.memory_space<vmem_shared>>) offsets(%dma_start3A_394 : memref<128xi32, #tpu.memory_space<vmem>>) semaphore(%arg13 : memref<!tpu.dma_semaphore, #tpu.memory_space<semaphore_mem>>) {add = true}
        %dma_wait3A_398 = arith.constant 0 : i32
        %dma_wait3A_399 = arith.constant 0 : i32
        %dma_wait3A_400 = arith.constant 0 : i32
        %dma_wait3A_401 = tpu.memref_slice %arg9[%dma_wait3A_398, %dma_wait3A_399, %dma_wait3A_400] : memref<2x128x128xf32, #tpu.memory_space<vmem>> -> memref<1x128x128xf32, #tpu.memory_space<vmem>>
        %dma_wait3A_402 = tpu.memref_squeeze %dma_wait3A_401 : memref<1x128x128xf32, #tpu.memory_space<vmem>> -> memref<128x128xf32, #tpu.memory_space<vmem>>
        %dma_wait3A_403 = arith.constant 0 : i32
        %dma_wait3A_404 = tpu.memref_slice %arg8[%add3A_386, %dma_wait3A_403] : memref<128x128xi32, #tpu.memory_space<vmem>> -> memref<1x128xi32, #tpu.memory_space<vmem>>
        %dma_wait3A_405 = tpu.memref_squeeze %dma_wait3A_404 : memref<1x128xi32, #tpu.memory_space<vmem>> -> memref<128xi32, #tpu.memory_space<vmem>>
        %dma_wait3A_406 = arith.constant 0 : i32
        %dma_wait3A_407 = arith.constant 0 : i32
        %dma_wait3A_408 = tpu.memref_slice %arg10[%dma_wait3A_406, %dma_wait3A_407] : memref<10000x128xf32, #tpu.memory_space<vmem_shared>> -> memref<10000x128xf32, #tpu.memory_space<vmem_shared>>
        tpu.wait_indirect_dma semaphore(%arg13 : memref<!tpu.dma_semaphore, #tpu.memory_space<semaphore_mem>>) src(%dma_wait3A_402 : memref<128x128xf32, #tpu.memory_space<vmem>>) dst(%dma_wait3A_408 : memref<10000x128xf32, #tpu.memory_space<vmem_shared>>)
        %dma_start3A_409 = arith.constant 1 : i32
        %dma_start3A_410 = arith.constant 2 : i32
        %dma_start3A_411 = arith.constant 0 : i32
        %dma_start3A_412 = arith.constant 0 : i32
        %dma_start3A_413 = arith.constant 0 : i32
        %dma_start3A_414 = tpu.memref_slice %arg9[%dma_start3A_411, %dma_start3A_412, %dma_start3A_413] : memref<2x128x128xf32, #tpu.memory_space<vmem>> -> memref<1x128x128xf32, #tpu.memory_space<vmem>>
        %dma_start3A_415 = tpu.memref_squeeze %dma_start3A_414 : memref<1x128x128xf32, #tpu.memory_space<vmem>> -> memref<128x128xf32, #tpu.memory_space<vmem>>
        %dma_start3A_416 = arith.constant 0 : i32
        %dma_start3A_417 = tpu.memref_slice %arg7[%dma_start3A_409, %dma_start3A_410, %dma_start3A_416] : memref<2x4x128xi32, #tpu.memory_space<vmem>> -> memref<1x1x128xi32, #tpu.memory_space<vmem>>
        %dma_start3A_418 = tpu.memref_squeeze %dma_start3A_417 : memref<1x1x128xi32, #tpu.memory_space<vmem>> -> memref<128xi32, #tpu.memory_space<vmem>>
        %dma_start3A_419 = arith.constant 0 : i32
        %dma_start3A_420 = arith.constant 0 : i32
        %dma_start3A_421 = tpu.memref_slice %arg2[%dma_start3A_419, %dma_start3A_420] : memref<10008x128xf32, #tpu.memory_space<hbm>> -> memref<10008x128xf32, #tpu.memory_space<hbm>>
        tpu.enqueue_indirect_dma source(%dma_start3A_421 : memref<10008x128xf32, #tpu.memory_space<hbm>>) target(%dma_start3A_415 : memref<128x128xf32, #tpu.memory_space<vmem>>) offsets(%dma_start3A_418 : memref<128xi32, #tpu.memory_space<vmem>>) semaphore(%arg11 : memref<!tpu.dma_semaphore, #tpu.memory_space<semaphore_mem>>)
        %dma_wait3A_422 = arith.constant 1 : i32
        %dma_wait3A_423 = arith.constant 1 : i32
        %dma_wait3A_424 = arith.constant 1 : i32
        %dma_wait3A_425 = arith.constant 0 : i32
        %dma_wait3A_426 = arith.constant 0 : i32
        %dma_wait3A_427 = tpu.memref_slice %arg9[%dma_wait3A_424, %dma_wait3A_425, %dma_wait3A_426] : memref<2x128x128xf32, #tpu.memory_space<vmem>> -> memref<1x128x128xf32, #tpu.memory_space<vmem>>
        %dma_wait3A_428 = tpu.memref_squeeze %dma_wait3A_427 : memref<1x128x128xf32, #tpu.memory_space<vmem>> -> memref<128x128xf32, #tpu.memory_space<vmem>>
        %dma_wait3A_429 = arith.constant 0 : i32
        %dma_wait3A_430 = tpu.memref_slice %arg7[%dma_wait3A_422, %dma_wait3A_423, %dma_wait3A_429] : memref<2x4x128xi32, #tpu.memory_space<vmem>> -> memref<1x1x128xi32, #tpu.memory_space<vmem>>
        %dma_wait3A_431 = tpu.memref_squeeze %dma_wait3A_430 : memref<1x1x128xi32, #tpu.memory_space<vmem>> -> memref<128xi32, #tpu.memory_space<vmem>>
        %dma_wait3A_432 = arith.constant 0 : i32
        %dma_wait3A_433 = arith.constant 0 : i32
        %dma_wait3A_434 = tpu.memref_slice %arg2[%dma_wait3A_432, %dma_wait3A_433] : memref<10008x128xf32, #tpu.memory_space<hbm>> -> memref<10008x128xf32, #tpu.memory_space<hbm>>
        tpu.wait_indirect_dma semaphore(%arg12 : memref<!tpu.dma_semaphore, #tpu.memory_space<semaphore_mem>>) src(%dma_wait3A_434 : memref<10008x128xf32, #tpu.memory_space<hbm>>) dst(%dma_wait3A_428 : memref<128x128xf32, #tpu.memory_space<vmem>>)
        %mul3A_435 = arith.constant 4 : i32
        %mul3A_436 = arith.muli %add3A_139, %mul3A_435 : i32
        %add3A_437 = arith.constant 5 : i32
        %add3A_438 = arith.addi %mul3A_436, %add3A_437 : i32
        %dma_start3A_439 = arith.constant 1 : i32
        %dma_start3A_440 = arith.constant 0 : i32
        %dma_start3A_441 = arith.constant 0 : i32
        %dma_start3A_442 = tpu.memref_slice %arg9[%dma_start3A_439, %dma_start3A_440, %dma_start3A_441] : memref<2x128x128xf32, #tpu.memory_space<vmem>> -> memref<1x128x128xf32, #tpu.memory_space<vmem>>
        %dma_start3A_443 = tpu.memref_squeeze %dma_start3A_442 : memref<1x128x128xf32, #tpu.memory_space<vmem>> -> memref<128x128xf32, #tpu.memory_space<vmem>>
        %dma_start3A_444 = arith.constant 0 : i32
        %dma_start3A_445 = tpu.memref_slice %arg8[%add3A_438, %dma_start3A_444] : memref<128x128xi32, #tpu.memory_space<vmem>> -> memref<1x128xi32, #tpu.memory_space<vmem>>
        %dma_start3A_446 = tpu.memref_squeeze %dma_start3A_445 : memref<1x128xi32, #tpu.memory_space<vmem>> -> memref<128xi32, #tpu.memory_space<vmem>>
        %dma_start3A_447 = arith.constant 0 : i32
        %dma_start3A_448 = arith.constant 0 : i32
        %dma_start3A_449 = tpu.memref_slice %arg10[%dma_start3A_447, %dma_start3A_448] : memref<10000x128xf32, #tpu.memory_space<vmem_shared>> -> memref<10000x128xf32, #tpu.memory_space<vmem_shared>>
        tpu.enqueue_indirect_dma source(%dma_start3A_443 : memref<128x128xf32, #tpu.memory_space<vmem>>) target(%dma_start3A_449 : memref<10000x128xf32, #tpu.memory_space<vmem_shared>>) offsets(%dma_start3A_446 : memref<128xi32, #tpu.memory_space<vmem>>) semaphore(%arg14 : memref<!tpu.dma_semaphore, #tpu.memory_space<semaphore_mem>>) {add = true}
        %dma_wait3A_450 = arith.constant 1 : i32
        %dma_wait3A_451 = arith.constant 0 : i32
        %dma_wait3A_452 = arith.constant 0 : i32
        %dma_wait3A_453 = tpu.memref_slice %arg9[%dma_wait3A_450, %dma_wait3A_451, %dma_wait3A_452] : memref<2x128x128xf32, #tpu.memory_space<vmem>> -> memref<1x128x128xf32, #tpu.memory_space<vmem>>
        %dma_wait3A_454 = tpu.memref_squeeze %dma_wait3A_453 : memref<1x128x128xf32, #tpu.memory_space<vmem>> -> memref<128x128xf32, #tpu.memory_space<vmem>>
        %dma_wait3A_455 = arith.constant 0 : i32
        %dma_wait3A_456 = tpu.memref_slice %arg8[%add3A_438, %dma_wait3A_455] : memref<128x128xi32, #tpu.memory_space<vmem>> -> memref<1x128xi32, #tpu.memory_space<vmem>>
        %dma_wait3A_457 = tpu.memref_squeeze %dma_wait3A_456 : memref<1x128xi32, #tpu.memory_space<vmem>> -> memref<128xi32, #tpu.memory_space<vmem>>
        %dma_wait3A_458 = arith.constant 0 : i32
        %dma_wait3A_459 = arith.constant 0 : i32
        %dma_wait3A_460 = tpu.memref_slice %arg10[%dma_wait3A_458, %dma_wait3A_459] : memref<10000x128xf32, #tpu.memory_space<vmem_shared>> -> memref<10000x128xf32, #tpu.memory_space<vmem_shared>>
        tpu.wait_indirect_dma semaphore(%arg14 : memref<!tpu.dma_semaphore, #tpu.memory_space<semaphore_mem>>) src(%dma_wait3A_454 : memref<128x128xf32, #tpu.memory_space<vmem>>) dst(%dma_wait3A_460 : memref<10000x128xf32, #tpu.memory_space<vmem_shared>>)
        %dma_start3A_461 = arith.constant 1 : i32
        %dma_start3A_462 = arith.constant 3 : i32
        %dma_start3A_463 = arith.constant 1 : i32
        %dma_start3A_464 = arith.constant 0 : i32
        %dma_start3A_465 = arith.constant 0 : i32
        %dma_start3A_466 = tpu.memref_slice %arg9[%dma_start3A_463, %dma_start3A_464, %dma_start3A_465] : memref<2x128x128xf32, #tpu.memory_space<vmem>> -> memref<1x128x128xf32, #tpu.memory_space<vmem>>
        %dma_start3A_467 = tpu.memref_squeeze %dma_start3A_466 : memref<1x128x128xf32, #tpu.memory_space<vmem>> -> memref<128x128xf32, #tpu.memory_space<vmem>>
        %dma_start3A_468 = arith.constant 0 : i32
        %dma_start3A_469 = tpu.memref_slice %arg7[%dma_start3A_461, %dma_start3A_462, %dma_start3A_468] : memref<2x4x128xi32, #tpu.memory_space<vmem>> -> memref<1x1x128xi32, #tpu.memory_space<vmem>>
        %dma_start3A_470 = tpu.memref_squeeze %dma_start3A_469 : memref<1x1x128xi32, #tpu.memory_space<vmem>> -> memref<128xi32, #tpu.memory_space<vmem>>
        %dma_start3A_471 = arith.constant 0 : i32
        %dma_start3A_472 = arith.constant 0 : i32
        %dma_start3A_473 = tpu.memref_slice %arg2[%dma_start3A_471, %dma_start3A_472] : memref<10008x128xf32, #tpu.memory_space<hbm>> -> memref<10008x128xf32, #tpu.memory_space<hbm>>
        tpu.enqueue_indirect_dma source(%dma_start3A_473 : memref<10008x128xf32, #tpu.memory_space<hbm>>) target(%dma_start3A_467 : memref<128x128xf32, #tpu.memory_space<vmem>>) offsets(%dma_start3A_470 : memref<128xi32, #tpu.memory_space<vmem>>) semaphore(%arg12 : memref<!tpu.dma_semaphore, #tpu.memory_space<semaphore_mem>>)
        %dma_wait3A_474 = arith.constant 1 : i32
        %dma_wait3A_475 = arith.constant 2 : i32
        %dma_wait3A_476 = arith.constant 0 : i32
        %dma_wait3A_477 = arith.constant 0 : i32
        %dma_wait3A_478 = arith.constant 0 : i32
        %dma_wait3A_479 = tpu.memref_slice %arg9[%dma_wait3A_476, %dma_wait3A_477, %dma_wait3A_478] : memref<2x128x128xf32, #tpu.memory_space<vmem>> -> memref<1x128x128xf32, #tpu.memory_space<vmem>>
        %dma_wait3A_480 = tpu.memref_squeeze %dma_wait3A_479 : memref<1x128x128xf32, #tpu.memory_space<vmem>> -> memref<128x128xf32, #tpu.memory_space<vmem>>
        %dma_wait3A_481 = arith.constant 0 : i32
        %dma_wait3A_482 = tpu.memref_slice %arg7[%dma_wait3A_474, %dma_wait3A_475, %dma_wait3A_481] : memref<2x4x128xi32, #tpu.memory_space<vmem>> -> memref<1x1x128xi32, #tpu.memory_space<vmem>>
        %dma_wait3A_483 = tpu.memref_squeeze %dma_wait3A_482 : memref<1x1x128xi32, #tpu.memory_space<vmem>> -> memref<128xi32, #tpu.memory_space<vmem>>
        %dma_wait3A_484 = arith.constant 0 : i32
        %dma_wait3A_485 = arith.constant 0 : i32
        %dma_wait3A_486 = tpu.memref_slice %arg2[%dma_wait3A_484, %dma_wait3A_485] : memref<10008x128xf32, #tpu.memory_space<hbm>> -> memref<10008x128xf32, #tpu.memory_space<hbm>>
        tpu.wait_indirect_dma semaphore(%arg11 : memref<!tpu.dma_semaphore, #tpu.memory_space<semaphore_mem>>) src(%dma_wait3A_486 : memref<10008x128xf32, #tpu.memory_space<hbm>>) dst(%dma_wait3A_480 : memref<128x128xf32, #tpu.memory_space<vmem>>)
        %mul3A_487 = arith.constant 4 : i32
        %mul3A_488 = arith.muli %add3A_139, %mul3A_487 : i32
        %add3A_489 = arith.constant 6 : i32
        %add3A_490 = arith.addi %mul3A_488, %add3A_489 : i32
        %dma_start3A_491 = arith.constant 0 : i32
        %dma_start3A_492 = arith.constant 0 : i32
        %dma_start3A_493 = arith.constant 0 : i32
        %dma_start3A_494 = tpu.memref_slice %arg9[%dma_start3A_491, %dma_start3A_492, %dma_start3A_493] : memref<2x128x128xf32, #tpu.memory_space<vmem>> -> memref<1x128x128xf32, #tpu.memory_space<vmem>>
        %dma_start3A_495 = tpu.memref_squeeze %dma_start3A_494 : memref<1x128x128xf32, #tpu.memory_space<vmem>> -> memref<128x128xf32, #tpu.memory_space<vmem>>
        %dma_start3A_496 = arith.constant 0 : i32
        %dma_start3A_497 = tpu.memref_slice %arg8[%add3A_490, %dma_start3A_496] : memref<128x128xi32, #tpu.memory_space<vmem>> -> memref<1x128xi32, #tpu.memory_space<vmem>>
        %dma_start3A_498 = tpu.memref_squeeze %dma_start3A_497 : memref<1x128xi32, #tpu.memory_space<vmem>> -> memref<128xi32, #tpu.memory_space<vmem>>
        %dma_start3A_499 = arith.constant 0 : i32
        %dma_start3A_500 = arith.constant 0 : i32
        %dma_start3A_501 = tpu.memref_slice %arg10[%dma_start3A_499, %dma_start3A_500] : memref<10000x128xf32, #tpu.memory_space<vmem_shared>> -> memref<10000x128xf32, #tpu.memory_space<vmem_shared>>
        tpu.enqueue_indirect_dma source(%dma_start3A_495 : memref<128x128xf32, #tpu.memory_space<vmem>>) target(%dma_start3A_501 : memref<10000x128xf32, #tpu.memory_space<vmem_shared>>) offsets(%dma_start3A_498 : memref<128xi32, #tpu.memory_space<vmem>>) semaphore(%arg13 : memref<!tpu.dma_semaphore, #tpu.memory_space<semaphore_mem>>) {add = true}
        %dma_wait3A_502 = arith.constant 0 : i32
        %dma_wait3A_503 = arith.constant 0 : i32
        %dma_wait3A_504 = arith.constant 0 : i32
        %dma_wait3A_505 = tpu.memref_slice %arg9[%dma_wait3A_502, %dma_wait3A_503, %dma_wait3A_504] : memref<2x128x128xf32, #tpu.memory_space<vmem>> -> memref<1x128x128xf32, #tpu.memory_space<vmem>>
        %dma_wait3A_506 = tpu.memref_squeeze %dma_wait3A_505 : memref<1x128x128xf32, #tpu.memory_space<vmem>> -> memref<128x128xf32, #tpu.memory_space<vmem>>
        %dma_wait3A_507 = arith.constant 0 : i32
        %dma_wait3A_508 = tpu.memref_slice %arg8[%add3A_490, %dma_wait3A_507] : memref<128x128xi32, #tpu.memory_space<vmem>> -> memref<1x128xi32, #tpu.memory_space<vmem>>
        %dma_wait3A_509 = tpu.memref_squeeze %dma_wait3A_508 : memref<1x128xi32, #tpu.memory_space<vmem>> -> memref<128xi32, #tpu.memory_space<vmem>>
        %dma_wait3A_510 = arith.constant 0 : i32
        %dma_wait3A_511 = arith.constant 0 : i32
        %dma_wait3A_512 = tpu.memref_slice %arg10[%dma_wait3A_510, %dma_wait3A_511] : memref<10000x128xf32, #tpu.memory_space<vmem_shared>> -> memref<10000x128xf32, #tpu.memory_space<vmem_shared>>
        tpu.wait_indirect_dma semaphore(%arg13 : memref<!tpu.dma_semaphore, #tpu.memory_space<semaphore_mem>>) src(%dma_wait3A_506 : memref<128x128xf32, #tpu.memory_space<vmem>>) dst(%dma_wait3A_512 : memref<10000x128xf32, #tpu.memory_space<vmem_shared>>)
        %add3A_513 = arith.constant 2 : i32
        %add3A_514 = arith.addi %add3A_139, %add3A_513 : i32
        %lt3A_515 = arith.constant 8 : i32
        %lt3A_516 = arith.cmpi slt, %add3A_514, %lt3A_515 : i32
        %convert_element_type3A_517 = arith.extui %lt3A_516 : i1 to i32
        %cond3A_518 = arith.constant 0 : i32
        %cond3A_519 = arith.cmpi ne, %convert_element_type3A_517, %cond3A_518 : i32
        scf.if %cond3A_519 {
          %dma_wait3A_573 = arith.constant 0 : i32
          %dma_wait3A_574 = arith.constant 0 : i32
          %dma_wait3A_575 = arith.constant 0 : i32
          %dma_wait3A_576 = tpu.memref_slice %arg7[%dma_wait3A_573, %dma_wait3A_574, %dma_wait3A_575] : memref<2x4x128xi32, #tpu.memory_space<vmem>> -> memref<1x4x128xi32, #tpu.memory_space<vmem>>
          %dma_wait3A_577 = tpu.memref_squeeze %dma_wait3A_576 : memref<1x4x128xi32, #tpu.memory_space<vmem>> -> memref<4x128xi32, #tpu.memory_space<vmem>>
          %dma_wait3A_578 = arith.constant 0 : i32
          %dma_wait3A_579 = arith.constant 0 : i32
          %dma_wait3A_580 = tpu.memref_slice %arg3[%dma_wait3A_578, %dma_wait3A_579] : memref<2560x128xi32, #tpu.memory_space<hbm>> -> memref<4x128xi32, #tpu.memory_space<hbm>>
          %dma_wait3A_581 = arith.constant 0 : i32
          %dma_wait3A_582 = arith.constant 0 : i32
          %dma_wait3A_583 = tpu.memref_slice %arg7[%dma_wait3A_573, %dma_wait3A_581, %dma_wait3A_582] : memref<2x4x128xi32, #tpu.memory_space<vmem>> -> memref<1x4x128xi32, #tpu.memory_space<vmem>>
          %dma_wait3A_584 = tpu.memref_squeeze %dma_wait3A_583 : memref<1x4x128xi32, #tpu.memory_space<vmem>> -> memref<4x128xi32, #tpu.memory_space<vmem>>
          %dma_wait3A_585 = arith.constant 0 : i32
          %dma_wait3A_586 = arith.constant 0 : i32
          %dma_wait3A_587 = tpu.memref_slice %arg3[%dma_wait3A_585, %dma_wait3A_586] : memref<2560x128xi32, #tpu.memory_space<hbm>> -> memref<4x128xi32, #tpu.memory_space<hbm>>
          tpu.wait_dma2 semaphore(%arg15 : memref<!tpu.dma_semaphore, #tpu.memory_space<semaphore_mem>>) src(%dma_wait3A_587 : memref<4x128xi32, #tpu.memory_space<hbm>>) dst(%dma_wait3A_584 : memref<4x128xi32, #tpu.memory_space<vmem>>)
          %dma_start3A_588 = arith.constant 0 : i32
          %dma_start3A_589 = arith.constant 0 : i32
          %dma_start3A_590 = arith.constant 0 : i32
          %dma_start3A_591 = arith.constant 0 : i32
          %dma_start3A_592 = arith.constant 0 : i32
          %dma_start3A_593 = tpu.memref_slice %arg9[%dma_start3A_590, %dma_start3A_591, %dma_start3A_592] : memref<2x128x128xf32, #tpu.memory_space<vmem>> -> memref<1x128x128xf32, #tpu.memory_space<vmem>>
          %dma_start3A_594 = tpu.memref_squeeze %dma_start3A_593 : memref<1x128x128xf32, #tpu.memory_space<vmem>> -> memref<128x128xf32, #tpu.memory_space<vmem>>
          %dma_start3A_595 = arith.constant 0 : i32
          %dma_start3A_596 = tpu.memref_slice %arg7[%dma_start3A_588, %dma_start3A_589, %dma_start3A_595] : memref<2x4x128xi32, #tpu.memory_space<vmem>> -> memref<1x1x128xi32, #tpu.memory_space<vmem>>
          %dma_start3A_597 = tpu.memref_squeeze %dma_start3A_596 : memref<1x1x128xi32, #tpu.memory_space<vmem>> -> memref<128xi32, #tpu.memory_space<vmem>>
          %dma_start3A_598 = arith.constant 0 : i32
          %dma_start3A_599 = arith.constant 0 : i32
          %dma_start3A_600 = tpu.memref_slice %arg2[%dma_start3A_598, %dma_start3A_599] : memref<10008x128xf32, #tpu.memory_space<hbm>> -> memref<10008x128xf32, #tpu.memory_space<hbm>>
          tpu.enqueue_indirect_dma source(%dma_start3A_600 : memref<10008x128xf32, #tpu.memory_space<hbm>>) target(%dma_start3A_594 : memref<128x128xf32, #tpu.memory_space<vmem>>) offsets(%dma_start3A_597 : memref<128xi32, #tpu.memory_space<vmem>>) semaphore(%arg11 : memref<!tpu.dma_semaphore, #tpu.memory_space<semaphore_mem>>)
        } else {
        }
        %dma_wait3A_520 = arith.constant 1 : i32
        %dma_wait3A_521 = arith.constant 3 : i32
        %dma_wait3A_522 = arith.constant 1 : i32
        %dma_wait3A_523 = arith.constant 0 : i32
        %dma_wait3A_524 = arith.constant 0 : i32
        %dma_wait3A_525 = tpu.memref_slice %arg9[%dma_wait3A_522, %dma_wait3A_523, %dma_wait3A_524] : memref<2x128x128xf32, #tpu.memory_space<vmem>> -> memref<1x128x128xf32, #tpu.memory_space<vmem>>
        %dma_wait3A_526 = tpu.memref_squeeze %dma_wait3A_525 : memref<1x128x128xf32, #tpu.memory_space<vmem>> -> memref<128x128xf32, #tpu.memory_space<vmem>>
        %dma_wait3A_527 = arith.constant 0 : i32
        %dma_wait3A_528 = tpu.memref_slice %arg7[%dma_wait3A_520, %dma_wait3A_521, %dma_wait3A_527] : memref<2x4x128xi32, #tpu.memory_space<vmem>> -> memref<1x1x128xi32, #tpu.memory_space<vmem>>
        %dma_wait3A_529 = tpu.memref_squeeze %dma_wait3A_528 : memref<1x1x128xi32, #tpu.memory_space<vmem>> -> memref<128xi32, #tpu.memory_space<vmem>>
        %dma_wait3A_530 = arith.constant 0 : i32
        %dma_wait3A_531 = arith.constant 0 : i32
        %dma_wait3A_532 = tpu.memref_slice %arg2[%dma_wait3A_530, %dma_wait3A_531] : memref<10008x128xf32, #tpu.memory_space<hbm>> -> memref<10008x128xf32, #tpu.memory_space<hbm>>
        tpu.wait_indirect_dma semaphore(%arg12 : memref<!tpu.dma_semaphore, #tpu.memory_space<semaphore_mem>>) src(%dma_wait3A_532 : memref<10008x128xf32, #tpu.memory_space<hbm>>) dst(%dma_wait3A_526 : memref<128x128xf32, #tpu.memory_space<vmem>>)
        %add3A_533 = arith.constant 3 : i32
        %add3A_534 = arith.addi %add3A_139, %add3A_533 : i32
        %lt3A_535 = arith.constant 8 : i32
        %lt3A_536 = arith.cmpi slt, %add3A_534, %lt3A_535 : i32
        %convert_element_type3A_537 = arith.extui %lt3A_536 : i1 to i32
        %cond3A_538 = arith.constant 0 : i32
        %cond3A_539 = arith.cmpi ne, %convert_element_type3A_537, %cond3A_538 : i32
        scf.if %cond3A_539 {
          %add3A_573 = arith.constant 3 : i32
          %add3A_574 = arith.addi %add3A_139, %add3A_573 : i32
          %mul3A_575 = arith.constant 4 : i32
          %mul3A_576 = arith.muli %add3A_574, %mul3A_575 : i32
          %add3A_577 = arith.addi %add3A_40, %mul3A_576 : i32
          %dma_start3A_578 = arith.constant 1 : i32
          %dma_start3A_579 = arith.constant 0 : i32
          %dma_start3A_580 = arith.constant 0 : i32
          %dma_start3A_581 = tpu.memref_slice %arg7[%dma_start3A_578, %dma_start3A_579, %dma_start3A_580] : memref<2x4x128xi32, #tpu.memory_space<vmem>> -> memref<1x4x128xi32, #tpu.memory_space<vmem>>
          %dma_start3A_582 = tpu.memref_squeeze %dma_start3A_581 : memref<1x4x128xi32, #tpu.memory_space<vmem>> -> memref<4x128xi32, #tpu.memory_space<vmem>>
          %dma_start3A_583 = arith.constant 0 : i32
          %dma_start3A_584 = tpu.memref_slice %arg3[%add3A_577, %dma_start3A_583] : memref<2560x128xi32, #tpu.memory_space<hbm>> -> memref<4x128xi32, #tpu.memory_space<hbm>>
          %dma_start3A_585 = arith.constant 0 : i32
          %dma_start3A_586 = arith.constant 0 : i32
          %dma_start3A_587 = tpu.memref_slice %arg7[%dma_start3A_578, %dma_start3A_585, %dma_start3A_586] : memref<2x4x128xi32, #tpu.memory_space<vmem>> -> memref<1x4x128xi32, #tpu.memory_space<vmem>>
          %dma_start3A_588 = tpu.memref_squeeze %dma_start3A_587 : memref<1x4x128xi32, #tpu.memory_space<vmem>> -> memref<4x128xi32, #tpu.memory_space<vmem>>
          %dma_start3A_589 = arith.constant 0 : i32
          %dma_start3A_590 = tpu.memref_slice %arg3[%add3A_577, %dma_start3A_589] : memref<2560x128xi32, #tpu.memory_space<hbm>> -> memref<4x128xi32, #tpu.memory_space<hbm>>
          tpu.enqueue_dma source(%dma_start3A_590 : memref<4x128xi32, #tpu.memory_space<hbm>>) target(%dma_start3A_588 : memref<4x128xi32, #tpu.memory_space<vmem>>) target_semaphore(%arg16 : memref<!tpu.dma_semaphore, #tpu.memory_space<semaphore_mem>>)
        } else {
        }
        %mul3A_540 = arith.constant 4 : i32
        %mul3A_541 = arith.muli %add3A_139, %mul3A_540 : i32
        %add3A_542 = arith.constant 7 : i32
        %add3A_543 = arith.addi %mul3A_541, %add3A_542 : i32
        %dma_start3A_544 = arith.constant 1 : i32
        %dma_start3A_545 = arith.constant 0 : i32
        %dma_start3A_546 = arith.constant 0 : i32
        %dma_start3A_547 = tpu.memref_slice %arg9[%dma_start3A_544, %dma_start3A_545, %dma_start3A_546] : memref<2x128x128xf32, #tpu.memory_space<vmem>> -> memref<1x128x128xf32, #tpu.memory_space<vmem>>
        %dma_start3A_548 = tpu.memref_squeeze %dma_start3A_547 : memref<1x128x128xf32, #tpu.memory_space<vmem>> -> memref<128x128xf32, #tpu.memory_space<vmem>>
        %dma_start3A_549 = arith.constant 0 : i32
        %dma_start3A_550 = tpu.memref_slice %arg8[%add3A_543, %dma_start3A_549] : memref<128x128xi32, #tpu.memory_space<vmem>> -> memref<1x128xi32, #tpu.memory_space<vmem>>
        %dma_start3A_551 = tpu.memref_squeeze %dma_start3A_550 : memref<1x128xi32, #tpu.memory_space<vmem>> -> memref<128xi32, #tpu.memory_space<vmem>>
        %dma_start3A_552 = arith.constant 0 : i32
        %dma_start3A_553 = arith.constant 0 : i32
        %dma_start3A_554 = tpu.memref_slice %arg10[%dma_start3A_552, %dma_start3A_553] : memref<10000x128xf32, #tpu.memory_space<vmem_shared>> -> memref<10000x128xf32, #tpu.memory_space<vmem_shared>>
        tpu.enqueue_indirect_dma source(%dma_start3A_548 : memref<128x128xf32, #tpu.memory_space<vmem>>) target(%dma_start3A_554 : memref<10000x128xf32, #tpu.memory_space<vmem_shared>>) offsets(%dma_start3A_551 : memref<128xi32, #tpu.memory_space<vmem>>) semaphore(%arg14 : memref<!tpu.dma_semaphore, #tpu.memory_space<semaphore_mem>>) {add = true}
        %dma_wait3A_555 = arith.constant 1 : i32
        %dma_wait3A_556 = arith.constant 0 : i32
        %dma_wait3A_557 = arith.constant 0 : i32
        %dma_wait3A_558 = tpu.memref_slice %arg9[%dma_wait3A_555, %dma_wait3A_556, %dma_wait3A_557] : memref<2x128x128xf32, #tpu.memory_space<vmem>> -> memref<1x128x128xf32, #tpu.memory_space<vmem>>
        %dma_wait3A_559 = tpu.memref_squeeze %dma_wait3A_558 : memref<1x128x128xf32, #tpu.memory_space<vmem>> -> memref<128x128xf32, #tpu.memory_space<vmem>>
        %dma_wait3A_560 = arith.constant 0 : i32
        %dma_wait3A_561 = tpu.memref_slice %arg8[%add3A_543, %dma_wait3A_560] : memref<128x128xi32, #tpu.memory_space<vmem>> -> memref<1x128xi32, #tpu.memory_space<vmem>>
        %dma_wait3A_562 = tpu.memref_squeeze %dma_wait3A_561 : memref<1x128xi32, #tpu.memory_space<vmem>> -> memref<128xi32, #tpu.memory_space<vmem>>
        %dma_wait3A_563 = arith.constant 0 : i32
        %dma_wait3A_564 = arith.constant 0 : i32
        %dma_wait3A_565 = tpu.memref_slice %arg10[%dma_wait3A_563, %dma_wait3A_564] : memref<10000x128xf32, #tpu.memory_space<vmem_shared>> -> memref<10000x128xf32, #tpu.memory_space<vmem_shared>>
        tpu.wait_indirect_dma semaphore(%arg14 : memref<!tpu.dma_semaphore, #tpu.memory_space<semaphore_mem>>) src(%dma_wait3A_559 : memref<128x128xf32, #tpu.memory_space<vmem>>) dst(%dma_wait3A_565 : memref<10000x128xf32, #tpu.memory_space<vmem_shared>>)
        %add3A_566 = arith.constant 2 : i32
        %add3A_567 = arith.addi %add3A_139, %add3A_566 : i32
        %lt3A_568 = arith.constant 8 : i32
        %lt3A_569 = arith.cmpi slt, %add3A_567, %lt3A_568 : i32
        %convert_element_type3A_570 = arith.extui %lt3A_569 : i1 to i32
        %cond3A_571 = arith.constant 0 : i32
        %cond3A_572 = arith.cmpi ne, %convert_element_type3A_570, %cond3A_571 : i32
        scf.if %cond3A_572 {
          %dma_start3A_573 = arith.constant 0 : i32
          %dma_start3A_574 = arith.constant 1 : i32
          %dma_start3A_575 = arith.constant 1 : i32
          %dma_start3A_576 = arith.constant 0 : i32
          %dma_start3A_577 = arith.constant 0 : i32
          %dma_start3A_578 = tpu.memref_slice %arg9[%dma_start3A_575, %dma_start3A_576, %dma_start3A_577] : memref<2x128x128xf32, #tpu.memory_space<vmem>> -> memref<1x128x128xf32, #tpu.memory_space<vmem>>
          %dma_start3A_579 = tpu.memref_squeeze %dma_start3A_578 : memref<1x128x128xf32, #tpu.memory_space<vmem>> -> memref<128x128xf32, #tpu.memory_space<vmem>>
          %dma_start3A_580 = arith.constant 0 : i32
          %dma_start3A_581 = tpu.memref_slice %arg7[%dma_start3A_573, %dma_start3A_574, %dma_start3A_580] : memref<2x4x128xi32, #tpu.memory_space<vmem>> -> memref<1x1x128xi32, #tpu.memory_space<vmem>>
          %dma_start3A_582 = tpu.memref_squeeze %dma_start3A_581 : memref<1x1x128xi32, #tpu.memory_space<vmem>> -> memref<128xi32, #tpu.memory_space<vmem>>
          %dma_start3A_583 = arith.constant 0 : i32
          %dma_start3A_584 = arith.constant 0 : i32
          %dma_start3A_585 = tpu.memref_slice %arg2[%dma_start3A_583, %dma_start3A_584] : memref<10008x128xf32, #tpu.memory_space<hbm>> -> memref<10008x128xf32, #tpu.memory_space<hbm>>
          tpu.enqueue_indirect_dma source(%dma_start3A_585 : memref<10008x128xf32, #tpu.memory_space<hbm>>) target(%dma_start3A_579 : memref<128x128xf32, #tpu.memory_space<vmem>>) offsets(%dma_start3A_582 : memref<128xi32, #tpu.memory_space<vmem>>) semaphore(%arg12 : memref<!tpu.dma_semaphore, #tpu.memory_space<semaphore_mem>>)
        } else {
        }
      }
      %scan3A_134 = arith.constant 4 : i32
    } else {
    }
    %barrier3A_27 = arith.constant 0 : index
    tpu.barrier barrier_id(%barrier3A_27)
    %eq3A_28 = arith.constant 0 : i32
    %eq3A_29 = arith.cmpi eq, %arg0, %eq3A_28 : i32
    %convert_element_type3A_30 = arith.extui %eq3A_29 : i1 to i32
    %cond3A_31 = arith.constant 0 : i32
    %cond3A_32 = arith.cmpi ne, %convert_element_type3A_30, %cond3A_31 : i32
    scf.if %cond3A_32 {
      %lt3A_38 = arith.constant 15 : i32
      %lt3A_39 = arith.cmpi slt, %arg1, %lt3A_38 : i32
      %convert_element_type3A_40 = arith.extui %lt3A_39 : i1 to i32
      %cond3A_41 = arith.constant 0 : i32
      %cond3A_42 = arith.cmpi ne, %convert_element_type3A_40, %cond3A_41 : i32
      scf.if %cond3A_42 {
        "tpu.region"() ({
          %run_scoped3A = tpu.sem_alloc : memref<!tpu.dma_semaphore, #tpu.memory_space<semaphore_mem>>
          %dma_start3A = arith.constant 0 : i32
          %dma_start3A_48 = tpu.memref_slice %arg5[%mul3A_0, %dma_start3A] : memref<10000x128xf32, #tpu.memory_space<hbm>> -> memref<640x128xf32, #tpu.memory_space<hbm>>
          %dma_start3A_49 = arith.constant 0 : i32
          %dma_start3A_50 = tpu.memref_slice %arg10[%mul3A_0, %dma_start3A_49] : memref<10000x128xf32, #tpu.memory_space<vmem_shared>> -> memref<640x128xf32, #tpu.memory_space<vmem_shared>>
          tpu.enqueue_dma source(%dma_start3A_50 : memref<640x128xf32, #tpu.memory_space<vmem_shared>>) target(%dma_start3A_48 : memref<640x128xf32, #tpu.memory_space<hbm>>) target_semaphore(%run_scoped3A : memref<!tpu.dma_semaphore, #tpu.memory_space<semaphore_mem>>)
          %dma_wait3A = arith.constant 0 : i32
          %dma_wait3A_51 = tpu.memref_slice %arg5[%mul3A_0, %dma_wait3A] : memref<10000x128xf32, #tpu.memory_space<hbm>> -> memref<640x128xf32, #tpu.memory_space<hbm>>
          %dma_wait3A_52 = arith.constant 0 : i32
          %dma_wait3A_53 = tpu.memref_slice %arg10[%mul3A_0, %dma_wait3A_52] : memref<10000x128xf32, #tpu.memory_space<vmem_shared>> -> memref<640x128xf32, #tpu.memory_space<vmem_shared>>
          tpu.wait_dma2 semaphore(%run_scoped3A : memref<!tpu.dma_semaphore, #tpu.memory_space<semaphore_mem>>) src(%dma_wait3A_53 : memref<640x128xf32, #tpu.memory_space<vmem_shared>>) dst(%dma_wait3A_51 : memref<640x128xf32, #tpu.memory_space<hbm>>)
          tpu.yield
        }) : () -> ()
      } else {
      }
      %eq3A_43 = arith.constant 15 : i32
      %eq3A_44 = arith.cmpi eq, %arg1, %eq3A_43 : i32
      %convert_element_type3A_45 = arith.extui %eq3A_44 : i1 to i32
      %cond3A_46 = arith.constant 0 : i32
      %cond3A_47 = arith.cmpi ne, %convert_element_type3A_45, %cond3A_46 : i32
      scf.if %cond3A_47 {
        "tpu.region"() ({
          %run_scoped3A = tpu.sem_alloc : memref<!tpu.dma_semaphore, #tpu.memory_space<semaphore_mem>>
          %dma_start3A = arith.constant 9600 : i32
          %dma_start3A_48 = arith.constant 0 : i32
          %dma_start3A_49 = tpu.memref_slice %arg5[%dma_start3A, %dma_start3A_48] : memref<10000x128xf32, #tpu.memory_space<hbm>> -> memref<400x128xf32, #tpu.memory_space<hbm>>
          %dma_start3A_50 = arith.constant 9600 : i32
          %dma_start3A_51 = arith.constant 0 : i32
          %dma_start3A_52 = tpu.memref_slice %arg10[%dma_start3A_50, %dma_start3A_51] : memref<10000x128xf32, #tpu.memory_space<vmem_shared>> -> memref<400x128xf32, #tpu.memory_space<vmem_shared>>
          tpu.enqueue_dma source(%dma_start3A_52 : memref<400x128xf32, #tpu.memory_space<vmem_shared>>) target(%dma_start3A_49 : memref<400x128xf32, #tpu.memory_space<hbm>>) target_semaphore(%run_scoped3A : memref<!tpu.dma_semaphore, #tpu.memory_space<semaphore_mem>>)
          %dma_wait3A = arith.constant 9600 : i32
          %dma_wait3A_53 = arith.constant 0 : i32
          %dma_wait3A_54 = tpu.memref_slice %arg5[%dma_wait3A, %dma_wait3A_53] : memref<10000x128xf32, #tpu.memory_space<hbm>> -> memref<400x128xf32, #tpu.memory_space<hbm>>
          %dma_wait3A_55 = arith.constant 9600 : i32
          %dma_wait3A_56 = arith.constant 0 : i32
          %dma_wait3A_57 = tpu.memref_slice %arg10[%dma_wait3A_55, %dma_wait3A_56] : memref<10000x128xf32, #tpu.memory_space<vmem_shared>> -> memref<400x128xf32, #tpu.memory_space<vmem_shared>>
          tpu.wait_dma2 semaphore(%run_scoped3A : memref<!tpu.dma_semaphore, #tpu.memory_space<semaphore_mem>>) src(%dma_wait3A_57 : memref<400x128xf32, #tpu.memory_space<vmem_shared>>) dst(%dma_wait3A_54 : memref<400x128xf32, #tpu.memory_space<hbm>>)
          tpu.yield
        }) : () -> ()
      } else {
      }
    } else {
    }
    %eq3A_33 = arith.constant 1 : i32
    %eq3A_34 = arith.cmpi eq, %arg0, %eq3A_33 : i32
    %convert_element_type3A_35 = arith.extui %eq3A_34 : i1 to i32
    %cond3A_36 = arith.constant 0 : i32
    %cond3A_37 = arith.cmpi ne, %convert_element_type3A_35, %cond3A_36 : i32
    scf.if %cond3A_37 {
      %lt3A_38 = arith.constant 15 : i32
      %lt3A_39 = arith.cmpi slt, %arg1, %lt3A_38 : i32
      %convert_element_type3A_40 = arith.extui %lt3A_39 : i1 to i32
      %cond3A_41 = arith.constant 0 : i32
      %cond3A_42 = arith.cmpi ne, %convert_element_type3A_40, %cond3A_41 : i32
      scf.if %cond3A_42 {
        "tpu.region"() ({
          %run_scoped3A = tpu.sem_alloc : memref<!tpu.dma_semaphore, #tpu.memory_space<semaphore_mem>>
          %dma_start3A = arith.constant 0 : i32
          %dma_start3A_48 = tpu.memref_slice %arg6[%mul3A_0, %dma_start3A] : memref<10000x128xf32, #tpu.memory_space<hbm>> -> memref<640x128xf32, #tpu.memory_space<hbm>>
          %dma_start3A_49 = arith.constant 0 : i32
          %dma_start3A_50 = tpu.memref_slice %arg10[%mul3A_0, %dma_start3A_49] : memref<10000x128xf32, #tpu.memory_space<vmem_shared>> -> memref<640x128xf32, #tpu.memory_space<vmem_shared>>
          tpu.enqueue_dma source(%dma_start3A_50 : memref<640x128xf32, #tpu.memory_space<vmem_shared>>) target(%dma_start3A_48 : memref<640x128xf32, #tpu.memory_space<hbm>>) target_semaphore(%run_scoped3A : memref<!tpu.dma_semaphore, #tpu.memory_space<semaphore_mem>>)
          %dma_wait3A = arith.constant 0 : i32
          %dma_wait3A_51 = tpu.memref_slice %arg6[%mul3A_0, %dma_wait3A] : memref<10000x128xf32, #tpu.memory_space<hbm>> -> memref<640x128xf32, #tpu.memory_space<hbm>>
          %dma_wait3A_52 = arith.constant 0 : i32
          %dma_wait3A_53 = tpu.memref_slice %arg10[%mul3A_0, %dma_wait3A_52] : memref<10000x128xf32, #tpu.memory_space<vmem_shared>> -> memref<640x128xf32, #tpu.memory_space<vmem_shared>>
          tpu.wait_dma2 semaphore(%run_scoped3A : memref<!tpu.dma_semaphore, #tpu.memory_space<semaphore_mem>>) src(%dma_wait3A_53 : memref<640x128xf32, #tpu.memory_space<vmem_shared>>) dst(%dma_wait3A_51 : memref<640x128xf32, #tpu.memory_space<hbm>>)
          tpu.yield
        }) : () -> ()
      } else {
      }
      %eq3A_43 = arith.constant 15 : i32
      %eq3A_44 = arith.cmpi eq, %arg1, %eq3A_43 : i32
      %convert_element_type3A_45 = arith.extui %eq3A_44 : i1 to i32
      %cond3A_46 = arith.constant 0 : i32
      %cond3A_47 = arith.cmpi ne, %convert_element_type3A_45, %cond3A_46 : i32
      scf.if %cond3A_47 {
        "tpu.region"() ({
          %run_scoped3A = tpu.sem_alloc : memref<!tpu.dma_semaphore, #tpu.memory_space<semaphore_mem>>
          %dma_start3A = arith.constant 9600 : i32
          %dma_start3A_48 = arith.constant 0 : i32
          %dma_start3A_49 = tpu.memref_slice %arg6[%dma_start3A, %dma_start3A_48] : memref<10000x128xf32, #tpu.memory_space<hbm>> -> memref<400x128xf32, #tpu.memory_space<hbm>>
          %dma_start3A_50 = arith.constant 9600 : i32
          %dma_start3A_51 = arith.constant 0 : i32
          %dma_start3A_52 = tpu.memref_slice %arg10[%dma_start3A_50, %dma_start3A_51] : memref<10000x128xf32, #tpu.memory_space<vmem_shared>> -> memref<400x128xf32, #tpu.memory_space<vmem_shared>>
          tpu.enqueue_dma source(%dma_start3A_52 : memref<400x128xf32, #tpu.memory_space<vmem_shared>>) target(%dma_start3A_49 : memref<400x128xf32, #tpu.memory_space<hbm>>) target_semaphore(%run_scoped3A : memref<!tpu.dma_semaphore, #tpu.memory_space<semaphore_mem>>)
          %dma_wait3A = arith.constant 9600 : i32
          %dma_wait3A_53 = arith.constant 0 : i32
          %dma_wait3A_54 = tpu.memref_slice %arg6[%dma_wait3A, %dma_wait3A_53] : memref<10000x128xf32, #tpu.memory_space<hbm>> -> memref<400x128xf32, #tpu.memory_space<hbm>>
          %dma_wait3A_55 = arith.constant 9600 : i32
          %dma_wait3A_56 = arith.constant 0 : i32
          %dma_wait3A_57 = tpu.memref_slice %arg10[%dma_wait3A_55, %dma_wait3A_56] : memref<10000x128xf32, #tpu.memory_space<vmem_shared>> -> memref<400x128xf32, #tpu.memory_space<vmem_shared>>
          tpu.wait_dma2 semaphore(%run_scoped3A : memref<!tpu.dma_semaphore, #tpu.memory_space<semaphore_mem>>) src(%dma_wait3A_57 : memref<400x128xf32, #tpu.memory_space<vmem_shared>>) dst(%dma_wait3A_54 : memref<400x128xf32, #tpu.memory_space<hbm>>)
          tpu.yield
        }) : () -> ()
      } else {
      }
    } else {
    }
    return
  }
}

#map = affine_map<(d0, d1) -> (0, 0)>
module attributes {stable_mosaic.version = 14 : i64} {
  func.func @k(%arg0: i32, %arg1: i32, %arg2: memref<10008x128xf32, #tpu.memory_space<hbm>>, %arg3: memref<2560x128xi32, #tpu.memory_space<hbm>>, %arg4: memref<2560x128xi32, #tpu.memory_space<hbm>>, %arg5: memref<10000x128xf32, #tpu.memory_space<hbm>>, %arg6: memref<10000x128xf32, #tpu.memory_space<hbm>>, %arg7: memref<2x4x128xi32, #tpu.memory_space<vmem>>, %arg8: memref<128x128xi32, #tpu.memory_space<vmem>>, %arg9: memref<2x128x128xf32, #tpu.memory_space<vmem>>, %arg10: memref<10000x128xf32, #tpu.memory_space<vmem_shared>>, %arg11: memref<!tpu.dma_semaphore, #tpu.memory_space<semaphore_mem>>, %arg12: memref<!tpu.dma_semaphore, #tpu.memory_space<semaphore_mem>>, %arg13: memref<!tpu.dma_semaphore, #tpu.memory_space<semaphore_mem>>, %arg14: memref<!tpu.dma_semaphore, #tpu.memory_space<semaphore_mem>>, %arg15: memref<!tpu.dma_semaphore, #tpu.memory_space<semaphore_mem>>, %arg16: memref<!tpu.dma_semaphore, #tpu.memory_space<semaphore_mem>>, %arg17: memref<!tpu.dma_semaphore, #tpu.memory_space<semaphore_mem>>) attributes {dimension_semantics = [#tpu.dimension_semantics<core_parallel>, #tpu.dimension_semantics<subcore_parallel>], iteration_bounds = array<i64: 2, 16>, scalar_prefetch = 0 : i64, scratch_operands = 11 : i64, tpu.core_type = #tpu.core_type<sc_vector_subcore>, window_params = [{transform_indices = #map}, {transform_indices = #map}, {transform_indices = #map}, {transform_indices = #map}, {transform_indices = #map}]} {
    %mul3A = arith.constant 640 : i32
    %mul3A_0 = arith.muli %arg1, %mul3A : i32
    %broadcast_in_dim3A = arith.constant 0.000000e+00 : f32
    %broadcast_in_dim3A_1 = vector.broadcast %broadcast_in_dim3A : f32 to vector<16xf32>
    %scan3A = arith.constant 0 : i32
    %scan3A_2 = arith.constant 128 : i32
    %scan3A_3 = arith.addi %scan3A, %scan3A_2 : i32
    %scan3A_4 = arith.constant 1 : i32
    scf.for %scan3A_38 = %scan3A to %scan3A_3 step %scan3A_4  : i32 {
      %mul3A_39 = arith.constant 1 : i32
      %mul3A_40 = arith.muli %scan3A_38, %mul3A_39 : i32
      %add3A = arith.constant 0 : i32
      %add3A_41 = arith.addi %add3A, %mul3A_40 : i32
      %scan3A_42 = arith.constant 0 : i32
      %scan3A_43 = arith.constant 8 : i32
      %scan3A_44 = arith.addi %scan3A_42, %scan3A_43 : i32
      %scan3A_45 = arith.constant 1 : i32
      scf.for %scan3A_47 = %scan3A_42 to %scan3A_44 step %scan3A_45  : i32 {
        %mul3A_48 = arith.constant 16 : i32
        %mul3A_49 = arith.muli %scan3A_47, %mul3A_48 : i32
        %add3A_50 = arith.constant 0 : i32
        %add3A_51 = arith.addi %add3A_50, %mul3A_49 : i32
        %swap3A = arith.constant 0 : i32
        %swap3A_52 = arith.index_cast %swap3A : i32 to index
        %swap3A_53 = arith.index_cast %add3A_41 : i32 to index
        %swap3A_54 = arith.index_cast %add3A_51 : i32 to index
        %swap3A_55 = tpu.vector_load %arg9[%swap3A_52, %swap3A_53, %swap3A_54] {strides = array<i32>} : memref<2x128x128xf32, #tpu.memory_space<vmem>>, vector<1x1x16xf32>,
        %swap3A_56 = vector.shape_cast %swap3A_55 : vector<1x1x16xf32> to vector<16xf32>
        %swap3A_57 = vector.shape_cast %broadcast_in_dim3A_1 : vector<16xf32> to vector<1x1x16xf32>
        tpu.vector_store %arg9[%swap3A_52, %swap3A_53, %swap3A_54], %swap3A_57 {strides = array<i32>} : memref<2x128x128xf32, #tpu.memory_space<vmem>>, vector<1x1x16xf32>,
      }
      %scan3A_46 = arith.constant 8 : i32
    }
    %scan3A_5 = arith.constant 128 : i32
    %scan3A_6 = arith.constant 0 : i32
    %scan3A_7 = arith.constant 3 : i32
    %scan3A_8 = arith.addi %scan3A_6, %scan3A_7 : i32
    %scan3A_9 = arith.constant 1 : i32
    scf.for %scan3A_38 = %scan3A_6 to %scan3A_8 step %scan3A_9  : i32 {
      %mul3A_39 = arith.constant 1 : i32
      %mul3A_40 = arith.muli %scan3A_38, %mul3A_39 : i32
      %add3A = arith.constant 0 : i32
      %add3A_41 = arith.addi %add3A, %mul3A_40 : i32
      %mul3A_42 = arith.constant 128 : i32
      %mul3A_43 = arith.muli %add3A_41, %mul3A_42 : i32
      %add3A_44 = arith.addi %mul3A_0, %mul3A_43 : i32
      %run_scoped3A = arith.constant 0 : i32
      "tpu.region"() ({
        %run_scoped3A_45 = tpu.sem_alloc : memref<!tpu.dma_semaphore, #tpu.memory_space<semaphore_mem>>
        %dma_start3A = arith.constant 0 : i32
        %dma_start3A_46 = arith.constant 0 : i32
        %dma_start3A_47 = tpu.memref_slice %arg9[%run_scoped3A, %dma_start3A, %dma_start3A_46] : memref<2x128x128xf32, #tpu.memory_space<vmem>> -> memref<1x128x128xf32, #tpu.memory_space<vmem>>
        %dma_start3A_48 = tpu.memref_squeeze %dma_start3A_47 : memref<1x128x128xf32, #tpu.memory_space<vmem>> -> memref<128x128xf32, #tpu.memory_space<vmem>>
        %dma_start3A_49 = arith.constant 0 : i32
        %dma_start3A_50 = tpu.memref_slice %arg10[%add3A_44, %dma_start3A_49] : memref<10000x128xf32, #tpu.memory_space<vmem_shared>> -> memref<128x128xf32, #tpu.memory_space<vmem_shared>>
        %dma_start3A_51 = arith.constant 0 : i32
        %dma_start3A_52 = tpu.memref_slice %arg10[%add3A_44, %dma_start3A_51] : memref<10000x128xf32, #tpu.memory_space<vmem_shared>> -> memref<128x128xf32, #tpu.memory_space<vmem_shared>>
        %dma_start3A_53 = arith.constant 0 : i32
        %dma_start3A_54 = arith.constant 0 : i32
        %dma_start3A_55 = tpu.memref_slice %arg9[%run_scoped3A, %dma_start3A_53, %dma_start3A_54] : memref<2x128x128xf32, #tpu.memory_space<vmem>> -> memref<1x128x128xf32, #tpu.memory_space<vmem>>
        %dma_start3A_56 = tpu.memref_squeeze %dma_start3A_55 : memref<1x128x128xf32, #tpu.memory_space<vmem>> -> memref<128x128xf32, #tpu.memory_space<vmem>>
        tpu.enqueue_dma source(%dma_start3A_56 : memref<128x128xf32, #tpu.memory_space<vmem>>) target(%dma_start3A_52 : memref<128x128xf32, #tpu.memory_space<vmem_shared>>) target_semaphore(%run_scoped3A_45 : memref<!tpu.dma_semaphore, #tpu.memory_space<semaphore_mem>>)
        %dma_wait3A = arith.constant 0 : i32
        %dma_wait3A_57 = arith.constant 0 : i32
        %dma_wait3A_58 = tpu.memref_slice %arg9[%run_scoped3A, %dma_wait3A, %dma_wait3A_57] : memref<2x128x128xf32, #tpu.memory_space<vmem>> -> memref<1x128x128xf32, #tpu.memory_space<vmem>>
        %dma_wait3A_59 = tpu.memref_squeeze %dma_wait3A_58 : memref<1x128x128xf32, #tpu.memory_space<vmem>> -> memref<128x128xf32, #tpu.memory_space<vmem>>
        %dma_wait3A_60 = arith.constant 0 : i32
        %dma_wait3A_61 = tpu.memref_slice %arg10[%add3A_44, %dma_wait3A_60] : memref<10000x128xf32, #tpu.memory_space<vmem_shared>> -> memref<128x128xf32, #tpu.memory_space<vmem_shared>>
        %dma_wait3A_62 = arith.constant 0 : i32
        %dma_wait3A_63 = tpu.memref_slice %arg10[%add3A_44, %dma_wait3A_62] : memref<10000x128xf32, #tpu.memory_space<vmem_shared>> -> memref<128x128xf32, #tpu.memory_space<vmem_shared>>
        %dma_wait3A_64 = arith.constant 0 : i32
        %dma_wait3A_65 = arith.constant 0 : i32
        %dma_wait3A_66 = tpu.memref_slice %arg9[%run_scoped3A, %dma_wait3A_64, %dma_wait3A_65] : memref<2x128x128xf32, #tpu.memory_space<vmem>> -> memref<1x128x128xf32, #tpu.memory_space<vmem>>
        %dma_wait3A_67 = tpu.memref_squeeze %dma_wait3A_66 : memref<1x128x128xf32, #tpu.memory_space<vmem>> -> memref<128x128xf32, #tpu.memory_space<vmem>>
        tpu.wait_dma2 semaphore(%run_scoped3A_45 : memref<!tpu.dma_semaphore, #tpu.memory_space<semaphore_mem>>) src(%dma_wait3A_67 : memref<128x128xf32, #tpu.memory_space<vmem>>) dst(%dma_wait3A_63 : memref<128x128xf32, #tpu.memory_space<vmem_shared>>)
        tpu.yield
      }) : () -> ()
    }
    %scan3A_10 = arith.constant 3 : i32
    %lt3A = arith.constant 15 : i32
    %lt3A_11 = arith.cmpi slt, %arg1, %lt3A : i32
    %convert_element_type3A = arith.extui %lt3A_11 : i1 to i32
    %cond3A = arith.constant 0 : i32
    %cond3A_12 = arith.cmpi ne, %convert_element_type3A, %cond3A : i32
    scf.if %cond3A_12 {
      %add3A = arith.constant 384 : i32
      %add3A_38 = arith.addi %mul3A_0, %add3A : i32
      %run_scoped3A = arith.constant 0 : i32
      "tpu.region"() ({
        %run_scoped3A_42 = tpu.sem_alloc : memref<!tpu.dma_semaphore, #tpu.memory_space<semaphore_mem>>
        %dma_start3A = arith.constant 0 : i32
        %dma_start3A_43 = arith.constant 0 : i32
        %dma_start3A_44 = tpu.memref_slice %arg9[%run_scoped3A, %dma_start3A, %dma_start3A_43] : memref<2x128x128xf32, #tpu.memory_space<vmem>> -> memref<1x128x128xf32, #tpu.memory_space<vmem>>
        %dma_start3A_45 = tpu.memref_squeeze %dma_start3A_44 : memref<1x128x128xf32, #tpu.memory_space<vmem>> -> memref<128x128xf32, #tpu.memory_space<vmem>>
        %dma_start3A_46 = arith.constant 0 : i32
        %dma_start3A_47 = tpu.memref_slice %arg10[%add3A_38, %dma_start3A_46] : memref<10000x128xf32, #tpu.memory_space<vmem_shared>> -> memref<128x128xf32, #tpu.memory_space<vmem_shared>>
        %dma_start3A_48 = arith.constant 0 : i32
        %dma_start3A_49 = tpu.memref_slice %arg10[%add3A_38, %dma_start3A_48] : memref<10000x128xf32, #tpu.memory_space<vmem_shared>> -> memref<128x128xf32, #tpu.memory_space<vmem_shared>>
        %dma_start3A_50 = arith.constant 0 : i32
        %dma_start3A_51 = arith.constant 0 : i32
        %dma_start3A_52 = tpu.memref_slice %arg9[%run_scoped3A, %dma_start3A_50, %dma_start3A_51] : memref<2x128x128xf32, #tpu.memory_space<vmem>> -> memref<1x128x128xf32, #tpu.memory_space<vmem>>
        %dma_start3A_53 = tpu.memref_squeeze %dma_start3A_52 : memref<1x128x128xf32, #tpu.memory_space<vmem>> -> memref<128x128xf32, #tpu.memory_space<vmem>>
        tpu.enqueue_dma source(%dma_start3A_53 : memref<128x128xf32, #tpu.memory_space<vmem>>) target(%dma_start3A_49 : memref<128x128xf32, #tpu.memory_space<vmem_shared>>) target_semaphore(%run_scoped3A_42 : memref<!tpu.dma_semaphore, #tpu.memory_space<semaphore_mem>>)
        %dma_wait3A = arith.constant 0 : i32
        %dma_wait3A_54 = arith.constant 0 : i32
        %dma_wait3A_55 = tpu.memref_slice %arg9[%run_scoped3A, %dma_wait3A, %dma_wait3A_54] : memref<2x128x128xf32, #tpu.memory_space<vmem>> -> memref<1x128x128xf32, #tpu.memory_space<vmem>>
        %dma_wait3A_56 = tpu.memref_squeeze %dma_wait3A_55 : memref<1x128x128xf32, #tpu.memory_space<vmem>> -> memref<128x128xf32, #tpu.memory_space<vmem>>
        %dma_wait3A_57 = arith.constant 0 : i32
        %dma_wait3A_58 = tpu.memref_slice %arg10[%add3A_38, %dma_wait3A_57] : memref<10000x128xf32, #tpu.memory_space<vmem_shared>> -> memref<128x128xf32, #tpu.memory_space<vmem_shared>>
        %dma_wait3A_59 = arith.constant 0 : i32
        %dma_wait3A_60 = tpu.memref_slice %arg10[%add3A_38, %dma_wait3A_59] : memref<10000x128xf32, #tpu.memory_space<vmem_shared>> -> memref<128x128xf32, #tpu.memory_space<vmem_shared>>
        %dma_wait3A_61 = arith.constant 0 : i32
        %dma_wait3A_62 = arith.constant 0 : i32
        %dma_wait3A_63 = tpu.memref_slice %arg9[%run_scoped3A, %dma_wait3A_61, %dma_wait3A_62] : memref<2x128x128xf32, #tpu.memory_space<vmem>> -> memref<1x128x128xf32, #tpu.memory_space<vmem>>
        %dma_wait3A_64 = tpu.memref_squeeze %dma_wait3A_63 : memref<1x128x128xf32, #tpu.memory_space<vmem>> -> memref<128x128xf32, #tpu.memory_space<vmem>>
        tpu.wait_dma2 semaphore(%run_scoped3A_42 : memref<!tpu.dma_semaphore, #tpu.memory_space<semaphore_mem>>) src(%dma_wait3A_64 : memref<128x128xf32, #tpu.memory_space<vmem>>) dst(%dma_wait3A_60 : memref<128x128xf32, #tpu.memory_space<vmem_shared>>)
        tpu.yield
      }) : () -> ()
      %add3A_39 = arith.constant 512 : i32
      %add3A_40 = arith.addi %mul3A_0, %add3A_39 : i32
      %run_scoped3A_41 = arith.constant 0 : i32
      "tpu.region"() ({
        %run_scoped3A_42 = tpu.sem_alloc : memref<!tpu.dma_semaphore, #tpu.memory_space<semaphore_mem>>
        %dma_start3A = arith.constant 0 : i32
        %dma_start3A_43 = arith.constant 0 : i32
        %dma_start3A_44 = tpu.memref_slice %arg9[%run_scoped3A_41, %dma_start3A, %dma_start3A_43] : memref<2x128x128xf32, #tpu.memory_space<vmem>> -> memref<1x128x128xf32, #tpu.memory_space<vmem>>
        %dma_start3A_45 = tpu.memref_squeeze %dma_start3A_44 : memref<1x128x128xf32, #tpu.memory_space<vmem>> -> memref<128x128xf32, #tpu.memory_space<vmem>>
        %dma_start3A_46 = arith.constant 0 : i32
        %dma_start3A_47 = tpu.memref_slice %arg10[%add3A_40, %dma_start3A_46] : memref<10000x128xf32, #tpu.memory_space<vmem_shared>> -> memref<128x128xf32, #tpu.memory_space<vmem_shared>>
        %dma_start3A_48 = arith.constant 0 : i32
        %dma_start3A_49 = tpu.memref_slice %arg10[%add3A_40, %dma_start3A_48] : memref<10000x128xf32, #tpu.memory_space<vmem_shared>> -> memref<128x128xf32, #tpu.memory_space<vmem_shared>>
        %dma_start3A_50 = arith.constant 0 : i32
        %dma_start3A_51 = arith.constant 0 : i32
        %dma_start3A_52 = tpu.memref_slice %arg9[%run_scoped3A_41, %dma_start3A_50, %dma_start3A_51] : memref<2x128x128xf32, #tpu.memory_space<vmem>> -> memref<1x128x128xf32, #tpu.memory_space<vmem>>
        %dma_start3A_53 = tpu.memref_squeeze %dma_start3A_52 : memref<1x128x128xf32, #tpu.memory_space<vmem>> -> memref<128x128xf32, #tpu.memory_space<vmem>>
        tpu.enqueue_dma source(%dma_start3A_53 : memref<128x128xf32, #tpu.memory_space<vmem>>) target(%dma_start3A_49 : memref<128x128xf32, #tpu.memory_space<vmem_shared>>) target_semaphore(%run_scoped3A_42 : memref<!tpu.dma_semaphore, #tpu.memory_space<semaphore_mem>>)
        %dma_wait3A = arith.constant 0 : i32
        %dma_wait3A_54 = arith.constant 0 : i32
        %dma_wait3A_55 = tpu.memref_slice %arg9[%run_scoped3A_41, %dma_wait3A, %dma_wait3A_54] : memref<2x128x128xf32, #tpu.memory_space<vmem>> -> memref<1x128x128xf32, #tpu.memory_space<vmem>>
        %dma_wait3A_56 = tpu.memref_squeeze %dma_wait3A_55 : memref<1x128x128xf32, #tpu.memory_space<vmem>> -> memref<128x128xf32, #tpu.memory_space<vmem>>
        %dma_wait3A_57 = arith.constant 0 : i32
        %dma_wait3A_58 = tpu.memref_slice %arg10[%add3A_40, %dma_wait3A_57] : memref<10000x128xf32, #tpu.memory_space<vmem_shared>> -> memref<128x128xf32, #tpu.memory_space<vmem_shared>>
        %dma_wait3A_59 = arith.constant 0 : i32
        %dma_wait3A_60 = tpu.memref_slice %arg10[%add3A_40, %dma_wait3A_59] : memref<10000x128xf32, #tpu.memory_space<vmem_shared>> -> memref<128x128xf32, #tpu.memory_space<vmem_shared>>
        %dma_wait3A_61 = arith.constant 0 : i32
        %dma_wait3A_62 = arith.constant 0 : i32
        %dma_wait3A_63 = tpu.memref_slice %arg9[%run_scoped3A_41, %dma_wait3A_61, %dma_wait3A_62] : memref<2x128x128xf32, #tpu.memory_space<vmem>> -> memref<1x128x128xf32, #tpu.memory_space<vmem>>
        %dma_wait3A_64 = tpu.memref_squeeze %dma_wait3A_63 : memref<1x128x128xf32, #tpu.memory_space<vmem>> -> memref<128x128xf32, #tpu.memory_space<vmem>>
        tpu.wait_dma2 semaphore(%run_scoped3A_42 : memref<!tpu.dma_semaphore, #tpu.memory_space<semaphore_mem>>) src(%dma_wait3A_64 : memref<128x128xf32, #tpu.memory_space<vmem>>) dst(%dma_wait3A_60 : memref<128x128xf32, #tpu.memory_space<vmem_shared>>)
        tpu.yield
      }) : () -> ()
    } else {
    }
    %eq3A = arith.constant 15 : i32
    %eq3A_13 = arith.cmpi eq, %arg1, %eq3A : i32
    %convert_element_type3A_14 = arith.extui %eq3A_13 : i1 to i32
    %cond3A_15 = arith.constant 0 : i32
    %cond3A_16 = arith.cmpi ne, %convert_element_type3A_14, %cond3A_15 : i32
    scf.if %cond3A_16 {
      %add3A = arith.constant 384 : i32
      %add3A_38 = arith.addi %mul3A_0, %add3A : i32
      %run_scoped3A = arith.constant 0 : i32
      "tpu.region"() ({
        %run_scoped3A_39 = tpu.sem_alloc : memref<!tpu.dma_semaphore, #tpu.memory_space<semaphore_mem>>
        %dma_start3A = arith.constant 0 : i32
        %dma_start3A_40 = arith.constant 0 : i32
        %dma_start3A_41 = tpu.memref_slice %arg9[%run_scoped3A, %dma_start3A, %dma_start3A_40] : memref<2x128x128xf32, #tpu.memory_space<vmem>> -> memref<1x16x128xf32, #tpu.memory_space<vmem>>
        %dma_start3A_42 = tpu.memref_squeeze %dma_start3A_41 : memref<1x16x128xf32, #tpu.memory_space<vmem>> -> memref<16x128xf32, #tpu.memory_space<vmem>>
        %dma_start3A_43 = arith.constant 0 : i32
        %dma_start3A_44 = tpu.memref_slice %arg10[%add3A_38, %dma_start3A_43] : memref<10000x128xf32, #tpu.memory_space<vmem_shared>> -> memref<16x128xf32, #tpu.memory_space<vmem_shared>>
        %dma_start3A_45 = arith.constant 0 : i32
        %dma_start3A_46 = tpu.memref_slice %arg10[%add3A_38, %dma_start3A_45] : memref<10000x128xf32, #tpu.memory_space<vmem_shared>> -> memref<16x128xf32, #tpu.memory_space<vmem_shared>>
        %dma_start3A_47 = arith.constant 0 : i32
        %dma_start3A_48 = arith.constant 0 : i32
        %dma_start3A_49 = tpu.memref_slice %arg9[%run_scoped3A, %dma_start3A_47, %dma_start3A_48] : memref<2x128x128xf32, #tpu.memory_space<vmem>> -> memref<1x16x128xf32, #tpu.memory_space<vmem>>
        %dma_start3A_50 = tpu.memref_squeeze %dma_start3A_49 : memref<1x16x128xf32, #tpu.memory_space<vmem>> -> memref<16x128xf32, #tpu.memory_space<vmem>>
        tpu.enqueue_dma source(%dma_start3A_50 : memref<16x128xf32, #tpu.memory_space<vmem>>) target(%dma_start3A_46 : memref<16x128xf32, #tpu.memory_space<vmem_shared>>) target_semaphore(%run_scoped3A_39 : memref<!tpu.dma_semaphore, #tpu.memory_space<semaphore_mem>>)
        %dma_wait3A = arith.constant 0 : i32
        %dma_wait3A_51 = arith.constant 0 : i32
        %dma_wait3A_52 = tpu.memref_slice %arg9[%run_scoped3A, %dma_wait3A, %dma_wait3A_51] : memref<2x128x128xf32, #tpu.memory_space<vmem>> -> memref<1x16x128xf32, #tpu.memory_space<vmem>>
        %dma_wait3A_53 = tpu.memref_squeeze %dma_wait3A_52 : memref<1x16x128xf32, #tpu.memory_space<vmem>> -> memref<16x128xf32, #tpu.memory_space<vmem>>
        %dma_wait3A_54 = arith.constant 0 : i32
        %dma_wait3A_55 = tpu.memref_slice %arg10[%add3A_38, %dma_wait3A_54] : memref<10000x128xf32, #tpu.memory_space<vmem_shared>> -> memref<16x128xf32, #tpu.memory_space<vmem_shared>>
        %dma_wait3A_56 = arith.constant 0 : i32
        %dma_wait3A_57 = tpu.memref_slice %arg10[%add3A_38, %dma_wait3A_56] : memref<10000x128xf32, #tpu.memory_space<vmem_shared>> -> memref<16x128xf32, #tpu.memory_space<vmem_shared>>
        %dma_wait3A_58 = arith.constant 0 : i32
        %dma_wait3A_59 = arith.constant 0 : i32
        %dma_wait3A_60 = tpu.memref_slice %arg9[%run_scoped3A, %dma_wait3A_58, %dma_wait3A_59] : memref<2x128x128xf32, #tpu.memory_space<vmem>> -> memref<1x16x128xf32, #tpu.memory_space<vmem>>
        %dma_wait3A_61 = tpu.memref_squeeze %dma_wait3A_60 : memref<1x16x128xf32, #tpu.memory_space<vmem>> -> memref<16x128xf32, #tpu.memory_space<vmem>>
        tpu.wait_dma2 semaphore(%run_scoped3A_39 : memref<!tpu.dma_semaphore, #tpu.memory_space<semaphore_mem>>) src(%dma_wait3A_61 : memref<16x128xf32, #tpu.memory_space<vmem>>) dst(%dma_wait3A_57 : memref<16x128xf32, #tpu.memory_space<vmem_shared>>)
        tpu.yield
      }) : () -> ()
    } else {
    }
    %barrier3A = arith.constant 0 : index
    tpu.barrier barrier_id(%barrier3A)
    %eq3A_17 = arith.constant 0 : i32
    %eq3A_18 = arith.cmpi eq, %arg0, %eq3A_17 : i32
    %convert_element_type3A_19 = arith.extui %eq3A_18 : i1 to i32
    %cond3A_20 = arith.constant 0 : i32
    %cond3A_21 = arith.cmpi ne, %convert_element_type3A_19, %cond3A_20 : i32
    scf.if %cond3A_21 {
      %mul3A_38 = arith.constant 128 : i32
      %mul3A_39 = arith.muli %arg1, %mul3A_38 : i32
      %dma_start3A = arith.constant 0 : i32
      %dma_start3A_40 = arith.constant 0 : i32
      %dma_start3A_41 = tpu.memref_slice %arg8[%dma_start3A, %dma_start3A_40] : memref<128x128xi32, #tpu.memory_space<vmem>> -> memref<128x128xi32, #tpu.memory_space<vmem>>
      %dma_start3A_42 = arith.constant 0 : i32
      %dma_start3A_43 = tpu.memref_slice %arg4[%mul3A_39, %dma_start3A_42] : memref<2560x128xi32, #tpu.memory_space<hbm>> -> memref<128x128xi32, #tpu.memory_space<hbm>>
      %dma_start3A_44 = arith.constant 0 : i32
      %dma_start3A_45 = arith.constant 0 : i32
      %dma_start3A_46 = tpu.memref_slice %arg8[%dma_start3A_44, %dma_start3A_45] : memref<128x128xi32, #tpu.memory_space<vmem>> -> memref<128x128xi32, #tpu.memory_space<vmem>>
      %dma_start3A_47 = arith.constant 0 : i32
      %dma_start3A_48 = tpu.memref_slice %arg4[%mul3A_39, %dma_start3A_47] : memref<2560x128xi32, #tpu.memory_space<hbm>> -> memref<128x128xi32, #tpu.memory_space<hbm>>
      tpu.enqueue_dma source(%dma_start3A_48 : memref<128x128xi32, #tpu.memory_space<hbm>>) target(%dma_start3A_46 : memref<128x128xi32, #tpu.memory_space<vmem>>) target_semaphore(%arg17 : memref<!tpu.dma_semaphore, #tpu.memory_space<semaphore_mem>>)
      %add3A = arith.constant 0 : i32
      %add3A_49 = arith.addi %mul3A_39, %add3A : i32
      %dma_start3A_50 = arith.constant 0 : i32
      %dma_start3A_51 = arith.constant 0 : i32
      %dma_start3A_52 = arith.constant 0 : i32
      %dma_start3A_53 = tpu.memref_slice %arg7[%dma_start3A_50, %dma_start3A_51, %dma_start3A_52] : memref<2x4x128xi32, #tpu.memory_space<vmem>> -> memref<1x4x128xi32, #tpu.memory_space<vmem>>
      %dma_start3A_54 = tpu.memref_squeeze %dma_start3A_53 : memref<1x4x128xi32, #tpu.memory_space<vmem>> -> memref<4x128xi32, #tpu.memory_space<vmem>>
      %dma_start3A_55 = arith.constant 0 : i32
      %dma_start3A_56 = tpu.memref_slice %arg3[%add3A_49, %dma_start3A_55] : memref<2560x128xi32, #tpu.memory_space<hbm>> -> memref<4x128xi32, #tpu.memory_space<hbm>>
      %dma_start3A_57 = arith.constant 0 : i32
      %dma_start3A_58 = arith.constant 0 : i32
      %dma_start3A_59 = tpu.memref_slice %arg7[%dma_start3A_50, %dma_start3A_57, %dma_start3A_58] : memref<2x4x128xi32, #tpu.memory_space<vmem>> -> memref<1x4x128xi32, #tpu.memory_space<vmem>>
      %dma_start3A_60 = tpu.memref_squeeze %dma_start3A_59 : memref<1x4x128xi32, #tpu.memory_space<vmem>> -> memref<4x128xi32, #tpu.memory_space<vmem>>
      %dma_start3A_61 = arith.constant 0 : i32
      %dma_start3A_62 = tpu.memref_slice %arg3[%add3A_49, %dma_start3A_61] : memref<2560x128xi32, #tpu.memory_space<hbm>> -> memref<4x128xi32, #tpu.memory_space<hbm>>
      tpu.enqueue_dma source(%dma_start3A_62 : memref<4x128xi32, #tpu.memory_space<hbm>>) target(%dma_start3A_60 : memref<4x128xi32, #tpu.memory_space<vmem>>) target_semaphore(%arg15 : memref<!tpu.dma_semaphore, #tpu.memory_space<semaphore_mem>>)
      %add3A_63 = arith.constant 4 : i32
      %add3A_64 = arith.addi %mul3A_39, %add3A_63 : i32
      %dma_start3A_65 = arith.constant 1 : i32
      %dma_start3A_66 = arith.constant 0 : i32
      %dma_start3A_67 = arith.constant 0 : i32
      %dma_start3A_68 = tpu.memref_slice %arg7[%dma_start3A_65, %dma_start3A_66, %dma_start3A_67] : memref<2x4x128xi32, #tpu.memory_space<vmem>> -> memref<1x4x128xi32, #tpu.memory_space<vmem>>
      %dma_start3A_69 = tpu.memref_squeeze %dma_start3A_68 : memref<1x4x128xi32, #tpu.memory_space<vmem>> -> memref<4x128xi32, #tpu.memory_space<vmem>>
      %dma_start3A_70 = arith.constant 0 : i32
      %dma_start3A_71 = tpu.memref_slice %arg3[%add3A_64, %dma_start3A_70] : memref<2560x128xi32, #tpu.memory_space<hbm>> -> memref<4x128xi32, #tpu.memory_space<hbm>>
      %dma_start3A_72 = arith.constant 0 : i32
      %dma_start3A_73 = arith.constant 0 : i32
      %dma_start3A_74 = tpu.memref_slice %arg7[%dma_start3A_65, %dma_start3A_72, %dma_start3A_73] : memref<2x4x128xi32, #tpu.memory_space<vmem>> -> memref<1x4x128xi32, #tpu.memory_space<vmem>>
      %dma_start3A_75 = tpu.memref_squeeze %dma_start3A_74 : memref<1x4x128xi32, #tpu.memory_space<vmem>> -> memref<4x128xi32, #tpu.memory_space<vmem>>
      %dma_start3A_76 = arith.constant 0 : i32
      %dma_start3A_77 = tpu.memref_slice %arg3[%add3A_64, %dma_start3A_76] : memref<2560x128xi32, #tpu.memory_space<hbm>> -> memref<4x128xi32, #tpu.memory_space<hbm>>
      tpu.enqueue_dma source(%dma_start3A_77 : memref<4x128xi32, #tpu.memory_space<hbm>>) target(%dma_start3A_75 : memref<4x128xi32, #tpu.memory_space<vmem>>) target_semaphore(%arg16 : memref<!tpu.dma_semaphore, #tpu.memory_space<semaphore_mem>>)
      %dma_wait3A = arith.constant 0 : i32
      %dma_wait3A_78 = arith.constant 0 : i32
      %dma_wait3A_79 = arith.constant 0 : i32
      %dma_wait3A_80 = tpu.memref_slice %arg7[%dma_wait3A, %dma_wait3A_78, %dma_wait3A_79] : memref<2x4x128xi32, #tpu.memory_space<vmem>> -> memref<1x4x128xi32, #tpu.memory_space<vmem>>
      %dma_wait3A_81 = tpu.memref_squeeze %dma_wait3A_80 : memref<1x4x128xi32, #tpu.memory_space<vmem>> -> memref<4x128xi32, #tpu.memory_space<vmem>>
      %dma_wait3A_82 = arith.constant 0 : i32
      %dma_wait3A_83 = arith.constant 0 : i32
      %dma_wait3A_84 = tpu.memref_slice %arg3[%dma_wait3A_82, %dma_wait3A_83] : memref<2560x128xi32, #tpu.memory_space<hbm>> -> memref<4x128xi32, #tpu.memory_space<hbm>>
      %dma_wait3A_85 = arith.constant 0 : i32
      %dma_wait3A_86 = arith.constant 0 : i32
      %dma_wait3A_87 = tpu.memref_slice %arg7[%dma_wait3A, %dma_wait3A_85, %dma_wait3A_86] : memref<2x4x128xi32, #tpu.memory_space<vmem>> -> memref<1x4x128xi32, #tpu.memory_space<vmem>>
      %dma_wait3A_88 = tpu.memref_squeeze %dma_wait3A_87 : memref<1x4x128xi32, #tpu.memory_space<vmem>> -> memref<4x128xi32, #tpu.memory_space<vmem>>
      %dma_wait3A_89 = arith.constant 0 : i32
      %dma_wait3A_90 = arith.constant 0 : i32
      %dma_wait3A_91 = tpu.memref_slice %arg3[%dma_wait3A_89, %dma_wait3A_90] : memref<2560x128xi32, #tpu.memory_space<hbm>> -> memref<4x128xi32, #tpu.memory_space<hbm>>
      tpu.wait_dma2 semaphore(%arg15 : memref<!tpu.dma_semaphore, #tpu.memory_space<semaphore_mem>>) src(%dma_wait3A_91 : memref<4x128xi32, #tpu.memory_space<hbm>>) dst(%dma_wait3A_88 : memref<4x128xi32, #tpu.memory_space<vmem>>)
      %dma_start3A_92 = arith.constant 0 : i32
      %dma_start3A_93 = arith.constant 0 : i32
      %dma_start3A_94 = arith.constant 0 : i32
      %dma_start3A_95 = arith.constant 0 : i32
      %dma_start3A_96 = arith.constant 0 : i32
      %dma_start3A_97 = tpu.memref_slice %arg9[%dma_start3A_94, %dma_start3A_95, %dma_start3A_96] : memref<2x128x128xf32, #tpu.memory_space<vmem>> -> memref<1x128x128xf32, #tpu.memory_space<vmem>>
      %dma_start3A_98 = tpu.memref_squeeze %dma_start3A_97 : memref<1x128x128xf32, #tpu.memory_space<vmem>> -> memref<128x128xf32, #tpu.memory_space<vmem>>
      %dma_start3A_99 = arith.constant 0 : i32
      %dma_start3A_100 = tpu.memref_slice %arg7[%dma_start3A_92, %dma_start3A_93, %dma_start3A_99] : memref<2x4x128xi32, #tpu.memory_space<vmem>> -> memref<1x1x128xi32, #tpu.memory_space<vmem>>
      %dma_start3A_101 = tpu.memref_squeeze %dma_start3A_100 : memref<1x1x128xi32, #tpu.memory_space<vmem>> -> memref<128xi32, #tpu.memory_space<vmem>>
      %dma_start3A_102 = arith.constant 0 : i32
      %dma_start3A_103 = arith.constant 0 : i32
      %dma_start3A_104 = tpu.memref_slice %arg2[%dma_start3A_102, %dma_start3A_103] : memref<10008x128xf32, #tpu.memory_space<hbm>> -> memref<10008x128xf32, #tpu.memory_space<hbm>>
      tpu.enqueue_indirect_dma source(%dma_start3A_104 : memref<10008x128xf32, #tpu.memory_space<hbm>>) target(%dma_start3A_98 : memref<128x128xf32, #tpu.memory_space<vmem>>) offsets(%dma_start3A_101 : memref<128xi32, #tpu.memory_space<vmem>>) semaphore(%arg11 : memref<!tpu.dma_semaphore, #tpu.memory_space<semaphore_mem>>)
      %dma_start3A_105 = arith.constant 0 : i32
      %dma_start3A_106 = arith.constant 1 : i32
      %dma_start3A_107 = arith.constant 1 : i32
      %dma_start3A_108 = arith.constant 0 : i32
      %dma_start3A_109 = arith.constant 0 : i32
      %dma_start3A_110 = tpu.memref_slice %arg9[%dma_start3A_107, %dma_start3A_108, %dma_start3A_109] : memref<2x128x128xf32, #tpu.memory_space<vmem>> -> memref<1x128x128xf32, #tpu.memory_space<vmem>>
      %dma_start3A_111 = tpu.memref_squeeze %dma_start3A_110 : memref<1x128x128xf32, #tpu.memory_space<vmem>> -> memref<128x128xf32, #tpu.memory_space<vmem>>
      %dma_start3A_112 = arith.constant 0 : i32
      %dma_start3A_113 = tpu.memref_slice %arg7[%dma_start3A_105, %dma_start3A_106, %dma_start3A_112] : memref<2x4x128xi32, #tpu.memory_space<vmem>> -> memref<1x1x128xi32, #tpu.memory_space<vmem>>
      %dma_start3A_114 = tpu.memref_squeeze %dma_start3A_113 : memref<1x1x128xi32, #tpu.memory_space<vmem>> -> memref<128xi32, #tpu.memory_space<vmem>>
      %dma_start3A_115 = arith.constant 0 : i32
      %dma_start3A_116 = arith.constant 0 : i32
      %dma_start3A_117 = tpu.memref_slice %arg2[%dma_start3A_115, %dma_start3A_116] : memref<10008x128xf32, #tpu.memory_space<hbm>> -> memref<10008x128xf32, #tpu.memory_space<hbm>>
      tpu.enqueue_indirect_dma source(%dma_start3A_117 : memref<10008x128xf32, #tpu.memory_space<hbm>>) target(%dma_start3A_111 : memref<128x128xf32, #tpu.memory_space<vmem>>) offsets(%dma_start3A_114 : memref<128xi32, #tpu.memory_space<vmem>>) semaphore(%arg12 : memref<!tpu.dma_semaphore, #tpu.memory_space<semaphore_mem>>)
      %dma_wait3A_118 = arith.constant 0 : i32
      %dma_wait3A_119 = arith.constant 0 : i32
      %dma_wait3A_120 = tpu.memref_slice %arg8[%dma_wait3A_118, %dma_wait3A_119] : memref<128x128xi32, #tpu.memory_space<vmem>> -> memref<128x128xi32, #tpu.memory_space<vmem>>
      %dma_wait3A_121 = arith.constant 0 : i32
      %dma_wait3A_122 = tpu.memref_slice %arg4[%mul3A_39, %dma_wait3A_121] : memref<2560x128xi32, #tpu.memory_space<hbm>> -> memref<128x128xi32, #tpu.memory_space<hbm>>
      %dma_wait3A_123 = arith.constant 0 : i32
      %dma_wait3A_124 = arith.constant 0 : i32
      %dma_wait3A_125 = tpu.memref_slice %arg8[%dma_wait3A_123, %dma_wait3A_124] : memref<128x128xi32, #tpu.memory_space<vmem>> -> memref<128x128xi32, #tpu.memory_space<vmem>>
      %dma_wait3A_126 = arith.constant 0 : i32
      %dma_wait3A_127 = tpu.memref_slice %arg4[%mul3A_39, %dma_wait3A_126] : memref<2560x128xi32, #tpu.memory_space<hbm>> -> memref<128x128xi32, #tpu.memory_space<hbm>>
      tpu.wait_dma2 semaphore(%arg17 : memref<!tpu.dma_semaphore, #tpu.memory_space<semaphore_mem>>) src(%dma_wait3A_127 : memref<128x128xi32, #tpu.memory_space<hbm>>) dst(%dma_wait3A_125 : memref<128x128xi32, #tpu.memory_space<vmem>>)
      %scan3A_128 = arith.constant 0 : i32
      %scan3A_129 = arith.constant 16 : i32
      %scan3A_130 = arith.addi %scan3A_128, %scan3A_129 : i32
      %scan3A_131 = arith.constant 1 : i32
      scf.for %scan3A_133 = %scan3A_128 to %scan3A_130 step %scan3A_131  : i32 {
        %mul3A_134 = arith.constant 2 : i32
        %mul3A_135 = arith.muli %scan3A_133, %mul3A_134 : i32
        %add3A_136 = arith.constant 0 : i32
        %add3A_137 = arith.addi %add3A_136, %mul3A_135 : i32
        %dma_wait3A_138 = arith.constant 0 : i32
        %dma_wait3A_139 = arith.constant 0 : i32
        %dma_wait3A_140 = arith.constant 0 : i32
        %dma_wait3A_141 = arith.constant 0 : i32
        %dma_wait3A_142 = arith.constant 0 : i32
        %dma_wait3A_143 = tpu.memref_slice %arg9[%dma_wait3A_140, %dma_wait3A_141, %dma_wait3A_142] : memref<2x128x128xf32, #tpu.memory_space<vmem>> -> memref<1x128x128xf32, #tpu.memory_space<vmem>>
        %dma_wait3A_144 = tpu.memref_squeeze %dma_wait3A_143 : memref<1x128x128xf32, #tpu.memory_space<vmem>> -> memref<128x128xf32, #tpu.memory_space<vmem>>
        %dma_wait3A_145 = arith.constant 0 : i32
        %dma_wait3A_146 = tpu.memref_slice %arg7[%dma_wait3A_138, %dma_wait3A_139, %dma_wait3A_145] : memref<2x4x128xi32, #tpu.memory_space<vmem>> -> memref<1x1x128xi32, #tpu.memory_space<vmem>>
        %dma_wait3A_147 = tpu.memref_squeeze %dma_wait3A_146 : memref<1x1x128xi32, #tpu.memory_space<vmem>> -> memref<128xi32, #tpu.memory_space<vmem>>
        %dma_wait3A_148 = arith.constant 0 : i32
        %dma_wait3A_149 = arith.constant 0 : i32
        %dma_wait3A_150 = tpu.memref_slice %arg2[%dma_wait3A_148, %dma_wait3A_149] : memref<10008x128xf32, #tpu.memory_space<hbm>> -> memref<10008x128xf32, #tpu.memory_space<hbm>>
        tpu.wait_indirect_dma semaphore(%arg11 : memref<!tpu.dma_semaphore, #tpu.memory_space<semaphore_mem>>) src(%dma_wait3A_150 : memref<10008x128xf32, #tpu.memory_space<hbm>>) dst(%dma_wait3A_144 : memref<128x128xf32, #tpu.memory_space<vmem>>)
        %mul3A_151 = arith.constant 4 : i32
        %mul3A_152 = arith.muli %add3A_137, %mul3A_151 : i32
        %add3A_153 = arith.constant 0 : i32
        %add3A_154 = arith.addi %mul3A_152, %add3A_153 : i32
        %dma_start3A_155 = arith.constant 0 : i32
        %dma_start3A_156 = arith.constant 0 : i32
        %dma_start3A_157 = arith.constant 0 : i32
        %dma_start3A_158 = tpu.memref_slice %arg9[%dma_start3A_155, %dma_start3A_156, %dma_start3A_157] : memref<2x128x128xf32, #tpu.memory_space<vmem>> -> memref<1x128x128xf32, #tpu.memory_space<vmem>>
        %dma_start3A_159 = tpu.memref_squeeze %dma_start3A_158 : memref<1x128x128xf32, #tpu.memory_space<vmem>> -> memref<128x128xf32, #tpu.memory_space<vmem>>
        %dma_start3A_160 = arith.constant 0 : i32
        %dma_start3A_161 = tpu.memref_slice %arg8[%add3A_154, %dma_start3A_160] : memref<128x128xi32, #tpu.memory_space<vmem>> -> memref<1x128xi32, #tpu.memory_space<vmem>>
        %dma_start3A_162 = tpu.memref_squeeze %dma_start3A_161 : memref<1x128xi32, #tpu.memory_space<vmem>> -> memref<128xi32, #tpu.memory_space<vmem>>
        %dma_start3A_163 = arith.constant 0 : i32
        %dma_start3A_164 = arith.constant 0 : i32
        %dma_start3A_165 = tpu.memref_slice %arg10[%dma_start3A_163, %dma_start3A_164] : memref<10000x128xf32, #tpu.memory_space<vmem_shared>> -> memref<10000x128xf32, #tpu.memory_space<vmem_shared>>
        tpu.enqueue_indirect_dma source(%dma_start3A_159 : memref<128x128xf32, #tpu.memory_space<vmem>>) target(%dma_start3A_165 : memref<10000x128xf32, #tpu.memory_space<vmem_shared>>) offsets(%dma_start3A_162 : memref<128xi32, #tpu.memory_space<vmem>>) semaphore(%arg13 : memref<!tpu.dma_semaphore, #tpu.memory_space<semaphore_mem>>) {add = true}
        %dma_wait3A_166 = arith.constant 0 : i32
        %dma_wait3A_167 = arith.constant 0 : i32
        %dma_wait3A_168 = arith.constant 0 : i32
        %dma_wait3A_169 = tpu.memref_slice %arg9[%dma_wait3A_166, %dma_wait3A_167, %dma_wait3A_168] : memref<2x128x128xf32, #tpu.memory_space<vmem>> -> memref<1x128x128xf32, #tpu.memory_space<vmem>>
        %dma_wait3A_170 = tpu.memref_squeeze %dma_wait3A_169 : memref<1x128x128xf32, #tpu.memory_space<vmem>> -> memref<128x128xf32, #tpu.memory_space<vmem>>
        %dma_wait3A_171 = arith.constant 0 : i32
        %dma_wait3A_172 = tpu.memref_slice %arg8[%add3A_154, %dma_wait3A_171] : memref<128x128xi32, #tpu.memory_space<vmem>> -> memref<1x128xi32, #tpu.memory_space<vmem>>
        %dma_wait3A_173 = tpu.memref_squeeze %dma_wait3A_172 : memref<1x128xi32, #tpu.memory_space<vmem>> -> memref<128xi32, #tpu.memory_space<vmem>>
        %dma_wait3A_174 = arith.constant 0 : i32
        %dma_wait3A_175 = arith.constant 0 : i32
        %dma_wait3A_176 = tpu.memref_slice %arg10[%dma_wait3A_174, %dma_wait3A_175] : memref<10000x128xf32, #tpu.memory_space<vmem_shared>> -> memref<10000x128xf32, #tpu.memory_space<vmem_shared>>
        tpu.wait_indirect_dma semaphore(%arg13 : memref<!tpu.dma_semaphore, #tpu.memory_space<semaphore_mem>>) src(%dma_wait3A_170 : memref<128x128xf32, #tpu.memory_space<vmem>>) dst(%dma_wait3A_176 : memref<10000x128xf32, #tpu.memory_space<vmem_shared>>)
        %dma_start3A_177 = arith.constant 0 : i32
        %dma_start3A_178 = arith.constant 2 : i32
        %dma_start3A_179 = arith.constant 0 : i32
        %dma_start3A_180 = arith.constant 0 : i32
        %dma_start3A_181 = arith.constant 0 : i32
        %dma_start3A_182 = tpu.memref_slice %arg9[%dma_start3A_179, %dma_start3A_180, %dma_start3A_181] : memref<2x128x128xf32, #tpu.memory_space<vmem>> -> memref<1x128x128xf32, #tpu.memory_space<vmem>>
        %dma_start3A_183 = tpu.memref_squeeze %dma_start3A_182 : memref<1x128x128xf32, #tpu.memory_space<vmem>> -> memref<128x128xf32, #tpu.memory_space<vmem>>
        %dma_start3A_184 = arith.constant 0 : i32
        %dma_start3A_185 = tpu.memref_slice %arg7[%dma_start3A_177, %dma_start3A_178, %dma_start3A_184] : memref<2x4x128xi32, #tpu.memory_space<vmem>> -> memref<1x1x128xi32, #tpu.memory_space<vmem>>
        %dma_start3A_186 = tpu.memref_squeeze %dma_start3A_185 : memref<1x1x128xi32, #tpu.memory_space<vmem>> -> memref<128xi32, #tpu.memory_space<vmem>>
        %dma_start3A_187 = arith.constant 0 : i32
        %dma_start3A_188 = arith.constant 0 : i32
        %dma_start3A_189 = tpu.memref_slice %arg2[%dma_start3A_187, %dma_start3A_188] : memref<10008x128xf32, #tpu.memory_space<hbm>> -> memref<10008x128xf32, #tpu.memory_space<hbm>>
        tpu.enqueue_indirect_dma source(%dma_start3A_189 : memref<10008x128xf32, #tpu.memory_space<hbm>>) target(%dma_start3A_183 : memref<128x128xf32, #tpu.memory_space<vmem>>) offsets(%dma_start3A_186 : memref<128xi32, #tpu.memory_space<vmem>>) semaphore(%arg11 : memref<!tpu.dma_semaphore, #tpu.memory_space<semaphore_mem>>)
        %dma_wait3A_190 = arith.constant 0 : i32
        %dma_wait3A_191 = arith.constant 1 : i32
        %dma_wait3A_192 = arith.constant 1 : i32
        %dma_wait3A_193 = arith.constant 0 : i32
        %dma_wait3A_194 = arith.constant 0 : i32
        %dma_wait3A_195 = tpu.memref_slice %arg9[%dma_wait3A_192, %dma_wait3A_193, %dma_wait3A_194] : memref<2x128x128xf32, #tpu.memory_space<vmem>> -> memref<1x128x128xf32, #tpu.memory_space<vmem>>
        %dma_wait3A_196 = tpu.memref_squeeze %dma_wait3A_195 : memref<1x128x128xf32, #tpu.memory_space<vmem>> -> memref<128x128xf32, #tpu.memory_space<vmem>>
        %dma_wait3A_197 = arith.constant 0 : i32
        %dma_wait3A_198 = tpu.memref_slice %arg7[%dma_wait3A_190, %dma_wait3A_191, %dma_wait3A_197] : memref<2x4x128xi32, #tpu.memory_space<vmem>> -> memref<1x1x128xi32, #tpu.memory_space<vmem>>
        %dma_wait3A_199 = tpu.memref_squeeze %dma_wait3A_198 : memref<1x1x128xi32, #tpu.memory_space<vmem>> -> memref<128xi32, #tpu.memory_space<vmem>>
        %dma_wait3A_200 = arith.constant 0 : i32
        %dma_wait3A_201 = arith.constant 0 : i32
        %dma_wait3A_202 = tpu.memref_slice %arg2[%dma_wait3A_200, %dma_wait3A_201] : memref<10008x128xf32, #tpu.memory_space<hbm>> -> memref<10008x128xf32, #tpu.memory_space<hbm>>
        tpu.wait_indirect_dma semaphore(%arg12 : memref<!tpu.dma_semaphore, #tpu.memory_space<semaphore_mem>>) src(%dma_wait3A_202 : memref<10008x128xf32, #tpu.memory_space<hbm>>) dst(%dma_wait3A_196 : memref<128x128xf32, #tpu.memory_space<vmem>>)
        %mul3A_203 = arith.constant 4 : i32
        %mul3A_204 = arith.muli %add3A_137, %mul3A_203 : i32
        %add3A_205 = arith.constant 1 : i32
        %add3A_206 = arith.addi %mul3A_204, %add3A_205 : i32
        %dma_start3A_207 = arith.constant 1 : i32
        %dma_start3A_208 = arith.constant 0 : i32
        %dma_start3A_209 = arith.constant 0 : i32
        %dma_start3A_210 = tpu.memref_slice %arg9[%dma_start3A_207, %dma_start3A_208, %dma_start3A_209] : memref<2x128x128xf32, #tpu.memory_space<vmem>> -> memref<1x128x128xf32, #tpu.memory_space<vmem>>
        %dma_start3A_211 = tpu.memref_squeeze %dma_start3A_210 : memref<1x128x128xf32, #tpu.memory_space<vmem>> -> memref<128x128xf32, #tpu.memory_space<vmem>>
        %dma_start3A_212 = arith.constant 0 : i32
        %dma_start3A_213 = tpu.memref_slice %arg8[%add3A_206, %dma_start3A_212] : memref<128x128xi32, #tpu.memory_space<vmem>> -> memref<1x128xi32, #tpu.memory_space<vmem>>
        %dma_start3A_214 = tpu.memref_squeeze %dma_start3A_213 : memref<1x128xi32, #tpu.memory_space<vmem>> -> memref<128xi32, #tpu.memory_space<vmem>>
        %dma_start3A_215 = arith.constant 0 : i32
        %dma_start3A_216 = arith.constant 0 : i32
        %dma_start3A_217 = tpu.memref_slice %arg10[%dma_start3A_215, %dma_start3A_216] : memref<10000x128xf32, #tpu.memory_space<vmem_shared>> -> memref<10000x128xf32, #tpu.memory_space<vmem_shared>>
        tpu.enqueue_indirect_dma source(%dma_start3A_211 : memref<128x128xf32, #tpu.memory_space<vmem>>) target(%dma_start3A_217 : memref<10000x128xf32, #tpu.memory_space<vmem_shared>>) offsets(%dma_start3A_214 : memref<128xi32, #tpu.memory_space<vmem>>) semaphore(%arg14 : memref<!tpu.dma_semaphore, #tpu.memory_space<semaphore_mem>>) {add = true}
        %dma_wait3A_218 = arith.constant 1 : i32
        %dma_wait3A_219 = arith.constant 0 : i32
        %dma_wait3A_220 = arith.constant 0 : i32
        %dma_wait3A_221 = tpu.memref_slice %arg9[%dma_wait3A_218, %dma_wait3A_219, %dma_wait3A_220] : memref<2x128x128xf32, #tpu.memory_space<vmem>> -> memref<1x128x128xf32, #tpu.memory_space<vmem>>
        %dma_wait3A_222 = tpu.memref_squeeze %dma_wait3A_221 : memref<1x128x128xf32, #tpu.memory_space<vmem>> -> memref<128x128xf32, #tpu.memory_space<vmem>>
        %dma_wait3A_223 = arith.constant 0 : i32
        %dma_wait3A_224 = tpu.memref_slice %arg8[%add3A_206, %dma_wait3A_223] : memref<128x128xi32, #tpu.memory_space<vmem>> -> memref<1x128xi32, #tpu.memory_space<vmem>>
        %dma_wait3A_225 = tpu.memref_squeeze %dma_wait3A_224 : memref<1x128xi32, #tpu.memory_space<vmem>> -> memref<128xi32, #tpu.memory_space<vmem>>
        %dma_wait3A_226 = arith.constant 0 : i32
        %dma_wait3A_227 = arith.constant 0 : i32
        %dma_wait3A_228 = tpu.memref_slice %arg10[%dma_wait3A_226, %dma_wait3A_227] : memref<10000x128xf32, #tpu.memory_space<vmem_shared>> -> memref<10000x128xf32, #tpu.memory_space<vmem_shared>>
        tpu.wait_indirect_dma semaphore(%arg14 : memref<!tpu.dma_semaphore, #tpu.memory_space<semaphore_mem>>) src(%dma_wait3A_222 : memref<128x128xf32, #tpu.memory_space<vmem>>) dst(%dma_wait3A_228 : memref<10000x128xf32, #tpu.memory_space<vmem_shared>>)
        %dma_start3A_229 = arith.constant 0 : i32
        %dma_start3A_230 = arith.constant 3 : i32
        %dma_start3A_231 = arith.constant 1 : i32
        %dma_start3A_232 = arith.constant 0 : i32
        %dma_start3A_233 = arith.constant 0 : i32
        %dma_start3A_234 = tpu.memref_slice %arg9[%dma_start3A_231, %dma_start3A_232, %dma_start3A_233] : memref<2x128x128xf32, #tpu.memory_space<vmem>> -> memref<1x128x128xf32, #tpu.memory_space<vmem>>
        %dma_start3A_235 = tpu.memref_squeeze %dma_start3A_234 : memref<1x128x128xf32, #tpu.memory_space<vmem>> -> memref<128x128xf32, #tpu.memory_space<vmem>>
        %dma_start3A_236 = arith.constant 0 : i32
        %dma_start3A_237 = tpu.memref_slice %arg7[%dma_start3A_229, %dma_start3A_230, %dma_start3A_236] : memref<2x4x128xi32, #tpu.memory_space<vmem>> -> memref<1x1x128xi32, #tpu.memory_space<vmem>>
        %dma_start3A_238 = tpu.memref_squeeze %dma_start3A_237 : memref<1x1x128xi32, #tpu.memory_space<vmem>> -> memref<128xi32, #tpu.memory_space<vmem>>
        %dma_start3A_239 = arith.constant 0 : i32
        %dma_start3A_240 = arith.constant 0 : i32
        %dma_start3A_241 = tpu.memref_slice %arg2[%dma_start3A_239, %dma_start3A_240] : memref<10008x128xf32, #tpu.memory_space<hbm>> -> memref<10008x128xf32, #tpu.memory_space<hbm>>
        tpu.enqueue_indirect_dma source(%dma_start3A_241 : memref<10008x128xf32, #tpu.memory_space<hbm>>) target(%dma_start3A_235 : memref<128x128xf32, #tpu.memory_space<vmem>>) offsets(%dma_start3A_238 : memref<128xi32, #tpu.memory_space<vmem>>) semaphore(%arg12 : memref<!tpu.dma_semaphore, #tpu.memory_space<semaphore_mem>>)
        %dma_wait3A_242 = arith.constant 0 : i32
        %dma_wait3A_243 = arith.constant 2 : i32
        %dma_wait3A_244 = arith.constant 0 : i32
        %dma_wait3A_245 = arith.constant 0 : i32
        %dma_wait3A_246 = arith.constant 0 : i32
        %dma_wait3A_247 = tpu.memref_slice %arg9[%dma_wait3A_244, %dma_wait3A_245, %dma_wait3A_246] : memref<2x128x128xf32, #tpu.memory_space<vmem>> -> memref<1x128x128xf32, #tpu.memory_space<vmem>>
        %dma_wait3A_248 = tpu.memref_squeeze %dma_wait3A_247 : memref<1x128x128xf32, #tpu.memory_space<vmem>> -> memref<128x128xf32, #tpu.memory_space<vmem>>
        %dma_wait3A_249 = arith.constant 0 : i32
        %dma_wait3A_250 = tpu.memref_slice %arg7[%dma_wait3A_242, %dma_wait3A_243, %dma_wait3A_249] : memref<2x4x128xi32, #tpu.memory_space<vmem>> -> memref<1x1x128xi32, #tpu.memory_space<vmem>>
        %dma_wait3A_251 = tpu.memref_squeeze %dma_wait3A_250 : memref<1x1x128xi32, #tpu.memory_space<vmem>> -> memref<128xi32, #tpu.memory_space<vmem>>
        %dma_wait3A_252 = arith.constant 0 : i32
        %dma_wait3A_253 = arith.constant 0 : i32
        %dma_wait3A_254 = tpu.memref_slice %arg2[%dma_wait3A_252, %dma_wait3A_253] : memref<10008x128xf32, #tpu.memory_space<hbm>> -> memref<10008x128xf32, #tpu.memory_space<hbm>>
        tpu.wait_indirect_dma semaphore(%arg11 : memref<!tpu.dma_semaphore, #tpu.memory_space<semaphore_mem>>) src(%dma_wait3A_254 : memref<10008x128xf32, #tpu.memory_space<hbm>>) dst(%dma_wait3A_248 : memref<128x128xf32, #tpu.memory_space<vmem>>)
        %mul3A_255 = arith.constant 4 : i32
        %mul3A_256 = arith.muli %add3A_137, %mul3A_255 : i32
        %add3A_257 = arith.constant 2 : i32
        %add3A_258 = arith.addi %mul3A_256, %add3A_257 : i32
        %dma_start3A_259 = arith.constant 0 : i32
        %dma_start3A_260 = arith.constant 0 : i32
        %dma_start3A_261 = arith.constant 0 : i32
        %dma_start3A_262 = tpu.memref_slice %arg9[%dma_start3A_259, %dma_start3A_260, %dma_start3A_261] : memref<2x128x128xf32, #tpu.memory_space<vmem>> -> memref<1x128x128xf32, #tpu.memory_space<vmem>>
        %dma_start3A_263 = tpu.memref_squeeze %dma_start3A_262 : memref<1x128x128xf32, #tpu.memory_space<vmem>> -> memref<128x128xf32, #tpu.memory_space<vmem>>
        %dma_start3A_264 = arith.constant 0 : i32
        %dma_start3A_265 = tpu.memref_slice %arg8[%add3A_258, %dma_start3A_264] : memref<128x128xi32, #tpu.memory_space<vmem>> -> memref<1x128xi32, #tpu.memory_space<vmem>>
        %dma_start3A_266 = tpu.memref_squeeze %dma_start3A_265 : memref<1x128xi32, #tpu.memory_space<vmem>> -> memref<128xi32, #tpu.memory_space<vmem>>
        %dma_start3A_267 = arith.constant 0 : i32
        %dma_start3A_268 = arith.constant 0 : i32
        %dma_start3A_269 = tpu.memref_slice %arg10[%dma_start3A_267, %dma_start3A_268] : memref<10000x128xf32, #tpu.memory_space<vmem_shared>> -> memref<10000x128xf32, #tpu.memory_space<vmem_shared>>
        tpu.enqueue_indirect_dma source(%dma_start3A_263 : memref<128x128xf32, #tpu.memory_space<vmem>>) target(%dma_start3A_269 : memref<10000x128xf32, #tpu.memory_space<vmem_shared>>) offsets(%dma_start3A_266 : memref<128xi32, #tpu.memory_space<vmem>>) semaphore(%arg13 : memref<!tpu.dma_semaphore, #tpu.memory_space<semaphore_mem>>) {add = true}
        %dma_wait3A_270 = arith.constant 0 : i32
        %dma_wait3A_271 = arith.constant 0 : i32
        %dma_wait3A_272 = arith.constant 0 : i32
        %dma_wait3A_273 = tpu.memref_slice %arg9[%dma_wait3A_270, %dma_wait3A_271, %dma_wait3A_272] : memref<2x128x128xf32, #tpu.memory_space<vmem>> -> memref<1x128x128xf32, #tpu.memory_space<vmem>>
        %dma_wait3A_274 = tpu.memref_squeeze %dma_wait3A_273 : memref<1x128x128xf32, #tpu.memory_space<vmem>> -> memref<128x128xf32, #tpu.memory_space<vmem>>
        %dma_wait3A_275 = arith.constant 0 : i32
        %dma_wait3A_276 = tpu.memref_slice %arg8[%add3A_258, %dma_wait3A_275] : memref<128x128xi32, #tpu.memory_space<vmem>> -> memref<1x128xi32, #tpu.memory_space<vmem>>
        %dma_wait3A_277 = tpu.memref_squeeze %dma_wait3A_276 : memref<1x128xi32, #tpu.memory_space<vmem>> -> memref<128xi32, #tpu.memory_space<vmem>>
        %dma_wait3A_278 = arith.constant 0 : i32
        %dma_wait3A_279 = arith.constant 0 : i32
        %dma_wait3A_280 = tpu.memref_slice %arg10[%dma_wait3A_278, %dma_wait3A_279] : memref<10000x128xf32, #tpu.memory_space<vmem_shared>> -> memref<10000x128xf32, #tpu.memory_space<vmem_shared>>
        tpu.wait_indirect_dma semaphore(%arg13 : memref<!tpu.dma_semaphore, #tpu.memory_space<semaphore_mem>>) src(%dma_wait3A_274 : memref<128x128xf32, #tpu.memory_space<vmem>>) dst(%dma_wait3A_280 : memref<10000x128xf32, #tpu.memory_space<vmem_shared>>)
        %dma_wait3A_281 = arith.constant 1 : i32
        %dma_wait3A_282 = arith.constant 0 : i32
        %dma_wait3A_283 = arith.constant 0 : i32
        %dma_wait3A_284 = tpu.memref_slice %arg7[%dma_wait3A_281, %dma_wait3A_282, %dma_wait3A_283] : memref<2x4x128xi32, #tpu.memory_space<vmem>> -> memref<1x4x128xi32, #tpu.memory_space<vmem>>
        %dma_wait3A_285 = tpu.memref_squeeze %dma_wait3A_284 : memref<1x4x128xi32, #tpu.memory_space<vmem>> -> memref<4x128xi32, #tpu.memory_space<vmem>>
        %dma_wait3A_286 = arith.constant 0 : i32
        %dma_wait3A_287 = arith.constant 0 : i32
        %dma_wait3A_288 = tpu.memref_slice %arg3[%dma_wait3A_286, %dma_wait3A_287] : memref<2560x128xi32, #tpu.memory_space<hbm>> -> memref<4x128xi32, #tpu.memory_space<hbm>>
        %dma_wait3A_289 = arith.constant 0 : i32
        %dma_wait3A_290 = arith.constant 0 : i32
        %dma_wait3A_291 = tpu.memref_slice %arg7[%dma_wait3A_281, %dma_wait3A_289, %dma_wait3A_290] : memref<2x4x128xi32, #tpu.memory_space<vmem>> -> memref<1x4x128xi32, #tpu.memory_space<vmem>>
        %dma_wait3A_292 = tpu.memref_squeeze %dma_wait3A_291 : memref<1x4x128xi32, #tpu.memory_space<vmem>> -> memref<4x128xi32, #tpu.memory_space<vmem>>
        %dma_wait3A_293 = arith.constant 0 : i32
        %dma_wait3A_294 = arith.constant 0 : i32
        %dma_wait3A_295 = tpu.memref_slice %arg3[%dma_wait3A_293, %dma_wait3A_294] : memref<2560x128xi32, #tpu.memory_space<hbm>> -> memref<4x128xi32, #tpu.memory_space<hbm>>
        tpu.wait_dma2 semaphore(%arg16 : memref<!tpu.dma_semaphore, #tpu.memory_space<semaphore_mem>>) src(%dma_wait3A_295 : memref<4x128xi32, #tpu.memory_space<hbm>>) dst(%dma_wait3A_292 : memref<4x128xi32, #tpu.memory_space<vmem>>)
        %dma_start3A_296 = arith.constant 1 : i32
        %dma_start3A_297 = arith.constant 0 : i32
        %dma_start3A_298 = arith.constant 0 : i32
        %dma_start3A_299 = arith.constant 0 : i32
        %dma_start3A_300 = arith.constant 0 : i32
        %dma_start3A_301 = tpu.memref_slice %arg9[%dma_start3A_298, %dma_start3A_299, %dma_start3A_300] : memref<2x128x128xf32, #tpu.memory_space<vmem>> -> memref<1x128x128xf32, #tpu.memory_space<vmem>>
        %dma_start3A_302 = tpu.memref_squeeze %dma_start3A_301 : memref<1x128x128xf32, #tpu.memory_space<vmem>> -> memref<128x128xf32, #tpu.memory_space<vmem>>
        %dma_start3A_303 = arith.constant 0 : i32
        %dma_start3A_304 = tpu.memref_slice %arg7[%dma_start3A_296, %dma_start3A_297, %dma_start3A_303] : memref<2x4x128xi32, #tpu.memory_space<vmem>> -> memref<1x1x128xi32, #tpu.memory_space<vmem>>
        %dma_start3A_305 = tpu.memref_squeeze %dma_start3A_304 : memref<1x1x128xi32, #tpu.memory_space<vmem>> -> memref<128xi32, #tpu.memory_space<vmem>>
        %dma_start3A_306 = arith.constant 0 : i32
        %dma_start3A_307 = arith.constant 0 : i32
        %dma_start3A_308 = tpu.memref_slice %arg2[%dma_start3A_306, %dma_start3A_307] : memref<10008x128xf32, #tpu.memory_space<hbm>> -> memref<10008x128xf32, #tpu.memory_space<hbm>>
        tpu.enqueue_indirect_dma source(%dma_start3A_308 : memref<10008x128xf32, #tpu.memory_space<hbm>>) target(%dma_start3A_302 : memref<128x128xf32, #tpu.memory_space<vmem>>) offsets(%dma_start3A_305 : memref<128xi32, #tpu.memory_space<vmem>>) semaphore(%arg11 : memref<!tpu.dma_semaphore, #tpu.memory_space<semaphore_mem>>)
        %dma_wait3A_309 = arith.constant 0 : i32
        %dma_wait3A_310 = arith.constant 3 : i32
        %dma_wait3A_311 = arith.constant 1 : i32
        %dma_wait3A_312 = arith.constant 0 : i32
        %dma_wait3A_313 = arith.constant 0 : i32
        %dma_wait3A_314 = tpu.memref_slice %arg9[%dma_wait3A_311, %dma_wait3A_312, %dma_wait3A_313] : memref<2x128x128xf32, #tpu.memory_space<vmem>> -> memref<1x128x128xf32, #tpu.memory_space<vmem>>
        %dma_wait3A_315 = tpu.memref_squeeze %dma_wait3A_314 : memref<1x128x128xf32, #tpu.memory_space<vmem>> -> memref<128x128xf32, #tpu.memory_space<vmem>>
        %dma_wait3A_316 = arith.constant 0 : i32
        %dma_wait3A_317 = tpu.memref_slice %arg7[%dma_wait3A_309, %dma_wait3A_310, %dma_wait3A_316] : memref<2x4x128xi32, #tpu.memory_space<vmem>> -> memref<1x1x128xi32, #tpu.memory_space<vmem>>
        %dma_wait3A_318 = tpu.memref_squeeze %dma_wait3A_317 : memref<1x1x128xi32, #tpu.memory_space<vmem>> -> memref<128xi32, #tpu.memory_space<vmem>>
        %dma_wait3A_319 = arith.constant 0 : i32
        %dma_wait3A_320 = arith.constant 0 : i32
        %dma_wait3A_321 = tpu.memref_slice %arg2[%dma_wait3A_319, %dma_wait3A_320] : memref<10008x128xf32, #tpu.memory_space<hbm>> -> memref<10008x128xf32, #tpu.memory_space<hbm>>
        tpu.wait_indirect_dma semaphore(%arg12 : memref<!tpu.dma_semaphore, #tpu.memory_space<semaphore_mem>>) src(%dma_wait3A_321 : memref<10008x128xf32, #tpu.memory_space<hbm>>) dst(%dma_wait3A_315 : memref<128x128xf32, #tpu.memory_space<vmem>>)
        %add3A_322 = arith.constant 2 : i32
        %add3A_323 = arith.addi %add3A_137, %add3A_322 : i32
        %lt3A_324 = arith.constant 32 : i32
        %lt3A_325 = arith.cmpi slt, %add3A_323, %lt3A_324 : i32
        %convert_element_type3A_326 = arith.extui %lt3A_325 : i1 to i32
        %cond3A_327 = arith.constant 0 : i32
        %cond3A_328 = arith.cmpi ne, %convert_element_type3A_326, %cond3A_327 : i32
        scf.if %cond3A_328 {
          %add3A_571 = arith.constant 2 : i32
          %add3A_572 = arith.addi %add3A_137, %add3A_571 : i32
          %mul3A_573 = arith.constant 4 : i32
          %mul3A_574 = arith.muli %add3A_572, %mul3A_573 : i32
          %add3A_575 = arith.addi %mul3A_39, %mul3A_574 : i32
          %dma_start3A_576 = arith.constant 0 : i32
          %dma_start3A_577 = arith.constant 0 : i32
          %dma_start3A_578 = arith.constant 0 : i32
          %dma_start3A_579 = tpu.memref_slice %arg7[%dma_start3A_576, %dma_start3A_577, %dma_start3A_578] : memref<2x4x128xi32, #tpu.memory_space<vmem>> -> memref<1x4x128xi32, #tpu.memory_space<vmem>>
          %dma_start3A_580 = tpu.memref_squeeze %dma_start3A_579 : memref<1x4x128xi32, #tpu.memory_space<vmem>> -> memref<4x128xi32, #tpu.memory_space<vmem>>
          %dma_start3A_581 = arith.constant 0 : i32
          %dma_start3A_582 = tpu.memref_slice %arg3[%add3A_575, %dma_start3A_581] : memref<2560x128xi32, #tpu.memory_space<hbm>> -> memref<4x128xi32, #tpu.memory_space<hbm>>
          %dma_start3A_583 = arith.constant 0 : i32
          %dma_start3A_584 = arith.constant 0 : i32
          %dma_start3A_585 = tpu.memref_slice %arg7[%dma_start3A_576, %dma_start3A_583, %dma_start3A_584] : memref<2x4x128xi32, #tpu.memory_space<vmem>> -> memref<1x4x128xi32, #tpu.memory_space<vmem>>
          %dma_start3A_586 = tpu.memref_squeeze %dma_start3A_585 : memref<1x4x128xi32, #tpu.memory_space<vmem>> -> memref<4x128xi32, #tpu.memory_space<vmem>>
          %dma_start3A_587 = arith.constant 0 : i32
          %dma_start3A_588 = tpu.memref_slice %arg3[%add3A_575, %dma_start3A_587] : memref<2560x128xi32, #tpu.memory_space<hbm>> -> memref<4x128xi32, #tpu.memory_space<hbm>>
          tpu.enqueue_dma source(%dma_start3A_588 : memref<4x128xi32, #tpu.memory_space<hbm>>) target(%dma_start3A_586 : memref<4x128xi32, #tpu.memory_space<vmem>>) target_semaphore(%arg15 : memref<!tpu.dma_semaphore, #tpu.memory_space<semaphore_mem>>)
        } else {
        }
        %mul3A_329 = arith.constant 4 : i32
        %mul3A_330 = arith.muli %add3A_137, %mul3A_329 : i32
        %add3A_331 = arith.constant 3 : i32
        %add3A_332 = arith.addi %mul3A_330, %add3A_331 : i32
        %dma_start3A_333 = arith.constant 1 : i32
        %dma_start3A_334 = arith.constant 0 : i32
        %dma_start3A_335 = arith.constant 0 : i32
        %dma_start3A_336 = tpu.memref_slice %arg9[%dma_start3A_333, %dma_start3A_334, %dma_start3A_335] : memref<2x128x128xf32, #tpu.memory_space<vmem>> -> memref<1x128x128xf32, #tpu.memory_space<vmem>>
        %dma_start3A_337 = tpu.memref_squeeze %dma_start3A_336 : memref<1x128x128xf32, #tpu.memory_space<vmem>> -> memref<128x128xf32, #tpu.memory_space<vmem>>
        %dma_start3A_338 = arith.constant 0 : i32
        %dma_start3A_339 = tpu.memref_slice %arg8[%add3A_332, %dma_start3A_338] : memref<128x128xi32, #tpu.memory_space<vmem>> -> memref<1x128xi32, #tpu.memory_space<vmem>>
        %dma_start3A_340 = tpu.memref_squeeze %dma_start3A_339 : memref<1x128xi32, #tpu.memory_space<vmem>> -> memref<128xi32, #tpu.memory_space<vmem>>
        %dma_start3A_341 = arith.constant 0 : i32
        %dma_start3A_342 = arith.constant 0 : i32
        %dma_start3A_343 = tpu.memref_slice %arg10[%dma_start3A_341, %dma_start3A_342] : memref<10000x128xf32, #tpu.memory_space<vmem_shared>> -> memref<10000x128xf32, #tpu.memory_space<vmem_shared>>
        tpu.enqueue_indirect_dma source(%dma_start3A_337 : memref<128x128xf32, #tpu.memory_space<vmem>>) target(%dma_start3A_343 : memref<10000x128xf32, #tpu.memory_space<vmem_shared>>) offsets(%dma_start3A_340 : memref<128xi32, #tpu.memory_space<vmem>>) semaphore(%arg14 : memref<!tpu.dma_semaphore, #tpu.memory_space<semaphore_mem>>) {add = true}
        %dma_wait3A_344 = arith.constant 1 : i32
        %dma_wait3A_345 = arith.constant 0 : i32
        %dma_wait3A_346 = arith.constant 0 : i32
        %dma_wait3A_347 = tpu.memref_slice %arg9[%dma_wait3A_344, %dma_wait3A_345, %dma_wait3A_346] : memref<2x128x128xf32, #tpu.memory_space<vmem>> -> memref<1x128x128xf32, #tpu.memory_space<vmem>>
        %dma_wait3A_348 = tpu.memref_squeeze %dma_wait3A_347 : memref<1x128x128xf32, #tpu.memory_space<vmem>> -> memref<128x128xf32, #tpu.memory_space<vmem>>
        %dma_wait3A_349 = arith.constant 0 : i32
        %dma_wait3A_350 = tpu.memref_slice %arg8[%add3A_332, %dma_wait3A_349] : memref<128x128xi32, #tpu.memory_space<vmem>> -> memref<1x128xi32, #tpu.memory_space<vmem>>
        %dma_wait3A_351 = tpu.memref_squeeze %dma_wait3A_350 : memref<1x128xi32, #tpu.memory_space<vmem>> -> memref<128xi32, #tpu.memory_space<vmem>>
        %dma_wait3A_352 = arith.constant 0 : i32
        %dma_wait3A_353 = arith.constant 0 : i32
        %dma_wait3A_354 = tpu.memref_slice %arg10[%dma_wait3A_352, %dma_wait3A_353] : memref<10000x128xf32, #tpu.memory_space<vmem_shared>> -> memref<10000x128xf32, #tpu.memory_space<vmem_shared>>
        tpu.wait_indirect_dma semaphore(%arg14 : memref<!tpu.dma_semaphore, #tpu.memory_space<semaphore_mem>>) src(%dma_wait3A_348 : memref<128x128xf32, #tpu.memory_space<vmem>>) dst(%dma_wait3A_354 : memref<10000x128xf32, #tpu.memory_space<vmem_shared>>)
        %dma_start3A_355 = arith.constant 1 : i32
        %dma_start3A_356 = arith.constant 1 : i32
        %dma_start3A_357 = arith.constant 1 : i32
        %dma_start3A_358 = arith.constant 0 : i32
        %dma_start3A_359 = arith.constant 0 : i32
        %dma_start3A_360 = tpu.memref_slice %arg9[%dma_start3A_357, %dma_start3A_358, %dma_start3A_359] : memref<2x128x128xf32, #tpu.memory_space<vmem>> -> memref<1x128x128xf32, #tpu.memory_space<vmem>>
        %dma_start3A_361 = tpu.memref_squeeze %dma_start3A_360 : memref<1x128x128xf32, #tpu.memory_space<vmem>> -> memref<128x128xf32, #tpu.memory_space<vmem>>
        %dma_start3A_362 = arith.constant 0 : i32
        %dma_start3A_363 = tpu.memref_slice %arg7[%dma_start3A_355, %dma_start3A_356, %dma_start3A_362] : memref<2x4x128xi32, #tpu.memory_space<vmem>> -> memref<1x1x128xi32, #tpu.memory_space<vmem>>
        %dma_start3A_364 = tpu.memref_squeeze %dma_start3A_363 : memref<1x1x128xi32, #tpu.memory_space<vmem>> -> memref<128xi32, #tpu.memory_space<vmem>>
        %dma_start3A_365 = arith.constant 0 : i32
        %dma_start3A_366 = arith.constant 0 : i32
        %dma_start3A_367 = tpu.memref_slice %arg2[%dma_start3A_365, %dma_start3A_366] : memref<10008x128xf32, #tpu.memory_space<hbm>> -> memref<10008x128xf32, #tpu.memory_space<hbm>>
        tpu.enqueue_indirect_dma source(%dma_start3A_367 : memref<10008x128xf32, #tpu.memory_space<hbm>>) target(%dma_start3A_361 : memref<128x128xf32, #tpu.memory_space<vmem>>) offsets(%dma_start3A_364 : memref<128xi32, #tpu.memory_space<vmem>>) semaphore(%arg12 : memref<!tpu.dma_semaphore, #tpu.memory_space<semaphore_mem>>)
        %dma_wait3A_368 = arith.constant 1 : i32
        %dma_wait3A_369 = arith.constant 0 : i32
        %dma_wait3A_370 = arith.constant 0 : i32
        %dma_wait3A_371 = arith.constant 0 : i32
        %dma_wait3A_372 = arith.constant 0 : i32
        %dma_wait3A_373 = tpu.memref_slice %arg9[%dma_wait3A_370, %dma_wait3A_371, %dma_wait3A_372] : memref<2x128x128xf32, #tpu.memory_space<vmem>> -> memref<1x128x128xf32, #tpu.memory_space<vmem>>
        %dma_wait3A_374 = tpu.memref_squeeze %dma_wait3A_373 : memref<1x128x128xf32, #tpu.memory_space<vmem>> -> memref<128x128xf32, #tpu.memory_space<vmem>>
        %dma_wait3A_375 = arith.constant 0 : i32
        %dma_wait3A_376 = tpu.memref_slice %arg7[%dma_wait3A_368, %dma_wait3A_369, %dma_wait3A_375] : memref<2x4x128xi32, #tpu.memory_space<vmem>> -> memref<1x1x128xi32, #tpu.memory_space<vmem>>
        %dma_wait3A_377 = tpu.memref_squeeze %dma_wait3A_376 : memref<1x1x128xi32, #tpu.memory_space<vmem>> -> memref<128xi32, #tpu.memory_space<vmem>>
        %dma_wait3A_378 = arith.constant 0 : i32
        %dma_wait3A_379 = arith.constant 0 : i32
        %dma_wait3A_380 = tpu.memref_slice %arg2[%dma_wait3A_378, %dma_wait3A_379] : memref<10008x128xf32, #tpu.memory_space<hbm>> -> memref<10008x128xf32, #tpu.memory_space<hbm>>
        tpu.wait_indirect_dma semaphore(%arg11 : memref<!tpu.dma_semaphore, #tpu.memory_space<semaphore_mem>>) src(%dma_wait3A_380 : memref<10008x128xf32, #tpu.memory_space<hbm>>) dst(%dma_wait3A_374 : memref<128x128xf32, #tpu.memory_space<vmem>>)
        %mul3A_381 = arith.constant 4 : i32
        %mul3A_382 = arith.muli %add3A_137, %mul3A_381 : i32
        %add3A_383 = arith.constant 4 : i32
        %add3A_384 = arith.addi %mul3A_382, %add3A_383 : i32
        %dma_start3A_385 = arith.constant 0 : i32
        %dma_start3A_386 = arith.constant 0 : i32
        %dma_start3A_387 = arith.constant 0 : i32
        %dma_start3A_388 = tpu.memref_slice %arg9[%dma_start3A_385, %dma_start3A_386, %dma_start3A_387] : memref<2x128x128xf32, #tpu.memory_space<vmem>> -> memref<1x128x128xf32, #tpu.memory_space<vmem>>
        %dma_start3A_389 = tpu.memref_squeeze %dma_start3A_388 : memref<1x128x128xf32, #tpu.memory_space<vmem>> -> memref<128x128xf32, #tpu.memory_space<vmem>>
        %dma_start3A_390 = arith.constant 0 : i32
        %dma_start3A_391 = tpu.memref_slice %arg8[%add3A_384, %dma_start3A_390] : memref<128x128xi32, #tpu.memory_space<vmem>> -> memref<1x128xi32, #tpu.memory_space<vmem>>
        %dma_start3A_392 = tpu.memref_squeeze %dma_start3A_391 : memref<1x128xi32, #tpu.memory_space<vmem>> -> memref<128xi32, #tpu.memory_space<vmem>>
        %dma_start3A_393 = arith.constant 0 : i32
        %dma_start3A_394 = arith.constant 0 : i32
        %dma_start3A_395 = tpu.memref_slice %arg10[%dma_start3A_393, %dma_start3A_394] : memref<10000x128xf32, #tpu.memory_space<vmem_shared>> -> memref<10000x128xf32, #tpu.memory_space<vmem_shared>>
        tpu.enqueue_indirect_dma source(%dma_start3A_389 : memref<128x128xf32, #tpu.memory_space<vmem>>) target(%dma_start3A_395 : memref<10000x128xf32, #tpu.memory_space<vmem_shared>>) offsets(%dma_start3A_392 : memref<128xi32, #tpu.memory_space<vmem>>) semaphore(%arg13 : memref<!tpu.dma_semaphore, #tpu.memory_space<semaphore_mem>>) {add = true}
        %dma_wait3A_396 = arith.constant 0 : i32
        %dma_wait3A_397 = arith.constant 0 : i32
        %dma_wait3A_398 = arith.constant 0 : i32
        %dma_wait3A_399 = tpu.memref_slice %arg9[%dma_wait3A_396, %dma_wait3A_397, %dma_wait3A_398] : memref<2x128x128xf32, #tpu.memory_space<vmem>> -> memref<1x128x128xf32, #tpu.memory_space<vmem>>
        %dma_wait3A_400 = tpu.memref_squeeze %dma_wait3A_399 : memref<1x128x128xf32, #tpu.memory_space<vmem>> -> memref<128x128xf32, #tpu.memory_space<vmem>>
        %dma_wait3A_401 = arith.constant 0 : i32
        %dma_wait3A_402 = tpu.memref_slice %arg8[%add3A_384, %dma_wait3A_401] : memref<128x128xi32, #tpu.memory_space<vmem>> -> memref<1x128xi32, #tpu.memory_space<vmem>>
        %dma_wait3A_403 = tpu.memref_squeeze %dma_wait3A_402 : memref<1x128xi32, #tpu.memory_space<vmem>> -> memref<128xi32, #tpu.memory_space<vmem>>
        %dma_wait3A_404 = arith.constant 0 : i32
        %dma_wait3A_405 = arith.constant 0 : i32
        %dma_wait3A_406 = tpu.memref_slice %arg10[%dma_wait3A_404, %dma_wait3A_405] : memref<10000x128xf32, #tpu.memory_space<vmem_shared>> -> memref<10000x128xf32, #tpu.memory_space<vmem_shared>>
        tpu.wait_indirect_dma semaphore(%arg13 : memref<!tpu.dma_semaphore, #tpu.memory_space<semaphore_mem>>) src(%dma_wait3A_400 : memref<128x128xf32, #tpu.memory_space<vmem>>) dst(%dma_wait3A_406 : memref<10000x128xf32, #tpu.memory_space<vmem_shared>>)
        %dma_start3A_407 = arith.constant 1 : i32
        %dma_start3A_408 = arith.constant 2 : i32
        %dma_start3A_409 = arith.constant 0 : i32
        %dma_start3A_410 = arith.constant 0 : i32
        %dma_start3A_411 = arith.constant 0 : i32
        %dma_start3A_412 = tpu.memref_slice %arg9[%dma_start3A_409, %dma_start3A_410, %dma_start3A_411] : memref<2x128x128xf32, #tpu.memory_space<vmem>> -> memref<1x128x128xf32, #tpu.memory_space<vmem>>
        %dma_start3A_413 = tpu.memref_squeeze %dma_start3A_412 : memref<1x128x128xf32, #tpu.memory_space<vmem>> -> memref<128x128xf32, #tpu.memory_space<vmem>>
        %dma_start3A_414 = arith.constant 0 : i32
        %dma_start3A_415 = tpu.memref_slice %arg7[%dma_start3A_407, %dma_start3A_408, %dma_start3A_414] : memref<2x4x128xi32, #tpu.memory_space<vmem>> -> memref<1x1x128xi32, #tpu.memory_space<vmem>>
        %dma_start3A_416 = tpu.memref_squeeze %dma_start3A_415 : memref<1x1x128xi32, #tpu.memory_space<vmem>> -> memref<128xi32, #tpu.memory_space<vmem>>
        %dma_start3A_417 = arith.constant 0 : i32
        %dma_start3A_418 = arith.constant 0 : i32
        %dma_start3A_419 = tpu.memref_slice %arg2[%dma_start3A_417, %dma_start3A_418] : memref<10008x128xf32, #tpu.memory_space<hbm>> -> memref<10008x128xf32, #tpu.memory_space<hbm>>
        tpu.enqueue_indirect_dma source(%dma_start3A_419 : memref<10008x128xf32, #tpu.memory_space<hbm>>) target(%dma_start3A_413 : memref<128x128xf32, #tpu.memory_space<vmem>>) offsets(%dma_start3A_416 : memref<128xi32, #tpu.memory_space<vmem>>) semaphore(%arg11 : memref<!tpu.dma_semaphore, #tpu.memory_space<semaphore_mem>>)
        %dma_wait3A_420 = arith.constant 1 : i32
        %dma_wait3A_421 = arith.constant 1 : i32
        %dma_wait3A_422 = arith.constant 1 : i32
        %dma_wait3A_423 = arith.constant 0 : i32
        %dma_wait3A_424 = arith.constant 0 : i32
        %dma_wait3A_425 = tpu.memref_slice %arg9[%dma_wait3A_422, %dma_wait3A_423, %dma_wait3A_424] : memref<2x128x128xf32, #tpu.memory_space<vmem>> -> memref<1x128x128xf32, #tpu.memory_space<vmem>>
        %dma_wait3A_426 = tpu.memref_squeeze %dma_wait3A_425 : memref<1x128x128xf32, #tpu.memory_space<vmem>> -> memref<128x128xf32, #tpu.memory_space<vmem>>
        %dma_wait3A_427 = arith.constant 0 : i32
        %dma_wait3A_428 = tpu.memref_slice %arg7[%dma_wait3A_420, %dma_wait3A_421, %dma_wait3A_427] : memref<2x4x128xi32, #tpu.memory_space<vmem>> -> memref<1x1x128xi32, #tpu.memory_space<vmem>>
        %dma_wait3A_429 = tpu.memref_squeeze %dma_wait3A_428 : memref<1x1x128xi32, #tpu.memory_space<vmem>> -> memref<128xi32, #tpu.memory_space<vmem>>
        %dma_wait3A_430 = arith.constant 0 : i32
        %dma_wait3A_431 = arith.constant 0 : i32
        %dma_wait3A_432 = tpu.memref_slice %arg2[%dma_wait3A_430, %dma_wait3A_431] : memref<10008x128xf32, #tpu.memory_space<hbm>> -> memref<10008x128xf32, #tpu.memory_space<hbm>>
        tpu.wait_indirect_dma semaphore(%arg12 : memref<!tpu.dma_semaphore, #tpu.memory_space<semaphore_mem>>) src(%dma_wait3A_432 : memref<10008x128xf32, #tpu.memory_space<hbm>>) dst(%dma_wait3A_426 : memref<128x128xf32, #tpu.memory_space<vmem>>)
        %mul3A_433 = arith.constant 4 : i32
        %mul3A_434 = arith.muli %add3A_137, %mul3A_433 : i32
        %add3A_435 = arith.constant 5 : i32
        %add3A_436 = arith.addi %mul3A_434, %add3A_435 : i32
        %dma_start3A_437 = arith.constant 1 : i32
        %dma_start3A_438 = arith.constant 0 : i32
        %dma_start3A_439 = arith.constant 0 : i32
        %dma_start3A_440 = tpu.memref_slice %arg9[%dma_start3A_437, %dma_start3A_438, %dma_start3A_439] : memref<2x128x128xf32, #tpu.memory_space<vmem>> -> memref<1x128x128xf32, #tpu.memory_space<vmem>>
        %dma_start3A_441 = tpu.memref_squeeze %dma_start3A_440 : memref<1x128x128xf32, #tpu.memory_space<vmem>> -> memref<128x128xf32, #tpu.memory_space<vmem>>
        %dma_start3A_442 = arith.constant 0 : i32
        %dma_start3A_443 = tpu.memref_slice %arg8[%add3A_436, %dma_start3A_442] : memref<128x128xi32, #tpu.memory_space<vmem>> -> memref<1x128xi32, #tpu.memory_space<vmem>>
        %dma_start3A_444 = tpu.memref_squeeze %dma_start3A_443 : memref<1x128xi32, #tpu.memory_space<vmem>> -> memref<128xi32, #tpu.memory_space<vmem>>
        %dma_start3A_445 = arith.constant 0 : i32
        %dma_start3A_446 = arith.constant 0 : i32
        %dma_start3A_447 = tpu.memref_slice %arg10[%dma_start3A_445, %dma_start3A_446] : memref<10000x128xf32, #tpu.memory_space<vmem_shared>> -> memref<10000x128xf32, #tpu.memory_space<vmem_shared>>
        tpu.enqueue_indirect_dma source(%dma_start3A_441 : memref<128x128xf32, #tpu.memory_space<vmem>>) target(%dma_start3A_447 : memref<10000x128xf32, #tpu.memory_space<vmem_shared>>) offsets(%dma_start3A_444 : memref<128xi32, #tpu.memory_space<vmem>>) semaphore(%arg14 : memref<!tpu.dma_semaphore, #tpu.memory_space<semaphore_mem>>) {add = true}
        %dma_wait3A_448 = arith.constant 1 : i32
        %dma_wait3A_449 = arith.constant 0 : i32
        %dma_wait3A_450 = arith.constant 0 : i32
        %dma_wait3A_451 = tpu.memref_slice %arg9[%dma_wait3A_448, %dma_wait3A_449, %dma_wait3A_450] : memref<2x128x128xf32, #tpu.memory_space<vmem>> -> memref<1x128x128xf32, #tpu.memory_space<vmem>>
        %dma_wait3A_452 = tpu.memref_squeeze %dma_wait3A_451 : memref<1x128x128xf32, #tpu.memory_space<vmem>> -> memref<128x128xf32, #tpu.memory_space<vmem>>
        %dma_wait3A_453 = arith.constant 0 : i32
        %dma_wait3A_454 = tpu.memref_slice %arg8[%add3A_436, %dma_wait3A_453] : memref<128x128xi32, #tpu.memory_space<vmem>> -> memref<1x128xi32, #tpu.memory_space<vmem>>
        %dma_wait3A_455 = tpu.memref_squeeze %dma_wait3A_454 : memref<1x128xi32, #tpu.memory_space<vmem>> -> memref<128xi32, #tpu.memory_space<vmem>>
        %dma_wait3A_456 = arith.constant 0 : i32
        %dma_wait3A_457 = arith.constant 0 : i32
        %dma_wait3A_458 = tpu.memref_slice %arg10[%dma_wait3A_456, %dma_wait3A_457] : memref<10000x128xf32, #tpu.memory_space<vmem_shared>> -> memref<10000x128xf32, #tpu.memory_space<vmem_shared>>
        tpu.wait_indirect_dma semaphore(%arg14 : memref<!tpu.dma_semaphore, #tpu.memory_space<semaphore_mem>>) src(%dma_wait3A_452 : memref<128x128xf32, #tpu.memory_space<vmem>>) dst(%dma_wait3A_458 : memref<10000x128xf32, #tpu.memory_space<vmem_shared>>)
        %dma_start3A_459 = arith.constant 1 : i32
        %dma_start3A_460 = arith.constant 3 : i32
        %dma_start3A_461 = arith.constant 1 : i32
        %dma_start3A_462 = arith.constant 0 : i32
        %dma_start3A_463 = arith.constant 0 : i32
        %dma_start3A_464 = tpu.memref_slice %arg9[%dma_start3A_461, %dma_start3A_462, %dma_start3A_463] : memref<2x128x128xf32, #tpu.memory_space<vmem>> -> memref<1x128x128xf32, #tpu.memory_space<vmem>>
        %dma_start3A_465 = tpu.memref_squeeze %dma_start3A_464 : memref<1x128x128xf32, #tpu.memory_space<vmem>> -> memref<128x128xf32, #tpu.memory_space<vmem>>
        %dma_start3A_466 = arith.constant 0 : i32
        %dma_start3A_467 = tpu.memref_slice %arg7[%dma_start3A_459, %dma_start3A_460, %dma_start3A_466] : memref<2x4x128xi32, #tpu.memory_space<vmem>> -> memref<1x1x128xi32, #tpu.memory_space<vmem>>
        %dma_start3A_468 = tpu.memref_squeeze %dma_start3A_467 : memref<1x1x128xi32, #tpu.memory_space<vmem>> -> memref<128xi32, #tpu.memory_space<vmem>>
        %dma_start3A_469 = arith.constant 0 : i32
        %dma_start3A_470 = arith.constant 0 : i32
        %dma_start3A_471 = tpu.memref_slice %arg2[%dma_start3A_469, %dma_start3A_470] : memref<10008x128xf32, #tpu.memory_space<hbm>> -> memref<10008x128xf32, #tpu.memory_space<hbm>>
        tpu.enqueue_indirect_dma source(%dma_start3A_471 : memref<10008x128xf32, #tpu.memory_space<hbm>>) target(%dma_start3A_465 : memref<128x128xf32, #tpu.memory_space<vmem>>) offsets(%dma_start3A_468 : memref<128xi32, #tpu.memory_space<vmem>>) semaphore(%arg12 : memref<!tpu.dma_semaphore, #tpu.memory_space<semaphore_mem>>)
        %dma_wait3A_472 = arith.constant 1 : i32
        %dma_wait3A_473 = arith.constant 2 : i32
        %dma_wait3A_474 = arith.constant 0 : i32
        %dma_wait3A_475 = arith.constant 0 : i32
        %dma_wait3A_476 = arith.constant 0 : i32
        %dma_wait3A_477 = tpu.memref_slice %arg9[%dma_wait3A_474, %dma_wait3A_475, %dma_wait3A_476] : memref<2x128x128xf32, #tpu.memory_space<vmem>> -> memref<1x128x128xf32, #tpu.memory_space<vmem>>
        %dma_wait3A_478 = tpu.memref_squeeze %dma_wait3A_477 : memref<1x128x128xf32, #tpu.memory_space<vmem>> -> memref<128x128xf32, #tpu.memory_space<vmem>>
        %dma_wait3A_479 = arith.constant 0 : i32
        %dma_wait3A_480 = tpu.memref_slice %arg7[%dma_wait3A_472, %dma_wait3A_473, %dma_wait3A_479] : memref<2x4x128xi32, #tpu.memory_space<vmem>> -> memref<1x1x128xi32, #tpu.memory_space<vmem>>
        %dma_wait3A_481 = tpu.memref_squeeze %dma_wait3A_480 : memref<1x1x128xi32, #tpu.memory_space<vmem>> -> memref<128xi32, #tpu.memory_space<vmem>>
        %dma_wait3A_482 = arith.constant 0 : i32
        %dma_wait3A_483 = arith.constant 0 : i32
        %dma_wait3A_484 = tpu.memref_slice %arg2[%dma_wait3A_482, %dma_wait3A_483] : memref<10008x128xf32, #tpu.memory_space<hbm>> -> memref<10008x128xf32, #tpu.memory_space<hbm>>
        tpu.wait_indirect_dma semaphore(%arg11 : memref<!tpu.dma_semaphore, #tpu.memory_space<semaphore_mem>>) src(%dma_wait3A_484 : memref<10008x128xf32, #tpu.memory_space<hbm>>) dst(%dma_wait3A_478 : memref<128x128xf32, #tpu.memory_space<vmem>>)
        %mul3A_485 = arith.constant 4 : i32
        %mul3A_486 = arith.muli %add3A_137, %mul3A_485 : i32
        %add3A_487 = arith.constant 6 : i32
        %add3A_488 = arith.addi %mul3A_486, %add3A_487 : i32
        %dma_start3A_489 = arith.constant 0 : i32
        %dma_start3A_490 = arith.constant 0 : i32
        %dma_start3A_491 = arith.constant 0 : i32
        %dma_start3A_492 = tpu.memref_slice %arg9[%dma_start3A_489, %dma_start3A_490, %dma_start3A_491] : memref<2x128x128xf32, #tpu.memory_space<vmem>> -> memref<1x128x128xf32, #tpu.memory_space<vmem>>
        %dma_start3A_493 = tpu.memref_squeeze %dma_start3A_492 : memref<1x128x128xf32, #tpu.memory_space<vmem>> -> memref<128x128xf32, #tpu.memory_space<vmem>>
        %dma_start3A_494 = arith.constant 0 : i32
        %dma_start3A_495 = tpu.memref_slice %arg8[%add3A_488, %dma_start3A_494] : memref<128x128xi32, #tpu.memory_space<vmem>> -> memref<1x128xi32, #tpu.memory_space<vmem>>
        %dma_start3A_496 = tpu.memref_squeeze %dma_start3A_495 : memref<1x128xi32, #tpu.memory_space<vmem>> -> memref<128xi32, #tpu.memory_space<vmem>>
        %dma_start3A_497 = arith.constant 0 : i32
        %dma_start3A_498 = arith.constant 0 : i32
        %dma_start3A_499 = tpu.memref_slice %arg10[%dma_start3A_497, %dma_start3A_498] : memref<10000x128xf32, #tpu.memory_space<vmem_shared>> -> memref<10000x128xf32, #tpu.memory_space<vmem_shared>>
        tpu.enqueue_indirect_dma source(%dma_start3A_493 : memref<128x128xf32, #tpu.memory_space<vmem>>) target(%dma_start3A_499 : memref<10000x128xf32, #tpu.memory_space<vmem_shared>>) offsets(%dma_start3A_496 : memref<128xi32, #tpu.memory_space<vmem>>) semaphore(%arg13 : memref<!tpu.dma_semaphore, #tpu.memory_space<semaphore_mem>>) {add = true}
        %dma_wait3A_500 = arith.constant 0 : i32
        %dma_wait3A_501 = arith.constant 0 : i32
        %dma_wait3A_502 = arith.constant 0 : i32
        %dma_wait3A_503 = tpu.memref_slice %arg9[%dma_wait3A_500, %dma_wait3A_501, %dma_wait3A_502] : memref<2x128x128xf32, #tpu.memory_space<vmem>> -> memref<1x128x128xf32, #tpu.memory_space<vmem>>
        %dma_wait3A_504 = tpu.memref_squeeze %dma_wait3A_503 : memref<1x128x128xf32, #tpu.memory_space<vmem>> -> memref<128x128xf32, #tpu.memory_space<vmem>>
        %dma_wait3A_505 = arith.constant 0 : i32
        %dma_wait3A_506 = tpu.memref_slice %arg8[%add3A_488, %dma_wait3A_505] : memref<128x128xi32, #tpu.memory_space<vmem>> -> memref<1x128xi32, #tpu.memory_space<vmem>>
        %dma_wait3A_507 = tpu.memref_squeeze %dma_wait3A_506 : memref<1x128xi32, #tpu.memory_space<vmem>> -> memref<128xi32, #tpu.memory_space<vmem>>
        %dma_wait3A_508 = arith.constant 0 : i32
        %dma_wait3A_509 = arith.constant 0 : i32
        %dma_wait3A_510 = tpu.memref_slice %arg10[%dma_wait3A_508, %dma_wait3A_509] : memref<10000x128xf32, #tpu.memory_space<vmem_shared>> -> memref<10000x128xf32, #tpu.memory_space<vmem_shared>>
        tpu.wait_indirect_dma semaphore(%arg13 : memref<!tpu.dma_semaphore, #tpu.memory_space<semaphore_mem>>) src(%dma_wait3A_504 : memref<128x128xf32, #tpu.memory_space<vmem>>) dst(%dma_wait3A_510 : memref<10000x128xf32, #tpu.memory_space<vmem_shared>>)
        %add3A_511 = arith.constant 2 : i32
        %add3A_512 = arith.addi %add3A_137, %add3A_511 : i32
        %lt3A_513 = arith.constant 32 : i32
        %lt3A_514 = arith.cmpi slt, %add3A_512, %lt3A_513 : i32
        %convert_element_type3A_515 = arith.extui %lt3A_514 : i1 to i32
        %cond3A_516 = arith.constant 0 : i32
        %cond3A_517 = arith.cmpi ne, %convert_element_type3A_515, %cond3A_516 : i32
        scf.if %cond3A_517 {
          %dma_wait3A_571 = arith.constant 0 : i32
          %dma_wait3A_572 = arith.constant 0 : i32
          %dma_wait3A_573 = arith.constant 0 : i32
          %dma_wait3A_574 = tpu.memref_slice %arg7[%dma_wait3A_571, %dma_wait3A_572, %dma_wait3A_573] : memref<2x4x128xi32, #tpu.memory_space<vmem>> -> memref<1x4x128xi32, #tpu.memory_space<vmem>>
          %dma_wait3A_575 = tpu.memref_squeeze %dma_wait3A_574 : memref<1x4x128xi32, #tpu.memory_space<vmem>> -> memref<4x128xi32, #tpu.memory_space<vmem>>
          %dma_wait3A_576 = arith.constant 0 : i32
          %dma_wait3A_577 = arith.constant 0 : i32
          %dma_wait3A_578 = tpu.memref_slice %arg3[%dma_wait3A_576, %dma_wait3A_577] : memref<2560x128xi32, #tpu.memory_space<hbm>> -> memref<4x128xi32, #tpu.memory_space<hbm>>
          %dma_wait3A_579 = arith.constant 0 : i32
          %dma_wait3A_580 = arith.constant 0 : i32
          %dma_wait3A_581 = tpu.memref_slice %arg7[%dma_wait3A_571, %dma_wait3A_579, %dma_wait3A_580] : memref<2x4x128xi32, #tpu.memory_space<vmem>> -> memref<1x4x128xi32, #tpu.memory_space<vmem>>
          %dma_wait3A_582 = tpu.memref_squeeze %dma_wait3A_581 : memref<1x4x128xi32, #tpu.memory_space<vmem>> -> memref<4x128xi32, #tpu.memory_space<vmem>>
          %dma_wait3A_583 = arith.constant 0 : i32
          %dma_wait3A_584 = arith.constant 0 : i32
          %dma_wait3A_585 = tpu.memref_slice %arg3[%dma_wait3A_583, %dma_wait3A_584] : memref<2560x128xi32, #tpu.memory_space<hbm>> -> memref<4x128xi32, #tpu.memory_space<hbm>>
          tpu.wait_dma2 semaphore(%arg15 : memref<!tpu.dma_semaphore, #tpu.memory_space<semaphore_mem>>) src(%dma_wait3A_585 : memref<4x128xi32, #tpu.memory_space<hbm>>) dst(%dma_wait3A_582 : memref<4x128xi32, #tpu.memory_space<vmem>>)
          %dma_start3A_586 = arith.constant 0 : i32
          %dma_start3A_587 = arith.constant 0 : i32
          %dma_start3A_588 = arith.constant 0 : i32
          %dma_start3A_589 = arith.constant 0 : i32
          %dma_start3A_590 = arith.constant 0 : i32
          %dma_start3A_591 = tpu.memref_slice %arg9[%dma_start3A_588, %dma_start3A_589, %dma_start3A_590] : memref<2x128x128xf32, #tpu.memory_space<vmem>> -> memref<1x128x128xf32, #tpu.memory_space<vmem>>
          %dma_start3A_592 = tpu.memref_squeeze %dma_start3A_591 : memref<1x128x128xf32, #tpu.memory_space<vmem>> -> memref<128x128xf32, #tpu.memory_space<vmem>>
          %dma_start3A_593 = arith.constant 0 : i32
          %dma_start3A_594 = tpu.memref_slice %arg7[%dma_start3A_586, %dma_start3A_587, %dma_start3A_593] : memref<2x4x128xi32, #tpu.memory_space<vmem>> -> memref<1x1x128xi32, #tpu.memory_space<vmem>>
          %dma_start3A_595 = tpu.memref_squeeze %dma_start3A_594 : memref<1x1x128xi32, #tpu.memory_space<vmem>> -> memref<128xi32, #tpu.memory_space<vmem>>
          %dma_start3A_596 = arith.constant 0 : i32
          %dma_start3A_597 = arith.constant 0 : i32
          %dma_start3A_598 = tpu.memref_slice %arg2[%dma_start3A_596, %dma_start3A_597] : memref<10008x128xf32, #tpu.memory_space<hbm>> -> memref<10008x128xf32, #tpu.memory_space<hbm>>
          tpu.enqueue_indirect_dma source(%dma_start3A_598 : memref<10008x128xf32, #tpu.memory_space<hbm>>) target(%dma_start3A_592 : memref<128x128xf32, #tpu.memory_space<vmem>>) offsets(%dma_start3A_595 : memref<128xi32, #tpu.memory_space<vmem>>) semaphore(%arg11 : memref<!tpu.dma_semaphore, #tpu.memory_space<semaphore_mem>>)
        } else {
        }
        %dma_wait3A_518 = arith.constant 1 : i32
        %dma_wait3A_519 = arith.constant 3 : i32
        %dma_wait3A_520 = arith.constant 1 : i32
        %dma_wait3A_521 = arith.constant 0 : i32
        %dma_wait3A_522 = arith.constant 0 : i32
        %dma_wait3A_523 = tpu.memref_slice %arg9[%dma_wait3A_520, %dma_wait3A_521, %dma_wait3A_522] : memref<2x128x128xf32, #tpu.memory_space<vmem>> -> memref<1x128x128xf32, #tpu.memory_space<vmem>>
        %dma_wait3A_524 = tpu.memref_squeeze %dma_wait3A_523 : memref<1x128x128xf32, #tpu.memory_space<vmem>> -> memref<128x128xf32, #tpu.memory_space<vmem>>
        %dma_wait3A_525 = arith.constant 0 : i32
        %dma_wait3A_526 = tpu.memref_slice %arg7[%dma_wait3A_518, %dma_wait3A_519, %dma_wait3A_525] : memref<2x4x128xi32, #tpu.memory_space<vmem>> -> memref<1x1x128xi32, #tpu.memory_space<vmem>>
        %dma_wait3A_527 = tpu.memref_squeeze %dma_wait3A_526 : memref<1x1x128xi32, #tpu.memory_space<vmem>> -> memref<128xi32, #tpu.memory_space<vmem>>
        %dma_wait3A_528 = arith.constant 0 : i32
        %dma_wait3A_529 = arith.constant 0 : i32
        %dma_wait3A_530 = tpu.memref_slice %arg2[%dma_wait3A_528, %dma_wait3A_529] : memref<10008x128xf32, #tpu.memory_space<hbm>> -> memref<10008x128xf32, #tpu.memory_space<hbm>>
        tpu.wait_indirect_dma semaphore(%arg12 : memref<!tpu.dma_semaphore, #tpu.memory_space<semaphore_mem>>) src(%dma_wait3A_530 : memref<10008x128xf32, #tpu.memory_space<hbm>>) dst(%dma_wait3A_524 : memref<128x128xf32, #tpu.memory_space<vmem>>)
        %add3A_531 = arith.constant 3 : i32
        %add3A_532 = arith.addi %add3A_137, %add3A_531 : i32
        %lt3A_533 = arith.constant 32 : i32
        %lt3A_534 = arith.cmpi slt, %add3A_532, %lt3A_533 : i32
        %convert_element_type3A_535 = arith.extui %lt3A_534 : i1 to i32
        %cond3A_536 = arith.constant 0 : i32
        %cond3A_537 = arith.cmpi ne, %convert_element_type3A_535, %cond3A_536 : i32
        scf.if %cond3A_537 {
          %add3A_571 = arith.constant 3 : i32
          %add3A_572 = arith.addi %add3A_137, %add3A_571 : i32
          %mul3A_573 = arith.constant 4 : i32
          %mul3A_574 = arith.muli %add3A_572, %mul3A_573 : i32
          %add3A_575 = arith.addi %mul3A_39, %mul3A_574 : i32
          %dma_start3A_576 = arith.constant 1 : i32
          %dma_start3A_577 = arith.constant 0 : i32
          %dma_start3A_578 = arith.constant 0 : i32
          %dma_start3A_579 = tpu.memref_slice %arg7[%dma_start3A_576, %dma_start3A_577, %dma_start3A_578] : memref<2x4x128xi32, #tpu.memory_space<vmem>> -> memref<1x4x128xi32, #tpu.memory_space<vmem>>
          %dma_start3A_580 = tpu.memref_squeeze %dma_start3A_579 : memref<1x4x128xi32, #tpu.memory_space<vmem>> -> memref<4x128xi32, #tpu.memory_space<vmem>>
          %dma_start3A_581 = arith.constant 0 : i32
          %dma_start3A_582 = tpu.memref_slice %arg3[%add3A_575, %dma_start3A_581] : memref<2560x128xi32, #tpu.memory_space<hbm>> -> memref<4x128xi32, #tpu.memory_space<hbm>>
          %dma_start3A_583 = arith.constant 0 : i32
          %dma_start3A_584 = arith.constant 0 : i32
          %dma_start3A_585 = tpu.memref_slice %arg7[%dma_start3A_576, %dma_start3A_583, %dma_start3A_584] : memref<2x4x128xi32, #tpu.memory_space<vmem>> -> memref<1x4x128xi32, #tpu.memory_space<vmem>>
          %dma_start3A_586 = tpu.memref_squeeze %dma_start3A_585 : memref<1x4x128xi32, #tpu.memory_space<vmem>> -> memref<4x128xi32, #tpu.memory_space<vmem>>
          %dma_start3A_587 = arith.constant 0 : i32
          %dma_start3A_588 = tpu.memref_slice %arg3[%add3A_575, %dma_start3A_587] : memref<2560x128xi32, #tpu.memory_space<hbm>> -> memref<4x128xi32, #tpu.memory_space<hbm>>
          tpu.enqueue_dma source(%dma_start3A_588 : memref<4x128xi32, #tpu.memory_space<hbm>>) target(%dma_start3A_586 : memref<4x128xi32, #tpu.memory_space<vmem>>) target_semaphore(%arg16 : memref<!tpu.dma_semaphore, #tpu.memory_space<semaphore_mem>>)
        } else {
        }
        %mul3A_538 = arith.constant 4 : i32
        %mul3A_539 = arith.muli %add3A_137, %mul3A_538 : i32
        %add3A_540 = arith.constant 7 : i32
        %add3A_541 = arith.addi %mul3A_539, %add3A_540 : i32
        %dma_start3A_542 = arith.constant 1 : i32
        %dma_start3A_543 = arith.constant 0 : i32
        %dma_start3A_544 = arith.constant 0 : i32
        %dma_start3A_545 = tpu.memref_slice %arg9[%dma_start3A_542, %dma_start3A_543, %dma_start3A_544] : memref<2x128x128xf32, #tpu.memory_space<vmem>> -> memref<1x128x128xf32, #tpu.memory_space<vmem>>
        %dma_start3A_546 = tpu.memref_squeeze %dma_start3A_545 : memref<1x128x128xf32, #tpu.memory_space<vmem>> -> memref<128x128xf32, #tpu.memory_space<vmem>>
        %dma_start3A_547 = arith.constant 0 : i32
        %dma_start3A_548 = tpu.memref_slice %arg8[%add3A_541, %dma_start3A_547] : memref<128x128xi32, #tpu.memory_space<vmem>> -> memref<1x128xi32, #tpu.memory_space<vmem>>
        %dma_start3A_549 = tpu.memref_squeeze %dma_start3A_548 : memref<1x128xi32, #tpu.memory_space<vmem>> -> memref<128xi32, #tpu.memory_space<vmem>>
        %dma_start3A_550 = arith.constant 0 : i32
        %dma_start3A_551 = arith.constant 0 : i32
        %dma_start3A_552 = tpu.memref_slice %arg10[%dma_start3A_550, %dma_start3A_551] : memref<10000x128xf32, #tpu.memory_space<vmem_shared>> -> memref<10000x128xf32, #tpu.memory_space<vmem_shared>>
        tpu.enqueue_indirect_dma source(%dma_start3A_546 : memref<128x128xf32, #tpu.memory_space<vmem>>) target(%dma_start3A_552 : memref<10000x128xf32, #tpu.memory_space<vmem_shared>>) offsets(%dma_start3A_549 : memref<128xi32, #tpu.memory_space<vmem>>) semaphore(%arg14 : memref<!tpu.dma_semaphore, #tpu.memory_space<semaphore_mem>>) {add = true}
        %dma_wait3A_553 = arith.constant 1 : i32
        %dma_wait3A_554 = arith.constant 0 : i32
        %dma_wait3A_555 = arith.constant 0 : i32
        %dma_wait3A_556 = tpu.memref_slice %arg9[%dma_wait3A_553, %dma_wait3A_554, %dma_wait3A_555] : memref<2x128x128xf32, #tpu.memory_space<vmem>> -> memref<1x128x128xf32, #tpu.memory_space<vmem>>
        %dma_wait3A_557 = tpu.memref_squeeze %dma_wait3A_556 : memref<1x128x128xf32, #tpu.memory_space<vmem>> -> memref<128x128xf32, #tpu.memory_space<vmem>>
        %dma_wait3A_558 = arith.constant 0 : i32
        %dma_wait3A_559 = tpu.memref_slice %arg8[%add3A_541, %dma_wait3A_558] : memref<128x128xi32, #tpu.memory_space<vmem>> -> memref<1x128xi32, #tpu.memory_space<vmem>>
        %dma_wait3A_560 = tpu.memref_squeeze %dma_wait3A_559 : memref<1x128xi32, #tpu.memory_space<vmem>> -> memref<128xi32, #tpu.memory_space<vmem>>
        %dma_wait3A_561 = arith.constant 0 : i32
        %dma_wait3A_562 = arith.constant 0 : i32
        %dma_wait3A_563 = tpu.memref_slice %arg10[%dma_wait3A_561, %dma_wait3A_562] : memref<10000x128xf32, #tpu.memory_space<vmem_shared>> -> memref<10000x128xf32, #tpu.memory_space<vmem_shared>>
        tpu.wait_indirect_dma semaphore(%arg14 : memref<!tpu.dma_semaphore, #tpu.memory_space<semaphore_mem>>) src(%dma_wait3A_557 : memref<128x128xf32, #tpu.memory_space<vmem>>) dst(%dma_wait3A_563 : memref<10000x128xf32, #tpu.memory_space<vmem_shared>>)
        %add3A_564 = arith.constant 2 : i32
        %add3A_565 = arith.addi %add3A_137, %add3A_564 : i32
        %lt3A_566 = arith.constant 32 : i32
        %lt3A_567 = arith.cmpi slt, %add3A_565, %lt3A_566 : i32
        %convert_element_type3A_568 = arith.extui %lt3A_567 : i1 to i32
        %cond3A_569 = arith.constant 0 : i32
        %cond3A_570 = arith.cmpi ne, %convert_element_type3A_568, %cond3A_569 : i32
        scf.if %cond3A_570 {
          %dma_start3A_571 = arith.constant 0 : i32
          %dma_start3A_572 = arith.constant 1 : i32
          %dma_start3A_573 = arith.constant 1 : i32
          %dma_start3A_574 = arith.constant 0 : i32
          %dma_start3A_575 = arith.constant 0 : i32
          %dma_start3A_576 = tpu.memref_slice %arg9[%dma_start3A_573, %dma_start3A_574, %dma_start3A_575] : memref<2x128x128xf32, #tpu.memory_space<vmem>> -> memref<1x128x128xf32, #tpu.memory_space<vmem>>
          %dma_start3A_577 = tpu.memref_squeeze %dma_start3A_576 : memref<1x128x128xf32, #tpu.memory_space<vmem>> -> memref<128x128xf32, #tpu.memory_space<vmem>>
          %dma_start3A_578 = arith.constant 0 : i32
          %dma_start3A_579 = tpu.memref_slice %arg7[%dma_start3A_571, %dma_start3A_572, %dma_start3A_578] : memref<2x4x128xi32, #tpu.memory_space<vmem>> -> memref<1x1x128xi32, #tpu.memory_space<vmem>>
          %dma_start3A_580 = tpu.memref_squeeze %dma_start3A_579 : memref<1x1x128xi32, #tpu.memory_space<vmem>> -> memref<128xi32, #tpu.memory_space<vmem>>
          %dma_start3A_581 = arith.constant 0 : i32
          %dma_start3A_582 = arith.constant 0 : i32
          %dma_start3A_583 = tpu.memref_slice %arg2[%dma_start3A_581, %dma_start3A_582] : memref<10008x128xf32, #tpu.memory_space<hbm>> -> memref<10008x128xf32, #tpu.memory_space<hbm>>
          tpu.enqueue_indirect_dma source(%dma_start3A_583 : memref<10008x128xf32, #tpu.memory_space<hbm>>) target(%dma_start3A_577 : memref<128x128xf32, #tpu.memory_space<vmem>>) offsets(%dma_start3A_580 : memref<128xi32, #tpu.memory_space<vmem>>) semaphore(%arg12 : memref<!tpu.dma_semaphore, #tpu.memory_space<semaphore_mem>>)
        } else {
        }
      }
      %scan3A_132 = arith.constant 16 : i32
    } else {
    }
    %eq3A_22 = arith.constant 1 : i32
    %eq3A_23 = arith.cmpi eq, %arg0, %eq3A_22 : i32
    %convert_element_type3A_24 = arith.extui %eq3A_23 : i1 to i32
    %cond3A_25 = arith.constant 0 : i32
    %cond3A_26 = arith.cmpi ne, %convert_element_type3A_24, %cond3A_25 : i32
    scf.if %cond3A_26 {
      %mul3A_38 = arith.constant 32 : i32
      %mul3A_39 = arith.muli %arg1, %mul3A_38 : i32
      %add3A = arith.constant 2048 : i32
      %add3A_40 = arith.addi %add3A, %mul3A_39 : i32
      %dma_start3A = arith.constant 0 : i32
      %dma_start3A_41 = arith.constant 0 : i32
      %dma_start3A_42 = tpu.memref_slice %arg8[%dma_start3A, %dma_start3A_41] : memref<128x128xi32, #tpu.memory_space<vmem>> -> memref<32x128xi32, #tpu.memory_space<vmem>>
      %dma_start3A_43 = arith.constant 0 : i32
      %dma_start3A_44 = tpu.memref_slice %arg4[%add3A_40, %dma_start3A_43] : memref<2560x128xi32, #tpu.memory_space<hbm>> -> memref<32x128xi32, #tpu.memory_space<hbm>>
      %dma_start3A_45 = arith.constant 0 : i32
      %dma_start3A_46 = arith.constant 0 : i32
      %dma_start3A_47 = tpu.memref_slice %arg8[%dma_start3A_45, %dma_start3A_46] : memref<128x128xi32, #tpu.memory_space<vmem>> -> memref<32x128xi32, #tpu.memory_space<vmem>>
      %dma_start3A_48 = arith.constant 0 : i32
      %dma_start3A_49 = tpu.memref_slice %arg4[%add3A_40, %dma_start3A_48] : memref<2560x128xi32, #tpu.memory_space<hbm>> -> memref<32x128xi32, #tpu.memory_space<hbm>>
      tpu.enqueue_dma source(%dma_start3A_49 : memref<32x128xi32, #tpu.memory_space<hbm>>) target(%dma_start3A_47 : memref<32x128xi32, #tpu.memory_space<vmem>>) target_semaphore(%arg17 : memref<!tpu.dma_semaphore, #tpu.memory_space<semaphore_mem>>)
      %add3A_50 = arith.constant 0 : i32
      %add3A_51 = arith.addi %add3A_40, %add3A_50 : i32
      %dma_start3A_52 = arith.constant 0 : i32
      %dma_start3A_53 = arith.constant 0 : i32
      %dma_start3A_54 = arith.constant 0 : i32
      %dma_start3A_55 = tpu.memref_slice %arg7[%dma_start3A_52, %dma_start3A_53, %dma_start3A_54] : memref<2x4x128xi32, #tpu.memory_space<vmem>> -> memref<1x4x128xi32, #tpu.memory_space<vmem>>
      %dma_start3A_56 = tpu.memref_squeeze %dma_start3A_55 : memref<1x4x128xi32, #tpu.memory_space<vmem>> -> memref<4x128xi32, #tpu.memory_space<vmem>>
      %dma_start3A_57 = arith.constant 0 : i32
      %dma_start3A_58 = tpu.memref_slice %arg3[%add3A_51, %dma_start3A_57] : memref<2560x128xi32, #tpu.memory_space<hbm>> -> memref<4x128xi32, #tpu.memory_space<hbm>>
      %dma_start3A_59 = arith.constant 0 : i32
      %dma_start3A_60 = arith.constant 0 : i32
      %dma_start3A_61 = tpu.memref_slice %arg7[%dma_start3A_52, %dma_start3A_59, %dma_start3A_60] : memref<2x4x128xi32, #tpu.memory_space<vmem>> -> memref<1x4x128xi32, #tpu.memory_space<vmem>>
      %dma_start3A_62 = tpu.memref_squeeze %dma_start3A_61 : memref<1x4x128xi32, #tpu.memory_space<vmem>> -> memref<4x128xi32, #tpu.memory_space<vmem>>
      %dma_start3A_63 = arith.constant 0 : i32
      %dma_start3A_64 = tpu.memref_slice %arg3[%add3A_51, %dma_start3A_63] : memref<2560x128xi32, #tpu.memory_space<hbm>> -> memref<4x128xi32, #tpu.memory_space<hbm>>
      tpu.enqueue_dma source(%dma_start3A_64 : memref<4x128xi32, #tpu.memory_space<hbm>>) target(%dma_start3A_62 : memref<4x128xi32, #tpu.memory_space<vmem>>) target_semaphore(%arg15 : memref<!tpu.dma_semaphore, #tpu.memory_space<semaphore_mem>>)
      %add3A_65 = arith.constant 4 : i32
      %add3A_66 = arith.addi %add3A_40, %add3A_65 : i32
      %dma_start3A_67 = arith.constant 1 : i32
      %dma_start3A_68 = arith.constant 0 : i32
      %dma_start3A_69 = arith.constant 0 : i32
      %dma_start3A_70 = tpu.memref_slice %arg7[%dma_start3A_67, %dma_start3A_68, %dma_start3A_69] : memref<2x4x128xi32, #tpu.memory_space<vmem>> -> memref<1x4x128xi32, #tpu.memory_space<vmem>>
      %dma_start3A_71 = tpu.memref_squeeze %dma_start3A_70 : memref<1x4x128xi32, #tpu.memory_space<vmem>> -> memref<4x128xi32, #tpu.memory_space<vmem>>
      %dma_start3A_72 = arith.constant 0 : i32
      %dma_start3A_73 = tpu.memref_slice %arg3[%add3A_66, %dma_start3A_72] : memref<2560x128xi32, #tpu.memory_space<hbm>> -> memref<4x128xi32, #tpu.memory_space<hbm>>
      %dma_start3A_74 = arith.constant 0 : i32
      %dma_start3A_75 = arith.constant 0 : i32
      %dma_start3A_76 = tpu.memref_slice %arg7[%dma_start3A_67, %dma_start3A_74, %dma_start3A_75] : memref<2x4x128xi32, #tpu.memory_space<vmem>> -> memref<1x4x128xi32, #tpu.memory_space<vmem>>
      %dma_start3A_77 = tpu.memref_squeeze %dma_start3A_76 : memref<1x4x128xi32, #tpu.memory_space<vmem>> -> memref<4x128xi32, #tpu.memory_space<vmem>>
      %dma_start3A_78 = arith.constant 0 : i32
      %dma_start3A_79 = tpu.memref_slice %arg3[%add3A_66, %dma_start3A_78] : memref<2560x128xi32, #tpu.memory_space<hbm>> -> memref<4x128xi32, #tpu.memory_space<hbm>>
      tpu.enqueue_dma source(%dma_start3A_79 : memref<4x128xi32, #tpu.memory_space<hbm>>) target(%dma_start3A_77 : memref<4x128xi32, #tpu.memory_space<vmem>>) target_semaphore(%arg16 : memref<!tpu.dma_semaphore, #tpu.memory_space<semaphore_mem>>)
      %dma_wait3A = arith.constant 0 : i32
      %dma_wait3A_80 = arith.constant 0 : i32
      %dma_wait3A_81 = arith.constant 0 : i32
      %dma_wait3A_82 = tpu.memref_slice %arg7[%dma_wait3A, %dma_wait3A_80, %dma_wait3A_81] : memref<2x4x128xi32, #tpu.memory_space<vmem>> -> memref<1x4x128xi32, #tpu.memory_space<vmem>>
      %dma_wait3A_83 = tpu.memref_squeeze %dma_wait3A_82 : memref<1x4x128xi32, #tpu.memory_space<vmem>> -> memref<4x128xi32, #tpu.memory_space<vmem>>
      %dma_wait3A_84 = arith.constant 0 : i32
      %dma_wait3A_85 = arith.constant 0 : i32
      %dma_wait3A_86 = tpu.memref_slice %arg3[%dma_wait3A_84, %dma_wait3A_85] : memref<2560x128xi32, #tpu.memory_space<hbm>> -> memref<4x128xi32, #tpu.memory_space<hbm>>
      %dma_wait3A_87 = arith.constant 0 : i32
      %dma_wait3A_88 = arith.constant 0 : i32
      %dma_wait3A_89 = tpu.memref_slice %arg7[%dma_wait3A, %dma_wait3A_87, %dma_wait3A_88] : memref<2x4x128xi32, #tpu.memory_space<vmem>> -> memref<1x4x128xi32, #tpu.memory_space<vmem>>
      %dma_wait3A_90 = tpu.memref_squeeze %dma_wait3A_89 : memref<1x4x128xi32, #tpu.memory_space<vmem>> -> memref<4x128xi32, #tpu.memory_space<vmem>>
      %dma_wait3A_91 = arith.constant 0 : i32
      %dma_wait3A_92 = arith.constant 0 : i32
      %dma_wait3A_93 = tpu.memref_slice %arg3[%dma_wait3A_91, %dma_wait3A_92] : memref<2560x128xi32, #tpu.memory_space<hbm>> -> memref<4x128xi32, #tpu.memory_space<hbm>>
      tpu.wait_dma2 semaphore(%arg15 : memref<!tpu.dma_semaphore, #tpu.memory_space<semaphore_mem>>) src(%dma_wait3A_93 : memref<4x128xi32, #tpu.memory_space<hbm>>) dst(%dma_wait3A_90 : memref<4x128xi32, #tpu.memory_space<vmem>>)
      %dma_start3A_94 = arith.constant 0 : i32
      %dma_start3A_95 = arith.constant 0 : i32
      %dma_start3A_96 = arith.constant 0 : i32
      %dma_start3A_97 = arith.constant 0 : i32
      %dma_start3A_98 = arith.constant 0 : i32
      %dma_start3A_99 = tpu.memref_slice %arg9[%dma_start3A_96, %dma_start3A_97, %dma_start3A_98] : memref<2x128x128xf32, #tpu.memory_space<vmem>> -> memref<1x128x128xf32, #tpu.memory_space<vmem>>
      %dma_start3A_100 = tpu.memref_squeeze %dma_start3A_99 : memref<1x128x128xf32, #tpu.memory_space<vmem>> -> memref<128x128xf32, #tpu.memory_space<vmem>>
      %dma_start3A_101 = arith.constant 0 : i32
      %dma_start3A_102 = tpu.memref_slice %arg7[%dma_start3A_94, %dma_start3A_95, %dma_start3A_101] : memref<2x4x128xi32, #tpu.memory_space<vmem>> -> memref<1x1x128xi32, #tpu.memory_space<vmem>>
      %dma_start3A_103 = tpu.memref_squeeze %dma_start3A_102 : memref<1x1x128xi32, #tpu.memory_space<vmem>> -> memref<128xi32, #tpu.memory_space<vmem>>
      %dma_start3A_104 = arith.constant 0 : i32
      %dma_start3A_105 = arith.constant 0 : i32
      %dma_start3A_106 = tpu.memref_slice %arg2[%dma_start3A_104, %dma_start3A_105] : memref<10008x128xf32, #tpu.memory_space<hbm>> -> memref<10008x128xf32, #tpu.memory_space<hbm>>
      tpu.enqueue_indirect_dma source(%dma_start3A_106 : memref<10008x128xf32, #tpu.memory_space<hbm>>) target(%dma_start3A_100 : memref<128x128xf32, #tpu.memory_space<vmem>>) offsets(%dma_start3A_103 : memref<128xi32, #tpu.memory_space<vmem>>) semaphore(%arg11 : memref<!tpu.dma_semaphore, #tpu.memory_space<semaphore_mem>>)
      %dma_start3A_107 = arith.constant 0 : i32
      %dma_start3A_108 = arith.constant 1 : i32
      %dma_start3A_109 = arith.constant 1 : i32
      %dma_start3A_110 = arith.constant 0 : i32
      %dma_start3A_111 = arith.constant 0 : i32
      %dma_start3A_112 = tpu.memref_slice %arg9[%dma_start3A_109, %dma_start3A_110, %dma_start3A_111] : memref<2x128x128xf32, #tpu.memory_space<vmem>> -> memref<1x128x128xf32, #tpu.memory_space<vmem>>
      %dma_start3A_113 = tpu.memref_squeeze %dma_start3A_112 : memref<1x128x128xf32, #tpu.memory_space<vmem>> -> memref<128x128xf32, #tpu.memory_space<vmem>>
      %dma_start3A_114 = arith.constant 0 : i32
      %dma_start3A_115 = tpu.memref_slice %arg7[%dma_start3A_107, %dma_start3A_108, %dma_start3A_114] : memref<2x4x128xi32, #tpu.memory_space<vmem>> -> memref<1x1x128xi32, #tpu.memory_space<vmem>>
      %dma_start3A_116 = tpu.memref_squeeze %dma_start3A_115 : memref<1x1x128xi32, #tpu.memory_space<vmem>> -> memref<128xi32, #tpu.memory_space<vmem>>
      %dma_start3A_117 = arith.constant 0 : i32
      %dma_start3A_118 = arith.constant 0 : i32
      %dma_start3A_119 = tpu.memref_slice %arg2[%dma_start3A_117, %dma_start3A_118] : memref<10008x128xf32, #tpu.memory_space<hbm>> -> memref<10008x128xf32, #tpu.memory_space<hbm>>
      tpu.enqueue_indirect_dma source(%dma_start3A_119 : memref<10008x128xf32, #tpu.memory_space<hbm>>) target(%dma_start3A_113 : memref<128x128xf32, #tpu.memory_space<vmem>>) offsets(%dma_start3A_116 : memref<128xi32, #tpu.memory_space<vmem>>) semaphore(%arg12 : memref<!tpu.dma_semaphore, #tpu.memory_space<semaphore_mem>>)
      %dma_wait3A_120 = arith.constant 0 : i32
      %dma_wait3A_121 = arith.constant 0 : i32
      %dma_wait3A_122 = tpu.memref_slice %arg8[%dma_wait3A_120, %dma_wait3A_121] : memref<128x128xi32, #tpu.memory_space<vmem>> -> memref<32x128xi32, #tpu.memory_space<vmem>>
      %dma_wait3A_123 = arith.constant 0 : i32
      %dma_wait3A_124 = tpu.memref_slice %arg4[%add3A_40, %dma_wait3A_123] : memref<2560x128xi32, #tpu.memory_space<hbm>> -> memref<32x128xi32, #tpu.memory_space<hbm>>
      %dma_wait3A_125 = arith.constant 0 : i32
      %dma_wait3A_126 = arith.constant 0 : i32
      %dma_wait3A_127 = tpu.memref_slice %arg8[%dma_wait3A_125, %dma_wait3A_126] : memref<128x128xi32, #tpu.memory_space<vmem>> -> memref<32x128xi32, #tpu.memory_space<vmem>>
      %dma_wait3A_128 = arith.constant 0 : i32
      %dma_wait3A_129 = tpu.memref_slice %arg4[%add3A_40, %dma_wait3A_128] : memref<2560x128xi32, #tpu.memory_space<hbm>> -> memref<32x128xi32, #tpu.memory_space<hbm>>
      tpu.wait_dma2 semaphore(%arg17 : memref<!tpu.dma_semaphore, #tpu.memory_space<semaphore_mem>>) src(%dma_wait3A_129 : memref<32x128xi32, #tpu.memory_space<hbm>>) dst(%dma_wait3A_127 : memref<32x128xi32, #tpu.memory_space<vmem>>)
      %scan3A_130 = arith.constant 0 : i32
      %scan3A_131 = arith.constant 4 : i32
      %scan3A_132 = arith.addi %scan3A_130, %scan3A_131 : i32
      %scan3A_133 = arith.constant 1 : i32
      scf.for %scan3A_135 = %scan3A_130 to %scan3A_132 step %scan3A_133  : i32 {
        %mul3A_136 = arith.constant 2 : i32
        %mul3A_137 = arith.muli %scan3A_135, %mul3A_136 : i32
        %add3A_138 = arith.constant 0 : i32
        %add3A_139 = arith.addi %add3A_138, %mul3A_137 : i32
        %dma_wait3A_140 = arith.constant 0 : i32
        %dma_wait3A_141 = arith.constant 0 : i32
        %dma_wait3A_142 = arith.constant 0 : i32
        %dma_wait3A_143 = arith.constant 0 : i32
        %dma_wait3A_144 = arith.constant 0 : i32
        %dma_wait3A_145 = tpu.memref_slice %arg9[%dma_wait3A_142, %dma_wait3A_143, %dma_wait3A_144] : memref<2x128x128xf32, #tpu.memory_space<vmem>> -> memref<1x128x128xf32, #tpu.memory_space<vmem>>
        %dma_wait3A_146 = tpu.memref_squeeze %dma_wait3A_145 : memref<1x128x128xf32, #tpu.memory_space<vmem>> -> memref<128x128xf32, #tpu.memory_space<vmem>>
        %dma_wait3A_147 = arith.constant 0 : i32
        %dma_wait3A_148 = tpu.memref_slice %arg7[%dma_wait3A_140, %dma_wait3A_141, %dma_wait3A_147] : memref<2x4x128xi32, #tpu.memory_space<vmem>> -> memref<1x1x128xi32, #tpu.memory_space<vmem>>
        %dma_wait3A_149 = tpu.memref_squeeze %dma_wait3A_148 : memref<1x1x128xi32, #tpu.memory_space<vmem>> -> memref<128xi32, #tpu.memory_space<vmem>>
        %dma_wait3A_150 = arith.constant 0 : i32
        %dma_wait3A_151 = arith.constant 0 : i32
        %dma_wait3A_152 = tpu.memref_slice %arg2[%dma_wait3A_150, %dma_wait3A_151] : memref<10008x128xf32, #tpu.memory_space<hbm>> -> memref<10008x128xf32, #tpu.memory_space<hbm>>
        tpu.wait_indirect_dma semaphore(%arg11 : memref<!tpu.dma_semaphore, #tpu.memory_space<semaphore_mem>>) src(%dma_wait3A_152 : memref<10008x128xf32, #tpu.memory_space<hbm>>) dst(%dma_wait3A_146 : memref<128x128xf32, #tpu.memory_space<vmem>>)
        %mul3A_153 = arith.constant 4 : i32
        %mul3A_154 = arith.muli %add3A_139, %mul3A_153 : i32
        %add3A_155 = arith.constant 0 : i32
        %add3A_156 = arith.addi %mul3A_154, %add3A_155 : i32
        %dma_start3A_157 = arith.constant 0 : i32
        %dma_start3A_158 = arith.constant 0 : i32
        %dma_start3A_159 = arith.constant 0 : i32
        %dma_start3A_160 = tpu.memref_slice %arg9[%dma_start3A_157, %dma_start3A_158, %dma_start3A_159] : memref<2x128x128xf32, #tpu.memory_space<vmem>> -> memref<1x128x128xf32, #tpu.memory_space<vmem>>
        %dma_start3A_161 = tpu.memref_squeeze %dma_start3A_160 : memref<1x128x128xf32, #tpu.memory_space<vmem>> -> memref<128x128xf32, #tpu.memory_space<vmem>>
        %dma_start3A_162 = arith.constant 0 : i32
        %dma_start3A_163 = tpu.memref_slice %arg8[%add3A_156, %dma_start3A_162] : memref<128x128xi32, #tpu.memory_space<vmem>> -> memref<1x128xi32, #tpu.memory_space<vmem>>
        %dma_start3A_164 = tpu.memref_squeeze %dma_start3A_163 : memref<1x128xi32, #tpu.memory_space<vmem>> -> memref<128xi32, #tpu.memory_space<vmem>>
        %dma_start3A_165 = arith.constant 0 : i32
        %dma_start3A_166 = arith.constant 0 : i32
        %dma_start3A_167 = tpu.memref_slice %arg10[%dma_start3A_165, %dma_start3A_166] : memref<10000x128xf32, #tpu.memory_space<vmem_shared>> -> memref<10000x128xf32, #tpu.memory_space<vmem_shared>>
        tpu.enqueue_indirect_dma source(%dma_start3A_161 : memref<128x128xf32, #tpu.memory_space<vmem>>) target(%dma_start3A_167 : memref<10000x128xf32, #tpu.memory_space<vmem_shared>>) offsets(%dma_start3A_164 : memref<128xi32, #tpu.memory_space<vmem>>) semaphore(%arg13 : memref<!tpu.dma_semaphore, #tpu.memory_space<semaphore_mem>>) {add = true}
        %dma_wait3A_168 = arith.constant 0 : i32
        %dma_wait3A_169 = arith.constant 0 : i32
        %dma_wait3A_170 = arith.constant 0 : i32
        %dma_wait3A_171 = tpu.memref_slice %arg9[%dma_wait3A_168, %dma_wait3A_169, %dma_wait3A_170] : memref<2x128x128xf32, #tpu.memory_space<vmem>> -> memref<1x128x128xf32, #tpu.memory_space<vmem>>
        %dma_wait3A_172 = tpu.memref_squeeze %dma_wait3A_171 : memref<1x128x128xf32, #tpu.memory_space<vmem>> -> memref<128x128xf32, #tpu.memory_space<vmem>>
        %dma_wait3A_173 = arith.constant 0 : i32
        %dma_wait3A_174 = tpu.memref_slice %arg8[%add3A_156, %dma_wait3A_173] : memref<128x128xi32, #tpu.memory_space<vmem>> -> memref<1x128xi32, #tpu.memory_space<vmem>>
        %dma_wait3A_175 = tpu.memref_squeeze %dma_wait3A_174 : memref<1x128xi32, #tpu.memory_space<vmem>> -> memref<128xi32, #tpu.memory_space<vmem>>
        %dma_wait3A_176 = arith.constant 0 : i32
        %dma_wait3A_177 = arith.constant 0 : i32
        %dma_wait3A_178 = tpu.memref_slice %arg10[%dma_wait3A_176, %dma_wait3A_177] : memref<10000x128xf32, #tpu.memory_space<vmem_shared>> -> memref<10000x128xf32, #tpu.memory_space<vmem_shared>>
        tpu.wait_indirect_dma semaphore(%arg13 : memref<!tpu.dma_semaphore, #tpu.memory_space<semaphore_mem>>) src(%dma_wait3A_172 : memref<128x128xf32, #tpu.memory_space<vmem>>) dst(%dma_wait3A_178 : memref<10000x128xf32, #tpu.memory_space<vmem_shared>>)
        %dma_start3A_179 = arith.constant 0 : i32
        %dma_start3A_180 = arith.constant 2 : i32
        %dma_start3A_181 = arith.constant 0 : i32
        %dma_start3A_182 = arith.constant 0 : i32
        %dma_start3A_183 = arith.constant 0 : i32
        %dma_start3A_184 = tpu.memref_slice %arg9[%dma_start3A_181, %dma_start3A_182, %dma_start3A_183] : memref<2x128x128xf32, #tpu.memory_space<vmem>> -> memref<1x128x128xf32, #tpu.memory_space<vmem>>
        %dma_start3A_185 = tpu.memref_squeeze %dma_start3A_184 : memref<1x128x128xf32, #tpu.memory_space<vmem>> -> memref<128x128xf32, #tpu.memory_space<vmem>>
        %dma_start3A_186 = arith.constant 0 : i32
        %dma_start3A_187 = tpu.memref_slice %arg7[%dma_start3A_179, %dma_start3A_180, %dma_start3A_186] : memref<2x4x128xi32, #tpu.memory_space<vmem>> -> memref<1x1x128xi32, #tpu.memory_space<vmem>>
        %dma_start3A_188 = tpu.memref_squeeze %dma_start3A_187 : memref<1x1x128xi32, #tpu.memory_space<vmem>> -> memref<128xi32, #tpu.memory_space<vmem>>
        %dma_start3A_189 = arith.constant 0 : i32
        %dma_start3A_190 = arith.constant 0 : i32
        %dma_start3A_191 = tpu.memref_slice %arg2[%dma_start3A_189, %dma_start3A_190] : memref<10008x128xf32, #tpu.memory_space<hbm>> -> memref<10008x128xf32, #tpu.memory_space<hbm>>
        tpu.enqueue_indirect_dma source(%dma_start3A_191 : memref<10008x128xf32, #tpu.memory_space<hbm>>) target(%dma_start3A_185 : memref<128x128xf32, #tpu.memory_space<vmem>>) offsets(%dma_start3A_188 : memref<128xi32, #tpu.memory_space<vmem>>) semaphore(%arg11 : memref<!tpu.dma_semaphore, #tpu.memory_space<semaphore_mem>>)
        %dma_wait3A_192 = arith.constant 0 : i32
        %dma_wait3A_193 = arith.constant 1 : i32
        %dma_wait3A_194 = arith.constant 1 : i32
        %dma_wait3A_195 = arith.constant 0 : i32
        %dma_wait3A_196 = arith.constant 0 : i32
        %dma_wait3A_197 = tpu.memref_slice %arg9[%dma_wait3A_194, %dma_wait3A_195, %dma_wait3A_196] : memref<2x128x128xf32, #tpu.memory_space<vmem>> -> memref<1x128x128xf32, #tpu.memory_space<vmem>>
        %dma_wait3A_198 = tpu.memref_squeeze %dma_wait3A_197 : memref<1x128x128xf32, #tpu.memory_space<vmem>> -> memref<128x128xf32, #tpu.memory_space<vmem>>
        %dma_wait3A_199 = arith.constant 0 : i32
        %dma_wait3A_200 = tpu.memref_slice %arg7[%dma_wait3A_192, %dma_wait3A_193, %dma_wait3A_199] : memref<2x4x128xi32, #tpu.memory_space<vmem>> -> memref<1x1x128xi32, #tpu.memory_space<vmem>>
        %dma_wait3A_201 = tpu.memref_squeeze %dma_wait3A_200 : memref<1x1x128xi32, #tpu.memory_space<vmem>> -> memref<128xi32, #tpu.memory_space<vmem>>
        %dma_wait3A_202 = arith.constant 0 : i32
        %dma_wait3A_203 = arith.constant 0 : i32
        %dma_wait3A_204 = tpu.memref_slice %arg2[%dma_wait3A_202, %dma_wait3A_203] : memref<10008x128xf32, #tpu.memory_space<hbm>> -> memref<10008x128xf32, #tpu.memory_space<hbm>>
        tpu.wait_indirect_dma semaphore(%arg12 : memref<!tpu.dma_semaphore, #tpu.memory_space<semaphore_mem>>) src(%dma_wait3A_204 : memref<10008x128xf32, #tpu.memory_space<hbm>>) dst(%dma_wait3A_198 : memref<128x128xf32, #tpu.memory_space<vmem>>)
        %mul3A_205 = arith.constant 4 : i32
        %mul3A_206 = arith.muli %add3A_139, %mul3A_205 : i32
        %add3A_207 = arith.constant 1 : i32
        %add3A_208 = arith.addi %mul3A_206, %add3A_207 : i32
        %dma_start3A_209 = arith.constant 1 : i32
        %dma_start3A_210 = arith.constant 0 : i32
        %dma_start3A_211 = arith.constant 0 : i32
        %dma_start3A_212 = tpu.memref_slice %arg9[%dma_start3A_209, %dma_start3A_210, %dma_start3A_211] : memref<2x128x128xf32, #tpu.memory_space<vmem>> -> memref<1x128x128xf32, #tpu.memory_space<vmem>>
        %dma_start3A_213 = tpu.memref_squeeze %dma_start3A_212 : memref<1x128x128xf32, #tpu.memory_space<vmem>> -> memref<128x128xf32, #tpu.memory_space<vmem>>
        %dma_start3A_214 = arith.constant 0 : i32
        %dma_start3A_215 = tpu.memref_slice %arg8[%add3A_208, %dma_start3A_214] : memref<128x128xi32, #tpu.memory_space<vmem>> -> memref<1x128xi32, #tpu.memory_space<vmem>>
        %dma_start3A_216 = tpu.memref_squeeze %dma_start3A_215 : memref<1x128xi32, #tpu.memory_space<vmem>> -> memref<128xi32, #tpu.memory_space<vmem>>
        %dma_start3A_217 = arith.constant 0 : i32
        %dma_start3A_218 = arith.constant 0 : i32
        %dma_start3A_219 = tpu.memref_slice %arg10[%dma_start3A_217, %dma_start3A_218] : memref<10000x128xf32, #tpu.memory_space<vmem_shared>> -> memref<10000x128xf32, #tpu.memory_space<vmem_shared>>
        tpu.enqueue_indirect_dma source(%dma_start3A_213 : memref<128x128xf32, #tpu.memory_space<vmem>>) target(%dma_start3A_219 : memref<10000x128xf32, #tpu.memory_space<vmem_shared>>) offsets(%dma_start3A_216 : memref<128xi32, #tpu.memory_space<vmem>>) semaphore(%arg14 : memref<!tpu.dma_semaphore, #tpu.memory_space<semaphore_mem>>) {add = true}
        %dma_wait3A_220 = arith.constant 1 : i32
        %dma_wait3A_221 = arith.constant 0 : i32
        %dma_wait3A_222 = arith.constant 0 : i32
        %dma_wait3A_223 = tpu.memref_slice %arg9[%dma_wait3A_220, %dma_wait3A_221, %dma_wait3A_222] : memref<2x128x128xf32, #tpu.memory_space<vmem>> -> memref<1x128x128xf32, #tpu.memory_space<vmem>>
        %dma_wait3A_224 = tpu.memref_squeeze %dma_wait3A_223 : memref<1x128x128xf32, #tpu.memory_space<vmem>> -> memref<128x128xf32, #tpu.memory_space<vmem>>
        %dma_wait3A_225 = arith.constant 0 : i32
        %dma_wait3A_226 = tpu.memref_slice %arg8[%add3A_208, %dma_wait3A_225] : memref<128x128xi32, #tpu.memory_space<vmem>> -> memref<1x128xi32, #tpu.memory_space<vmem>>
        %dma_wait3A_227 = tpu.memref_squeeze %dma_wait3A_226 : memref<1x128xi32, #tpu.memory_space<vmem>> -> memref<128xi32, #tpu.memory_space<vmem>>
        %dma_wait3A_228 = arith.constant 0 : i32
        %dma_wait3A_229 = arith.constant 0 : i32
        %dma_wait3A_230 = tpu.memref_slice %arg10[%dma_wait3A_228, %dma_wait3A_229] : memref<10000x128xf32, #tpu.memory_space<vmem_shared>> -> memref<10000x128xf32, #tpu.memory_space<vmem_shared>>
        tpu.wait_indirect_dma semaphore(%arg14 : memref<!tpu.dma_semaphore, #tpu.memory_space<semaphore_mem>>) src(%dma_wait3A_224 : memref<128x128xf32, #tpu.memory_space<vmem>>) dst(%dma_wait3A_230 : memref<10000x128xf32, #tpu.memory_space<vmem_shared>>)
        %dma_start3A_231 = arith.constant 0 : i32
        %dma_start3A_232 = arith.constant 3 : i32
        %dma_start3A_233 = arith.constant 1 : i32
        %dma_start3A_234 = arith.constant 0 : i32
        %dma_start3A_235 = arith.constant 0 : i32
        %dma_start3A_236 = tpu.memref_slice %arg9[%dma_start3A_233, %dma_start3A_234, %dma_start3A_235] : memref<2x128x128xf32, #tpu.memory_space<vmem>> -> memref<1x128x128xf32, #tpu.memory_space<vmem>>
        %dma_start3A_237 = tpu.memref_squeeze %dma_start3A_236 : memref<1x128x128xf32, #tpu.memory_space<vmem>> -> memref<128x128xf32, #tpu.memory_space<vmem>>
        %dma_start3A_238 = arith.constant 0 : i32
        %dma_start3A_239 = tpu.memref_slice %arg7[%dma_start3A_231, %dma_start3A_232, %dma_start3A_238] : memref<2x4x128xi32, #tpu.memory_space<vmem>> -> memref<1x1x128xi32, #tpu.memory_space<vmem>>
        %dma_start3A_240 = tpu.memref_squeeze %dma_start3A_239 : memref<1x1x128xi32, #tpu.memory_space<vmem>> -> memref<128xi32, #tpu.memory_space<vmem>>
        %dma_start3A_241 = arith.constant 0 : i32
        %dma_start3A_242 = arith.constant 0 : i32
        %dma_start3A_243 = tpu.memref_slice %arg2[%dma_start3A_241, %dma_start3A_242] : memref<10008x128xf32, #tpu.memory_space<hbm>> -> memref<10008x128xf32, #tpu.memory_space<hbm>>
        tpu.enqueue_indirect_dma source(%dma_start3A_243 : memref<10008x128xf32, #tpu.memory_space<hbm>>) target(%dma_start3A_237 : memref<128x128xf32, #tpu.memory_space<vmem>>) offsets(%dma_start3A_240 : memref<128xi32, #tpu.memory_space<vmem>>) semaphore(%arg12 : memref<!tpu.dma_semaphore, #tpu.memory_space<semaphore_mem>>)
        %dma_wait3A_244 = arith.constant 0 : i32
        %dma_wait3A_245 = arith.constant 2 : i32
        %dma_wait3A_246 = arith.constant 0 : i32
        %dma_wait3A_247 = arith.constant 0 : i32
        %dma_wait3A_248 = arith.constant 0 : i32
        %dma_wait3A_249 = tpu.memref_slice %arg9[%dma_wait3A_246, %dma_wait3A_247, %dma_wait3A_248] : memref<2x128x128xf32, #tpu.memory_space<vmem>> -> memref<1x128x128xf32, #tpu.memory_space<vmem>>
        %dma_wait3A_250 = tpu.memref_squeeze %dma_wait3A_249 : memref<1x128x128xf32, #tpu.memory_space<vmem>> -> memref<128x128xf32, #tpu.memory_space<vmem>>
        %dma_wait3A_251 = arith.constant 0 : i32
        %dma_wait3A_252 = tpu.memref_slice %arg7[%dma_wait3A_244, %dma_wait3A_245, %dma_wait3A_251] : memref<2x4x128xi32, #tpu.memory_space<vmem>> -> memref<1x1x128xi32, #tpu.memory_space<vmem>>
        %dma_wait3A_253 = tpu.memref_squeeze %dma_wait3A_252 : memref<1x1x128xi32, #tpu.memory_space<vmem>> -> memref<128xi32, #tpu.memory_space<vmem>>
        %dma_wait3A_254 = arith.constant 0 : i32
        %dma_wait3A_255 = arith.constant 0 : i32
        %dma_wait3A_256 = tpu.memref_slice %arg2[%dma_wait3A_254, %dma_wait3A_255] : memref<10008x128xf32, #tpu.memory_space<hbm>> -> memref<10008x128xf32, #tpu.memory_space<hbm>>
        tpu.wait_indirect_dma semaphore(%arg11 : memref<!tpu.dma_semaphore, #tpu.memory_space<semaphore_mem>>) src(%dma_wait3A_256 : memref<10008x128xf32, #tpu.memory_space<hbm>>) dst(%dma_wait3A_250 : memref<128x128xf32, #tpu.memory_space<vmem>>)
        %mul3A_257 = arith.constant 4 : i32
        %mul3A_258 = arith.muli %add3A_139, %mul3A_257 : i32
        %add3A_259 = arith.constant 2 : i32
        %add3A_260 = arith.addi %mul3A_258, %add3A_259 : i32
        %dma_start3A_261 = arith.constant 0 : i32
        %dma_start3A_262 = arith.constant 0 : i32
        %dma_start3A_263 = arith.constant 0 : i32
        %dma_start3A_264 = tpu.memref_slice %arg9[%dma_start3A_261, %dma_start3A_262, %dma_start3A_263] : memref<2x128x128xf32, #tpu.memory_space<vmem>> -> memref<1x128x128xf32, #tpu.memory_space<vmem>>
        %dma_start3A_265 = tpu.memref_squeeze %dma_start3A_264 : memref<1x128x128xf32, #tpu.memory_space<vmem>> -> memref<128x128xf32, #tpu.memory_space<vmem>>
        %dma_start3A_266 = arith.constant 0 : i32
        %dma_start3A_267 = tpu.memref_slice %arg8[%add3A_260, %dma_start3A_266] : memref<128x128xi32, #tpu.memory_space<vmem>> -> memref<1x128xi32, #tpu.memory_space<vmem>>
        %dma_start3A_268 = tpu.memref_squeeze %dma_start3A_267 : memref<1x128xi32, #tpu.memory_space<vmem>> -> memref<128xi32, #tpu.memory_space<vmem>>
        %dma_start3A_269 = arith.constant 0 : i32
        %dma_start3A_270 = arith.constant 0 : i32
        %dma_start3A_271 = tpu.memref_slice %arg10[%dma_start3A_269, %dma_start3A_270] : memref<10000x128xf32, #tpu.memory_space<vmem_shared>> -> memref<10000x128xf32, #tpu.memory_space<vmem_shared>>
        tpu.enqueue_indirect_dma source(%dma_start3A_265 : memref<128x128xf32, #tpu.memory_space<vmem>>) target(%dma_start3A_271 : memref<10000x128xf32, #tpu.memory_space<vmem_shared>>) offsets(%dma_start3A_268 : memref<128xi32, #tpu.memory_space<vmem>>) semaphore(%arg13 : memref<!tpu.dma_semaphore, #tpu.memory_space<semaphore_mem>>) {add = true}
        %dma_wait3A_272 = arith.constant 0 : i32
        %dma_wait3A_273 = arith.constant 0 : i32
        %dma_wait3A_274 = arith.constant 0 : i32
        %dma_wait3A_275 = tpu.memref_slice %arg9[%dma_wait3A_272, %dma_wait3A_273, %dma_wait3A_274] : memref<2x128x128xf32, #tpu.memory_space<vmem>> -> memref<1x128x128xf32, #tpu.memory_space<vmem>>
        %dma_wait3A_276 = tpu.memref_squeeze %dma_wait3A_275 : memref<1x128x128xf32, #tpu.memory_space<vmem>> -> memref<128x128xf32, #tpu.memory_space<vmem>>
        %dma_wait3A_277 = arith.constant 0 : i32
        %dma_wait3A_278 = tpu.memref_slice %arg8[%add3A_260, %dma_wait3A_277] : memref<128x128xi32, #tpu.memory_space<vmem>> -> memref<1x128xi32, #tpu.memory_space<vmem>>
        %dma_wait3A_279 = tpu.memref_squeeze %dma_wait3A_278 : memref<1x128xi32, #tpu.memory_space<vmem>> -> memref<128xi32, #tpu.memory_space<vmem>>
        %dma_wait3A_280 = arith.constant 0 : i32
        %dma_wait3A_281 = arith.constant 0 : i32
        %dma_wait3A_282 = tpu.memref_slice %arg10[%dma_wait3A_280, %dma_wait3A_281] : memref<10000x128xf32, #tpu.memory_space<vmem_shared>> -> memref<10000x128xf32, #tpu.memory_space<vmem_shared>>
        tpu.wait_indirect_dma semaphore(%arg13 : memref<!tpu.dma_semaphore, #tpu.memory_space<semaphore_mem>>) src(%dma_wait3A_276 : memref<128x128xf32, #tpu.memory_space<vmem>>) dst(%dma_wait3A_282 : memref<10000x128xf32, #tpu.memory_space<vmem_shared>>)
        %dma_wait3A_283 = arith.constant 1 : i32
        %dma_wait3A_284 = arith.constant 0 : i32
        %dma_wait3A_285 = arith.constant 0 : i32
        %dma_wait3A_286 = tpu.memref_slice %arg7[%dma_wait3A_283, %dma_wait3A_284, %dma_wait3A_285] : memref<2x4x128xi32, #tpu.memory_space<vmem>> -> memref<1x4x128xi32, #tpu.memory_space<vmem>>
        %dma_wait3A_287 = tpu.memref_squeeze %dma_wait3A_286 : memref<1x4x128xi32, #tpu.memory_space<vmem>> -> memref<4x128xi32, #tpu.memory_space<vmem>>
        %dma_wait3A_288 = arith.constant 0 : i32
        %dma_wait3A_289 = arith.constant 0 : i32
        %dma_wait3A_290 = tpu.memref_slice %arg3[%dma_wait3A_288, %dma_wait3A_289] : memref<2560x128xi32, #tpu.memory_space<hbm>> -> memref<4x128xi32, #tpu.memory_space<hbm>>
        %dma_wait3A_291 = arith.constant 0 : i32
        %dma_wait3A_292 = arith.constant 0 : i32
        %dma_wait3A_293 = tpu.memref_slice %arg7[%dma_wait3A_283, %dma_wait3A_291, %dma_wait3A_292] : memref<2x4x128xi32, #tpu.memory_space<vmem>> -> memref<1x4x128xi32, #tpu.memory_space<vmem>>
        %dma_wait3A_294 = tpu.memref_squeeze %dma_wait3A_293 : memref<1x4x128xi32, #tpu.memory_space<vmem>> -> memref<4x128xi32, #tpu.memory_space<vmem>>
        %dma_wait3A_295 = arith.constant 0 : i32
        %dma_wait3A_296 = arith.constant 0 : i32
        %dma_wait3A_297 = tpu.memref_slice %arg3[%dma_wait3A_295, %dma_wait3A_296] : memref<2560x128xi32, #tpu.memory_space<hbm>> -> memref<4x128xi32, #tpu.memory_space<hbm>>
        tpu.wait_dma2 semaphore(%arg16 : memref<!tpu.dma_semaphore, #tpu.memory_space<semaphore_mem>>) src(%dma_wait3A_297 : memref<4x128xi32, #tpu.memory_space<hbm>>) dst(%dma_wait3A_294 : memref<4x128xi32, #tpu.memory_space<vmem>>)
        %dma_start3A_298 = arith.constant 1 : i32
        %dma_start3A_299 = arith.constant 0 : i32
        %dma_start3A_300 = arith.constant 0 : i32
        %dma_start3A_301 = arith.constant 0 : i32
        %dma_start3A_302 = arith.constant 0 : i32
        %dma_start3A_303 = tpu.memref_slice %arg9[%dma_start3A_300, %dma_start3A_301, %dma_start3A_302] : memref<2x128x128xf32, #tpu.memory_space<vmem>> -> memref<1x128x128xf32, #tpu.memory_space<vmem>>
        %dma_start3A_304 = tpu.memref_squeeze %dma_start3A_303 : memref<1x128x128xf32, #tpu.memory_space<vmem>> -> memref<128x128xf32, #tpu.memory_space<vmem>>
        %dma_start3A_305 = arith.constant 0 : i32
        %dma_start3A_306 = tpu.memref_slice %arg7[%dma_start3A_298, %dma_start3A_299, %dma_start3A_305] : memref<2x4x128xi32, #tpu.memory_space<vmem>> -> memref<1x1x128xi32, #tpu.memory_space<vmem>>
        %dma_start3A_307 = tpu.memref_squeeze %dma_start3A_306 : memref<1x1x128xi32, #tpu.memory_space<vmem>> -> memref<128xi32, #tpu.memory_space<vmem>>
        %dma_start3A_308 = arith.constant 0 : i32
        %dma_start3A_309 = arith.constant 0 : i32
        %dma_start3A_310 = tpu.memref_slice %arg2[%dma_start3A_308, %dma_start3A_309] : memref<10008x128xf32, #tpu.memory_space<hbm>> -> memref<10008x128xf32, #tpu.memory_space<hbm>>
        tpu.enqueue_indirect_dma source(%dma_start3A_310 : memref<10008x128xf32, #tpu.memory_space<hbm>>) target(%dma_start3A_304 : memref<128x128xf32, #tpu.memory_space<vmem>>) offsets(%dma_start3A_307 : memref<128xi32, #tpu.memory_space<vmem>>) semaphore(%arg11 : memref<!tpu.dma_semaphore, #tpu.memory_space<semaphore_mem>>)
        %dma_wait3A_311 = arith.constant 0 : i32
        %dma_wait3A_312 = arith.constant 3 : i32
        %dma_wait3A_313 = arith.constant 1 : i32
        %dma_wait3A_314 = arith.constant 0 : i32
        %dma_wait3A_315 = arith.constant 0 : i32
        %dma_wait3A_316 = tpu.memref_slice %arg9[%dma_wait3A_313, %dma_wait3A_314, %dma_wait3A_315] : memref<2x128x128xf32, #tpu.memory_space<vmem>> -> memref<1x128x128xf32, #tpu.memory_space<vmem>>
        %dma_wait3A_317 = tpu.memref_squeeze %dma_wait3A_316 : memref<1x128x128xf32, #tpu.memory_space<vmem>> -> memref<128x128xf32, #tpu.memory_space<vmem>>
        %dma_wait3A_318 = arith.constant 0 : i32
        %dma_wait3A_319 = tpu.memref_slice %arg7[%dma_wait3A_311, %dma_wait3A_312, %dma_wait3A_318] : memref<2x4x128xi32, #tpu.memory_space<vmem>> -> memref<1x1x128xi32, #tpu.memory_space<vmem>>
        %dma_wait3A_320 = tpu.memref_squeeze %dma_wait3A_319 : memref<1x1x128xi32, #tpu.memory_space<vmem>> -> memref<128xi32, #tpu.memory_space<vmem>>
        %dma_wait3A_321 = arith.constant 0 : i32
        %dma_wait3A_322 = arith.constant 0 : i32
        %dma_wait3A_323 = tpu.memref_slice %arg2[%dma_wait3A_321, %dma_wait3A_322] : memref<10008x128xf32, #tpu.memory_space<hbm>> -> memref<10008x128xf32, #tpu.memory_space<hbm>>
        tpu.wait_indirect_dma semaphore(%arg12 : memref<!tpu.dma_semaphore, #tpu.memory_space<semaphore_mem>>) src(%dma_wait3A_323 : memref<10008x128xf32, #tpu.memory_space<hbm>>) dst(%dma_wait3A_317 : memref<128x128xf32, #tpu.memory_space<vmem>>)
        %add3A_324 = arith.constant 2 : i32
        %add3A_325 = arith.addi %add3A_139, %add3A_324 : i32
        %lt3A_326 = arith.constant 8 : i32
        %lt3A_327 = arith.cmpi slt, %add3A_325, %lt3A_326 : i32
        %convert_element_type3A_328 = arith.extui %lt3A_327 : i1 to i32
        %cond3A_329 = arith.constant 0 : i32
        %cond3A_330 = arith.cmpi ne, %convert_element_type3A_328, %cond3A_329 : i32
        scf.if %cond3A_330 {
          %add3A_573 = arith.constant 2 : i32
          %add3A_574 = arith.addi %add3A_139, %add3A_573 : i32
          %mul3A_575 = arith.constant 4 : i32
          %mul3A_576 = arith.muli %add3A_574, %mul3A_575 : i32
          %add3A_577 = arith.addi %add3A_40, %mul3A_576 : i32
          %dma_start3A_578 = arith.constant 0 : i32
          %dma_start3A_579 = arith.constant 0 : i32
          %dma_start3A_580 = arith.constant 0 : i32
          %dma_start3A_581 = tpu.memref_slice %arg7[%dma_start3A_578, %dma_start3A_579, %dma_start3A_580] : memref<2x4x128xi32, #tpu.memory_space<vmem>> -> memref<1x4x128xi32, #tpu.memory_space<vmem>>
          %dma_start3A_582 = tpu.memref_squeeze %dma_start3A_581 : memref<1x4x128xi32, #tpu.memory_space<vmem>> -> memref<4x128xi32, #tpu.memory_space<vmem>>
          %dma_start3A_583 = arith.constant 0 : i32
          %dma_start3A_584 = tpu.memref_slice %arg3[%add3A_577, %dma_start3A_583] : memref<2560x128xi32, #tpu.memory_space<hbm>> -> memref<4x128xi32, #tpu.memory_space<hbm>>
          %dma_start3A_585 = arith.constant 0 : i32
          %dma_start3A_586 = arith.constant 0 : i32
          %dma_start3A_587 = tpu.memref_slice %arg7[%dma_start3A_578, %dma_start3A_585, %dma_start3A_586] : memref<2x4x128xi32, #tpu.memory_space<vmem>> -> memref<1x4x128xi32, #tpu.memory_space<vmem>>
          %dma_start3A_588 = tpu.memref_squeeze %dma_start3A_587 : memref<1x4x128xi32, #tpu.memory_space<vmem>> -> memref<4x128xi32, #tpu.memory_space<vmem>>
          %dma_start3A_589 = arith.constant 0 : i32
          %dma_start3A_590 = tpu.memref_slice %arg3[%add3A_577, %dma_start3A_589] : memref<2560x128xi32, #tpu.memory_space<hbm>> -> memref<4x128xi32, #tpu.memory_space<hbm>>
          tpu.enqueue_dma source(%dma_start3A_590 : memref<4x128xi32, #tpu.memory_space<hbm>>) target(%dma_start3A_588 : memref<4x128xi32, #tpu.memory_space<vmem>>) target_semaphore(%arg15 : memref<!tpu.dma_semaphore, #tpu.memory_space<semaphore_mem>>)
        } else {
        }
        %mul3A_331 = arith.constant 4 : i32
        %mul3A_332 = arith.muli %add3A_139, %mul3A_331 : i32
        %add3A_333 = arith.constant 3 : i32
        %add3A_334 = arith.addi %mul3A_332, %add3A_333 : i32
        %dma_start3A_335 = arith.constant 1 : i32
        %dma_start3A_336 = arith.constant 0 : i32
        %dma_start3A_337 = arith.constant 0 : i32
        %dma_start3A_338 = tpu.memref_slice %arg9[%dma_start3A_335, %dma_start3A_336, %dma_start3A_337] : memref<2x128x128xf32, #tpu.memory_space<vmem>> -> memref<1x128x128xf32, #tpu.memory_space<vmem>>
        %dma_start3A_339 = tpu.memref_squeeze %dma_start3A_338 : memref<1x128x128xf32, #tpu.memory_space<vmem>> -> memref<128x128xf32, #tpu.memory_space<vmem>>
        %dma_start3A_340 = arith.constant 0 : i32
        %dma_start3A_341 = tpu.memref_slice %arg8[%add3A_334, %dma_start3A_340] : memref<128x128xi32, #tpu.memory_space<vmem>> -> memref<1x128xi32, #tpu.memory_space<vmem>>
        %dma_start3A_342 = tpu.memref_squeeze %dma_start3A_341 : memref<1x128xi32, #tpu.memory_space<vmem>> -> memref<128xi32, #tpu.memory_space<vmem>>
        %dma_start3A_343 = arith.constant 0 : i32
        %dma_start3A_344 = arith.constant 0 : i32
        %dma_start3A_345 = tpu.memref_slice %arg10[%dma_start3A_343, %dma_start3A_344] : memref<10000x128xf32, #tpu.memory_space<vmem_shared>> -> memref<10000x128xf32, #tpu.memory_space<vmem_shared>>
        tpu.enqueue_indirect_dma source(%dma_start3A_339 : memref<128x128xf32, #tpu.memory_space<vmem>>) target(%dma_start3A_345 : memref<10000x128xf32, #tpu.memory_space<vmem_shared>>) offsets(%dma_start3A_342 : memref<128xi32, #tpu.memory_space<vmem>>) semaphore(%arg14 : memref<!tpu.dma_semaphore, #tpu.memory_space<semaphore_mem>>) {add = true}
        %dma_wait3A_346 = arith.constant 1 : i32
        %dma_wait3A_347 = arith.constant 0 : i32
        %dma_wait3A_348 = arith.constant 0 : i32
        %dma_wait3A_349 = tpu.memref_slice %arg9[%dma_wait3A_346, %dma_wait3A_347, %dma_wait3A_348] : memref<2x128x128xf32, #tpu.memory_space<vmem>> -> memref<1x128x128xf32, #tpu.memory_space<vmem>>
        %dma_wait3A_350 = tpu.memref_squeeze %dma_wait3A_349 : memref<1x128x128xf32, #tpu.memory_space<vmem>> -> memref<128x128xf32, #tpu.memory_space<vmem>>
        %dma_wait3A_351 = arith.constant 0 : i32
        %dma_wait3A_352 = tpu.memref_slice %arg8[%add3A_334, %dma_wait3A_351] : memref<128x128xi32, #tpu.memory_space<vmem>> -> memref<1x128xi32, #tpu.memory_space<vmem>>
        %dma_wait3A_353 = tpu.memref_squeeze %dma_wait3A_352 : memref<1x128xi32, #tpu.memory_space<vmem>> -> memref<128xi32, #tpu.memory_space<vmem>>
        %dma_wait3A_354 = arith.constant 0 : i32
        %dma_wait3A_355 = arith.constant 0 : i32
        %dma_wait3A_356 = tpu.memref_slice %arg10[%dma_wait3A_354, %dma_wait3A_355] : memref<10000x128xf32, #tpu.memory_space<vmem_shared>> -> memref<10000x128xf32, #tpu.memory_space<vmem_shared>>
        tpu.wait_indirect_dma semaphore(%arg14 : memref<!tpu.dma_semaphore, #tpu.memory_space<semaphore_mem>>) src(%dma_wait3A_350 : memref<128x128xf32, #tpu.memory_space<vmem>>) dst(%dma_wait3A_356 : memref<10000x128xf32, #tpu.memory_space<vmem_shared>>)
        %dma_start3A_357 = arith.constant 1 : i32
        %dma_start3A_358 = arith.constant 1 : i32
        %dma_start3A_359 = arith.constant 1 : i32
        %dma_start3A_360 = arith.constant 0 : i32
        %dma_start3A_361 = arith.constant 0 : i32
        %dma_start3A_362 = tpu.memref_slice %arg9[%dma_start3A_359, %dma_start3A_360, %dma_start3A_361] : memref<2x128x128xf32, #tpu.memory_space<vmem>> -> memref<1x128x128xf32, #tpu.memory_space<vmem>>
        %dma_start3A_363 = tpu.memref_squeeze %dma_start3A_362 : memref<1x128x128xf32, #tpu.memory_space<vmem>> -> memref<128x128xf32, #tpu.memory_space<vmem>>
        %dma_start3A_364 = arith.constant 0 : i32
        %dma_start3A_365 = tpu.memref_slice %arg7[%dma_start3A_357, %dma_start3A_358, %dma_start3A_364] : memref<2x4x128xi32, #tpu.memory_space<vmem>> -> memref<1x1x128xi32, #tpu.memory_space<vmem>>
        %dma_start3A_366 = tpu.memref_squeeze %dma_start3A_365 : memref<1x1x128xi32, #tpu.memory_space<vmem>> -> memref<128xi32, #tpu.memory_space<vmem>>
        %dma_start3A_367 = arith.constant 0 : i32
        %dma_start3A_368 = arith.constant 0 : i32
        %dma_start3A_369 = tpu.memref_slice %arg2[%dma_start3A_367, %dma_start3A_368] : memref<10008x128xf32, #tpu.memory_space<hbm>> -> memref<10008x128xf32, #tpu.memory_space<hbm>>
        tpu.enqueue_indirect_dma source(%dma_start3A_369 : memref<10008x128xf32, #tpu.memory_space<hbm>>) target(%dma_start3A_363 : memref<128x128xf32, #tpu.memory_space<vmem>>) offsets(%dma_start3A_366 : memref<128xi32, #tpu.memory_space<vmem>>) semaphore(%arg12 : memref<!tpu.dma_semaphore, #tpu.memory_space<semaphore_mem>>)
        %dma_wait3A_370 = arith.constant 1 : i32
        %dma_wait3A_371 = arith.constant 0 : i32
        %dma_wait3A_372 = arith.constant 0 : i32
        %dma_wait3A_373 = arith.constant 0 : i32
        %dma_wait3A_374 = arith.constant 0 : i32
        %dma_wait3A_375 = tpu.memref_slice %arg9[%dma_wait3A_372, %dma_wait3A_373, %dma_wait3A_374] : memref<2x128x128xf32, #tpu.memory_space<vmem>> -> memref<1x128x128xf32, #tpu.memory_space<vmem>>
        %dma_wait3A_376 = tpu.memref_squeeze %dma_wait3A_375 : memref<1x128x128xf32, #tpu.memory_space<vmem>> -> memref<128x128xf32, #tpu.memory_space<vmem>>
        %dma_wait3A_377 = arith.constant 0 : i32
        %dma_wait3A_378 = tpu.memref_slice %arg7[%dma_wait3A_370, %dma_wait3A_371, %dma_wait3A_377] : memref<2x4x128xi32, #tpu.memory_space<vmem>> -> memref<1x1x128xi32, #tpu.memory_space<vmem>>
        %dma_wait3A_379 = tpu.memref_squeeze %dma_wait3A_378 : memref<1x1x128xi32, #tpu.memory_space<vmem>> -> memref<128xi32, #tpu.memory_space<vmem>>
        %dma_wait3A_380 = arith.constant 0 : i32
        %dma_wait3A_381 = arith.constant 0 : i32
        %dma_wait3A_382 = tpu.memref_slice %arg2[%dma_wait3A_380, %dma_wait3A_381] : memref<10008x128xf32, #tpu.memory_space<hbm>> -> memref<10008x128xf32, #tpu.memory_space<hbm>>
        tpu.wait_indirect_dma semaphore(%arg11 : memref<!tpu.dma_semaphore, #tpu.memory_space<semaphore_mem>>) src(%dma_wait3A_382 : memref<10008x128xf32, #tpu.memory_space<hbm>>) dst(%dma_wait3A_376 : memref<128x128xf32, #tpu.memory_space<vmem>>)
        %mul3A_383 = arith.constant 4 : i32
        %mul3A_384 = arith.muli %add3A_139, %mul3A_383 : i32
        %add3A_385 = arith.constant 4 : i32
        %add3A_386 = arith.addi %mul3A_384, %add3A_385 : i32
        %dma_start3A_387 = arith.constant 0 : i32
        %dma_start3A_388 = arith.constant 0 : i32
        %dma_start3A_389 = arith.constant 0 : i32
        %dma_start3A_390 = tpu.memref_slice %arg9[%dma_start3A_387, %dma_start3A_388, %dma_start3A_389] : memref<2x128x128xf32, #tpu.memory_space<vmem>> -> memref<1x128x128xf32, #tpu.memory_space<vmem>>
        %dma_start3A_391 = tpu.memref_squeeze %dma_start3A_390 : memref<1x128x128xf32, #tpu.memory_space<vmem>> -> memref<128x128xf32, #tpu.memory_space<vmem>>
        %dma_start3A_392 = arith.constant 0 : i32
        %dma_start3A_393 = tpu.memref_slice %arg8[%add3A_386, %dma_start3A_392] : memref<128x128xi32, #tpu.memory_space<vmem>> -> memref<1x128xi32, #tpu.memory_space<vmem>>
        %dma_start3A_394 = tpu.memref_squeeze %dma_start3A_393 : memref<1x128xi32, #tpu.memory_space<vmem>> -> memref<128xi32, #tpu.memory_space<vmem>>
        %dma_start3A_395 = arith.constant 0 : i32
        %dma_start3A_396 = arith.constant 0 : i32
        %dma_start3A_397 = tpu.memref_slice %arg10[%dma_start3A_395, %dma_start3A_396] : memref<10000x128xf32, #tpu.memory_space<vmem_shared>> -> memref<10000x128xf32, #tpu.memory_space<vmem_shared>>
        tpu.enqueue_indirect_dma source(%dma_start3A_391 : memref<128x128xf32, #tpu.memory_space<vmem>>) target(%dma_start3A_397 : memref<10000x128xf32, #tpu.memory_space<vmem_shared>>) offsets(%dma_start3A_394 : memref<128xi32, #tpu.memory_space<vmem>>) semaphore(%arg13 : memref<!tpu.dma_semaphore, #tpu.memory_space<semaphore_mem>>) {add = true}
        %dma_wait3A_398 = arith.constant 0 : i32
        %dma_wait3A_399 = arith.constant 0 : i32
        %dma_wait3A_400 = arith.constant 0 : i32
        %dma_wait3A_401 = tpu.memref_slice %arg9[%dma_wait3A_398, %dma_wait3A_399, %dma_wait3A_400] : memref<2x128x128xf32, #tpu.memory_space<vmem>> -> memref<1x128x128xf32, #tpu.memory_space<vmem>>
        %dma_wait3A_402 = tpu.memref_squeeze %dma_wait3A_401 : memref<1x128x128xf32, #tpu.memory_space<vmem>> -> memref<128x128xf32, #tpu.memory_space<vmem>>
        %dma_wait3A_403 = arith.constant 0 : i32
        %dma_wait3A_404 = tpu.memref_slice %arg8[%add3A_386, %dma_wait3A_403] : memref<128x128xi32, #tpu.memory_space<vmem>> -> memref<1x128xi32, #tpu.memory_space<vmem>>
        %dma_wait3A_405 = tpu.memref_squeeze %dma_wait3A_404 : memref<1x128xi32, #tpu.memory_space<vmem>> -> memref<128xi32, #tpu.memory_space<vmem>>
        %dma_wait3A_406 = arith.constant 0 : i32
        %dma_wait3A_407 = arith.constant 0 : i32
        %dma_wait3A_408 = tpu.memref_slice %arg10[%dma_wait3A_406, %dma_wait3A_407] : memref<10000x128xf32, #tpu.memory_space<vmem_shared>> -> memref<10000x128xf32, #tpu.memory_space<vmem_shared>>
        tpu.wait_indirect_dma semaphore(%arg13 : memref<!tpu.dma_semaphore, #tpu.memory_space<semaphore_mem>>) src(%dma_wait3A_402 : memref<128x128xf32, #tpu.memory_space<vmem>>) dst(%dma_wait3A_408 : memref<10000x128xf32, #tpu.memory_space<vmem_shared>>)
        %dma_start3A_409 = arith.constant 1 : i32
        %dma_start3A_410 = arith.constant 2 : i32
        %dma_start3A_411 = arith.constant 0 : i32
        %dma_start3A_412 = arith.constant 0 : i32
        %dma_start3A_413 = arith.constant 0 : i32
        %dma_start3A_414 = tpu.memref_slice %arg9[%dma_start3A_411, %dma_start3A_412, %dma_start3A_413] : memref<2x128x128xf32, #tpu.memory_space<vmem>> -> memref<1x128x128xf32, #tpu.memory_space<vmem>>
        %dma_start3A_415 = tpu.memref_squeeze %dma_start3A_414 : memref<1x128x128xf32, #tpu.memory_space<vmem>> -> memref<128x128xf32, #tpu.memory_space<vmem>>
        %dma_start3A_416 = arith.constant 0 : i32
        %dma_start3A_417 = tpu.memref_slice %arg7[%dma_start3A_409, %dma_start3A_410, %dma_start3A_416] : memref<2x4x128xi32, #tpu.memory_space<vmem>> -> memref<1x1x128xi32, #tpu.memory_space<vmem>>
        %dma_start3A_418 = tpu.memref_squeeze %dma_start3A_417 : memref<1x1x128xi32, #tpu.memory_space<vmem>> -> memref<128xi32, #tpu.memory_space<vmem>>
        %dma_start3A_419 = arith.constant 0 : i32
        %dma_start3A_420 = arith.constant 0 : i32
        %dma_start3A_421 = tpu.memref_slice %arg2[%dma_start3A_419, %dma_start3A_420] : memref<10008x128xf32, #tpu.memory_space<hbm>> -> memref<10008x128xf32, #tpu.memory_space<hbm>>
        tpu.enqueue_indirect_dma source(%dma_start3A_421 : memref<10008x128xf32, #tpu.memory_space<hbm>>) target(%dma_start3A_415 : memref<128x128xf32, #tpu.memory_space<vmem>>) offsets(%dma_start3A_418 : memref<128xi32, #tpu.memory_space<vmem>>) semaphore(%arg11 : memref<!tpu.dma_semaphore, #tpu.memory_space<semaphore_mem>>)
        %dma_wait3A_422 = arith.constant 1 : i32
        %dma_wait3A_423 = arith.constant 1 : i32
        %dma_wait3A_424 = arith.constant 1 : i32
        %dma_wait3A_425 = arith.constant 0 : i32
        %dma_wait3A_426 = arith.constant 0 : i32
        %dma_wait3A_427 = tpu.memref_slice %arg9[%dma_wait3A_424, %dma_wait3A_425, %dma_wait3A_426] : memref<2x128x128xf32, #tpu.memory_space<vmem>> -> memref<1x128x128xf32, #tpu.memory_space<vmem>>
        %dma_wait3A_428 = tpu.memref_squeeze %dma_wait3A_427 : memref<1x128x128xf32, #tpu.memory_space<vmem>> -> memref<128x128xf32, #tpu.memory_space<vmem>>
        %dma_wait3A_429 = arith.constant 0 : i32
        %dma_wait3A_430 = tpu.memref_slice %arg7[%dma_wait3A_422, %dma_wait3A_423, %dma_wait3A_429] : memref<2x4x128xi32, #tpu.memory_space<vmem>> -> memref<1x1x128xi32, #tpu.memory_space<vmem>>
        %dma_wait3A_431 = tpu.memref_squeeze %dma_wait3A_430 : memref<1x1x128xi32, #tpu.memory_space<vmem>> -> memref<128xi32, #tpu.memory_space<vmem>>
        %dma_wait3A_432 = arith.constant 0 : i32
        %dma_wait3A_433 = arith.constant 0 : i32
        %dma_wait3A_434 = tpu.memref_slice %arg2[%dma_wait3A_432, %dma_wait3A_433] : memref<10008x128xf32, #tpu.memory_space<hbm>> -> memref<10008x128xf32, #tpu.memory_space<hbm>>
        tpu.wait_indirect_dma semaphore(%arg12 : memref<!tpu.dma_semaphore, #tpu.memory_space<semaphore_mem>>) src(%dma_wait3A_434 : memref<10008x128xf32, #tpu.memory_space<hbm>>) dst(%dma_wait3A_428 : memref<128x128xf32, #tpu.memory_space<vmem>>)
        %mul3A_435 = arith.constant 4 : i32
        %mul3A_436 = arith.muli %add3A_139, %mul3A_435 : i32
        %add3A_437 = arith.constant 5 : i32
        %add3A_438 = arith.addi %mul3A_436, %add3A_437 : i32
        %dma_start3A_439 = arith.constant 1 : i32
        %dma_start3A_440 = arith.constant 0 : i32
        %dma_start3A_441 = arith.constant 0 : i32
        %dma_start3A_442 = tpu.memref_slice %arg9[%dma_start3A_439, %dma_start3A_440, %dma_start3A_441] : memref<2x128x128xf32, #tpu.memory_space<vmem>> -> memref<1x128x128xf32, #tpu.memory_space<vmem>>
        %dma_start3A_443 = tpu.memref_squeeze %dma_start3A_442 : memref<1x128x128xf32, #tpu.memory_space<vmem>> -> memref<128x128xf32, #tpu.memory_space<vmem>>
        %dma_start3A_444 = arith.constant 0 : i32
        %dma_start3A_445 = tpu.memref_slice %arg8[%add3A_438, %dma_start3A_444] : memref<128x128xi32, #tpu.memory_space<vmem>> -> memref<1x128xi32, #tpu.memory_space<vmem>>
        %dma_start3A_446 = tpu.memref_squeeze %dma_start3A_445 : memref<1x128xi32, #tpu.memory_space<vmem>> -> memref<128xi32, #tpu.memory_space<vmem>>
        %dma_start3A_447 = arith.constant 0 : i32
        %dma_start3A_448 = arith.constant 0 : i32
        %dma_start3A_449 = tpu.memref_slice %arg10[%dma_start3A_447, %dma_start3A_448] : memref<10000x128xf32, #tpu.memory_space<vmem_shared>> -> memref<10000x128xf32, #tpu.memory_space<vmem_shared>>
        tpu.enqueue_indirect_dma source(%dma_start3A_443 : memref<128x128xf32, #tpu.memory_space<vmem>>) target(%dma_start3A_449 : memref<10000x128xf32, #tpu.memory_space<vmem_shared>>) offsets(%dma_start3A_446 : memref<128xi32, #tpu.memory_space<vmem>>) semaphore(%arg14 : memref<!tpu.dma_semaphore, #tpu.memory_space<semaphore_mem>>) {add = true}
        %dma_wait3A_450 = arith.constant 1 : i32
        %dma_wait3A_451 = arith.constant 0 : i32
        %dma_wait3A_452 = arith.constant 0 : i32
        %dma_wait3A_453 = tpu.memref_slice %arg9[%dma_wait3A_450, %dma_wait3A_451, %dma_wait3A_452] : memref<2x128x128xf32, #tpu.memory_space<vmem>> -> memref<1x128x128xf32, #tpu.memory_space<vmem>>
        %dma_wait3A_454 = tpu.memref_squeeze %dma_wait3A_453 : memref<1x128x128xf32, #tpu.memory_space<vmem>> -> memref<128x128xf32, #tpu.memory_space<vmem>>
        %dma_wait3A_455 = arith.constant 0 : i32
        %dma_wait3A_456 = tpu.memref_slice %arg8[%add3A_438, %dma_wait3A_455] : memref<128x128xi32, #tpu.memory_space<vmem>> -> memref<1x128xi32, #tpu.memory_space<vmem>>
        %dma_wait3A_457 = tpu.memref_squeeze %dma_wait3A_456 : memref<1x128xi32, #tpu.memory_space<vmem>> -> memref<128xi32, #tpu.memory_space<vmem>>
        %dma_wait3A_458 = arith.constant 0 : i32
        %dma_wait3A_459 = arith.constant 0 : i32
        %dma_wait3A_460 = tpu.memref_slice %arg10[%dma_wait3A_458, %dma_wait3A_459] : memref<10000x128xf32, #tpu.memory_space<vmem_shared>> -> memref<10000x128xf32, #tpu.memory_space<vmem_shared>>
        tpu.wait_indirect_dma semaphore(%arg14 : memref<!tpu.dma_semaphore, #tpu.memory_space<semaphore_mem>>) src(%dma_wait3A_454 : memref<128x128xf32, #tpu.memory_space<vmem>>) dst(%dma_wait3A_460 : memref<10000x128xf32, #tpu.memory_space<vmem_shared>>)
        %dma_start3A_461 = arith.constant 1 : i32
        %dma_start3A_462 = arith.constant 3 : i32
        %dma_start3A_463 = arith.constant 1 : i32
        %dma_start3A_464 = arith.constant 0 : i32
        %dma_start3A_465 = arith.constant 0 : i32
        %dma_start3A_466 = tpu.memref_slice %arg9[%dma_start3A_463, %dma_start3A_464, %dma_start3A_465] : memref<2x128x128xf32, #tpu.memory_space<vmem>> -> memref<1x128x128xf32, #tpu.memory_space<vmem>>
        %dma_start3A_467 = tpu.memref_squeeze %dma_start3A_466 : memref<1x128x128xf32, #tpu.memory_space<vmem>> -> memref<128x128xf32, #tpu.memory_space<vmem>>
        %dma_start3A_468 = arith.constant 0 : i32
        %dma_start3A_469 = tpu.memref_slice %arg7[%dma_start3A_461, %dma_start3A_462, %dma_start3A_468] : memref<2x4x128xi32, #tpu.memory_space<vmem>> -> memref<1x1x128xi32, #tpu.memory_space<vmem>>
        %dma_start3A_470 = tpu.memref_squeeze %dma_start3A_469 : memref<1x1x128xi32, #tpu.memory_space<vmem>> -> memref<128xi32, #tpu.memory_space<vmem>>
        %dma_start3A_471 = arith.constant 0 : i32
        %dma_start3A_472 = arith.constant 0 : i32
        %dma_start3A_473 = tpu.memref_slice %arg2[%dma_start3A_471, %dma_start3A_472] : memref<10008x128xf32, #tpu.memory_space<hbm>> -> memref<10008x128xf32, #tpu.memory_space<hbm>>
        tpu.enqueue_indirect_dma source(%dma_start3A_473 : memref<10008x128xf32, #tpu.memory_space<hbm>>) target(%dma_start3A_467 : memref<128x128xf32, #tpu.memory_space<vmem>>) offsets(%dma_start3A_470 : memref<128xi32, #tpu.memory_space<vmem>>) semaphore(%arg12 : memref<!tpu.dma_semaphore, #tpu.memory_space<semaphore_mem>>)
        %dma_wait3A_474 = arith.constant 1 : i32
        %dma_wait3A_475 = arith.constant 2 : i32
        %dma_wait3A_476 = arith.constant 0 : i32
        %dma_wait3A_477 = arith.constant 0 : i32
        %dma_wait3A_478 = arith.constant 0 : i32
        %dma_wait3A_479 = tpu.memref_slice %arg9[%dma_wait3A_476, %dma_wait3A_477, %dma_wait3A_478] : memref<2x128x128xf32, #tpu.memory_space<vmem>> -> memref<1x128x128xf32, #tpu.memory_space<vmem>>
        %dma_wait3A_480 = tpu.memref_squeeze %dma_wait3A_479 : memref<1x128x128xf32, #tpu.memory_space<vmem>> -> memref<128x128xf32, #tpu.memory_space<vmem>>
        %dma_wait3A_481 = arith.constant 0 : i32
        %dma_wait3A_482 = tpu.memref_slice %arg7[%dma_wait3A_474, %dma_wait3A_475, %dma_wait3A_481] : memref<2x4x128xi32, #tpu.memory_space<vmem>> -> memref<1x1x128xi32, #tpu.memory_space<vmem>>
        %dma_wait3A_483 = tpu.memref_squeeze %dma_wait3A_482 : memref<1x1x128xi32, #tpu.memory_space<vmem>> -> memref<128xi32, #tpu.memory_space<vmem>>
        %dma_wait3A_484 = arith.constant 0 : i32
        %dma_wait3A_485 = arith.constant 0 : i32
        %dma_wait3A_486 = tpu.memref_slice %arg2[%dma_wait3A_484, %dma_wait3A_485] : memref<10008x128xf32, #tpu.memory_space<hbm>> -> memref<10008x128xf32, #tpu.memory_space<hbm>>
        tpu.wait_indirect_dma semaphore(%arg11 : memref<!tpu.dma_semaphore, #tpu.memory_space<semaphore_mem>>) src(%dma_wait3A_486 : memref<10008x128xf32, #tpu.memory_space<hbm>>) dst(%dma_wait3A_480 : memref<128x128xf32, #tpu.memory_space<vmem>>)
        %mul3A_487 = arith.constant 4 : i32
        %mul3A_488 = arith.muli %add3A_139, %mul3A_487 : i32
        %add3A_489 = arith.constant 6 : i32
        %add3A_490 = arith.addi %mul3A_488, %add3A_489 : i32
        %dma_start3A_491 = arith.constant 0 : i32
        %dma_start3A_492 = arith.constant 0 : i32
        %dma_start3A_493 = arith.constant 0 : i32
        %dma_start3A_494 = tpu.memref_slice %arg9[%dma_start3A_491, %dma_start3A_492, %dma_start3A_493] : memref<2x128x128xf32, #tpu.memory_space<vmem>> -> memref<1x128x128xf32, #tpu.memory_space<vmem>>
        %dma_start3A_495 = tpu.memref_squeeze %dma_start3A_494 : memref<1x128x128xf32, #tpu.memory_space<vmem>> -> memref<128x128xf32, #tpu.memory_space<vmem>>
        %dma_start3A_496 = arith.constant 0 : i32
        %dma_start3A_497 = tpu.memref_slice %arg8[%add3A_490, %dma_start3A_496] : memref<128x128xi32, #tpu.memory_space<vmem>> -> memref<1x128xi32, #tpu.memory_space<vmem>>
        %dma_start3A_498 = tpu.memref_squeeze %dma_start3A_497 : memref<1x128xi32, #tpu.memory_space<vmem>> -> memref<128xi32, #tpu.memory_space<vmem>>
        %dma_start3A_499 = arith.constant 0 : i32
        %dma_start3A_500 = arith.constant 0 : i32
        %dma_start3A_501 = tpu.memref_slice %arg10[%dma_start3A_499, %dma_start3A_500] : memref<10000x128xf32, #tpu.memory_space<vmem_shared>> -> memref<10000x128xf32, #tpu.memory_space<vmem_shared>>
        tpu.enqueue_indirect_dma source(%dma_start3A_495 : memref<128x128xf32, #tpu.memory_space<vmem>>) target(%dma_start3A_501 : memref<10000x128xf32, #tpu.memory_space<vmem_shared>>) offsets(%dma_start3A_498 : memref<128xi32, #tpu.memory_space<vmem>>) semaphore(%arg13 : memref<!tpu.dma_semaphore, #tpu.memory_space<semaphore_mem>>) {add = true}
        %dma_wait3A_502 = arith.constant 0 : i32
        %dma_wait3A_503 = arith.constant 0 : i32
        %dma_wait3A_504 = arith.constant 0 : i32
        %dma_wait3A_505 = tpu.memref_slice %arg9[%dma_wait3A_502, %dma_wait3A_503, %dma_wait3A_504] : memref<2x128x128xf32, #tpu.memory_space<vmem>> -> memref<1x128x128xf32, #tpu.memory_space<vmem>>
        %dma_wait3A_506 = tpu.memref_squeeze %dma_wait3A_505 : memref<1x128x128xf32, #tpu.memory_space<vmem>> -> memref<128x128xf32, #tpu.memory_space<vmem>>
        %dma_wait3A_507 = arith.constant 0 : i32
        %dma_wait3A_508 = tpu.memref_slice %arg8[%add3A_490, %dma_wait3A_507] : memref<128x128xi32, #tpu.memory_space<vmem>> -> memref<1x128xi32, #tpu.memory_space<vmem>>
        %dma_wait3A_509 = tpu.memref_squeeze %dma_wait3A_508 : memref<1x128xi32, #tpu.memory_space<vmem>> -> memref<128xi32, #tpu.memory_space<vmem>>
        %dma_wait3A_510 = arith.constant 0 : i32
        %dma_wait3A_511 = arith.constant 0 : i32
        %dma_wait3A_512 = tpu.memref_slice %arg10[%dma_wait3A_510, %dma_wait3A_511] : memref<10000x128xf32, #tpu.memory_space<vmem_shared>> -> memref<10000x128xf32, #tpu.memory_space<vmem_shared>>
        tpu.wait_indirect_dma semaphore(%arg13 : memref<!tpu.dma_semaphore, #tpu.memory_space<semaphore_mem>>) src(%dma_wait3A_506 : memref<128x128xf32, #tpu.memory_space<vmem>>) dst(%dma_wait3A_512 : memref<10000x128xf32, #tpu.memory_space<vmem_shared>>)
        %add3A_513 = arith.constant 2 : i32
        %add3A_514 = arith.addi %add3A_139, %add3A_513 : i32
        %lt3A_515 = arith.constant 8 : i32
        %lt3A_516 = arith.cmpi slt, %add3A_514, %lt3A_515 : i32
        %convert_element_type3A_517 = arith.extui %lt3A_516 : i1 to i32
        %cond3A_518 = arith.constant 0 : i32
        %cond3A_519 = arith.cmpi ne, %convert_element_type3A_517, %cond3A_518 : i32
        scf.if %cond3A_519 {
          %dma_wait3A_573 = arith.constant 0 : i32
          %dma_wait3A_574 = arith.constant 0 : i32
          %dma_wait3A_575 = arith.constant 0 : i32
          %dma_wait3A_576 = tpu.memref_slice %arg7[%dma_wait3A_573, %dma_wait3A_574, %dma_wait3A_575] : memref<2x4x128xi32, #tpu.memory_space<vmem>> -> memref<1x4x128xi32, #tpu.memory_space<vmem>>
          %dma_wait3A_577 = tpu.memref_squeeze %dma_wait3A_576 : memref<1x4x128xi32, #tpu.memory_space<vmem>> -> memref<4x128xi32, #tpu.memory_space<vmem>>
          %dma_wait3A_578 = arith.constant 0 : i32
          %dma_wait3A_579 = arith.constant 0 : i32
          %dma_wait3A_580 = tpu.memref_slice %arg3[%dma_wait3A_578, %dma_wait3A_579] : memref<2560x128xi32, #tpu.memory_space<hbm>> -> memref<4x128xi32, #tpu.memory_space<hbm>>
          %dma_wait3A_581 = arith.constant 0 : i32
          %dma_wait3A_582 = arith.constant 0 : i32
          %dma_wait3A_583 = tpu.memref_slice %arg7[%dma_wait3A_573, %dma_wait3A_581, %dma_wait3A_582] : memref<2x4x128xi32, #tpu.memory_space<vmem>> -> memref<1x4x128xi32, #tpu.memory_space<vmem>>
          %dma_wait3A_584 = tpu.memref_squeeze %dma_wait3A_583 : memref<1x4x128xi32, #tpu.memory_space<vmem>> -> memref<4x128xi32, #tpu.memory_space<vmem>>
          %dma_wait3A_585 = arith.constant 0 : i32
          %dma_wait3A_586 = arith.constant 0 : i32
          %dma_wait3A_587 = tpu.memref_slice %arg3[%dma_wait3A_585, %dma_wait3A_586] : memref<2560x128xi32, #tpu.memory_space<hbm>> -> memref<4x128xi32, #tpu.memory_space<hbm>>
          tpu.wait_dma2 semaphore(%arg15 : memref<!tpu.dma_semaphore, #tpu.memory_space<semaphore_mem>>) src(%dma_wait3A_587 : memref<4x128xi32, #tpu.memory_space<hbm>>) dst(%dma_wait3A_584 : memref<4x128xi32, #tpu.memory_space<vmem>>)
          %dma_start3A_588 = arith.constant 0 : i32
          %dma_start3A_589 = arith.constant 0 : i32
          %dma_start3A_590 = arith.constant 0 : i32
          %dma_start3A_591 = arith.constant 0 : i32
          %dma_start3A_592 = arith.constant 0 : i32
          %dma_start3A_593 = tpu.memref_slice %arg9[%dma_start3A_590, %dma_start3A_591, %dma_start3A_592] : memref<2x128x128xf32, #tpu.memory_space<vmem>> -> memref<1x128x128xf32, #tpu.memory_space<vmem>>
          %dma_start3A_594 = tpu.memref_squeeze %dma_start3A_593 : memref<1x128x128xf32, #tpu.memory_space<vmem>> -> memref<128x128xf32, #tpu.memory_space<vmem>>
          %dma_start3A_595 = arith.constant 0 : i32
          %dma_start3A_596 = tpu.memref_slice %arg7[%dma_start3A_588, %dma_start3A_589, %dma_start3A_595] : memref<2x4x128xi32, #tpu.memory_space<vmem>> -> memref<1x1x128xi32, #tpu.memory_space<vmem>>
          %dma_start3A_597 = tpu.memref_squeeze %dma_start3A_596 : memref<1x1x128xi32, #tpu.memory_space<vmem>> -> memref<128xi32, #tpu.memory_space<vmem>>
          %dma_start3A_598 = arith.constant 0 : i32
          %dma_start3A_599 = arith.constant 0 : i32
          %dma_start3A_600 = tpu.memref_slice %arg2[%dma_start3A_598, %dma_start3A_599] : memref<10008x128xf32, #tpu.memory_space<hbm>> -> memref<10008x128xf32, #tpu.memory_space<hbm>>
          tpu.enqueue_indirect_dma source(%dma_start3A_600 : memref<10008x128xf32, #tpu.memory_space<hbm>>) target(%dma_start3A_594 : memref<128x128xf32, #tpu.memory_space<vmem>>) offsets(%dma_start3A_597 : memref<128xi32, #tpu.memory_space<vmem>>) semaphore(%arg11 : memref<!tpu.dma_semaphore, #tpu.memory_space<semaphore_mem>>)
        } else {
        }
        %dma_wait3A_520 = arith.constant 1 : i32
        %dma_wait3A_521 = arith.constant 3 : i32
        %dma_wait3A_522 = arith.constant 1 : i32
        %dma_wait3A_523 = arith.constant 0 : i32
        %dma_wait3A_524 = arith.constant 0 : i32
        %dma_wait3A_525 = tpu.memref_slice %arg9[%dma_wait3A_522, %dma_wait3A_523, %dma_wait3A_524] : memref<2x128x128xf32, #tpu.memory_space<vmem>> -> memref<1x128x128xf32, #tpu.memory_space<vmem>>
        %dma_wait3A_526 = tpu.memref_squeeze %dma_wait3A_525 : memref<1x128x128xf32, #tpu.memory_space<vmem>> -> memref<128x128xf32, #tpu.memory_space<vmem>>
        %dma_wait3A_527 = arith.constant 0 : i32
        %dma_wait3A_528 = tpu.memref_slice %arg7[%dma_wait3A_520, %dma_wait3A_521, %dma_wait3A_527] : memref<2x4x128xi32, #tpu.memory_space<vmem>> -> memref<1x1x128xi32, #tpu.memory_space<vmem>>
        %dma_wait3A_529 = tpu.memref_squeeze %dma_wait3A_528 : memref<1x1x128xi32, #tpu.memory_space<vmem>> -> memref<128xi32, #tpu.memory_space<vmem>>
        %dma_wait3A_530 = arith.constant 0 : i32
        %dma_wait3A_531 = arith.constant 0 : i32
        %dma_wait3A_532 = tpu.memref_slice %arg2[%dma_wait3A_530, %dma_wait3A_531] : memref<10008x128xf32, #tpu.memory_space<hbm>> -> memref<10008x128xf32, #tpu.memory_space<hbm>>
        tpu.wait_indirect_dma semaphore(%arg12 : memref<!tpu.dma_semaphore, #tpu.memory_space<semaphore_mem>>) src(%dma_wait3A_532 : memref<10008x128xf32, #tpu.memory_space<hbm>>) dst(%dma_wait3A_526 : memref<128x128xf32, #tpu.memory_space<vmem>>)
        %add3A_533 = arith.constant 3 : i32
        %add3A_534 = arith.addi %add3A_139, %add3A_533 : i32
        %lt3A_535 = arith.constant 8 : i32
        %lt3A_536 = arith.cmpi slt, %add3A_534, %lt3A_535 : i32
        %convert_element_type3A_537 = arith.extui %lt3A_536 : i1 to i32
        %cond3A_538 = arith.constant 0 : i32
        %cond3A_539 = arith.cmpi ne, %convert_element_type3A_537, %cond3A_538 : i32
        scf.if %cond3A_539 {
          %add3A_573 = arith.constant 3 : i32
          %add3A_574 = arith.addi %add3A_139, %add3A_573 : i32
          %mul3A_575 = arith.constant 4 : i32
          %mul3A_576 = arith.muli %add3A_574, %mul3A_575 : i32
          %add3A_577 = arith.addi %add3A_40, %mul3A_576 : i32
          %dma_start3A_578 = arith.constant 1 : i32
          %dma_start3A_579 = arith.constant 0 : i32
          %dma_start3A_580 = arith.constant 0 : i32
          %dma_start3A_581 = tpu.memref_slice %arg7[%dma_start3A_578, %dma_start3A_579, %dma_start3A_580] : memref<2x4x128xi32, #tpu.memory_space<vmem>> -> memref<1x4x128xi32, #tpu.memory_space<vmem>>
          %dma_start3A_582 = tpu.memref_squeeze %dma_start3A_581 : memref<1x4x128xi32, #tpu.memory_space<vmem>> -> memref<4x128xi32, #tpu.memory_space<vmem>>
          %dma_start3A_583 = arith.constant 0 : i32
          %dma_start3A_584 = tpu.memref_slice %arg3[%add3A_577, %dma_start3A_583] : memref<2560x128xi32, #tpu.memory_space<hbm>> -> memref<4x128xi32, #tpu.memory_space<hbm>>
          %dma_start3A_585 = arith.constant 0 : i32
          %dma_start3A_586 = arith.constant 0 : i32
          %dma_start3A_587 = tpu.memref_slice %arg7[%dma_start3A_578, %dma_start3A_585, %dma_start3A_586] : memref<2x4x128xi32, #tpu.memory_space<vmem>> -> memref<1x4x128xi32, #tpu.memory_space<vmem>>
          %dma_start3A_588 = tpu.memref_squeeze %dma_start3A_587 : memref<1x4x128xi32, #tpu.memory_space<vmem>> -> memref<4x128xi32, #tpu.memory_space<vmem>>
          %dma_start3A_589 = arith.constant 0 : i32
          %dma_start3A_590 = tpu.memref_slice %arg3[%add3A_577, %dma_start3A_589] : memref<2560x128xi32, #tpu.memory_space<hbm>> -> memref<4x128xi32, #tpu.memory_space<hbm>>
          tpu.enqueue_dma source(%dma_start3A_590 : memref<4x128xi32, #tpu.memory_space<hbm>>) target(%dma_start3A_588 : memref<4x128xi32, #tpu.memory_space<vmem>>) target_semaphore(%arg16 : memref<!tpu.dma_semaphore, #tpu.memory_space<semaphore_mem>>)
        } else {
        }
        %mul3A_540 = arith.constant 4 : i32
        %mul3A_541 = arith.muli %add3A_139, %mul3A_540 : i32
        %add3A_542 = arith.constant 7 : i32
        %add3A_543 = arith.addi %mul3A_541, %add3A_542 : i32
        %dma_start3A_544 = arith.constant 1 : i32
        %dma_start3A_545 = arith.constant 0 : i32
        %dma_start3A_546 = arith.constant 0 : i32
        %dma_start3A_547 = tpu.memref_slice %arg9[%dma_start3A_544, %dma_start3A_545, %dma_start3A_546] : memref<2x128x128xf32, #tpu.memory_space<vmem>> -> memref<1x128x128xf32, #tpu.memory_space<vmem>>
        %dma_start3A_548 = tpu.memref_squeeze %dma_start3A_547 : memref<1x128x128xf32, #tpu.memory_space<vmem>> -> memref<128x128xf32, #tpu.memory_space<vmem>>
        %dma_start3A_549 = arith.constant 0 : i32
        %dma_start3A_550 = tpu.memref_slice %arg8[%add3A_543, %dma_start3A_549] : memref<128x128xi32, #tpu.memory_space<vmem>> -> memref<1x128xi32, #tpu.memory_space<vmem>>
        %dma_start3A_551 = tpu.memref_squeeze %dma_start3A_550 : memref<1x128xi32, #tpu.memory_space<vmem>> -> memref<128xi32, #tpu.memory_space<vmem>>
        %dma_start3A_552 = arith.constant 0 : i32
        %dma_start3A_553 = arith.constant 0 : i32
        %dma_start3A_554 = tpu.memref_slice %arg10[%dma_start3A_552, %dma_start3A_553] : memref<10000x128xf32, #tpu.memory_space<vmem_shared>> -> memref<10000x128xf32, #tpu.memory_space<vmem_shared>>
        tpu.enqueue_indirect_dma source(%dma_start3A_548 : memref<128x128xf32, #tpu.memory_space<vmem>>) target(%dma_start3A_554 : memref<10000x128xf32, #tpu.memory_space<vmem_shared>>) offsets(%dma_start3A_551 : memref<128xi32, #tpu.memory_space<vmem>>) semaphore(%arg14 : memref<!tpu.dma_semaphore, #tpu.memory_space<semaphore_mem>>) {add = true}
        %dma_wait3A_555 = arith.constant 1 : i32
        %dma_wait3A_556 = arith.constant 0 : i32
        %dma_wait3A_557 = arith.constant 0 : i32
        %dma_wait3A_558 = tpu.memref_slice %arg9[%dma_wait3A_555, %dma_wait3A_556, %dma_wait3A_557] : memref<2x128x128xf32, #tpu.memory_space<vmem>> -> memref<1x128x128xf32, #tpu.memory_space<vmem>>
        %dma_wait3A_559 = tpu.memref_squeeze %dma_wait3A_558 : memref<1x128x128xf32, #tpu.memory_space<vmem>> -> memref<128x128xf32, #tpu.memory_space<vmem>>
        %dma_wait3A_560 = arith.constant 0 : i32
        %dma_wait3A_561 = tpu.memref_slice %arg8[%add3A_543, %dma_wait3A_560] : memref<128x128xi32, #tpu.memory_space<vmem>> -> memref<1x128xi32, #tpu.memory_space<vmem>>
        %dma_wait3A_562 = tpu.memref_squeeze %dma_wait3A_561 : memref<1x128xi32, #tpu.memory_space<vmem>> -> memref<128xi32, #tpu.memory_space<vmem>>
        %dma_wait3A_563 = arith.constant 0 : i32
        %dma_wait3A_564 = arith.constant 0 : i32
        %dma_wait3A_565 = tpu.memref_slice %arg10[%dma_wait3A_563, %dma_wait3A_564] : memref<10000x128xf32, #tpu.memory_space<vmem_shared>> -> memref<10000x128xf32, #tpu.memory_space<vmem_shared>>
        tpu.wait_indirect_dma semaphore(%arg14 : memref<!tpu.dma_semaphore, #tpu.memory_space<semaphore_mem>>) src(%dma_wait3A_559 : memref<128x128xf32, #tpu.memory_space<vmem>>) dst(%dma_wait3A_565 : memref<10000x128xf32, #tpu.memory_space<vmem_shared>>)
        %add3A_566 = arith.constant 2 : i32
        %add3A_567 = arith.addi %add3A_139, %add3A_566 : i32
        %lt3A_568 = arith.constant 8 : i32
        %lt3A_569 = arith.cmpi slt, %add3A_567, %lt3A_568 : i32
        %convert_element_type3A_570 = arith.extui %lt3A_569 : i1 to i32
        %cond3A_571 = arith.constant 0 : i32
        %cond3A_572 = arith.cmpi ne, %convert_element_type3A_570, %cond3A_571 : i32
        scf.if %cond3A_572 {
          %dma_start3A_573 = arith.constant 0 : i32
          %dma_start3A_574 = arith.constant 1 : i32
          %dma_start3A_575 = arith.constant 1 : i32
          %dma_start3A_576 = arith.constant 0 : i32
          %dma_start3A_577 = arith.constant 0 : i32
          %dma_start3A_578 = tpu.memref_slice %arg9[%dma_start3A_575, %dma_start3A_576, %dma_start3A_577] : memref<2x128x128xf32, #tpu.memory_space<vmem>> -> memref<1x128x128xf32, #tpu.memory_space<vmem>>
          %dma_start3A_579 = tpu.memref_squeeze %dma_start3A_578 : memref<1x128x128xf32, #tpu.memory_space<vmem>> -> memref<128x128xf32, #tpu.memory_space<vmem>>
          %dma_start3A_580 = arith.constant 0 : i32
          %dma_start3A_581 = tpu.memref_slice %arg7[%dma_start3A_573, %dma_start3A_574, %dma_start3A_580] : memref<2x4x128xi32, #tpu.memory_space<vmem>> -> memref<1x1x128xi32, #tpu.memory_space<vmem>>
          %dma_start3A_582 = tpu.memref_squeeze %dma_start3A_581 : memref<1x1x128xi32, #tpu.memory_space<vmem>> -> memref<128xi32, #tpu.memory_space<vmem>>
          %dma_start3A_583 = arith.constant 0 : i32
          %dma_start3A_584 = arith.constant 0 : i32
          %dma_start3A_585 = tpu.memref_slice %arg2[%dma_start3A_583, %dma_start3A_584] : memref<10008x128xf32, #tpu.memory_space<hbm>> -> memref<10008x128xf32, #tpu.memory_space<hbm>>
          tpu.enqueue_indirect_dma source(%dma_start3A_585 : memref<10008x128xf32, #tpu.memory_space<hbm>>) target(%dma_start3A_579 : memref<128x128xf32, #tpu.memory_space<vmem>>) offsets(%dma_start3A_582 : memref<128xi32, #tpu.memory_space<vmem>>) semaphore(%arg12 : memref<!tpu.dma_semaphore, #tpu.memory_space<semaphore_mem>>)
        } else {
        }
      }
      %scan3A_134 = arith.constant 4 : i32
    } else {
    }
    %barrier3A_27 = arith.constant 0 : index
    tpu.barrier barrier_id(%barrier3A_27)
    %eq3A_28 = arith.constant 0 : i32
    %eq3A_29 = arith.cmpi eq, %arg0, %eq3A_28 : i32
    %convert_element_type3A_30 = arith.extui %eq3A_29 : i1 to i32
    %cond3A_31 = arith.constant 0 : i32
    %cond3A_32 = arith.cmpi ne, %convert_element_type3A_30, %cond3A_31 : i32
    scf.if %cond3A_32 {
      %lt3A_38 = arith.constant 15 : i32
      %lt3A_39 = arith.cmpi slt, %arg1, %lt3A_38 : i32
      %convert_element_type3A_40 = arith.extui %lt3A_39 : i1 to i32
      %cond3A_41 = arith.constant 0 : i32
      %cond3A_42 = arith.cmpi ne, %convert_element_type3A_40, %cond3A_41 : i32
      scf.if %cond3A_42 {
        "tpu.region"() ({
          %run_scoped3A = tpu.sem_alloc : memref<!tpu.dma_semaphore, #tpu.memory_space<semaphore_mem>>
          %dma_start3A = arith.constant 0 : i32
          %dma_start3A_48 = tpu.memref_slice %arg5[%mul3A_0, %dma_start3A] : memref<10000x128xf32, #tpu.memory_space<hbm>> -> memref<640x128xf32, #tpu.memory_space<hbm>>
          %dma_start3A_49 = arith.constant 0 : i32
          %dma_start3A_50 = tpu.memref_slice %arg10[%mul3A_0, %dma_start3A_49] : memref<10000x128xf32, #tpu.memory_space<vmem_shared>> -> memref<640x128xf32, #tpu.memory_space<vmem_shared>>
          tpu.enqueue_dma source(%dma_start3A_50 : memref<640x128xf32, #tpu.memory_space<vmem_shared>>) target(%dma_start3A_48 : memref<640x128xf32, #tpu.memory_space<hbm>>) target_semaphore(%run_scoped3A : memref<!tpu.dma_semaphore, #tpu.memory_space<semaphore_mem>>)
          %dma_wait3A = arith.constant 0 : i32
          %dma_wait3A_51 = tpu.memref_slice %arg5[%mul3A_0, %dma_wait3A] : memref<10000x128xf32, #tpu.memory_space<hbm>> -> memref<640x128xf32, #tpu.memory_space<hbm>>
          %dma_wait3A_52 = arith.constant 0 : i32
          %dma_wait3A_53 = tpu.memref_slice %arg10[%mul3A_0, %dma_wait3A_52] : memref<10000x128xf32, #tpu.memory_space<vmem_shared>> -> memref<640x128xf32, #tpu.memory_space<vmem_shared>>
          tpu.wait_dma2 semaphore(%run_scoped3A : memref<!tpu.dma_semaphore, #tpu.memory_space<semaphore_mem>>) src(%dma_wait3A_53 : memref<640x128xf32, #tpu.memory_space<vmem_shared>>) dst(%dma_wait3A_51 : memref<640x128xf32, #tpu.memory_space<hbm>>)
          tpu.yield
        }) : () -> ()
      } else {
      }
      %eq3A_43 = arith.constant 15 : i32
      %eq3A_44 = arith.cmpi eq, %arg1, %eq3A_43 : i32
      %convert_element_type3A_45 = arith.extui %eq3A_44 : i1 to i32
      %cond3A_46 = arith.constant 0 : i32
      %cond3A_47 = arith.cmpi ne, %convert_element_type3A_45, %cond3A_46 : i32
      scf.if %cond3A_47 {
        "tpu.region"() ({
          %run_scoped3A = tpu.sem_alloc : memref<!tpu.dma_semaphore, #tpu.memory_space<semaphore_mem>>
          %dma_start3A = arith.constant 9600 : i32
          %dma_start3A_48 = arith.constant 0 : i32
          %dma_start3A_49 = tpu.memref_slice %arg5[%dma_start3A, %dma_start3A_48] : memref<10000x128xf32, #tpu.memory_space<hbm>> -> memref<400x128xf32, #tpu.memory_space<hbm>>
          %dma_start3A_50 = arith.constant 9600 : i32
          %dma_start3A_51 = arith.constant 0 : i32
          %dma_start3A_52 = tpu.memref_slice %arg10[%dma_start3A_50, %dma_start3A_51] : memref<10000x128xf32, #tpu.memory_space<vmem_shared>> -> memref<400x128xf32, #tpu.memory_space<vmem_shared>>
          tpu.enqueue_dma source(%dma_start3A_52 : memref<400x128xf32, #tpu.memory_space<vmem_shared>>) target(%dma_start3A_49 : memref<400x128xf32, #tpu.memory_space<hbm>>) target_semaphore(%run_scoped3A : memref<!tpu.dma_semaphore, #tpu.memory_space<semaphore_mem>>)
          %dma_wait3A = arith.constant 9600 : i32
          %dma_wait3A_53 = arith.constant 0 : i32
          %dma_wait3A_54 = tpu.memref_slice %arg5[%dma_wait3A, %dma_wait3A_53] : memref<10000x128xf32, #tpu.memory_space<hbm>> -> memref<400x128xf32, #tpu.memory_space<hbm>>
          %dma_wait3A_55 = arith.constant 9600 : i32
          %dma_wait3A_56 = arith.constant 0 : i32
          %dma_wait3A_57 = tpu.memref_slice %arg10[%dma_wait3A_55, %dma_wait3A_56] : memref<10000x128xf32, #tpu.memory_space<vmem_shared>> -> memref<400x128xf32, #tpu.memory_space<vmem_shared>>
          tpu.wait_dma2 semaphore(%run_scoped3A : memref<!tpu.dma_semaphore, #tpu.memory_space<semaphore_mem>>) src(%dma_wait3A_57 : memref<400x128xf32, #tpu.memory_space<vmem_shared>>) dst(%dma_wait3A_54 : memref<400x128xf32, #tpu.memory_space<hbm>>)
          tpu.yield
        }) : () -> ()
      } else {
      }
    } else {
    }
    %eq3A_33 = arith.constant 1 : i32
    %eq3A_34 = arith.cmpi eq, %arg0, %eq3A_33 : i32
    %convert_element_type3A_35 = arith.extui %eq3A_34 : i1 to i32
    %cond3A_36 = arith.constant 0 : i32
    %cond3A_37 = arith.cmpi ne, %convert_element_type3A_35, %cond3A_36 : i32
    scf.if %cond3A_37 {
      %lt3A_38 = arith.constant 15 : i32
      %lt3A_39 = arith.cmpi slt, %arg1, %lt3A_38 : i32
      %convert_element_type3A_40 = arith.extui %lt3A_39 : i1 to i32
      %cond3A_41 = arith.constant 0 : i32
      %cond3A_42 = arith.cmpi ne, %convert_element_type3A_40, %cond3A_41 : i32
      scf.if %cond3A_42 {
        "tpu.region"() ({
          %run_scoped3A = tpu.sem_alloc : memref<!tpu.dma_semaphore, #tpu.memory_space<semaphore_mem>>
          %dma_start3A = arith.constant 0 : i32
          %dma_start3A_48 = tpu.memref_slice %arg6[%mul3A_0, %dma_start3A] : memref<10000x128xf32, #tpu.memory_space<hbm>> -> memref<640x128xf32, #tpu.memory_space<hbm>>
          %dma_start3A_49 = arith.constant 0 : i32
          %dma_start3A_50 = tpu.memref_slice %arg10[%mul3A_0, %dma_start3A_49] : memref<10000x128xf32, #tpu.memory_space<vmem_shared>> -> memref<640x128xf32, #tpu.memory_space<vmem_shared>>
          tpu.enqueue_dma source(%dma_start3A_50 : memref<640x128xf32, #tpu.memory_space<vmem_shared>>) target(%dma_start3A_48 : memref<640x128xf32, #tpu.memory_space<hbm>>) target_semaphore(%run_scoped3A : memref<!tpu.dma_semaphore, #tpu.memory_space<semaphore_mem>>)
          %dma_wait3A = arith.constant 0 : i32
          %dma_wait3A_51 = tpu.memref_slice %arg6[%mul3A_0, %dma_wait3A] : memref<10000x128xf32, #tpu.memory_space<hbm>> -> memref<640x128xf32, #tpu.memory_space<hbm>>
          %dma_wait3A_52 = arith.constant 0 : i32
          %dma_wait3A_53 = tpu.memref_slice %arg10[%mul3A_0, %dma_wait3A_52] : memref<10000x128xf32, #tpu.memory_space<vmem_shared>> -> memref<640x128xf32, #tpu.memory_space<vmem_shared>>
          tpu.wait_dma2 semaphore(%run_scoped3A : memref<!tpu.dma_semaphore, #tpu.memory_space<semaphore_mem>>) src(%dma_wait3A_53 : memref<640x128xf32, #tpu.memory_space<vmem_shared>>) dst(%dma_wait3A_51 : memref<640x128xf32, #tpu.memory_space<hbm>>)
          tpu.yield
        }) : () -> ()
      } else {
      }
      %eq3A_43 = arith.constant 15 : i32
      %eq3A_44 = arith.cmpi eq, %arg1, %eq3A_43 : i32
      %convert_element_type3A_45 = arith.extui %eq3A_44 : i1 to i32
      %cond3A_46 = arith.constant 0 : i32
      %cond3A_47 = arith.cmpi ne, %convert_element_type3A_45, %cond3A_46 : i32
      scf.if %cond3A_47 {
        "tpu.region"() ({
          %run_scoped3A = tpu.sem_alloc : memref<!tpu.dma_semaphore, #tpu.memory_space<semaphore_mem>>
          %dma_start3A = arith.constant 9600 : i32
          %dma_start3A_48 = arith.constant 0 : i32
          %dma_start3A_49 = tpu.memref_slice %arg6[%dma_start3A, %dma_start3A_48] : memref<10000x128xf32, #tpu.memory_space<hbm>> -> memref<400x128xf32, #tpu.memory_space<hbm>>
          %dma_start3A_50 = arith.constant 9600 : i32
          %dma_start3A_51 = arith.constant 0 : i32
          %dma_start3A_52 = tpu.memref_slice %arg10[%dma_start3A_50, %dma_start3A_51] : memref<10000x128xf32, #tpu.memory_space<vmem_shared>> -> memref<400x128xf32, #tpu.memory_space<vmem_shared>>
          tpu.enqueue_dma source(%dma_start3A_52 : memref<400x128xf32, #tpu.memory_space<vmem_shared>>) target(%dma_start3A_49 : memref<400x128xf32, #tpu.memory_space<hbm>>) target_semaphore(%run_scoped3A : memref<!tpu.dma_semaphore, #tpu.memory_space<semaphore_mem>>)
          %dma_wait3A = arith.constant 9600 : i32
          %dma_wait3A_53 = arith.constant 0 : i32
          %dma_wait3A_54 = tpu.memref_slice %arg6[%dma_wait3A, %dma_wait3A_53] : memref<10000x128xf32, #tpu.memory_space<hbm>> -> memref<400x128xf32, #tpu.memory_space<hbm>>
          %dma_wait3A_55 = arith.constant 9600 : i32
          %dma_wait3A_56 = arith.constant 0 : i32
          %dma_wait3A_57 = tpu.memref_slice %arg10[%dma_wait3A_55, %dma_wait3A_56] : memref<10000x128xf32, #tpu.memory_space<vmem_shared>> -> memref<400x128xf32, #tpu.memory_space<vmem_shared>>
          tpu.wait_dma2 semaphore(%run_scoped3A : memref<!tpu.dma_semaphore, #tpu.memory_space<semaphore_mem>>) src(%dma_wait3A_57 : memref<400x128xf32, #tpu.memory_space<vmem_shared>>) dst(%dma_wait3A_54 : memref<400x128xf32, #tpu.memory_space<hbm>>)
          tpu.yield
        }) : () -> ()
      } else {
      }
    } else {
    }
    return
  }
}

module attributes {stable_mosaic.version = 14 : i64} {
  func.func @body(%arg0: memref<10008x128xf32, #tpu.memory_space<vmem>>, %arg1: memref<10000x128xf32, #tpu.memory_space<vmem>>, %arg2: memref<10000x128xf32, #tpu.memory_space<vmem>>, %arg3: memref<128x128xf32, #tpu.memory_space<vmem>>, %arg4: memref<1x128xf32, #tpu.memory_space<vmem>>, %arg5: memref<10008x128xf32, #tpu.memory_space<vmem>>) attributes {dimension_semantics = [], scalar_prefetch = 0 : i64, scratch_operands = 0 : i64, tpu.core_type = #tpu.core_type<tc>} {
    %get3A = arith.constant 0 : index
    %get3A_0 = arith.constant 0 : index
    %get3A_1 = vector.load %arg0[%get3A, %get3A_0] : memref<10008x128xf32, #tpu.memory_space<vmem>>, vector<10000x128xf32>
    %get3A_2 = arith.constant 0 : index
    %get3A_3 = arith.constant 0 : index
    %get3A_4 = vector.load %arg1[%get3A_2, %get3A_3] : memref<10000x128xf32, #tpu.memory_space<vmem>>, vector<10000x128xf32>
    %add3A = arith.addf %get3A_1, %get3A_4 : vector<10000x128xf32>
    %get3A_5 = arith.constant 0 : index
    %get3A_6 = arith.constant 0 : index
    %get3A_7 = vector.load %arg2[%get3A_5, %get3A_6] : memref<10000x128xf32, #tpu.memory_space<vmem>>, vector<10000x128xf32>
    %add3A_8 = arith.addf %add3A, %get3A_7 : vector<10000x128xf32>
    %get3A_9 = arith.constant 0 : index
    %get3A_10 = arith.constant 0 : index
    %get3A_11 = vector.load %arg3[%get3A_9, %get3A_10] : memref<128x128xf32, #tpu.memory_space<vmem>>, vector<128x128xf32>
    %dot_general3A = arith.constant dense<0.000000e+00> : vector<10000x128xf32>
    %dot_general3A_12 = tpu.matmul %add3A_8, %get3A_11, %dot_general3A {dimension_numbers = #tpu.dot_dimension_numbers<[1], [0], [0], [1], [0, 0, 1, 1], [], []>, transpose_lhs_hint = false} : vector<10000x128xf32>, vector<128x128xf32>, vector<10000x128xf32> -> vector<10000x128xf32>
    %get3A_13 = arith.constant 0 : index
    %get3A_14 = arith.constant 0 : index
    %get3A_15 = vector.load %arg4[%get3A_13, %get3A_14] : memref<1x128xf32, #tpu.memory_space<vmem>>, vector<1x128xf32>
    %add3A_16 = vector.broadcast %get3A_15 : vector<1x128xf32> to vector<10000x128xf32>
    %add3A_17 = arith.addf %dot_general3A_12, %add3A_16 : vector<10000x128xf32>
    %max3A = arith.constant 0.000000e+00 : f32
    %max3A_18 = vector.broadcast %max3A : f32 to vector<10000x128xf32>
    %max3A_19 = arith.maximumf %add3A_17, %max3A_18 : vector<10000x128xf32>
    %swap3A = arith.constant 0 : index
    %swap3A_20 = arith.constant 0 : index
    %swap3A_21 = vector.load %arg5[%swap3A, %swap3A_20] : memref<10008x128xf32, #tpu.memory_space<vmem>>, vector<10000x128xf32>
    tpu.vector_store %arg5[%swap3A, %swap3A_20], %max3A_19 {strides = array<i32>} : memref<10008x128xf32, #tpu.memory_space<vmem>>, vector<10000x128xf32>,
    %broadcast_in_dim3A = arith.constant 0.000000e+00 : f32
    %broadcast_in_dim3A_22 = vector.broadcast %broadcast_in_dim3A : f32 to vector<8x128xf32>
    %swap3A_23 = arith.constant 10000 : index
    %swap3A_24 = arith.constant 0 : index
    %swap3A_25 = vector.load %arg5[%swap3A_23, %swap3A_24] : memref<10008x128xf32, #tpu.memory_space<vmem>>, vector<8x128xf32>
    tpu.vector_store %arg5[%swap3A_23, %swap3A_24], %broadcast_in_dim3A_22 {strides = array<i32>} : memref<10008x128xf32, #tpu.memory_space<vmem>>, vector<8x128xf32>,
    return
  }
}

module attributes {stable_mosaic.version = 14 : i64} {
  func.func @body(%arg0: memref<10008x128xf32, #tpu.memory_space<vmem>>, %arg1: memref<10000x128xf32, #tpu.memory_space<vmem>>, %arg2: memref<10000x128xf32, #tpu.memory_space<vmem>>, %arg3: memref<128x128xf32, #tpu.memory_space<vmem>>, %arg4: memref<1x128xf32, #tpu.memory_space<vmem>>, %arg5: memref<10000x128xf32, #tpu.memory_space<vmem>>) attributes {dimension_semantics = [], scalar_prefetch = 0 : i64, scratch_operands = 0 : i64, tpu.core_type = #tpu.core_type<tc>} {
    %get3A = arith.constant 0 : index
    %get3A_0 = arith.constant 0 : index
    %get3A_1 = vector.load %arg0[%get3A, %get3A_0] : memref<10008x128xf32, #tpu.memory_space<vmem>>, vector<10000x128xf32>
    %get3A_2 = arith.constant 0 : index
    %get3A_3 = arith.constant 0 : index
    %get3A_4 = vector.load %arg1[%get3A_2, %get3A_3] : memref<10000x128xf32, #tpu.memory_space<vmem>>, vector<10000x128xf32>
    %add3A = arith.addf %get3A_1, %get3A_4 : vector<10000x128xf32>
    %get3A_5 = arith.constant 0 : index
    %get3A_6 = arith.constant 0 : index
    %get3A_7 = vector.load %arg2[%get3A_5, %get3A_6] : memref<10000x128xf32, #tpu.memory_space<vmem>>, vector<10000x128xf32>
    %add3A_8 = arith.addf %add3A, %get3A_7 : vector<10000x128xf32>
    %get3A_9 = arith.constant 0 : index
    %get3A_10 = arith.constant 0 : index
    %get3A_11 = vector.load %arg3[%get3A_9, %get3A_10] : memref<128x128xf32, #tpu.memory_space<vmem>>, vector<128x128xf32>
    %dot_general3A = arith.constant dense<0.000000e+00> : vector<10000x128xf32>
    %dot_general3A_12 = tpu.matmul %add3A_8, %get3A_11, %dot_general3A {dimension_numbers = #tpu.dot_dimension_numbers<[1], [0], [0], [1], [0, 0, 1, 1], [], []>, transpose_lhs_hint = false} : vector<10000x128xf32>, vector<128x128xf32>, vector<10000x128xf32> -> vector<10000x128xf32>
    %get3A_13 = arith.constant 0 : index
    %get3A_14 = arith.constant 0 : index
    %get3A_15 = vector.load %arg4[%get3A_13, %get3A_14] : memref<1x128xf32, #tpu.memory_space<vmem>>, vector<1x128xf32>
    %add3A_16 = vector.broadcast %get3A_15 : vector<1x128xf32> to vector<10000x128xf32>
    %add3A_17 = arith.addf %dot_general3A_12, %add3A_16 : vector<10000x128xf32>
    %swap3A = arith.constant 0 : index
    %swap3A_18 = arith.constant 0 : index
    %swap3A_19 = vector.load %arg5[%swap3A, %swap3A_18] : memref<10000x128xf32, #tpu.memory_space<vmem>>, vector<10000x128xf32>
    tpu.vector_store %arg5[%swap3A, %swap3A_18], %add3A_17 {strides = array<i32>} : memref<10000x128xf32, #tpu.memory_space<vmem>>, vector<10000x128xf32>,
    return
  }
}

</mosaic_0001>

<sc_bundles>
// kernel: kernel.6.cloned.1.call-start
scs
__scs_entry_jumppad:
0x0: {  	(pc) =	sbr.rel $0x88, $3  }
0x1: {  	(tag) =	ssettag $0x0;
	lr =	simm.s32 $0x1  }
0x2: {  	[smem:$0x3F9B] =	sst lr;
	_ =	strace $0xD0000000  }
0x3: {  	_ = 	snop  }
0x4: {  	_ = 	snop  }
0x5: {  	_ = 	snop  }
0x6: {  	_ = 	snop  }
0x7: {  	_ = 	snop  }
__scs_overlays_trampoline_lowered:
0x8: {  	[smem:$0x3FAA] =	sst s0  }
0x9: {  	[smem:$0x3FAB] =	sst s1  }
0xa: {  	[smem:$0x3FAC] =	sst s2  }
0xb: {  	[smem:$0x3FAD] =	sst s3  }
0xc: {  	[smem:$0x3FAE] =	sst s4  }
0xd: {  	[smem:$0x3FAF] =	sst s5  }
0xe: {  	[smem:$0x3FB0] =	sst s6  }
0xf: {  	[smem:$0x3FB1] =	sst s7  }
0x10: {  	[smem:$0x3FB2] =	sst s8  }
0x11: {  	[smem:$0x3FB3] =	sst s9;
	s0 =	simm.s32 @!p0 $0x0  }
0x12: {  	s1 =	sld [smem:$0x3F99];
	s0 =	simm.s32 @p0 $0x1  }
0x13: {  	[smem:$0x3FB4] =	sst s0;
	s0 =	simm.s32 @!p1 $0x0  }
0x14: {  	s2 =	sld [smem:$0x3F98];
	s0 =	simm.s32 @p1 $0x1  }
0x15: {  	[smem:$0x3FB5] =	sst s0;
	s0 =	simm.s32 @!p2 $0x0  }
0x16: {  	s3 =	sld [smem:$0x3FDB];
	s0 =	simm.s32 @p2 $0x1  }
0x17: {  	s4 =	simm.s32 $0x1BF5;
	[smem:$0x3FB7] =	sst s0  }
0x18: {  	s0 =	sld [smem:$0x3F9A];
	_ =	swait.ge [sflag:s4], $0x0  }
0x19: {  	s7 =	sld [smem:$0x3F9B]  }
0x1a: {  	s8 =	sadd.s32 $0xFFFFE003, lr  }
0x1b: {  	s9 =	sadd.s32 $0xFFFFFEF7, lr;
	s5 =	simm.s32 $0xFFFFFFFF;
	p2 =	slt.u32 s8, $0xFFFFF086  }
0x1c: {  	p1 =	slt.u32 s9, $0xF7A;
	s5 =	simm.s32 @!p2 $0x0  }
0x1d: {  	s5 =	simm.s32 @p1 $0x1;
	p0 =	seq.s32 s7, s2  }
0x1e: {  	s7 =	smul.u32 @!p0 $0xF7A, s2;
	p2 =	seq.s32 @!p0 s5, $0x0  }
0x1f: {  	s9 =	smul.u32 $0xF7A, s1;
	s8 =	simm.s32 @!p0 $0x1BF5;
	p2 =	por !p2, p0  }
0x20: {  	[sflag:s8] =	ssyncset.s32 @!p0 $0xFFFFF086;
	s6 =	sadd.s32 @!p0 s3, s7;
	s7 =	simm.s32 @!p0 $0x108  }
0x21: {  	s3 =	sadd.s32 s3, s9;
	s6 =	sadd.s32 @!p0 $0x88, s6;
	s7 =	simm.s32 @p2 $0x1082  }
0x22: {  	[simem:s7], [sflag:s8] =	dma.local @!p0 [hbm:s6], $0xF7A  }
0x23: {  	s9 =	sor.u32 $0xD0000000, s2;
	s6 =	simm.s32 $0x108;
	_ =	swait.ge @!p0 [sflag:s8], $0x0  }
0x24: {  	s3 =	sadd.s32 $0x88, s3;
	s6 =	simm.s32 @!p1 $0x1082;
	[sflag:s4] =	ssyncset.s32 $0xFFFFF086  }
0x25: {  	[simem:s6], [sflag:s4] =	dma.local [hbm:s3], $0xF7A  }
0x26: {  	[smem:$0x3F9B] =	sst s1;
	(tag) =	ssettag s2;
	_ =	strace s9  }
0x27: {  	s1 =	sld [smem:$0x3FAB]  }
0x28: {  	s2 =	sld [smem:$0x3FAC]  }
0x29: {  	s4 =	sld [smem:$0x3FAE]  }
0x2a: {  	p0 =	seq.s32 s5, $0x0;
	s5 =	sld [smem:$0x3FAF]  }
0x2b: {  	s6 =	sld [smem:$0x3FB0]  }
0x2c: {  	s7 =	sld [smem:$0x3FB1]  }
0x2d: {  	s3 =	simm.s32 $0x108;
	s8 =	sld [smem:$0x3FB2]  }
0x2e: {  	s3 =	simm.s32 @!p0 $0x1082;
	s9 =	sld [smem:$0x3FB3]  }
0x2f: {  	lr =	sadd.s32 s0, s3;
	s0 =	sld [smem:$0x3FAA]  }
0x30: {  	s3 =	sld [smem:$0x3FAD]  }
0x31: {  	[smem:$0x3FB6] =	sst s10  }
0x32: {  	s10 =	sld [smem:$0x3FB4];
	_ =	sdelay $0x3  }
0x33: {  	p0 =	seq.s32 s10, $0x1;
	s10 =	sld [smem:$0x3FB6];
	_ =	sdelay $0x3  }
0x34: {  	[smem:$0x3FB6] =	sst s10  }
0x35: {  	s10 =	sld [smem:$0x3FB5];
	_ =	sdelay $0x3  }
0x36: {  	p1 =	seq.s32 s10, $0x1;
	s10 =	sld [smem:$0x3FB6];
	_ =	sdelay $0x3  }
0x37: {  	[smem:$0x3FB6] =	sst s10  }
0x38: {  	s10 =	sld [smem:$0x3FB7]  }
0x39: {  	_ = 	snop;
	(pc) =	sbr.ind lr, $3  }
0x3a: {  	_ = 	snop  }
0x3b: {  	_ = 	snop  }
0x3c: {  	p2 =	seq.s32 s10, $0x1;
	s10 =	sld [smem:$0x3FB6]  }
0x3d: {  	_ =	shalt  }
0x3e: {  	_ =	shalt  }
0x3f: {  	_ =	shalt  }
0x40: {  	_ =	shalt  }
0x41: {  	_ =	shalt  }
0x42: {  	_ =	shalt  }
0x43: {  	_ =	shalt  }
0x44: {  	_ =	shalt  }
0x45: {  	_ =	shalt  }
0x46: {  	_ =	shalt  }
0x47: {  	_ =	shalt  }
0x48: {  	_ =	shalt  }
0x49: {  	_ =	shalt  }
0x4a: {  	_ =	shalt  }
0x4b: {  	_ =	shalt  }
0x4c: {  	_ =	shalt  }
0x4d: {  	_ =	shalt  }
0x4e: {  	_ =	shalt  }
0x4f: {  	_ =	shalt  }
0x50: {  	_ =	shalt  }
0x51: {  	_ =	shalt  }
0x52: {  	_ =	shalt  }
0x53: {  	_ =	shalt  }
0x54: {  	_ =	shalt  }
0x55: {  	_ =	shalt  }
0x56: {  	_ =	shalt  }
0x57: {  	_ =	shalt  }
0x58: {  	_ =	shalt  }
0x59: {  	_ =	shalt  }
0x5a: {  	_ =	shalt  }
0x5b: {  	_ =	shalt  }
0x5c: {  	_ =	shalt  }
0x5d: {  	_ =	shalt  }
0x5e: {  	_ =	shalt  }
0x5f: {  	_ =	shalt  }
0x60: {  	_ =	shalt  }
0x61: {  	_ =	shalt  }
0x62: {  	_ =	shalt  }
0x63: {  	_ =	shalt  }
0x64: {  	_ =	shalt  }
0x65: {  	_ =	shalt  }
0x66: {  	_ =	shalt  }
0x67: {  	_ =	shalt  }
0x68: {  	_ =	shalt  }
0x69: {  	_ =	shalt  }
0x6a: {  	_ =	shalt  }
0x6b: {  	_ =	shalt  }
0x6c: {  	_ =	shalt  }
0x6d: {  	_ =	shalt  }
0x6e: {  	_ =	shalt  }
0x6f: {  	_ =	shalt  }
0x70: {  	_ =	shalt  }
0x71: {  	_ =	shalt  }
0x72: {  	_ =	shalt  }
0x73: {  	_ =	shalt  }
0x74: {  	_ =	shalt  }
0x75: {  	_ =	shalt  }
0x76: {  	_ =	shalt  }
0x77: {  	_ =	shalt  }
0x78: {  	_ =	shalt  }
0x79: {  	_ =	shalt  }
0x7a: {  	_ =	shalt  }
0x7b: {  	_ =	shalt  }
0x7c: {  	_ =	shalt  }
0x7d: {  	_ =	shalt  }
0x7e: {  	_ =	shalt  }
0x7f: {  	_ =	shalt  }
0x80: {  	_ =	shalt  }
0x81: {  	_ =	shalt  }
0x82: {  	_ =	shalt  }
0x83: {  	_ =	shalt  }
0x84: {  	_ =	shalt  }
0x85: {  	_ =	shalt  }
0x86: {  	_ =	shalt  }
0x87: {  	_ =	shalt  }
.Lfunc_end0:
.L_simem_size_0:
called_computation_lowered:
.L_overlay_start_0:
0x88: {  	s2 =	sld [smem:$0x3FD9]  }
0x89: {  	s3 =	sld [smem:$0x3FFE];
	_ =	sdelay $0x1  }
0x8a: {  	s1 =	srdreg.scid  }
0x8b: {  	s0 =	sand.u32 $0x1, s1  }
0x8c: {  	s17 =	sshll.u32 s0, $0xA;
	s2 =	sadd.s32 s3, s2  }
0x8d: {  	s2 =	sadd.s32 s2, s17  }
0x8e: {  	[smem:$0x3FC2] =	sst s2  }
0x8f: {  	_ = 	snop  }
0x90: {  	s2 =	sld [smem:$0x3FD0];
	(tm) =	ssettm $0x1  }
0x91: {  	s18 =	sld [smem:$0x3FFB];
	_ =	sdelay $0x3  }
0x92: {  	_ =	strace s18  }
0x93: {  	s3 =	sld [smem:$0x3FFC];
	_ =	sdelay $0x3  }
0x94: {  	_ =	strace s3  }
0x95: {  	s3 =	sld [smem:$0x3FFD];
	_ =	sdelay $0x3  }
0x96: {  	_ =	strace s3  }
0x97: {  	_ =	strace $0x8FFFFFFF  }
0x98: {  	s19 =	sld [smem:$0x3FDB];
	_ =	sdelay $0x1  }
0x99: {  	s4 =	simm.s32 $_scs_section_size  }
0x9a: {  	s5 =	simm.s32 $_size__tile_overlayer_lowered;
	s6 =	simm.s32 $_tile_overlayer_lowered  }
0x9b: {  	s22 =	simm.s32 $0x1BFF;
	s21 =	sshll.u32 s6, $0x1;
	s3 =	sadd.s32 s4, s19  }
0x9c: {  	s7 =	simm.s32 $0x0;
	s20 =	sshll.u32 s5, $0x1;
	s5 =	sadd.s32 s21, s3  }
0x9d: {  	[timem:s7], [sflag:s22] =	dma.local [hbm:s5], s20  }
0x9e: {  	_ =	swait.ge [sflag:s22], s20  }
0x9f: {  	s4 =	ssub.s32 $0x0, s20;
	[sflag:s22] =	ssyncset.done $0x0  }
0xa0: {  	[sflag:s22] =	ssyncadd.s32 s4;
	_ =	sdelay $0x1  }
0xa1: {  	s23 =	simm.s32 $0x1B8B  }
0xa2: {  	_ =	swait.ge [sflag:s23], $0x1  }
0xa3: {  	[sflag:s23] =	ssyncset.done $0x0  }
0xa4: {  	s25 =	simm.s32 $0x1B8E;
	s24 =	sld [smem:$0x3FFE];
	[sflag:s23] =	ssyncadd.s32 $0xFFFFFFFF  }
0xa5: {  	s26 =	simm.s32 $execute0_lowered;
	[smem:$0x3FD2] =	sst s25  }
0xa6: {  	s5 =	sshll.u32 s26, $0x1;
	_ =	strace $0x80000046;
	[dreg:$0x1] =	wrdreg $0xFFFFFFFF  }
0xa7: {  	s28 =	simm.s32 $_size_execute0_lowered;
	s3 =	sadd.s32 s3, s5;
	[dreg:$0x0] =	wrdreg $0x0  }
0xa8: {  	s5 =	sshll.u32 s28, $0x1;
	[dreg:$0x2] =	wrdreg s3  }
0xa9: {  	[dreg:$0x3] =	wrdreg s5  }
0xaa: {  	[dreg:$0x4] =	wrdreg $0xC0  }
0xab: {  	_ =	task [dreg:s7], $0x5FFFF  }
0xac: {  	[dreg:$0x1] =	wrdreg $0xFFFFFFFF  }
0xad: {  	[dreg:$0x0] =	wrdreg $0x60  }
0xae: {  	[dreg:$0x2] =	wrdreg s24  }
0xaf: {  	[dreg:$0x3] =	wrdreg s2  }
0xb0: {  	[dreg:$0x4] =	wrdreg $0xC4000  }
0xb1: {  	[dreg:$0x5] =	wrdreg $0x9  }
0xb2: {  	_ =	task.clear_ibuf [dreg:s7], $0x6FFFF;
	_ =	strace $0x90000046  }
0xb3: {  	s29 =	simm.s32 $0x9;
	_ =	strace $0x80000048  }
0xb4: {  	_ =	swait.ge [sflag:s29], $0x1  }
0xb5: {  	[sflag:s29] =	ssyncadd.s32 $0xFFFFFFFF  }
0xb6: {  	_ =	strace $0x90000048  }
0xb7: {  	_ =	sfence  }
0xb8: {  	s30 =	sld [smem:$0x0];
	_ =	sdelay $0x2  }
0xb9: {  	s31 =	sshll.u32 s1, $0xD;
	s1 =	sshrl.u32 s1, $0x2  }
0xba: {  	s3 =	sand.u32 $0x4000, s31;
	s1 =	sadd.s32 s1, s30  }
0xbb: {  	s0 =	sor.u32 s3, s0;
	s1 =	sshll.u32 s1, $0x11  }
0xbc: {  	s0 =	sor.u32 s1, s0  }
0xbd: {  	s0 =	sadd.s32 $0x8F2B, s0  }
0xbe: {  	[sflag:s0] =	ssyncadd.remote.s32 $0x1  }
0xbf: {  	_ =	sfence.sel $0xFFFF  }
0xc0: {  	[dreg:$0x0] =	wrdreg $0xFFFFFFFF;
	(pc) =	sbr.abs _section_cstart, $3  }
0xc1: {  	[dreg:$0x1] =	wrdreg $0xFFFFFFFF  }
0xc2: {  	_ =	task.clear_ibuf [dreg:s7], $0x2FFFF;
	_ =	strace $0x9FFFFFFF  }
0xc3: {  	(tm) =	ssettm $0x7FFFFFFF  }
tec
execute0_lowered:
.L_overlay_start_1:
0x0: {  	(tag) =	ssettag $0x1  }
0x1: {  	s0 =	rddreg [dreg:$0x0]  }
0x2: {  	s1 =	rddreg [dreg:$0x1]  }
0x3: {  	s2 =	rddreg [dreg:$0x2]  }
0x4: {  	s3 =	simm.s32 $0x0;
	s15 =	stileid.u32;
	s5 =	srdreg.scid  }
0x5: {  	s29 =	simm.s32 $0x200;
	s30 =	simm.s32 $0x5;
	s31 =	simm.s32 $0x80  }
0x6: {  	s28 =	simm.s32 $0x6;
	[smem:$0x7FF] =	sst s3;
	s6 =	smul.u32 $0x2800, s15  }
0x7: {  	s4 =	sadd.s32 $0x16800, s0;
	s7 =	sand.u32 $0x1, s5;
	s22 =	smul.u32 $0x50000, s15  }
0x8: {  	s8 =	sadd.s32 $0xC800, s0;
	s9 =	sadd.s32 $0x2800, s0;
	s23 =	sshll.u32 s15, $0x9  }
0x9: {  	s14 =	sadd.s32 $0x138000, s2;
	s17 =	sshll.u32 s15, $0xB;
	s18 =	sadd.s32 $0x12C000, s2  }
0xa: {  	p0 =	seq.s32 s15, $0xF;
	s15 =	simm.s32 $0x2;
	_ =	strace $0x80000047  }
0xb: {  	s10 =	ssub.s32 $0x2, s7;
	s25 =	sor.u32 $0x8000, s23;
	[dreg:$0x6] =	wrdreg s14  }
0xc: {  	[dreg:$0xb] =	wrdreg s18;
	s19 =	sadd.s32 s9, s17;
	p1 =	sne.s32 s7, $0x0  }
0xd: {  	s18 =	simm.s32 $0x280;
	s11 =	sadd.s32 s6, s0;
	s12 =	sshrl.u32 s10, $0x1  }
0xe: {  	s5 =	sshrl.u32 s22, $0x2;
	s26 =	sadd.s32 s9, s25;
	[dreg:$0xe] =	wrdreg s19  }
0xf: {  	s0 =	sadd.s32 $0x63200, s0;
	s21 =	sadd.s32 s1, s6;
	[dreg:$0x7] =	wrdreg s26  }
0x10: {  	s22 =	sadd.s32 $0x25800, s1;
	s9 =	simm.s32 $0x7;
	[dreg:$0xd] =	wrdreg s0  }
0x11: {  	s19 =	simm.s32 $0x300;
	s10 =	ssub.s32 s10, s12;
	[dreg:$0x10] =	wrdreg s21  }
0x12: {  	s5 =	sadd.s32 s5, s2;
	s11 =	sadd.s32 $0x3DA00, s11;
	[dreg:$0x11] =	wrdreg s22  }
0x13: {  	s12 =	sadd.s32 s23, s8;
	s13 =	sadd.s32 $0xC000, s5;
	[dreg:$0xa] =	wrdreg s11  }
0x14: {  	s0 =	simm.s32 $0x8400;
	s24 =	sadd.s32 $0x10000, s5;
	[dreg:$0x4] =	wrdreg s13  }
0x15: {  	s16 =	sadd.s32 $0x8040, s12;
	s23 =	smax.u32 s10, $0x1;
	[dreg:$0x5] =	wrdreg s24  }
0x16: {  	s22 =	sadd.s32 $0x8000, s5;
	s10 =	simm.s32 $0x1;
	[dreg:$0x9] =	wrdreg s16  }
0x17: {  	s11 =	simm.s32 $0x3;
	s13 =	sadd.s32 s8, s25;
	[dreg:$0x12] =	wrdreg s23  }
0x18: {  	s8 =	sadd.s32 s8, s17;
	s24 =	sadd.s32 $0x4000, s5;
	[dreg:$0x8] =	wrdreg s13  }
.Ltmp0:
0x19: {  	s25 =	sadd.s32 $0x80C0, s12;
	[dreg:$0x13] =	wrdreg s24;
	(pc) =	sbr.rel .LBB2_1-.Ltmp0, $4  }
0x1a: {  	s12 =	simm.s32 $0x100;
	s16 =	simm.s32 $0x4;
	[dreg:$0x14] =	wrdreg s25  }
0x1b: {  	s17 =	simm.s32 $0x180;
	s20 =	sadd.s32 $0x40, s8;
	[dreg:$0xc] =	wrdreg s8  }
0x1c: {  	s23 =	simm.s32 $0x380;
	s26 =	sadd.s32 $0xC0, s8;
	[dreg:$0xf] =	wrdreg s20  }
0x1d: {  	v0 =	vimm.f32 $0.0e+00;
	s25 =	simm.s32 $0x4400;
	[dreg:$0x15] =	wrdreg s26;
	s26 =	simm.s32 $0x8  }
.LBB2_11:
0x1e: {  	[bflag:$0x0] =	sbarrier.arrive $0xFFFF  }
0x1f: {  	s6 =	simm.s32 @p0 $0x1FC8;
	s7 =	rddreg [dreg:$0xd]  }
0x20: {  	[hbm:s7], [sflag:s6] =	dma.local @p0 [spmem:s14], $0x1900  }
0x21: {  	s6 =	simm.s32 @p0 $0x8  }
0x22: {  	_ =	swait.ge @p0 [sflag:s6], $0x1900  }
0x23: {  	[sflag:s6] =	ssyncset.done @p0 $0x0  }
0x24: {  	[sflag:s6] =	ssyncadd.s32 @p0 $0xFFFFE700;
	s6 =	rddreg [dreg:$0xa]  }
0x25: {  	[hbm:s6], [sflag:s1] =	dma.local @!p0 [spmem:s24], $0x2800  }
0x26: {  	s1 =	simm.s32 @!p0 $0x8  }
0x27: {  	_ =	swait.ge @!p0 [sflag:s1], $0x2800  }
0x28: {  	[sflag:s1] =	ssyncset.done @!p0 $0x0  }
0x29: {  	[sflag:s1] =	ssyncadd.s32 @!p0 $0xFFFFD800  }
.LBB2_12:
0x2a: {  	s3 =	sadd.s32 $0x1, s3;
	s1 =	rddreg [dreg:$0x12]  }
0x2b: {  	p2 =	sne.s32 s3, s1  }
.Ltmp1:
0x2c: {  	_ = 	snop;
	(pc) =	sbr.rel @!p2 .LBB2_13-.Ltmp1, $1  }
0x2d: {  	_ =	sdelay $0x3  }
.LBB2_1:
0x2e: {  	s1 =	simm.s32 $0x0;
	s6 =	simm.s32 $0x200  }
.LBB2_2:
0x2f: {  	p2 =	sne.s32 s6, $0xFE00;
	[tilespmem:s1+$0x4470] =	vst v0  }
0x30: {  	[tilespmem:s1+$0x4400] =	vst v0  }
0x31: {  	[tilespmem:s1+$0x4410] =	vst v0  }
.Ltmp2:
0x32: {  	[tilespmem:s1+$0x4420] =	vst v0;
	(pc) =	sbr.rel @p2 .LBB2_2-.Ltmp2, $4  }
0x33: {  	[tilespmem:s1+$0x4430] =	vst v0  }
0x34: {  	[tilespmem:s1+$0x4440] =	vst v0  }
0x35: {  	[tilespmem:s1+$0x4450] =	vst v0  }
0x36: {  	[tilespmem:s1+$0x4460] =	vst v0;
	s1 =	sshra.s32 s6, $0x2;
	s6 =	sadd.s32 $0x200, s6  }
0x37: {  	[tilespmem:s1+$0x4470] =	vst v0  }
0x38: {  	[tilespmem:s1+$0x4400] =	vst v0  }
0x39: {  	[tilespmem:s1+$0x4410] =	vst v0  }
0x3a: {  	[tilespmem:s1+$0x4420] =	vst v0  }
0x3b: {  	[tilespmem:s1+$0x4430] =	vst v0  }
0x3c: {  	[tilespmem:s1+$0x4440] =	vst v0  }
0x3d: {  	[tilespmem:s1+$0x4450] =	vst v0  }
0x3e: {  	[tilespmem:s1+$0x4460] =	vst v0  }
0x3f: {  	[spmem:s5] =	stream.linear.scatter [tilespmem:s25], [sflag:$0x8], $0x4000, $0x38;
	[tilespmem:$0x1FC80] =	vst v63  }
0x40: {  	_ =	swait.ge [sflag:s26], $0x4000  }
0x41: {  	[sflag:s26] =	ssyncset.done $0x0  }
0x42: {  	s24 =	rddreg [dreg:$0x13];
	[sflag:s26] =	ssyncadd.s32 $0xFFFFC000  }
0x43: {  	[spmem:s24] =	stream.linear.scatter [tilespmem:s25], [sflag:$0x8], $0x4000, $0x38;
	[tilespmem:$0x1FC80] =	vst v63  }
0x44: {  	_ =	swait.ge [sflag:s26], $0x4000  }
0x45: {  	[sflag:s26] =	ssyncset.done $0x0  }
0x46: {  	[sflag:s26] =	ssyncadd.s32 $0xFFFFC000  }
0x47: {  	[spmem:s22] =	stream.linear.scatter [tilespmem:s25], [sflag:$0x8], $0x4000, $0x38;
	[tilespmem:$0x1FC80] =	vst v63  }
0x48: {  	_ =	swait.ge [sflag:s26], $0x4000  }
0x49: {  	[sflag:s26] =	ssyncset.done $0x0  }
0x4a: {  	s1 =	simm.s32 @p0 $0x4400;
	s6 =	rddreg [dreg:$0x6];
	[sflag:s26] =	ssyncadd.s32 $0xFFFFC000  }
0x4b: {  	[spmem:s6] =	stream.linear.scatter @p0 [tilespmem:s1], [sflag:$0x8], $0x800, $0x38;
	[tilespmem:$0x1FC80] =	vst v63  }
0x4c: {  	s1 =	simm.s32 @p0 $0x8  }
0x4d: {  	_ =	swait.ge @p0 [sflag:s1], $0x800  }
0x4e: {  	[sflag:s1] =	ssyncset.done @p0 $0x0  }
0x4f: {  	s6 =	rddreg [dreg:$0x4];
	[sflag:s1] =	ssyncadd.s32 @p0 $0xFFFFF800;
	s1 =	simm.s32 @!p0 $0x4400  }
0x50: {  	[spmem:s6] =	stream.linear.scatter @!p0 [tilespmem:s1], [sflag:$0x8], $0x4000, $0x38;
	[tilespmem:$0x1FC80] =	vst v63  }
0x51: {  	s6 =	simm.s32 @!p0 $0x8  }
0x52: {  	_ =	swait.ge @!p0 [sflag:s6], $0x4000  }
0x53: {  	[sflag:s6] =	ssyncset.done @!p0 $0x0  }
0x54: {  	s7 =	rddreg [dreg:$0x5];
	[sflag:s6] =	ssyncadd.s32 @!p0 $0xFFFFC000  }
0x55: {  	[spmem:s7] =	stream.linear.scatter @!p0 [tilespmem:s1], [sflag:$0x8], $0x4000, $0x38;
	[tilespmem:$0x1FC80] =	vst v63  }
0x56: {  	_ =	swait.ge @!p0 [sflag:s6], $0x4000  }
.Ltmp3:
0x57: {  	[sflag:s6] =	ssyncset.done @!p0 $0x0;
	(pc) =	sbr.rel @p1 .LBB2_8-.Ltmp3, $4  }
0x58: {  	[sflag:s6] =	ssyncadd.s32 @!p0 $0xFFFFC000  }
0x59: {  	s1 =	stileid.u32;
	[bflag:$0x0] =	sbarrier.arrive $0xFFFF  }
0x5a: {  	s24 =	sshrl.u32 @!p0 s5, $0x3;
	s1 =	sshll.u32 @!p0 s1, $0x6;
	s6 =	rddreg [dreg:$0xb]  }
0x5b: {  	s1 =	sor.u32 @!p0 $0x1C08, s1;
	s14 =	sshrl.u32 @p0 s6, $0x3;
	s6 =	simm.s32 $0x0  }
0x5c: {  	s7 =	rddreg [dreg:$0xe];
	s8 =	simm.s32 $0x400  }
0x5d: {  	[tilespmem:s8], [sflag:$0x7] =	stream.linear.gather [hbm4b:s7+s6], $0x4000, $0x38;
	[tilespmem:$0x1FC80] =	vst v63  }
0x5e: {  	s20 =	rddreg [dreg:$0xc]  }
0x5f: {  	[tilespmem:s6], [sflag:$0x5] =	stream.linear.gather [hbm4b:s20+s6], $0x200, $0x38;
	[tilespmem:$0x1FC80] =	vst v63  }
0x60: {  	s21 =	rddreg [dreg:$0xf]  }
0x61: {  	[tilespmem:s29], [sflag:$0x6] =	stream.linear.gather [hbm4b:s21+s6], $0x200, $0x38;
	[tilespmem:$0x1FC80] =	vst v63  }
0x62: {  	_ =	swait.ge [sflag:s30], $0x200  }
0x63: {  	[sflag:s30] =	ssyncset.done $0x0  }
0x64: {  	[sflag:s30] =	ssyncadd.s32 $0xFFFFFE00  }
0x65: {  	[tilespmem:s25], [sflag:$0x1] =	stream.indirect.gather [hbm4b:s4+s31], $0x80, s6, s31, $0xb8;
	[tilespmem:$0x1FC80] =	vst v63  }
0x66: {  	_ = 	snop  }
0x67: {  	[tilespmem:s0], [sflag:$0x2] =	stream.indirect.gather [hbm4b:s4+s31], $0x80, s31, s31, $0xb8;
	[tilespmem:$0x1FC80] =	vst v63  }
0x68: {  	_ =	swait.ge [sflag:s9], $0x4000  }
0x69: {  	[sflag:s9] =	ssyncset.done $0x0  }
0x6a: {  	s7 =	rddreg [dreg:$0x15];
	[sflag:s9] =	ssyncadd.s32 $0xFFFFC000  }
.LBB2_5:
0x6b: {  	_ =	swait.ge [sflag:s10], $0x4000  }
0x6c: {  	s8 =	sshra.s32 s6, $0x2;
	[sflag:s10] =	ssyncset.done $0x0  }
0x6d: {  	s13 =	sadd.s32 $0x400, s8;
	[sflag:s10] =	ssyncadd.s32 $0xFFFFC000  }
0x6e: {  	[spmem:s2] =	stream.indirect.scatter.add.f32 [tilespmem:s25], [sflag:$0x3], $0x80, s13, s31, $0xb8;
	[tilespmem:$0x1FC80] =	vst v63  }
0x6f: {  	_ =	swait.ge [sflag:s11], $0x4000  }
0x70: {  	[sflag:s11] =	ssyncset.done $0x0  }
0x71: {  	[sflag:s11] =	ssyncadd.s32 $0xFFFFC000  }
0x72: {  	[tilespmem:s25], [sflag:$0x1] =	stream.indirect.gather [hbm4b:s4+s31], $0x80, s12, s31, $0xb8;
	[tilespmem:$0x1FC80] =	vst v63  }
0x73: {  	_ =	swait.ge [sflag:s15], $0x4000  }
0x74: {  	[sflag:s15] =	ssyncset.done $0x0  }
0x75: {  	s20 =	sadd.s32 $0x480, s8;
	[sflag:s15] =	ssyncadd.s32 $0xFFFFC000  }
0x76: {  	[spmem:s2] =	stream.indirect.scatter.add.f32 [tilespmem:s0], [sflag:$0x4], $0x80, s20, s31, $0xb8;
	[tilespmem:$0x1FC80] =	vst v63  }
0x77: {  	_ =	swait.ge [sflag:s16], $0x4000  }
0x78: {  	[sflag:s16] =	ssyncset.done $0x0  }
0x79: {  	[sflag:s16] =	ssyncadd.s32 $0xFFFFC000  }
0x7a: {  	[tilespmem:s0], [sflag:$0x2] =	stream.indirect.gather [hbm4b:s4+s31], $0x80, s17, s31, $0xb8;
	[tilespmem:$0x1FC80] =	vst v63  }
0x7b: {  	_ =	swait.ge [sflag:s10], $0x4000  }
0x7c: {  	[sflag:s10] =	ssyncset.done $0x0  }
0x7d: {  	s21 =	sadd.s32 $0x500, s8;
	[sflag:s10] =	ssyncadd.s32 $0xFFFFC000  }
0x7e: {  	[spmem:s2] =	stream.indirect.scatter.add.f32 [tilespmem:s25], [sflag:$0x3], $0x80, s21, s31, $0xb8;
	[tilespmem:$0x1FC80] =	vst v63  }
0x7f: {  	_ =	swait.ge [sflag:s11], $0x4000  }
0x80: {  	[sflag:s11] =	ssyncset.done $0x0  }
0x81: {  	[sflag:s11] =	ssyncadd.s32 $0xFFFFC000  }
0x82: {  	_ =	swait.ge [sflag:s28], $0x200  }
0x83: {  	[sflag:s28] =	ssyncset.done $0x0  }
0x84: {  	[sflag:s28] =	ssyncadd.s32 $0xFFFFFE00  }
0x85: {  	[tilespmem:s25], [sflag:$0x1] =	stream.indirect.gather [hbm4b:s4+s31], $0x80, s29, s31, $0xb8;
	[tilespmem:$0x1FC80] =	vst v63  }
0x86: {  	_ =	swait.ge [sflag:s15], $0x4000  }
0x87: {  	p2 =	seq.s32 s6, $0xF000;
	[sflag:s15] =	ssyncset.done $0x0  }
0x88: {  	s13 =	sadd.s32 @!p2 $0xFFFFFFC0, s7;
	s20 =	simm.s32 @!p2 $0x0;
	[sflag:s15] =	ssyncadd.s32 $0xFFFFC000  }
0x89: {  	[tilespmem:s20], [sflag:$0x5] =	stream.linear.gather @!p2 [hbm4b:s13+s20], $0x200, $0x38;
	[tilespmem:$0x1FC80] =	vst v63  }
0x8a: {  	s20 =	sadd.s32 $0x580, s8  }
0x8b: {  	[spmem:s2] =	stream.indirect.scatter.add.f32 [tilespmem:s0], [sflag:$0x4], $0x80, s20, s31, $0xb8;
	[tilespmem:$0x1FC80] =	vst v63  }
0x8c: {  	_ =	swait.ge [sflag:s16], $0x4000  }
0x8d: {  	[sflag:s16] =	ssyncset.done $0x0  }
0x8e: {  	[sflag:s16] =	ssyncadd.s32 $0xFFFFC000  }
0x8f: {  	[tilespmem:s0], [sflag:$0x2] =	stream.indirect.gather [hbm4b:s4+s31], $0x80, s18, s31, $0xb8;
	[tilespmem:$0x1FC80] =	vst v63  }
0x90: {  	_ =	swait.ge [sflag:s10], $0x4000  }
0x91: {  	[sflag:s10] =	ssyncset.done $0x0  }
0x92: {  	s21 =	sadd.s32 $0x600, s8;
	[sflag:s10] =	ssyncadd.s32 $0xFFFFC000  }
0x93: {  	[spmem:s2] =	stream.indirect.scatter.add.f32 [tilespmem:s25], [sflag:$0x3], $0x80, s21, s31, $0xb8;
	[tilespmem:$0x1FC80] =	vst v63  }
0x94: {  	_ =	swait.ge [sflag:s11], $0x4000  }
0x95: {  	[sflag:s11] =	ssyncset.done $0x0  }
0x96: {  	[sflag:s11] =	ssyncadd.s32 $0xFFFFC000  }
0x97: {  	[tilespmem:s25], [sflag:$0x1] =	stream.indirect.gather [hbm4b:s4+s31], $0x80, s19, s31, $0xb8;
	[tilespmem:$0x1FC80] =	vst v63  }
0x98: {  	_ =	swait.ge [sflag:s15], $0x4000  }
0x99: {  	[sflag:s15] =	ssyncset.done $0x0  }
0x9a: {  	s20 =	sadd.s32 $0x680, s8;
	[sflag:s15] =	ssyncadd.s32 $0xFFFFC000  }
0x9b: {  	[spmem:s2] =	stream.indirect.scatter.add.f32 [tilespmem:s0], [sflag:$0x4], $0x80, s20, s31, $0xb8;
	[tilespmem:$0x1FC80] =	vst v63  }
0x9c: {  	_ =	swait.ge [sflag:s16], $0x4000  }
0x9d: {  	[sflag:s16] =	ssyncset.done $0x0  }
0x9e: {  	[sflag:s16] =	ssyncadd.s32 $0xFFFFC000  }
0x9f: {  	[tilespmem:s0], [sflag:$0x2] =	stream.indirect.gather [hbm4b:s4+s31], $0x80, s23, s31, $0xb8;
	[tilespmem:$0x1FC80] =	vst v63  }
0xa0: {  	_ =	swait.ge [sflag:s10], $0x4000  }
0xa1: {  	[sflag:s10] =	ssyncset.done $0x0  }
0xa2: {  	s21 =	sadd.s32 $0x700, s8;
	[sflag:s10] =	ssyncadd.s32 $0xFFFFC000  }
0xa3: {  	[spmem:s2] =	stream.indirect.scatter.add.f32 [tilespmem:s25], [sflag:$0x3], $0x80, s21, s31, $0xb8;
	[tilespmem:$0x1FC80] =	vst v63  }
0xa4: {  	_ =	swait.ge [sflag:s11], $0x4000  }
0xa5: {  	p3 =	sne.s32 s6, $0xF000;
	[sflag:s11] =	ssyncset.done $0x0  }
0xa6: {  	s13 =	simm.s32 @p3 $0x5;
	[sflag:s11] =	ssyncadd.s32 $0xFFFFC000  }
0xa7: {  	_ =	swait.ge @p3 [sflag:s13], $0x200  }
0xa8: {  	s20 =	simm.s32 @p3 $0x0;
	[sflag:s13] =	ssyncset.done @p3 $0x0  }
0xa9: {  	s21 =	simm.s32 @p3 $0x4400;
	[sflag:s13] =	ssyncadd.s32 @p3 $0xFFFFFE00;
	s13 =	simm.s32 @p3 $0x80  }
0xaa: {  	[tilespmem:s21], [sflag:$0x1] =	stream.indirect.gather @p3 [hbm4b:s4+s13], $0x80, s20, s13, $0xb8;
	[tilespmem:$0x1FC80] =	vst v63  }
0xab: {  	s13 =	simm.s32 @p3 $0x2  }
0xac: {  	_ =	swait.ge @p3 [sflag:s13], $0x4000  }
0xad: {  	[sflag:s13] =	ssyncset.done @p3 $0x0  }
0xae: {  	[sflag:s13] =	ssyncadd.s32 @p3 $0xFFFFC000;
	s13 =	simm.s32 @p3 $0x200  }
0xaf: {  	[tilespmem:s13], [sflag:$0x6] =	stream.linear.gather @p3 [hbm4b:s7+s20], $0x200, $0x38;
	[tilespmem:$0x1FC80] =	vst v63  }
0xb0: {  	s13 =	simm.s32 @!p3 $0x2  }
0xb1: {  	_ =	swait.ge @!p3 [sflag:s13], $0x4000  }
0xb2: {  	[sflag:s13] =	ssyncset.done @!p3 $0x0  }
.Ltmp4:
0xb3: {  	s8 =	sadd.s32 $0x780, s8;
	[sflag:s13] =	ssyncadd.s32 @!p3 $0xFFFFC000;
	(pc) =	sbr.rel @p2 .LBB2_7-.Ltmp4, $4  }
0xb4: {  	[spmem:s2] =	stream.indirect.scatter.add.f32 [tilespmem:s0], [sflag:$0x4], $0x80, s8, s31, $0xb8;
	[tilespmem:$0x1FC80] =	vst v63  }
0xb5: {  	_ =	swait.ge [sflag:s16], $0x4000  }
0xb6: {  	[sflag:s16] =	ssyncset.done $0x0  }
0xb7: {  	[sflag:s16] =	ssyncadd.s32 $0xFFFFC000  }
.Ltmp5:
0xb8: {  	(pc) =	sbr.rel .LBB2_5-.Ltmp5, $3  }
0xb9: {  	_ =	sdelay $0x1  }
0xba: {  	[tilespmem:s0], [sflag:$0x2] =	stream.indirect.gather [hbm4b:s4+s31], $0x80, s31, s31, $0xb8;
	[tilespmem:$0x1FC80] =	vst v63  }
0xbb: {  	s6 =	sadd.s32 $0x1000, s6;
	s7 =	sadd.s32 $0x80, s7  }
.LBB2_8:
0xbc: {  	s7 =	rddreg [dreg:$0x7];
	s8 =	simm.s32 $0x400  }
0xbd: {  	[tilespmem:s8], [sflag:$0x7] =	stream.linear.gather [hbm4b:s7+s6], $0x1000, $0x38;
	[tilespmem:$0x1FC80] =	vst v63  }
0xbe: {  	s20 =	rddreg [dreg:$0x8]  }
0xbf: {  	[tilespmem:s6], [sflag:$0x5] =	stream.linear.gather [hbm4b:s20+s6], $0x200, $0x38;
	[tilespmem:$0x1FC80] =	vst v63  }
0xc0: {  	s21 =	rddreg [dreg:$0x9]  }
0xc1: {  	[tilespmem:s29], [sflag:$0x6] =	stream.linear.gather [hbm4b:s21+s6], $0x200, $0x38;
	[tilespmem:$0x1FC80] =	vst v63  }
0xc2: {  	_ =	swait.ge [sflag:s30], $0x200  }
0xc3: {  	[sflag:s30] =	ssyncset.done $0x0  }
0xc4: {  	[sflag:s30] =	ssyncadd.s32 $0xFFFFFE00  }
0xc5: {  	[tilespmem:s25], [sflag:$0x1] =	stream.indirect.gather [hbm4b:s4+s31], $0x80, s6, s31, $0xb8;
	[tilespmem:$0x1FC80] =	vst v63  }
0xc6: {  	_ = 	snop  }
0xc7: {  	[tilespmem:s0], [sflag:$0x2] =	stream.indirect.gather [hbm4b:s4+s31], $0x80, s31, s31, $0xb8;
	[tilespmem:$0x1FC80] =	vst v63  }
0xc8: {  	_ =	swait.ge [sflag:s9], $0x1000  }
0xc9: {  	[sflag:s9] =	ssyncset.done $0x0  }
0xca: {  	s7 =	rddreg [dreg:$0x14];
	[sflag:s9] =	ssyncadd.s32 $0xFFFFF000  }
.LBB2_9:
0xcb: {  	_ =	swait.ge [sflag:s10], $0x4000  }
0xcc: {  	s8 =	sshra.s32 s6, $0x2;
	[sflag:s10] =	ssyncset.done $0x0  }
0xcd: {  	s13 =	sadd.s32 $0x400, s8;
	[sflag:s10] =	ssyncadd.s32 $0xFFFFC000  }
0xce: {  	[spmem:s2] =	stream.indirect.scatter.add.f32 [tilespmem:s25], [sflag:$0x3], $0x80, s13, s31, $0xb8;
	[tilespmem:$0x1FC80] =	vst v63  }
0xcf: {  	_ =	swait.ge [sflag:s11], $0x4000  }
0xd0: {  	[sflag:s11] =	ssyncset.done $0x0  }
0xd1: {  	[sflag:s11] =	ssyncadd.s32 $0xFFFFC000  }
0xd2: {  	[tilespmem:s25], [sflag:$0x1] =	stream.indirect.gather [hbm4b:s4+s31], $0x80, s12, s31, $0xb8;
	[tilespmem:$0x1FC80] =	vst v63  }
0xd3: {  	_ =	swait.ge [sflag:s15], $0x4000  }
0xd4: {  	[sflag:s15] =	ssyncset.done $0x0  }
0xd5: {  	s20 =	sadd.s32 $0x480, s8;
	[sflag:s15] =	ssyncadd.s32 $0xFFFFC000  }
0xd6: {  	[spmem:s2] =	stream.indirect.scatter.add.f32 [tilespmem:s0], [sflag:$0x4], $0x80, s20, s31, $0xb8;
	[tilespmem:$0x1FC80] =	vst v63  }
0xd7: {  	_ =	swait.ge [sflag:s16], $0x4000  }
0xd8: {  	[sflag:s16] =	ssyncset.done $0x0  }
0xd9: {  	[sflag:s16] =	ssyncadd.s32 $0xFFFFC000  }
0xda: {  	[tilespmem:s0], [sflag:$0x2] =	stream.indirect.gather [hbm4b:s4+s31], $0x80, s17, s31, $0xb8;
	[tilespmem:$0x1FC80] =	vst v63  }
0xdb: {  	_ =	swait.ge [sflag:s10], $0x4000  }
0xdc: {  	[sflag:s10] =	ssyncset.done $0x0  }
0xdd: {  	s21 =	sadd.s32 $0x500, s8;
	[sflag:s10] =	ssyncadd.s32 $0xFFFFC000  }
0xde: {  	[spmem:s2] =	stream.indirect.scatter.add.f32 [tilespmem:s25], [sflag:$0x3], $0x80, s21, s31, $0xb8;
	[tilespmem:$0x1FC80] =	vst v63  }
0xdf: {  	_ =	swait.ge [sflag:s11], $0x4000  }
0xe0: {  	[sflag:s11] =	ssyncset.done $0x0  }
0xe1: {  	[sflag:s11] =	ssyncadd.s32 $0xFFFFC000  }
0xe2: {  	_ =	swait.ge [sflag:s28], $0x200  }
0xe3: {  	[sflag:s28] =	ssyncset.done $0x0  }
0xe4: {  	[sflag:s28] =	ssyncadd.s32 $0xFFFFFE00  }
0xe5: {  	[tilespmem:s25], [sflag:$0x1] =	stream.indirect.gather [hbm4b:s4+s31], $0x80, s29, s31, $0xb8;
	[tilespmem:$0x1FC80] =	vst v63  }
0xe6: {  	_ =	swait.ge [sflag:s15], $0x4000  }
0xe7: {  	p2 =	seq.s32 s6, $0x3000;
	[sflag:s15] =	ssyncset.done $0x0  }
0xe8: {  	s13 =	sadd.s32 @!p2 $0xFFFFFFC0, s7;
	s20 =	simm.s32 @!p2 $0x0;
	[sflag:s15] =	ssyncadd.s32 $0xFFFFC000  }
0xe9: {  	[tilespmem:s20], [sflag:$0x5] =	stream.linear.gather @!p2 [hbm4b:s13+s20], $0x200, $0x38;
	[tilespmem:$0x1FC80] =	vst v63  }
0xea: {  	s20 =	sadd.s32 $0x580, s8  }
0xeb: {  	[spmem:s2] =	stream.indirect.scatter.add.f32 [tilespmem:s0], [sflag:$0x4], $0x80, s20, s31, $0xb8;
	[tilespmem:$0x1FC80] =	vst v63  }
0xec: {  	_ =	swait.ge [sflag:s16], $0x4000  }
0xed: {  	[sflag:s16] =	ssyncset.done $0x0  }
0xee: {  	[sflag:s16] =	ssyncadd.s32 $0xFFFFC000  }
0xef: {  	[tilespmem:s0], [sflag:$0x2] =	stream.indirect.gather [hbm4b:s4+s31], $0x80, s18, s31, $0xb8;
	[tilespmem:$0x1FC80] =	vst v63  }
0xf0: {  	_ =	swait.ge [sflag:s10], $0x4000  }
0xf1: {  	[sflag:s10] =	ssyncset.done $0x0  }
0xf2: {  	s21 =	sadd.s32 $0x600, s8;
	[sflag:s10] =	ssyncadd.s32 $0xFFFFC000  }
0xf3: {  	[spmem:s2] =	stream.indirect.scatter.add.f32 [tilespmem:s25], [sflag:$0x3], $0x80, s21, s31, $0xb8;
	[tilespmem:$0x1FC80] =	vst v63  }
0xf4: {  	_ =	swait.ge [sflag:s11], $0x4000  }
0xf5: {  	[sflag:s11] =	ssyncset.done $0x0  }
0xf6: {  	[sflag:s11] =	ssyncadd.s32 $0xFFFFC000  }
0xf7: {  	[tilespmem:s25], [sflag:$0x1] =	stream.indirect.gather [hbm4b:s4+s31], $0x80, s19, s31, $0xb8;
	[tilespmem:$0x1FC80] =	vst v63  }
0xf8: {  	_ =	swait.ge [sflag:s15], $0x4000  }
0xf9: {  	[sflag:s15] =	ssyncset.done $0x0  }
0xfa: {  	s20 =	sadd.s32 $0x680, s8;
	[sflag:s15] =	ssyncadd.s32 $0xFFFFC000  }
0xfb: {  	[spmem:s2] =	stream.indirect.scatter.add.f32 [tilespmem:s0], [sflag:$0x4], $0x80, s20, s31, $0xb8;
	[tilespmem:$0x1FC80] =	vst v63  }
0xfc: {  	_ =	swait.ge [sflag:s16], $0x4000  }
0xfd: {  	[sflag:s16] =	ssyncset.done $0x0  }
0xfe: {  	[sflag:s16] =	ssyncadd.s32 $0xFFFFC000  }
0xff: {  	[tilespmem:s0], [sflag:$0x2] =	stream.indirect.gather [hbm4b:s4+s31], $0x80, s23, s31, $0xb8;
	[tilespmem:$0x1FC80] =	vst v63  }
0x100: {  	_ =	swait.ge [sflag:s10], $0x4000  }
0x101: {  	[sflag:s10] =	ssyncset.done $0x0  }
0x102: {  	s21 =	sadd.s32 $0x700, s8;
	[sflag:s10] =	ssyncadd.s32 $0xFFFFC000  }
0x103: {  	[spmem:s2] =	stream.indirect.scatter.add.f32 [tilespmem:s25], [sflag:$0x3], $0x80, s21, s31, $0xb8;
	[tilespmem:$0x1FC80] =	vst v63  }
0x104: {  	_ =	swait.ge [sflag:s11], $0x4000  }
0x105: {  	p3 =	sne.s32 s6, $0x3000;
	[sflag:s11] =	ssyncset.done $0x0  }
0x106: {  	s13 =	simm.s32 @p3 $0x5;
	[sflag:s11] =	ssyncadd.s32 $0xFFFFC000  }
0x107: {  	_ =	swait.ge @p3 [sflag:s13], $0x200  }
0x108: {  	s20 =	simm.s32 @p3 $0x0;
	[sflag:s13] =	ssyncset.done @p3 $0x0  }
0x109: {  	s21 =	simm.s32 @p3 $0x4400;
	[sflag:s13] =	ssyncadd.s32 @p3 $0xFFFFFE00;
	s13 =	simm.s32 @p3 $0x80  }
0x10a: {  	[tilespmem:s21], [sflag:$0x1] =	stream.indirect.gather @p3 [hbm4b:s4+s13], $0x80, s20, s13, $0xb8;
	[tilespmem:$0x1FC80] =	vst v63  }
0x10b: {  	s13 =	simm.s32 @p3 $0x2  }
0x10c: {  	_ =	swait.ge @p3 [sflag:s13], $0x4000  }
0x10d: {  	[sflag:s13] =	ssyncset.done @p3 $0x0  }
0x10e: {  	[sflag:s13] =	ssyncadd.s32 @p3 $0xFFFFC000;
	s13 =	simm.s32 @p3 $0x200  }
0x10f: {  	[tilespmem:s13], [sflag:$0x6] =	stream.linear.gather @p3 [hbm4b:s7+s20], $0x200, $0x38;
	[tilespmem:$0x1FC80] =	vst v63  }
0x110: {  	s13 =	simm.s32 @!p3 $0x2  }
0x111: {  	_ =	swait.ge @!p3 [sflag:s13], $0x4000  }
0x112: {  	[sflag:s13] =	ssyncset.done @!p3 $0x0  }
.Ltmp6:
0x113: {  	s8 =	sadd.s32 $0x780, s8;
	[sflag:s13] =	ssyncadd.s32 @!p3 $0xFFFFC000;
	(pc) =	sbr.rel @p2 .LBB2_11-.Ltmp6, $4  }
0x114: {  	[spmem:s2] =	stream.indirect.scatter.add.f32 [tilespmem:s0], [sflag:$0x4], $0x80, s8, s31, $0xb8;
	[tilespmem:$0x1FC80] =	vst v63  }
0x115: {  	_ =	swait.ge [sflag:s16], $0x4000  }
0x116: {  	[sflag:s16] =	ssyncset.done $0x0  }
0x117: {  	[sflag:s16] =	ssyncadd.s32 $0xFFFFC000  }
.Ltmp7:
0x118: {  	(pc) =	sbr.rel .LBB2_9-.Ltmp7, $3  }
0x119: {  	_ =	sdelay $0x1  }
0x11a: {  	[tilespmem:s0], [sflag:$0x2] =	stream.indirect.gather [hbm4b:s4+s31], $0x80, s31, s31, $0xb8;
	[tilespmem:$0x1FC80] =	vst v63  }
0x11b: {  	s6 =	sadd.s32 $0x1000, s6;
	s7 =	sadd.s32 $0x80, s7  }
.LBB2_7:
0x11c: {  	[bflag:$0x0] =	sbarrier.arrive $0xFFFF  }
0x11d: {  	s6 =	simm.s32 @p0 $0x1FC8;
	s7 =	rddreg [dreg:$0x11]  }
0x11e: {  	[hbm:s7], [sflag:s6] =	dma.local @p0 [spmem:s14], $0x1900  }
0x11f: {  	s6 =	simm.s32 @p0 $0x8  }
0x120: {  	_ =	swait.ge @p0 [sflag:s6], $0x1900  }
0x121: {  	[sflag:s6] =	ssyncset.done @p0 $0x0  }
0x122: {  	[sflag:s6] =	ssyncadd.s32 @p0 $0xFFFFE700;
	s6 =	rddreg [dreg:$0x10]  }
0x123: {  	[hbm:s6], [sflag:s1] =	dma.local @!p0 [spmem:s24], $0x2800  }
.Ltmp8:
0x124: {  	_ = 	snop;
	(pc) =	sbr.rel .LBB2_12-.Ltmp8, $4  }
0x125: {  	s1 =	simm.s32 @!p0 $0x8  }
0x126: {  	_ =	swait.ge @!p0 [sflag:s1], $0x2800  }
0x127: {  	[sflag:s1] =	ssyncset.done @!p0 $0x0  }
0x128: {  	[sflag:s1] =	ssyncadd.s32 @!p0 $0xFFFFD800  }
.LBB2_13:
0x129: {  	_ =	sfence.sel $0x180000  }
0x12a: {  	[bflag:$0x0] =	sbarrier.arrive $0xFFFF  }
0x12b: {  	_ =	strace $0x90000047  }
0x12c: {  	s0 =	stileid.u32;
	[bflag:$0x2] =	sbarrier.arrive $0xFFFF  }
0x12d: {  	p0 =	sne.s32 s0, $0x0;
	s0 =	rddreg [dreg:$0x3]  }
0x12e: {  	s0 =	sadd.s32 @!p0 $0x100000, s0  }
0x12f: {  	[sflag:s0] =	ssyncadd.tile.s32 @!p0 $0x1;
	_ =	shalt  }
.Lfunc_end2:
_tile_overlayer_lowered:
.L_overlay_start_2:
0x130: {  	(tag) =	ssettag $0x2  }
0x131: {  	s0 =	rddreg [dreg:$0x0];
	s2 =	stileid.u32  }
0x132: {  	s1 =	rddreg [dreg:$0x1];
	p0 =	sne.s32 s2, $0x0  }
0x133: {  	s3 =	rddreg [dreg:$0x2];
	[bflag:$0x3] =	sbarrier.arrive $0xFFFF;
	s2 =	simm.s32 @!p0 $0x1C08  }
0x134: {  	[timem:s3], [sflag:s2] =	dma.local @!p0 [hbm:s0], s1  }
0x135: {  	s0 =	simm.s32 @!p0 $0x8  }
0x136: {  	_ =	swait.ge @!p0 [sflag:s0], s1  }
0x137: {  	s1 =	ssub.s32 @!p0 $0x0, s1;
	[sflag:s0] =	ssyncset.done @!p0 $0x0  }
0x138: {  	[sflag:s0] =	ssyncadd.s32 @!p0 s1  }
0x139: {  	[bflag:$0x3] =	sbarrier.arrive $0xFFFF  }
0x13a: {  	_ =	shalt  }

// kernel: kernel.9.cloned.1.call-start
scs
__scs_entry_jumppad:
0x0: {  	(pc) =	sbr.rel $0x88, $3  }
0x1: {  	(tag) =	ssettag $0x0;
	lr =	simm.s32 $0x1  }
0x2: {  	[smem:$0x3F9B] =	sst lr;
	_ =	strace $0xD0000000  }
0x3: {  	_ = 	snop  }
0x4: {  	_ = 	snop  }
0x5: {  	_ = 	snop  }
0x6: {  	_ = 	snop  }
0x7: {  	_ = 	snop  }
__scs_overlays_trampoline_lowered:
0x8: {  	[smem:$0x3FAA] =	sst s0  }
0x9: {  	[smem:$0x3FAB] =	sst s1  }
0xa: {  	[smem:$0x3FAC] =	sst s2  }
0xb: {  	[smem:$0x3FAD] =	sst s3  }
0xc: {  	[smem:$0x3FAE] =	sst s4  }
0xd: {  	[smem:$0x3FAF] =	sst s5  }
0xe: {  	[smem:$0x3FB0] =	sst s6  }
0xf: {  	[smem:$0x3FB1] =	sst s7  }
0x10: {  	[smem:$0x3FB2] =	sst s8  }
0x11: {  	[smem:$0x3FB3] =	sst s9;
	s0 =	simm.s32 @!p0 $0x0  }
0x12: {  	s1 =	sld [smem:$0x3F99];
	s0 =	simm.s32 @p0 $0x1  }
0x13: {  	[smem:$0x3FB4] =	sst s0;
	s0 =	simm.s32 @!p1 $0x0  }
0x14: {  	s2 =	sld [smem:$0x3F98];
	s0 =	simm.s32 @p1 $0x1  }
0x15: {  	[smem:$0x3FB5] =	sst s0;
	s0 =	simm.s32 @!p2 $0x0  }
0x16: {  	s3 =	sld [smem:$0x3FDB];
	s0 =	simm.s32 @p2 $0x1  }
0x17: {  	s4 =	simm.s32 $0x1BF5;
	[smem:$0x3FB7] =	sst s0  }
0x18: {  	s0 =	sld [smem:$0x3F9A];
	_ =	swait.ge [sflag:s4], $0x0  }
0x19: {  	s7 =	sld [smem:$0x3F9B]  }
0x1a: {  	s8 =	sadd.s32 $0xFFFFE003, lr  }
0x1b: {  	s9 =	sadd.s32 $0xFFFFFEF7, lr;
	s5 =	simm.s32 $0xFFFFFFFF;
	p2 =	slt.u32 s8, $0xFFFFF086  }
0x1c: {  	p1 =	slt.u32 s9, $0xF7A;
	s5 =	simm.s32 @!p2 $0x0  }
0x1d: {  	s5 =	simm.s32 @p1 $0x1;
	p0 =	seq.s32 s7, s2  }
0x1e: {  	s7 =	smul.u32 @!p0 $0xF7A, s2;
	p2 =	seq.s32 @!p0 s5, $0x0  }
0x1f: {  	s9 =	smul.u32 $0xF7A, s1;
	s8 =	simm.s32 @!p0 $0x1BF5;
	p2 =	por !p2, p0  }
0x20: {  	[sflag:s8] =	ssyncset.s32 @!p0 $0xFFFFF086;
	s6 =	sadd.s32 @!p0 s3, s7;
	s7 =	simm.s32 @!p0 $0x108  }
0x21: {  	s3 =	sadd.s32 s3, s9;
	s6 =	sadd.s32 @!p0 $0x88, s6;
	s7 =	simm.s32 @p2 $0x1082  }
0x22: {  	[simem:s7], [sflag:s8] =	dma.local @!p0 [hbm:s6], $0xF7A  }
0x23: {  	s9 =	sor.u32 $0xD0000000, s2;
	s6 =	simm.s32 $0x108;
	_ =	swait.ge @!p0 [sflag:s8], $0x0  }
0x24: {  	s3 =	sadd.s32 $0x88, s3;
	s6 =	simm.s32 @!p1 $0x1082;
	[sflag:s4] =	ssyncset.s32 $0xFFFFF086  }
0x25: {  	[simem:s6], [sflag:s4] =	dma.local [hbm:s3], $0xF7A  }
0x26: {  	[smem:$0x3F9B] =	sst s1;
	(tag) =	ssettag s2;
	_ =	strace s9  }
0x27: {  	s1 =	sld [smem:$0x3FAB]  }
0x28: {  	s2 =	sld [smem:$0x3FAC]  }
0x29: {  	s4 =	sld [smem:$0x3FAE]  }
0x2a: {  	p0 =	seq.s32 s5, $0x0;
	s5 =	sld [smem:$0x3FAF]  }
0x2b: {  	s6 =	sld [smem:$0x3FB0]  }
0x2c: {  	s7 =	sld [smem:$0x3FB1]  }
0x2d: {  	s3 =	simm.s32 $0x108;
	s8 =	sld [smem:$0x3FB2]  }
0x2e: {  	s3 =	simm.s32 @!p0 $0x1082;
	s9 =	sld [smem:$0x3FB3]  }
0x2f: {  	lr =	sadd.s32 s0, s3;
	s0 =	sld [smem:$0x3FAA]  }
0x30: {  	s3 =	sld [smem:$0x3FAD]  }
0x31: {  	[smem:$0x3FB6] =	sst s10  }
0x32: {  	s10 =	sld [smem:$0x3FB4];
	_ =	sdelay $0x3  }
0x33: {  	p0 =	seq.s32 s10, $0x1;
	s10 =	sld [smem:$0x3FB6];
	_ =	sdelay $0x3  }
0x34: {  	[smem:$0x3FB6] =	sst s10  }
0x35: {  	s10 =	sld [smem:$0x3FB5];
	_ =	sdelay $0x3  }
0x36: {  	p1 =	seq.s32 s10, $0x1;
	s10 =	sld [smem:$0x3FB6];
	_ =	sdelay $0x3  }
0x37: {  	[smem:$0x3FB6] =	sst s10  }
0x38: {  	s10 =	sld [smem:$0x3FB7]  }
0x39: {  	_ = 	snop;
	(pc) =	sbr.ind lr, $3  }
0x3a: {  	_ = 	snop  }
0x3b: {  	_ = 	snop  }
0x3c: {  	p2 =	seq.s32 s10, $0x1;
	s10 =	sld [smem:$0x3FB6]  }
0x3d: {  	_ =	shalt  }
0x3e: {  	_ =	shalt  }
0x3f: {  	_ =	shalt  }
0x40: {  	_ =	shalt  }
0x41: {  	_ =	shalt  }
0x42: {  	_ =	shalt  }
0x43: {  	_ =	shalt  }
0x44: {  	_ =	shalt  }
0x45: {  	_ =	shalt  }
0x46: {  	_ =	shalt  }
0x47: {  	_ =	shalt  }
0x48: {  	_ =	shalt  }
0x49: {  	_ =	shalt  }
0x4a: {  	_ =	shalt  }
0x4b: {  	_ =	shalt  }
0x4c: {  	_ =	shalt  }
0x4d: {  	_ =	shalt  }
0x4e: {  	_ =	shalt  }
0x4f: {  	_ =	shalt  }
0x50: {  	_ =	shalt  }
0x51: {  	_ =	shalt  }
0x52: {  	_ =	shalt  }
0x53: {  	_ =	shalt  }
0x54: {  	_ =	shalt  }
0x55: {  	_ =	shalt  }
0x56: {  	_ =	shalt  }
0x57: {  	_ =	shalt  }
0x58: {  	_ =	shalt  }
0x59: {  	_ =	shalt  }
0x5a: {  	_ =	shalt  }
0x5b: {  	_ =	shalt  }
0x5c: {  	_ =	shalt  }
0x5d: {  	_ =	shalt  }
0x5e: {  	_ =	shalt  }
0x5f: {  	_ =	shalt  }
0x60: {  	_ =	shalt  }
0x61: {  	_ =	shalt  }
0x62: {  	_ =	shalt  }
0x63: {  	_ =	shalt  }
0x64: {  	_ =	shalt  }
0x65: {  	_ =	shalt  }
0x66: {  	_ =	shalt  }
0x67: {  	_ =	shalt  }
0x68: {  	_ =	shalt  }
0x69: {  	_ =	shalt  }
0x6a: {  	_ =	shalt  }
0x6b: {  	_ =	shalt  }
0x6c: {  	_ =	shalt  }
0x6d: {  	_ =	shalt  }
0x6e: {  	_ =	shalt  }
0x6f: {  	_ =	shalt  }
0x70: {  	_ =	shalt  }
0x71: {  	_ =	shalt  }
0x72: {  	_ =	shalt  }
0x73: {  	_ =	shalt  }
0x74: {  	_ =	shalt  }
0x75: {  	_ =	shalt  }
0x76: {  	_ =	shalt  }
0x77: {  	_ =	shalt  }
0x78: {  	_ =	shalt  }
0x79: {  	_ =	shalt  }
0x7a: {  	_ =	shalt  }
0x7b: {  	_ =	shalt  }
0x7c: {  	_ =	shalt  }
0x7d: {  	_ =	shalt  }
0x7e: {  	_ =	shalt  }
0x7f: {  	_ =	shalt  }
0x80: {  	_ =	shalt  }
0x81: {  	_ =	shalt  }
0x82: {  	_ =	shalt  }
0x83: {  	_ =	shalt  }
0x84: {  	_ =	shalt  }
0x85: {  	_ =	shalt  }
0x86: {  	_ =	shalt  }
0x87: {  	_ =	shalt  }
.Lfunc_end0:
.L_simem_size_0:
called_computation.1_lowered:
.L_overlay_start_0:
0x88: {  	s2 =	sld [smem:$0x3FD9]  }
0x89: {  	s3 =	sld [smem:$0x3FFE];
	_ =	sdelay $0x1  }
0x8a: {  	s1 =	srdreg.scid  }
0x8b: {  	s0 =	sand.u32 $0x1, s1  }
0x8c: {  	s17 =	sshll.u32 s0, $0xA;
	s2 =	sadd.s32 s3, s2  }
0x8d: {  	s2 =	sadd.s32 s2, s17  }
0x8e: {  	[smem:$0x3FC2] =	sst s2  }
0x8f: {  	_ = 	snop  }
0x90: {  	s2 =	sld [smem:$0x3FD0];
	(tm) =	ssettm $0x1  }
0x91: {  	s18 =	sld [smem:$0x3FFB];
	_ =	sdelay $0x3  }
0x92: {  	_ =	strace s18  }
0x93: {  	s3 =	sld [smem:$0x3FFC];
	_ =	sdelay $0x3  }
0x94: {  	_ =	strace s3  }
0x95: {  	s3 =	sld [smem:$0x3FFD];
	_ =	sdelay $0x3  }
0x96: {  	_ =	strace s3  }
0x97: {  	_ =	strace $0x8FFFFFFF  }
0x98: {  	s19 =	sld [smem:$0x3FDB];
	_ =	sdelay $0x1  }
0x99: {  	s4 =	simm.s32 $_scs_section_size  }
0x9a: {  	s5 =	simm.s32 $_size__tile_overlayer_lowered;
	s6 =	simm.s32 $_tile_overlayer_lowered  }
0x9b: {  	s22 =	simm.s32 $0x1BFF;
	s21 =	sshll.u32 s6, $0x1;
	s3 =	sadd.s32 s4, s19  }
0x9c: {  	s7 =	simm.s32 $0x0;
	s20 =	sshll.u32 s5, $0x1;
	s5 =	sadd.s32 s21, s3  }
0x9d: {  	[timem:s7], [sflag:s22] =	dma.local [hbm:s5], s20  }
0x9e: {  	_ =	swait.ge [sflag:s22], s20  }
0x9f: {  	s4 =	ssub.s32 $0x0, s20;
	[sflag:s22] =	ssyncset.done $0x0  }
0xa0: {  	[sflag:s22] =	ssyncadd.s32 s4;
	_ =	sdelay $0x1  }
0xa1: {  	s23 =	simm.s32 $0x1B8B  }
0xa2: {  	_ =	swait.ge [sflag:s23], $0x1  }
0xa3: {  	[sflag:s23] =	ssyncset.done $0x0  }
0xa4: {  	s25 =	simm.s32 $0x1B8E;
	s24 =	sld [smem:$0x3FFE];
	[sflag:s23] =	ssyncadd.s32 $0xFFFFFFFF  }
0xa5: {  	s26 =	simm.s32 $execute0_lowered;
	[smem:$0x3FD2] =	sst s25  }
0xa6: {  	s5 =	sshll.u32 s26, $0x1;
	_ =	strace $0x80000049;
	[dreg:$0x1] =	wrdreg $0xFFFFFFFF  }
0xa7: {  	s28 =	simm.s32 $_size_execute0_lowered;
	s3 =	sadd.s32 s3, s5;
	[dreg:$0x0] =	wrdreg $0x0  }
0xa8: {  	s5 =	sshll.u32 s28, $0x1;
	[dreg:$0x2] =	wrdreg s3  }
0xa9: {  	[dreg:$0x3] =	wrdreg s5  }
0xaa: {  	[dreg:$0x4] =	wrdreg $0xC0  }
0xab: {  	_ =	task [dreg:s7], $0x5FFFF  }
0xac: {  	[dreg:$0x1] =	wrdreg $0xFFFFFFFF  }
0xad: {  	[dreg:$0x0] =	wrdreg $0x60  }
0xae: {  	[dreg:$0x2] =	wrdreg s24  }
0xaf: {  	[dreg:$0x3] =	wrdreg s2  }
0xb0: {  	[dreg:$0x4] =	wrdreg $0xC4000  }
0xb1: {  	[dreg:$0x5] =	wrdreg $0x9  }
0xb2: {  	_ =	task.clear_ibuf [dreg:s7], $0x6FFFF;
	_ =	strace $0x90000049  }
0xb3: {  	s29 =	simm.s32 $0x9;
	_ =	strace $0x8000004B  }
0xb4: {  	_ =	swait.ge [sflag:s29], $0x1  }
0xb5: {  	[sflag:s29] =	ssyncadd.s32 $0xFFFFFFFF  }
0xb6: {  	_ =	strace $0x9000004B  }
0xb7: {  	_ =	sfence  }
0xb8: {  	s30 =	sld [smem:$0x0];
	_ =	sdelay $0x2  }
0xb9: {  	s31 =	sshll.u32 s1, $0xD;
	s1 =	sshrl.u32 s1, $0x2  }
0xba: {  	s3 =	sand.u32 $0x4000, s31;
	s1 =	sadd.s32 s1, s30  }
0xbb: {  	s0 =	sor.u32 s3, s0;
	s1 =	sshll.u32 s1, $0x11  }
0xbc: {  	s0 =	sor.u32 s1, s0  }
0xbd: {  	s0 =	sadd.s32 $0x8F2B, s0  }
0xbe: {  	[sflag:s0] =	ssyncadd.remote.s32 $0x1  }
0xbf: {  	_ =	sfence.sel $0xFFFF  }
0xc0: {  	[dreg:$0x0] =	wrdreg $0xFFFFFFFF;
	(pc) =	sbr.abs _section_cstart, $3  }
0xc1: {  	[dreg:$0x1] =	wrdreg $0xFFFFFFFF  }
0xc2: {  	_ =	task.clear_ibuf [dreg:s7], $0x2FFFF;
	_ =	strace $0x9FFFFFFF  }
0xc3: {  	(tm) =	ssettm $0x7FFFFFFF  }
tec
execute0_lowered:
.L_overlay_start_1:
0x0: {  	(tag) =	ssettag $0x1  }
0x1: {  	s0 =	rddreg [dreg:$0x0]  }
0x2: {  	s1 =	rddreg [dreg:$0x1]  }
0x3: {  	s2 =	rddreg [dreg:$0x2]  }
0x4: {  	s3 =	simm.s32 $0x0;
	s15 =	stileid.u32;
	s5 =	srdreg.scid  }
0x5: {  	s29 =	simm.s32 $0x200;
	s30 =	simm.s32 $0x5;
	s31 =	simm.s32 $0x80  }
0x6: {  	s28 =	simm.s32 $0x6;
	[smem:$0x7FF] =	sst s3;
	s6 =	smul.u32 $0x2800, s15  }
0x7: {  	s4 =	sadd.s32 $0x16800, s0;
	s7 =	sand.u32 $0x1, s5;
	s22 =	smul.u32 $0x50000, s15  }
0x8: {  	s8 =	sadd.s32 $0xC800, s0;
	s9 =	sadd.s32 $0x2800, s0;
	s23 =	sshll.u32 s15, $0x9  }
0x9: {  	s14 =	sadd.s32 $0x138000, s2;
	s17 =	sshll.u32 s15, $0xB;
	s18 =	sadd.s32 $0x12C000, s2  }
0xa: {  	p0 =	seq.s32 s15, $0xF;
	s15 =	simm.s32 $0x2;
	_ =	strace $0x8000004A  }
0xb: {  	s10 =	ssub.s32 $0x2, s7;
	s25 =	sor.u32 $0x8000, s23;
	[dreg:$0x6] =	wrdreg s14  }
0xc: {  	[dreg:$0xb] =	wrdreg s18;
	s19 =	sadd.s32 s9, s17;
	p1 =	sne.s32 s7, $0x0  }
0xd: {  	s18 =	simm.s32 $0x280;
	s11 =	sadd.s32 s6, s0;
	s12 =	sshrl.u32 s10, $0x1  }
0xe: {  	s5 =	sshrl.u32 s22, $0x2;
	s26 =	sadd.s32 s9, s25;
	[dreg:$0xe] =	wrdreg s19  }
0xf: {  	s0 =	sadd.s32 $0x63200, s0;
	s21 =	sadd.s32 s1, s6;
	[dreg:$0x7] =	wrdreg s26  }
0x10: {  	s22 =	sadd.s32 $0x25800, s1;
	s9 =	simm.s32 $0x7;
	[dreg:$0xd] =	wrdreg s0  }
0x11: {  	s19 =	simm.s32 $0x300;
	s10 =	ssub.s32 s10, s12;
	[dreg:$0x10] =	wrdreg s21  }
0x12: {  	s5 =	sadd.s32 s5, s2;
	s11 =	sadd.s32 $0x3DA00, s11;
	[dreg:$0x11] =	wrdreg s22  }
0x13: {  	s12 =	sadd.s32 s23, s8;
	s13 =	sadd.s32 $0xC000, s5;
	[dreg:$0xa] =	wrdreg s11  }
0x14: {  	s0 =	simm.s32 $0x8400;
	s24 =	sadd.s32 $0x10000, s5;
	[dreg:$0x4] =	wrdreg s13  }
0x15: {  	s16 =	sadd.s32 $0x8040, s12;
	s23 =	smax.u32 s10, $0x1;
	[dreg:$0x5] =	wrdreg s24  }
0x16: {  	s22 =	sadd.s32 $0x8000, s5;
	s10 =	simm.s32 $0x1;
	[dreg:$0x9] =	wrdreg s16  }
0x17: {  	s11 =	simm.s32 $0x3;
	s13 =	sadd.s32 s8, s25;
	[dreg:$0x12] =	wrdreg s23  }
0x18: {  	s8 =	sadd.s32 s8, s17;
	s24 =	sadd.s32 $0x4000, s5;
	[dreg:$0x8] =	wrdreg s13  }
.Ltmp0:
0x19: {  	s25 =	sadd.s32 $0x80C0, s12;
	[dreg:$0x13] =	wrdreg s24;
	(pc) =	sbr.rel .LBB2_1-.Ltmp0, $4  }
0x1a: {  	s12 =	simm.s32 $0x100;
	s16 =	simm.s32 $0x4;
	[dreg:$0x14] =	wrdreg s25  }
0x1b: {  	s17 =	simm.s32 $0x180;
	s20 =	sadd.s32 $0x40, s8;
	[dreg:$0xc] =	wrdreg s8  }
0x1c: {  	s23 =	simm.s32 $0x380;
	s26 =	sadd.s32 $0xC0, s8;
	[dreg:$0xf] =	wrdreg s20  }
0x1d: {  	v0 =	vimm.f32 $0.0e+00;
	s25 =	simm.s32 $0x4400;
	[dreg:$0x15] =	wrdreg s26;
	s26 =	simm.s32 $0x8  }
.LBB2_11:
0x1e: {  	[bflag:$0x0] =	sbarrier.arrive $0xFFFF  }
0x1f: {  	s6 =	simm.s32 @p0 $0x1FC8;
	s7 =	rddreg [dreg:$0xd]  }
0x20: {  	[hbm:s7], [sflag:s6] =	dma.local @p0 [spmem:s14], $0x1900  }
0x21: {  	s6 =	simm.s32 @p0 $0x8  }
0x22: {  	_ =	swait.ge @p0 [sflag:s6], $0x1900  }
0x23: {  	[sflag:s6] =	ssyncset.done @p0 $0x0  }
0x24: {  	[sflag:s6] =	ssyncadd.s32 @p0 $0xFFFFE700;
	s6 =	rddreg [dreg:$0xa]  }
0x25: {  	[hbm:s6], [sflag:s1] =	dma.local @!p0 [spmem:s24], $0x2800  }
0x26: {  	s1 =	simm.s32 @!p0 $0x8  }
0x27: {  	_ =	swait.ge @!p0 [sflag:s1], $0x2800  }
0x28: {  	[sflag:s1] =	ssyncset.done @!p0 $0x0  }
0x29: {  	[sflag:s1] =	ssyncadd.s32 @!p0 $0xFFFFD800  }
.LBB2_12:
0x2a: {  	s3 =	sadd.s32 $0x1, s3;
	s1 =	rddreg [dreg:$0x12]  }
0x2b: {  	p2 =	sne.s32 s3, s1  }
.Ltmp1:
0x2c: {  	_ = 	snop;
	(pc) =	sbr.rel @!p2 .LBB2_13-.Ltmp1, $1  }
0x2d: {  	_ =	sdelay $0x3  }
.LBB2_1:
0x2e: {  	s1 =	simm.s32 $0x0;
	s6 =	simm.s32 $0x200  }
.LBB2_2:
0x2f: {  	p2 =	sne.s32 s6, $0xFE00;
	[tilespmem:s1+$0x4470] =	vst v0  }
0x30: {  	[tilespmem:s1+$0x4400] =	vst v0  }
0x31: {  	[tilespmem:s1+$0x4410] =	vst v0  }
.Ltmp2:
0x32: {  	[tilespmem:s1+$0x4420] =	vst v0;
	(pc) =	sbr.rel @p2 .LBB2_2-.Ltmp2, $4  }
0x33: {  	[tilespmem:s1+$0x4430] =	vst v0  }
0x34: {  	[tilespmem:s1+$0x4440] =	vst v0  }
0x35: {  	[tilespmem:s1+$0x4450] =	vst v0  }
0x36: {  	[tilespmem:s1+$0x4460] =	vst v0;
	s1 =	sshra.s32 s6, $0x2;
	s6 =	sadd.s32 $0x200, s6  }
0x37: {  	[tilespmem:s1+$0x4470] =	vst v0  }
0x38: {  	[tilespmem:s1+$0x4400] =	vst v0  }
0x39: {  	[tilespmem:s1+$0x4410] =	vst v0  }
0x3a: {  	[tilespmem:s1+$0x4420] =	vst v0  }
0x3b: {  	[tilespmem:s1+$0x4430] =	vst v0  }
0x3c: {  	[tilespmem:s1+$0x4440] =	vst v0  }
0x3d: {  	[tilespmem:s1+$0x4450] =	vst v0  }
0x3e: {  	[tilespmem:s1+$0x4460] =	vst v0  }
0x3f: {  	[spmem:s5] =	stream.linear.scatter [tilespmem:s25], [sflag:$0x8], $0x4000, $0x38;
	[tilespmem:$0x1FC80] =	vst v63  }
0x40: {  	_ =	swait.ge [sflag:s26], $0x4000  }
0x41: {  	[sflag:s26] =	ssyncset.done $0x0  }
0x42: {  	s24 =	rddreg [dreg:$0x13];
	[sflag:s26] =	ssyncadd.s32 $0xFFFFC000  }
0x43: {  	[spmem:s24] =	stream.linear.scatter [tilespmem:s25], [sflag:$0x8], $0x4000, $0x38;
	[tilespmem:$0x1FC80] =	vst v63  }
0x44: {  	_ =	swait.ge [sflag:s26], $0x4000  }
0x45: {  	[sflag:s26] =	ssyncset.done $0x0  }
0x46: {  	[sflag:s26] =	ssyncadd.s32 $0xFFFFC000  }
0x47: {  	[spmem:s22] =	stream.linear.scatter [tilespmem:s25], [sflag:$0x8], $0x4000, $0x38;
	[tilespmem:$0x1FC80] =	vst v63  }
0x48: {  	_ =	swait.ge [sflag:s26], $0x4000  }
0x49: {  	[sflag:s26] =	ssyncset.done $0x0  }
0x4a: {  	s1 =	simm.s32 @p0 $0x4400;
	s6 =	rddreg [dreg:$0x6];
	[sflag:s26] =	ssyncadd.s32 $0xFFFFC000  }
0x4b: {  	[spmem:s6] =	stream.linear.scatter @p0 [tilespmem:s1], [sflag:$0x8], $0x800, $0x38;
	[tilespmem:$0x1FC80] =	vst v63  }
0x4c: {  	s1 =	simm.s32 @p0 $0x8  }
0x4d: {  	_ =	swait.ge @p0 [sflag:s1], $0x800  }
0x4e: {  	[sflag:s1] =	ssyncset.done @p0 $0x0  }
0x4f: {  	s6 =	rddreg [dreg:$0x4];
	[sflag:s1] =	ssyncadd.s32 @p0 $0xFFFFF800;
	s1 =	simm.s32 @!p0 $0x4400  }
0x50: {  	[spmem:s6] =	stream.linear.scatter @!p0 [tilespmem:s1], [sflag:$0x8], $0x4000, $0x38;
	[tilespmem:$0x1FC80] =	vst v63  }
0x51: {  	s6 =	simm.s32 @!p0 $0x8  }
0x52: {  	_ =	swait.ge @!p0 [sflag:s6], $0x4000  }
0x53: {  	[sflag:s6] =	ssyncset.done @!p0 $0x0  }
0x54: {  	s7 =	rddreg [dreg:$0x5];
	[sflag:s6] =	ssyncadd.s32 @!p0 $0xFFFFC000  }
0x55: {  	[spmem:s7] =	stream.linear.scatter @!p0 [tilespmem:s1], [sflag:$0x8], $0x4000, $0x38;
	[tilespmem:$0x1FC80] =	vst v63  }
0x56: {  	_ =	swait.ge @!p0 [sflag:s6], $0x4000  }
.Ltmp3:
0x57: {  	[sflag:s6] =	ssyncset.done @!p0 $0x0;
	(pc) =	sbr.rel @p1 .LBB2_8-.Ltmp3, $4  }
0x58: {  	[sflag:s6] =	ssyncadd.s32 @!p0 $0xFFFFC000  }
0x59: {  	s1 =	stileid.u32;
	[bflag:$0x0] =	sbarrier.arrive $0xFFFF  }
0x5a: {  	s24 =	sshrl.u32 @!p0 s5, $0x3;
	s1 =	sshll.u32 @!p0 s1, $0x6;
	s6 =	rddreg [dreg:$0xb]  }
0x5b: {  	s1 =	sor.u32 @!p0 $0x1C08, s1;
	s14 =	sshrl.u32 @p0 s6, $0x3;
	s6 =	simm.s32 $0x0  }
0x5c: {  	s7 =	rddreg [dreg:$0xe];
	s8 =	simm.s32 $0x400  }
0x5d: {  	[tilespmem:s8], [sflag:$0x7] =	stream.linear.gather [hbm4b:s7+s6], $0x4000, $0x38;
	[tilespmem:$0x1FC80] =	vst v63  }
0x5e: {  	s20 =	rddreg [dreg:$0xc]  }
0x5f: {  	[tilespmem:s6], [sflag:$0x5] =	stream.linear.gather [hbm4b:s20+s6], $0x200, $0x38;
	[tilespmem:$0x1FC80] =	vst v63  }
0x60: {  	s21 =	rddreg [dreg:$0xf]  }
0x61: {  	[tilespmem:s29], [sflag:$0x6] =	stream.linear.gather [hbm4b:s21+s6], $0x200, $0x38;
	[tilespmem:$0x1FC80] =	vst v63  }
0x62: {  	_ =	swait.ge [sflag:s30], $0x200  }
0x63: {  	[sflag:s30] =	ssyncset.done $0x0  }
0x64: {  	[sflag:s30] =	ssyncadd.s32 $0xFFFFFE00  }
0x65: {  	[tilespmem:s25], [sflag:$0x1] =	stream.indirect.gather [hbm4b:s4+s31], $0x80, s6, s31, $0xb8;
	[tilespmem:$0x1FC80] =	vst v63  }
0x66: {  	_ = 	snop  }
0x67: {  	[tilespmem:s0], [sflag:$0x2] =	stream.indirect.gather [hbm4b:s4+s31], $0x80, s31, s31, $0xb8;
	[tilespmem:$0x1FC80] =	vst v63  }
0x68: {  	_ =	swait.ge [sflag:s9], $0x4000  }
0x69: {  	[sflag:s9] =	ssyncset.done $0x0  }
0x6a: {  	s7 =	rddreg [dreg:$0x15];
	[sflag:s9] =	ssyncadd.s32 $0xFFFFC000  }
.LBB2_5:
0x6b: {  	_ =	swait.ge [sflag:s10], $0x4000  }
0x6c: {  	s8 =	sshra.s32 s6, $0x2;
	[sflag:s10] =	ssyncset.done $0x0  }
0x6d: {  	s13 =	sadd.s32 $0x400, s8;
	[sflag:s10] =	ssyncadd.s32 $0xFFFFC000  }
0x6e: {  	[spmem:s2] =	stream.indirect.scatter.add.f32 [tilespmem:s25], [sflag:$0x3], $0x80, s13, s31, $0xb8;
	[tilespmem:$0x1FC80] =	vst v63  }
0x6f: {  	_ =	swait.ge [sflag:s11], $0x4000  }
0x70: {  	[sflag:s11] =	ssyncset.done $0x0  }
0x71: {  	[sflag:s11] =	ssyncadd.s32 $0xFFFFC000  }
0x72: {  	[tilespmem:s25], [sflag:$0x1] =	stream.indirect.gather [hbm4b:s4+s31], $0x80, s12, s31, $0xb8;
	[tilespmem:$0x1FC80] =	vst v63  }
0x73: {  	_ =	swait.ge [sflag:s15], $0x4000  }
0x74: {  	[sflag:s15] =	ssyncset.done $0x0  }
0x75: {  	s20 =	sadd.s32 $0x480, s8;
	[sflag:s15] =	ssyncadd.s32 $0xFFFFC000  }
0x76: {  	[spmem:s2] =	stream.indirect.scatter.add.f32 [tilespmem:s0], [sflag:$0x4], $0x80, s20, s31, $0xb8;
	[tilespmem:$0x1FC80] =	vst v63  }
0x77: {  	_ =	swait.ge [sflag:s16], $0x4000  }
0x78: {  	[sflag:s16] =	ssyncset.done $0x0  }
0x79: {  	[sflag:s16] =	ssyncadd.s32 $0xFFFFC000  }
0x7a: {  	[tilespmem:s0], [sflag:$0x2] =	stream.indirect.gather [hbm4b:s4+s31], $0x80, s17, s31, $0xb8;
	[tilespmem:$0x1FC80] =	vst v63  }
0x7b: {  	_ =	swait.ge [sflag:s10], $0x4000  }
0x7c: {  	[sflag:s10] =	ssyncset.done $0x0  }
0x7d: {  	s21 =	sadd.s32 $0x500, s8;
	[sflag:s10] =	ssyncadd.s32 $0xFFFFC000  }
0x7e: {  	[spmem:s2] =	stream.indirect.scatter.add.f32 [tilespmem:s25], [sflag:$0x3], $0x80, s21, s31, $0xb8;
	[tilespmem:$0x1FC80] =	vst v63  }
0x7f: {  	_ =	swait.ge [sflag:s11], $0x4000  }
0x80: {  	[sflag:s11] =	ssyncset.done $0x0  }
0x81: {  	[sflag:s11] =	ssyncadd.s32 $0xFFFFC000  }
0x82: {  	_ =	swait.ge [sflag:s28], $0x200  }
0x83: {  	[sflag:s28] =	ssyncset.done $0x0  }
0x84: {  	[sflag:s28] =	ssyncadd.s32 $0xFFFFFE00  }
0x85: {  	[tilespmem:s25], [sflag:$0x1] =	stream.indirect.gather [hbm4b:s4+s31], $0x80, s29, s31, $0xb8;
	[tilespmem:$0x1FC80] =	vst v63  }
0x86: {  	_ =	swait.ge [sflag:s15], $0x4000  }
0x87: {  	p2 =	seq.s32 s6, $0xF000;
	[sflag:s15] =	ssyncset.done $0x0  }
0x88: {  	s13 =	sadd.s32 @!p2 $0xFFFFFFC0, s7;
	s20 =	simm.s32 @!p2 $0x0;
	[sflag:s15] =	ssyncadd.s32 $0xFFFFC000  }
0x89: {  	[tilespmem:s20], [sflag:$0x5] =	stream.linear.gather @!p2 [hbm4b:s13+s20], $0x200, $0x38;
	[tilespmem:$0x1FC80] =	vst v63  }
0x8a: {  	s20 =	sadd.s32 $0x580, s8  }
0x8b: {  	[spmem:s2] =	stream.indirect.scatter.add.f32 [tilespmem:s0], [sflag:$0x4], $0x80, s20, s31, $0xb8;
	[tilespmem:$0x1FC80] =	vst v63  }
0x8c: {  	_ =	swait.ge [sflag:s16], $0x4000  }
0x8d: {  	[sflag:s16] =	ssyncset.done $0x0  }
0x8e: {  	[sflag:s16] =	ssyncadd.s32 $0xFFFFC000  }
0x8f: {  	[tilespmem:s0], [sflag:$0x2] =	stream.indirect.gather [hbm4b:s4+s31], $0x80, s18, s31, $0xb8;
	[tilespmem:$0x1FC80] =	vst v63  }
0x90: {  	_ =	swait.ge [sflag:s10], $0x4000  }
0x91: {  	[sflag:s10] =	ssyncset.done $0x0  }
0x92: {  	s21 =	sadd.s32 $0x600, s8;
	[sflag:s10] =	ssyncadd.s32 $0xFFFFC000  }
0x93: {  	[spmem:s2] =	stream.indirect.scatter.add.f32 [tilespmem:s25], [sflag:$0x3], $0x80, s21, s31, $0xb8;
	[tilespmem:$0x1FC80] =	vst v63  }
0x94: {  	_ =	swait.ge [sflag:s11], $0x4000  }
0x95: {  	[sflag:s11] =	ssyncset.done $0x0  }
0x96: {  	[sflag:s11] =	ssyncadd.s32 $0xFFFFC000  }
0x97: {  	[tilespmem:s25], [sflag:$0x1] =	stream.indirect.gather [hbm4b:s4+s31], $0x80, s19, s31, $0xb8;
	[tilespmem:$0x1FC80] =	vst v63  }
0x98: {  	_ =	swait.ge [sflag:s15], $0x4000  }
0x99: {  	[sflag:s15] =	ssyncset.done $0x0  }
0x9a: {  	s20 =	sadd.s32 $0x680, s8;
	[sflag:s15] =	ssyncadd.s32 $0xFFFFC000  }
0x9b: {  	[spmem:s2] =	stream.indirect.scatter.add.f32 [tilespmem:s0], [sflag:$0x4], $0x80, s20, s31, $0xb8;
	[tilespmem:$0x1FC80] =	vst v63  }
0x9c: {  	_ =	swait.ge [sflag:s16], $0x4000  }
0x9d: {  	[sflag:s16] =	ssyncset.done $0x0  }
0x9e: {  	[sflag:s16] =	ssyncadd.s32 $0xFFFFC000  }
0x9f: {  	[tilespmem:s0], [sflag:$0x2] =	stream.indirect.gather [hbm4b:s4+s31], $0x80, s23, s31, $0xb8;
	[tilespmem:$0x1FC80] =	vst v63  }
0xa0: {  	_ =	swait.ge [sflag:s10], $0x4000  }
0xa1: {  	[sflag:s10] =	ssyncset.done $0x0  }
0xa2: {  	s21 =	sadd.s32 $0x700, s8;
	[sflag:s10] =	ssyncadd.s32 $0xFFFFC000  }
0xa3: {  	[spmem:s2] =	stream.indirect.scatter.add.f32 [tilespmem:s25], [sflag:$0x3], $0x80, s21, s31, $0xb8;
	[tilespmem:$0x1FC80] =	vst v63  }
0xa4: {  	_ =	swait.ge [sflag:s11], $0x4000  }
0xa5: {  	p3 =	sne.s32 s6, $0xF000;
	[sflag:s11] =	ssyncset.done $0x0  }
0xa6: {  	s13 =	simm.s32 @p3 $0x5;
	[sflag:s11] =	ssyncadd.s32 $0xFFFFC000  }
0xa7: {  	_ =	swait.ge @p3 [sflag:s13], $0x200  }
0xa8: {  	s20 =	simm.s32 @p3 $0x0;
	[sflag:s13] =	ssyncset.done @p3 $0x0  }
0xa9: {  	s21 =	simm.s32 @p3 $0x4400;
	[sflag:s13] =	ssyncadd.s32 @p3 $0xFFFFFE00;
	s13 =	simm.s32 @p3 $0x80  }
0xaa: {  	[tilespmem:s21], [sflag:$0x1] =	stream.indirect.gather @p3 [hbm4b:s4+s13], $0x80, s20, s13, $0xb8;
	[tilespmem:$0x1FC80] =	vst v63  }
0xab: {  	s13 =	simm.s32 @p3 $0x2  }
0xac: {  	_ =	swait.ge @p3 [sflag:s13], $0x4000  }
0xad: {  	[sflag:s13] =	ssyncset.done @p3 $0x0  }
0xae: {  	[sflag:s13] =	ssyncadd.s32 @p3 $0xFFFFC000;
	s13 =	simm.s32 @p3 $0x200  }
0xaf: {  	[tilespmem:s13], [sflag:$0x6] =	stream.linear.gather @p3 [hbm4b:s7+s20], $0x200, $0x38;
	[tilespmem:$0x1FC80] =	vst v63  }
0xb0: {  	s13 =	simm.s32 @!p3 $0x2  }
0xb1: {  	_ =	swait.ge @!p3 [sflag:s13], $0x4000  }
0xb2: {  	[sflag:s13] =	ssyncset.done @!p3 $0x0  }
.Ltmp4:
0xb3: {  	s8 =	sadd.s32 $0x780, s8;
	[sflag:s13] =	ssyncadd.s32 @!p3 $0xFFFFC000;
	(pc) =	sbr.rel @p2 .LBB2_7-.Ltmp4, $4  }
0xb4: {  	[spmem:s2] =	stream.indirect.scatter.add.f32 [tilespmem:s0], [sflag:$0x4], $0x80, s8, s31, $0xb8;
	[tilespmem:$0x1FC80] =	vst v63  }
0xb5: {  	_ =	swait.ge [sflag:s16], $0x4000  }
0xb6: {  	[sflag:s16] =	ssyncset.done $0x0  }
0xb7: {  	[sflag:s16] =	ssyncadd.s32 $0xFFFFC000  }
.Ltmp5:
0xb8: {  	(pc) =	sbr.rel .LBB2_5-.Ltmp5, $3  }
0xb9: {  	_ =	sdelay $0x1  }
0xba: {  	[tilespmem:s0], [sflag:$0x2] =	stream.indirect.gather [hbm4b:s4+s31], $0x80, s31, s31, $0xb8;
	[tilespmem:$0x1FC80] =	vst v63  }
0xbb: {  	s6 =	sadd.s32 $0x1000, s6;
	s7 =	sadd.s32 $0x80, s7  }
.LBB2_8:
0xbc: {  	s7 =	rddreg [dreg:$0x7];
	s8 =	simm.s32 $0x400  }
0xbd: {  	[tilespmem:s8], [sflag:$0x7] =	stream.linear.gather [hbm4b:s7+s6], $0x1000, $0x38;
	[tilespmem:$0x1FC80] =	vst v63  }
0xbe: {  	s20 =	rddreg [dreg:$0x8]  }
0xbf: {  	[tilespmem:s6], [sflag:$0x5] =	stream.linear.gather [hbm4b:s20+s6], $0x200, $0x38;
	[tilespmem:$0x1FC80] =	vst v63  }
0xc0: {  	s21 =	rddreg [dreg:$0x9]  }
0xc1: {  	[tilespmem:s29], [sflag:$0x6] =	stream.linear.gather [hbm4b:s21+s6], $0x200, $0x38;
	[tilespmem:$0x1FC80] =	vst v63  }
0xc2: {  	_ =	swait.ge [sflag:s30], $0x200  }
0xc3: {  	[sflag:s30] =	ssyncset.done $0x0  }
0xc4: {  	[sflag:s30] =	ssyncadd.s32 $0xFFFFFE00  }
0xc5: {  	[tilespmem:s25], [sflag:$0x1] =	stream.indirect.gather [hbm4b:s4+s31], $0x80, s6, s31, $0xb8;
	[tilespmem:$0x1FC80] =	vst v63  }
0xc6: {  	_ = 	snop  }
0xc7: {  	[tilespmem:s0], [sflag:$0x2] =	stream.indirect.gather [hbm4b:s4+s31], $0x80, s31, s31, $0xb8;
	[tilespmem:$0x1FC80] =	vst v63  }
0xc8: {  	_ =	swait.ge [sflag:s9], $0x1000  }
0xc9: {  	[sflag:s9] =	ssyncset.done $0x0  }
0xca: {  	s7 =	rddreg [dreg:$0x14];
	[sflag:s9] =	ssyncadd.s32 $0xFFFFF000  }
.LBB2_9:
0xcb: {  	_ =	swait.ge [sflag:s10], $0x4000  }
0xcc: {  	s8 =	sshra.s32 s6, $0x2;
	[sflag:s10] =	ssyncset.done $0x0  }
0xcd: {  	s13 =	sadd.s32 $0x400, s8;
	[sflag:s10] =	ssyncadd.s32 $0xFFFFC000  }
0xce: {  	[spmem:s2] =	stream.indirect.scatter.add.f32 [tilespmem:s25], [sflag:$0x3], $0x80, s13, s31, $0xb8;
	[tilespmem:$0x1FC80] =	vst v63  }
0xcf: {  	_ =	swait.ge [sflag:s11], $0x4000  }
0xd0: {  	[sflag:s11] =	ssyncset.done $0x0  }
0xd1: {  	[sflag:s11] =	ssyncadd.s32 $0xFFFFC000  }
0xd2: {  	[tilespmem:s25], [sflag:$0x1] =	stream.indirect.gather [hbm4b:s4+s31], $0x80, s12, s31, $0xb8;
	[tilespmem:$0x1FC80] =	vst v63  }
0xd3: {  	_ =	swait.ge [sflag:s15], $0x4000  }
0xd4: {  	[sflag:s15] =	ssyncset.done $0x0  }
0xd5: {  	s20 =	sadd.s32 $0x480, s8;
	[sflag:s15] =	ssyncadd.s32 $0xFFFFC000  }
0xd6: {  	[spmem:s2] =	stream.indirect.scatter.add.f32 [tilespmem:s0], [sflag:$0x4], $0x80, s20, s31, $0xb8;
	[tilespmem:$0x1FC80] =	vst v63  }
0xd7: {  	_ =	swait.ge [sflag:s16], $0x4000  }
0xd8: {  	[sflag:s16] =	ssyncset.done $0x0  }
0xd9: {  	[sflag:s16] =	ssyncadd.s32 $0xFFFFC000  }
0xda: {  	[tilespmem:s0], [sflag:$0x2] =	stream.indirect.gather [hbm4b:s4+s31], $0x80, s17, s31, $0xb8;
	[tilespmem:$0x1FC80] =	vst v63  }
0xdb: {  	_ =	swait.ge [sflag:s10], $0x4000  }
0xdc: {  	[sflag:s10] =	ssyncset.done $0x0  }
0xdd: {  	s21 =	sadd.s32 $0x500, s8;
	[sflag:s10] =	ssyncadd.s32 $0xFFFFC000  }
0xde: {  	[spmem:s2] =	stream.indirect.scatter.add.f32 [tilespmem:s25], [sflag:$0x3], $0x80, s21, s31, $0xb8;
	[tilespmem:$0x1FC80] =	vst v63  }
0xdf: {  	_ =	swait.ge [sflag:s11], $0x4000  }
0xe0: {  	[sflag:s11] =	ssyncset.done $0x0  }
0xe1: {  	[sflag:s11] =	ssyncadd.s32 $0xFFFFC000  }
0xe2: {  	_ =	swait.ge [sflag:s28], $0x200  }
0xe3: {  	[sflag:s28] =	ssyncset.done $0x0  }
0xe4: {  	[sflag:s28] =	ssyncadd.s32 $0xFFFFFE00  }
0xe5: {  	[tilespmem:s25], [sflag:$0x1] =	stream.indirect.gather [hbm4b:s4+s31], $0x80, s29, s31, $0xb8;
	[tilespmem:$0x1FC80] =	vst v63  }
0xe6: {  	_ =	swait.ge [sflag:s15], $0x4000  }
0xe7: {  	p2 =	seq.s32 s6, $0x3000;
	[sflag:s15] =	ssyncset.done $0x0  }
0xe8: {  	s13 =	sadd.s32 @!p2 $0xFFFFFFC0, s7;
	s20 =	simm.s32 @!p2 $0x0;
	[sflag:s15] =	ssyncadd.s32 $0xFFFFC000  }
0xe9: {  	[tilespmem:s20], [sflag:$0x5] =	stream.linear.gather @!p2 [hbm4b:s13+s20], $0x200, $0x38;
	[tilespmem:$0x1FC80] =	vst v63  }
0xea: {  	s20 =	sadd.s32 $0x580, s8  }
0xeb: {  	[spmem:s2] =	stream.indirect.scatter.add.f32 [tilespmem:s0], [sflag:$0x4], $0x80, s20, s31, $0xb8;
	[tilespmem:$0x1FC80] =	vst v63  }
0xec: {  	_ =	swait.ge [sflag:s16], $0x4000  }
0xed: {  	[sflag:s16] =	ssyncset.done $0x0  }
0xee: {  	[sflag:s16] =	ssyncadd.s32 $0xFFFFC000  }
0xef: {  	[tilespmem:s0], [sflag:$0x2] =	stream.indirect.gather [hbm4b:s4+s31], $0x80, s18, s31, $0xb8;
	[tilespmem:$0x1FC80] =	vst v63  }
0xf0: {  	_ =	swait.ge [sflag:s10], $0x4000  }
0xf1: {  	[sflag:s10] =	ssyncset.done $0x0  }
0xf2: {  	s21 =	sadd.s32 $0x600, s8;
	[sflag:s10] =	ssyncadd.s32 $0xFFFFC000  }
0xf3: {  	[spmem:s2] =	stream.indirect.scatter.add.f32 [tilespmem:s25], [sflag:$0x3], $0x80, s21, s31, $0xb8;
	[tilespmem:$0x1FC80] =	vst v63  }
0xf4: {  	_ =	swait.ge [sflag:s11], $0x4000  }
0xf5: {  	[sflag:s11] =	ssyncset.done $0x0  }
0xf6: {  	[sflag:s11] =	ssyncadd.s32 $0xFFFFC000  }
0xf7: {  	[tilespmem:s25], [sflag:$0x1] =	stream.indirect.gather [hbm4b:s4+s31], $0x80, s19, s31, $0xb8;
	[tilespmem:$0x1FC80] =	vst v63  }
0xf8: {  	_ =	swait.ge [sflag:s15], $0x4000  }
0xf9: {  	[sflag:s15] =	ssyncset.done $0x0  }
0xfa: {  	s20 =	sadd.s32 $0x680, s8;
	[sflag:s15] =	ssyncadd.s32 $0xFFFFC000  }
0xfb: {  	[spmem:s2] =	stream.indirect.scatter.add.f32 [tilespmem:s0], [sflag:$0x4], $0x80, s20, s31, $0xb8;
	[tilespmem:$0x1FC80] =	vst v63  }
0xfc: {  	_ =	swait.ge [sflag:s16], $0x4000  }
0xfd: {  	[sflag:s16] =	ssyncset.done $0x0  }
0xfe: {  	[sflag:s16] =	ssyncadd.s32 $0xFFFFC000  }
0xff: {  	[tilespmem:s0], [sflag:$0x2] =	stream.indirect.gather [hbm4b:s4+s31], $0x80, s23, s31, $0xb8;
	[tilespmem:$0x1FC80] =	vst v63  }
0x100: {  	_ =	swait.ge [sflag:s10], $0x4000  }
0x101: {  	[sflag:s10] =	ssyncset.done $0x0  }
0x102: {  	s21 =	sadd.s32 $0x700, s8;
	[sflag:s10] =	ssyncadd.s32 $0xFFFFC000  }
0x103: {  	[spmem:s2] =	stream.indirect.scatter.add.f32 [tilespmem:s25], [sflag:$0x3], $0x80, s21, s31, $0xb8;
	[tilespmem:$0x1FC80] =	vst v63  }
0x104: {  	_ =	swait.ge [sflag:s11], $0x4000  }
0x105: {  	p3 =	sne.s32 s6, $0x3000;
	[sflag:s11] =	ssyncset.done $0x0  }
0x106: {  	s13 =	simm.s32 @p3 $0x5;
	[sflag:s11] =	ssyncadd.s32 $0xFFFFC000  }
0x107: {  	_ =	swait.ge @p3 [sflag:s13], $0x200  }
0x108: {  	s20 =	simm.s32 @p3 $0x0;
	[sflag:s13] =	ssyncset.done @p3 $0x0  }
0x109: {  	s21 =	simm.s32 @p3 $0x4400;
	[sflag:s13] =	ssyncadd.s32 @p3 $0xFFFFFE00;
	s13 =	simm.s32 @p3 $0x80  }
0x10a: {  	[tilespmem:s21], [sflag:$0x1] =	stream.indirect.gather @p3 [hbm4b:s4+s13], $0x80, s20, s13, $0xb8;
	[tilespmem:$0x1FC80] =	vst v63  }
0x10b: {  	s13 =	simm.s32 @p3 $0x2  }
0x10c: {  	_ =	swait.ge @p3 [sflag:s13], $0x4000  }
0x10d: {  	[sflag:s13] =	ssyncset.done @p3 $0x0  }
0x10e: {  	[sflag:s13] =	ssyncadd.s32 @p3 $0xFFFFC000;
	s13 =	simm.s32 @p3 $0x200  }
0x10f: {  	[tilespmem:s13], [sflag:$0x6] =	stream.linear.gather @p3 [hbm4b:s7+s20], $0x200, $0x38;
	[tilespmem:$0x1FC80] =	vst v63  }
0x110: {  	s13 =	simm.s32 @!p3 $0x2  }
0x111: {  	_ =	swait.ge @!p3 [sflag:s13], $0x4000  }
0x112: {  	[sflag:s13] =	ssyncset.done @!p3 $0x0  }
.Ltmp6:
0x113: {  	s8 =	sadd.s32 $0x780, s8;
	[sflag:s13] =	ssyncadd.s32 @!p3 $0xFFFFC000;
	(pc) =	sbr.rel @p2 .LBB2_11-.Ltmp6, $4  }
0x114: {  	[spmem:s2] =	stream.indirect.scatter.add.f32 [tilespmem:s0], [sflag:$0x4], $0x80, s8, s31, $0xb8;
	[tilespmem:$0x1FC80] =	vst v63  }
0x115: {  	_ =	swait.ge [sflag:s16], $0x4000  }
0x116: {  	[sflag:s16] =	ssyncset.done $0x0  }
0x117: {  	[sflag:s16] =	ssyncadd.s32 $0xFFFFC000  }
.Ltmp7:
0x118: {  	(pc) =	sbr.rel .LBB2_9-.Ltmp7, $3  }
0x119: {  	_ =	sdelay $0x1  }
0x11a: {  	[tilespmem:s0], [sflag:$0x2] =	stream.indirect.gather [hbm4b:s4+s31], $0x80, s31, s31, $0xb8;
	[tilespmem:$0x1FC80] =	vst v63  }
0x11b: {  	s6 =	sadd.s32 $0x1000, s6;
	s7 =	sadd.s32 $0x80, s7  }
.LBB2_7:
0x11c: {  	[bflag:$0x0] =	sbarrier.arrive $0xFFFF  }
0x11d: {  	s6 =	simm.s32 @p0 $0x1FC8;
	s7 =	rddreg [dreg:$0x11]  }
0x11e: {  	[hbm:s7], [sflag:s6] =	dma.local @p0 [spmem:s14], $0x1900  }
0x11f: {  	s6 =	simm.s32 @p0 $0x8  }
0x120: {  	_ =	swait.ge @p0 [sflag:s6], $0x1900  }
0x121: {  	[sflag:s6] =	ssyncset.done @p0 $0x0  }
0x122: {  	[sflag:s6] =	ssyncadd.s32 @p0 $0xFFFFE700;
	s6 =	rddreg [dreg:$0x10]  }
0x123: {  	[hbm:s6], [sflag:s1] =	dma.local @!p0 [spmem:s24], $0x2800  }
.Ltmp8:
0x124: {  	_ = 	snop;
	(pc) =	sbr.rel .LBB2_12-.Ltmp8, $4  }
0x125: {  	s1 =	simm.s32 @!p0 $0x8  }
0x126: {  	_ =	swait.ge @!p0 [sflag:s1], $0x2800  }
0x127: {  	[sflag:s1] =	ssyncset.done @!p0 $0x0  }
0x128: {  	[sflag:s1] =	ssyncadd.s32 @!p0 $0xFFFFD800  }
.LBB2_13:
0x129: {  	_ =	sfence.sel $0x180000  }
0x12a: {  	[bflag:$0x0] =	sbarrier.arrive $0xFFFF  }
0x12b: {  	_ =	strace $0x9000004A  }
0x12c: {  	s0 =	stileid.u32;
	[bflag:$0x2] =	sbarrier.arrive $0xFFFF  }
0x12d: {  	p0 =	sne.s32 s0, $0x0;
	s0 =	rddreg [dreg:$0x3]  }
0x12e: {  	s0 =	sadd.s32 @!p0 $0x100000, s0  }
0x12f: {  	[sflag:s0] =	ssyncadd.tile.s32 @!p0 $0x1;
	_ =	shalt  }
.Lfunc_end2:
_tile_overlayer_lowered:
.L_overlay_start_2:
0x130: {  	(tag) =	ssettag $0x2  }
0x131: {  	s0 =	rddreg [dreg:$0x0];
	s2 =	stileid.u32  }
0x132: {  	s1 =	rddreg [dreg:$0x1];
	p0 =	sne.s32 s2, $0x0  }
0x133: {  	s3 =	rddreg [dreg:$0x2];
	[bflag:$0x3] =	sbarrier.arrive $0xFFFF;
	s2 =	simm.s32 @!p0 $0x1C08  }
0x134: {  	[timem:s3], [sflag:s2] =	dma.local @!p0 [hbm:s0], s1  }
0x135: {  	s0 =	simm.s32 @!p0 $0x8  }
0x136: {  	_ =	swait.ge @!p0 [sflag:s0], s1  }
0x137: {  	s1 =	ssub.s32 @!p0 $0x0, s1;
	[sflag:s0] =	ssyncset.done @!p0 $0x0  }
0x138: {  	[sflag:s0] =	ssyncadd.s32 @!p0 s1  }
0x139: {  	[bflag:$0x3] =	sbarrier.arrive $0xFFFF  }
0x13a: {  	_ =	shalt  }

</sc_bundles>
